<compile_context>
chip_gen: v7x
topology: tpu7x:2x2x1
jax: 0.10.2.dev20260603
libtpu: 0.0.44.dev20260713+nightly
codegen_flags: <defaults>
</compile_context>

<pallas_src>
import functools

import jax
import jax.numpy as jnp
from jax import lax
from jax.experimental import pallas as pl
from jax.experimental.pallas import tpu as pltpu
from jax.experimental.pallas import tpu_sc as plsc

_LANES = 16
_NUM_SUBCORES = 16
_NUM_CORES = 1
_NUM_WORKERS = _NUM_SUBCORES * _NUM_CORES
_TILE_R = 8
_TILE_C = 128


def _gather_body(n_rows, n_cols, per_tile, out_hbm, y_hbm, part_hbm,
                 y_v, cache_v, acc_v, sem):
  wid = lax.axis_index("s") * _NUM_CORES + lax.axis_index("c")
  base = pl.multiple_of(wid * per_tile, per_tile)

  pltpu.sync_copy(y_hbm.at[pl.ds(base, per_tile)], y_v)

  copies = []
  for j in range(per_tile // _LANES):
    yv = y_v[pl.ds(j * _LANES, _LANES)]
    for k in range(_LANES):
      s = j * _LANES + k
      blk = base // _TILE_R + s // _TILE_R
      cb = pl.multiple_of(yv[k] & ~(_TILE_C - 1), _TILE_C)
      copies.append(pltpu.async_copy(
          out_hbm.at[blk, :, pl.ds(cb, _TILE_C)],
          cache_v.at[s], sem))
  for cp in copies:
    cp.wait()

  lane = lax.iota(jnp.int32, _LANES)
  acc = jnp.zeros((_LANES,), jnp.float32)
  for j in range(per_tile // _LANES):
    yv = y_v[pl.ds(j * _LANES, _LANES)]
    acc = acc + plsc.load_gather(
        cache_v,
        [j * _LANES + lane, lane & (_TILE_R - 1), yv & (_TILE_C - 1)])
  acc_v[...] = acc
  pltpu.sync_copy(acc_v, part_hbm.at[wid])


def _reduce_body(part_hbm, out_hbm, all_v, res_v):
  wid = lax.axis_index("s") * _NUM_CORES + lax.axis_index("c")

  @pl.when(wid == 0)
  def _():
    pltpu.sync_copy(part_hbm, all_v)
    lane = lax.iota(jnp.int32, _LANES)
    acc = jnp.zeros((_LANES,), jnp.float32)
    for t in range(_NUM_WORKERS):
      acc = acc + all_v[t]
    for k in (8, 4, 2, 1):
      res_v[...] = acc
      acc = acc + plsc.load_gather(res_v, [(lane + k) & (_LANES - 1)])
    res_v[...] = acc
    pltpu.sync_copy(res_v, out_hbm)


@functools.partial(jax.jit, static_argnums=(2, 3))
def _relevant_sum(out2d, y, n_rows, n_cols):
  per_tile = n_rows // _NUM_WORKERS
  mesh = plsc.VectorSubcoreMesh(
      core_axis_name="c", subcore_axis_name="s", num_cores=_NUM_CORES)

  partials = pl.kernel(
      functools.partial(_gather_body, n_rows, n_cols, per_tile),
      out_type=jax.ShapeDtypeStruct((_NUM_WORKERS, _LANES), jnp.float32),
      mesh=mesh,
      compiler_params=pltpu.CompilerParams(needs_layout_passes=False),
      scratch_types=[
          pltpu.VMEM((per_tile,), jnp.int32),
          pltpu.VMEM((per_tile, _TILE_R, _TILE_C), jnp.float32),
          pltpu.VMEM((_LANES,), jnp.float32),
          pltpu.SemaphoreType.DMA,
      ],
  )(out2d.reshape(n_rows // _TILE_R, _TILE_R, n_cols), y)

  res = pl.kernel(
      _reduce_body,
      out_type=jax.ShapeDtypeStruct((_LANES,), jnp.float32),
      mesh=mesh,
      compiler_params=pltpu.CompilerParams(needs_layout_passes=False),
      scratch_types=[
          pltpu.VMEM((_NUM_WORKERS, _LANES), jnp.float32),
          pltpu.VMEM((_LANES,), jnp.float32),
      ],
  )(partials)
  return res[0]


def kernel(out, y):
  n_rows, n_cols = out.shape
  return _relevant_sum(out, y.astype(jnp.int32), n_rows, n_cols)

# --- scband reference (transcript-rebuilt; emitter-appended) ---
"""Pipeline reference for scband-relevant-loss-51814485459408 (READ-ONLY COPY).

The authoritative reference and input builder live on the scoring server;
editing this copy changes nothing except your own understanding.
"""

import jax, jax.numpy as jnp
import numpy as np


def setup_inputs(seed: int = 0) -> dict:
    key = jax.random.key(seed)
    k1, k2 = jax.random.split(key)
    out = jax.random.normal(k1, (1024, 100000), dtype=jnp.float32)
    y = jax.random.randint(k2, (1024,), 0, 100000, dtype=jnp.int64 if jax.config.read('jax_enable_x64') else jnp.int32)
    return {"out": out, "y": y}


def reference(out, y):
    # relevant_outs = stack([o[i_y] for o, i_y in zip(out, y)]) == per-row gather
    relevant_outs = jnp.take_along_axis(out, y[:, None], axis=1)[:, 0]
    return jnp.sum(relevant_outs)

if __name__ == "__main__":
    import jax
    _d = setup_inputs()
    print(jax.jit(kernel)(*tuple(_d.values())))

</pallas_src>

<mosaic_0001>
#map = affine_map<(d0, d1) -> (0, 0)>
#map1 = affine_map<(d0, d1) -> (0)>
module attributes {stable_mosaic.version = 14 : i64} {
  func.func @_reduce_body(%arg0: i32, %arg1: i32, %arg2: memref<16x16xf32, #tpu.memory_space<hbm>>, %arg3: memref<16xf32, #tpu.memory_space<hbm>>, %arg4: memref<16x16xf32, #tpu.memory_space<vmem>>, %arg5: memref<16xf32, #tpu.memory_space<vmem>>) attributes {dimension_semantics = [#tpu.dimension_semantics<core_parallel>, #tpu.dimension_semantics<subcore_parallel>], iteration_bounds = array<i64: 1, 16>, scalar_prefetch = 0 : i64, scratch_operands = 2 : i64, tpu.core_type = #tpu.core_type<sc_vector_subcore>, window_params = [{transform_indices = #map}, {transform_indices = #map1}]} {
    %mul3A = arith.constant 1 : i32
    %mul3A_0 = arith.muli %arg1, %mul3A : i32
    %add3A = arith.addi %mul3A_0, %arg0 : i32
    %eq3A = arith.constant 0 : i32
    %eq3A_1 = arith.cmpi eq, %add3A, %eq3A : i32
    %convert_element_type3A = arith.extui %eq3A_1 : i1 to i32
    %cond3A = arith.constant 0 : i32
    %cond3A_2 = arith.cmpi ne, %convert_element_type3A, %cond3A : i32
    scf.if %cond3A_2 {
      "tpu.region"() ({
        %run_scoped3A = tpu.sem_alloc : memref<!tpu.dma_semaphore, #tpu.memory_space<semaphore_mem>>
        tpu.enqueue_dma source(%arg2 : memref<16x16xf32, #tpu.memory_space<hbm>>) target(%arg4 : memref<16x16xf32, #tpu.memory_space<vmem>>) target_semaphore(%run_scoped3A : memref<!tpu.dma_semaphore, #tpu.memory_space<semaphore_mem>>)
        tpu.wait_dma2 semaphore(%run_scoped3A : memref<!tpu.dma_semaphore, #tpu.memory_space<semaphore_mem>>) src(%arg2 : memref<16x16xf32, #tpu.memory_space<hbm>>) dst(%arg4 : memref<16x16xf32, #tpu.memory_space<vmem>>)
        tpu.yield
      }) : () -> ()
      %iota3A = tpu.iota {dimensions = array<i32: 0>} : vector<16xi32>
      %broadcast_in_dim3A = arith.constant 0.000000e+00 : f32
      %broadcast_in_dim3A_3 = vector.broadcast %broadcast_in_dim3A : f32 to vector<16xf32>
      %get3A = arith.constant 0 : i32
      %get3A_4 = arith.index_cast %get3A : i32 to index
      %get3A_5 = arith.constant 0 : index
      %get3A_6 = tpu.vector_load %arg4[%get3A_4, %get3A_5] {strides = array<i32>} : memref<16x16xf32, #tpu.memory_space<vmem>>, vector<16xf32>,
      %add3A_7 = arith.addf %broadcast_in_dim3A_3, %get3A_6 : vector<16xf32>
      %get3A_8 = arith.constant 1 : i32
      %get3A_9 = arith.index_cast %get3A_8 : i32 to index
      %get3A_10 = arith.constant 0 : index
      %get3A_11 = tpu.vector_load %arg4[%get3A_9, %get3A_10] {strides = array<i32>} : memref<16x16xf32, #tpu.memory_space<vmem>>, vector<16xf32>,
      %add3A_12 = arith.addf %add3A_7, %get3A_11 : vector<16xf32>
      %get3A_13 = arith.constant 2 : i32
      %get3A_14 = arith.index_cast %get3A_13 : i32 to index
      %get3A_15 = arith.constant 0 : index
      %get3A_16 = tpu.vector_load %arg4[%get3A_14, %get3A_15] {strides = array<i32>} : memref<16x16xf32, #tpu.memory_space<vmem>>, vector<16xf32>,
      %add3A_17 = arith.addf %add3A_12, %get3A_16 : vector<16xf32>
      %get3A_18 = arith.constant 3 : i32
      %get3A_19 = arith.index_cast %get3A_18 : i32 to index
      %get3A_20 = arith.constant 0 : index
      %get3A_21 = tpu.vector_load %arg4[%get3A_19, %get3A_20] {strides = array<i32>} : memref<16x16xf32, #tpu.memory_space<vmem>>, vector<16xf32>,
      %add3A_22 = arith.addf %add3A_17, %get3A_21 : vector<16xf32>
      %get3A_23 = arith.constant 4 : i32
      %get3A_24 = arith.index_cast %get3A_23 : i32 to index
      %get3A_25 = arith.constant 0 : index
      %get3A_26 = tpu.vector_load %arg4[%get3A_24, %get3A_25] {strides = array<i32>} : memref<16x16xf32, #tpu.memory_space<vmem>>, vector<16xf32>,
      %add3A_27 = arith.addf %add3A_22, %get3A_26 : vector<16xf32>
      %get3A_28 = arith.constant 5 : i32
      %get3A_29 = arith.index_cast %get3A_28 : i32 to index
      %get3A_30 = arith.constant 0 : index
      %get3A_31 = tpu.vector_load %arg4[%get3A_29, %get3A_30] {strides = array<i32>} : memref<16x16xf32, #tpu.memory_space<vmem>>, vector<16xf32>,
      %add3A_32 = arith.addf %add3A_27, %get3A_31 : vector<16xf32>
      %get3A_33 = arith.constant 6 : i32
      %get3A_34 = arith.index_cast %get3A_33 : i32 to index
      %get3A_35 = arith.constant 0 : index
      %get3A_36 = tpu.vector_load %arg4[%get3A_34, %get3A_35] {strides = array<i32>} : memref<16x16xf32, #tpu.memory_space<vmem>>, vector<16xf32>,
      %add3A_37 = arith.addf %add3A_32, %get3A_36 : vector<16xf32>
      %get3A_38 = arith.constant 7 : i32
      %get3A_39 = arith.index_cast %get3A_38 : i32 to index
      %get3A_40 = arith.constant 0 : index
      %get3A_41 = tpu.vector_load %arg4[%get3A_39, %get3A_40] {strides = array<i32>} : memref<16x16xf32, #tpu.memory_space<vmem>>, vector<16xf32>,
      %add3A_42 = arith.addf %add3A_37, %get3A_41 : vector<16xf32>
      %get3A_43 = arith.constant 8 : i32
      %get3A_44 = arith.index_cast %get3A_43 : i32 to index
      %get3A_45 = arith.constant 0 : index
      %get3A_46 = tpu.vector_load %arg4[%get3A_44, %get3A_45] {strides = array<i32>} : memref<16x16xf32, #tpu.memory_space<vmem>>, vector<16xf32>,
      %add3A_47 = arith.addf %add3A_42, %get3A_46 : vector<16xf32>
      %get3A_48 = arith.constant 9 : i32
      %get3A_49 = arith.index_cast %get3A_48 : i32 to index
      %get3A_50 = arith.constant 0 : index
      %get3A_51 = tpu.vector_load %arg4[%get3A_49, %get3A_50] {strides = array<i32>} : memref<16x16xf32, #tpu.memory_space<vmem>>, vector<16xf32>,
      %add3A_52 = arith.addf %add3A_47, %get3A_51 : vector<16xf32>
      %get3A_53 = arith.constant 10 : i32
      %get3A_54 = arith.index_cast %get3A_53 : i32 to index
      %get3A_55 = arith.constant 0 : index
      %get3A_56 = tpu.vector_load %arg4[%get3A_54, %get3A_55] {strides = array<i32>} : memref<16x16xf32, #tpu.memory_space<vmem>>, vector<16xf32>,
      %add3A_57 = arith.addf %add3A_52, %get3A_56 : vector<16xf32>
      %get3A_58 = arith.constant 11 : i32
      %get3A_59 = arith.index_cast %get3A_58 : i32 to index
      %get3A_60 = arith.constant 0 : index
      %get3A_61 = tpu.vector_load %arg4[%get3A_59, %get3A_60] {strides = array<i32>} : memref<16x16xf32, #tpu.memory_space<vmem>>, vector<16xf32>,
      %add3A_62 = arith.addf %add3A_57, %get3A_61 : vector<16xf32>
      %get3A_63 = arith.constant 12 : i32
      %get3A_64 = arith.index_cast %get3A_63 : i32 to index
      %get3A_65 = arith.constant 0 : index
      %get3A_66 = tpu.vector_load %arg4[%get3A_64, %get3A_65] {strides = array<i32>} : memref<16x16xf32, #tpu.memory_space<vmem>>, vector<16xf32>,
      %add3A_67 = arith.addf %add3A_62, %get3A_66 : vector<16xf32>
      %get3A_68 = arith.constant 13 : i32
      %get3A_69 = arith.index_cast %get3A_68 : i32 to index
      %get3A_70 = arith.constant 0 : index
      %get3A_71 = tpu.vector_load %arg4[%get3A_69, %get3A_70] {strides = array<i32>} : memref<16x16xf32, #tpu.memory_space<vmem>>, vector<16xf32>,
      %add3A_72 = arith.addf %add3A_67, %get3A_71 : vector<16xf32>
      %get3A_73 = arith.constant 14 : i32
      %get3A_74 = arith.index_cast %get3A_73 : i32 to index
      %get3A_75 = arith.constant 0 : index
      %get3A_76 = tpu.vector_load %arg4[%get3A_74, %get3A_75] {strides = array<i32>} : memref<16x16xf32, #tpu.memory_space<vmem>>, vector<16xf32>,
      %add3A_77 = arith.addf %add3A_72, %get3A_76 : vector<16xf32>
      %get3A_78 = arith.constant 15 : i32
      %get3A_79 = arith.index_cast %get3A_78 : i32 to index
      %get3A_80 = arith.constant 0 : index
      %get3A_81 = tpu.vector_load %arg4[%get3A_79, %get3A_80] {strides = array<i32>} : memref<16x16xf32, #tpu.memory_space<vmem>>, vector<16xf32>,
      %add3A_82 = arith.addf %add3A_77, %get3A_81 : vector<16xf32>
      %swap3A = arith.constant 0 : index
      %swap3A_83 = tpu.vector_load %arg5[%swap3A] {strides = array<i32>} : memref<16xf32, #tpu.memory_space<vmem>>, vector<16xf32>,
      tpu.vector_store %arg5[%swap3A], %add3A_82 {strides = array<i32>} : memref<16xf32, #tpu.memory_space<vmem>>, vector<16xf32>,
      %add3A_84 = arith.constant 8 : i32
      %add3A_85 = vector.broadcast %add3A_84 : i32 to vector<16xi32>
      %add3A_86 = arith.addi %iota3A, %add3A_85 : vector<16xi32>
      %and3A = arith.constant 15 : i32
      %and3A_87 = vector.broadcast %and3A : i32 to vector<16xi32>
      %and3A_88 = arith.andi %add3A_86, %and3A_87 : vector<16xi32>
      %gather3A = tpu.vector_load_idx %arg5[%and3A_88] : memref<16xf32, #tpu.memory_space<vmem>>[vector<16xi32>], vector<16xf32>,
      %add3A_89 = arith.addf %add3A_82, %gather3A : vector<16xf32>
      %swap3A_90 = arith.constant 0 : index
      %swap3A_91 = tpu.vector_load %arg5[%swap3A_90] {strides = array<i32>} : memref<16xf32, #tpu.memory_space<vmem>>, vector<16xf32>,
      tpu.vector_store %arg5[%swap3A_90], %add3A_89 {strides = array<i32>} : memref<16xf32, #tpu.memory_space<vmem>>, vector<16xf32>,
      %add3A_92 = arith.constant 4 : i32
      %add3A_93 = vector.broadcast %add3A_92 : i32 to vector<16xi32>
      %add3A_94 = arith.addi %iota3A, %add3A_93 : vector<16xi32>
      %and3A_95 = arith.constant 15 : i32
      %and3A_96 = vector.broadcast %and3A_95 : i32 to vector<16xi32>
      %and3A_97 = arith.andi %add3A_94, %and3A_96 : vector<16xi32>
      %gather3A_98 = tpu.vector_load_idx %arg5[%and3A_97] : memref<16xf32, #tpu.memory_space<vmem>>[vector<16xi32>], vector<16xf32>,
      %add3A_99 = arith.addf %add3A_89, %gather3A_98 : vector<16xf32>
      %swap3A_100 = arith.constant 0 : index
      %swap3A_101 = tpu.vector_load %arg5[%swap3A_100] {strides = array<i32>} : memref<16xf32, #tpu.memory_space<vmem>>, vector<16xf32>,
      tpu.vector_store %arg5[%swap3A_100], %add3A_99 {strides = array<i32>} : memref<16xf32, #tpu.memory_space<vmem>>, vector<16xf32>,
      %add3A_102 = arith.constant 2 : i32
      %add3A_103 = vector.broadcast %add3A_102 : i32 to vector<16xi32>
      %add3A_104 = arith.addi %iota3A, %add3A_103 : vector<16xi32>
      %and3A_105 = arith.constant 15 : i32
      %and3A_106 = vector.broadcast %and3A_105 : i32 to vector<16xi32>
      %and3A_107 = arith.andi %add3A_104, %and3A_106 : vector<16xi32>
      %gather3A_108 = tpu.vector_load_idx %arg5[%and3A_107] : memref<16xf32, #tpu.memory_space<vmem>>[vector<16xi32>], vector<16xf32>,
      %add3A_109 = arith.addf %add3A_99, %gather3A_108 : vector<16xf32>
      %swap3A_110 = arith.constant 0 : index
      %swap3A_111 = tpu.vector_load %arg5[%swap3A_110] {strides = array<i32>} : memref<16xf32, #tpu.memory_space<vmem>>, vector<16xf32>,
      tpu.vector_store %arg5[%swap3A_110], %add3A_109 {strides = array<i32>} : memref<16xf32, #tpu.memory_space<vmem>>, vector<16xf32>,
      %add3A_112 = arith.constant 1 : i32
      %add3A_113 = vector.broadcast %add3A_112 : i32 to vector<16xi32>
      %add3A_114 = arith.addi %iota3A, %add3A_113 : vector<16xi32>
      %and3A_115 = arith.constant 15 : i32
      %and3A_116 = vector.broadcast %and3A_115 : i32 to vector<16xi32>
      %and3A_117 = arith.andi %add3A_114, %and3A_116 : vector<16xi32>
      %gather3A_118 = tpu.vector_load_idx %arg5[%and3A_117] : memref<16xf32, #tpu.memory_space<vmem>>[vector<16xi32>], vector<16xf32>,
      %add3A_119 = arith.addf %add3A_109, %gather3A_118 : vector<16xf32>
      %swap3A_120 = arith.constant 0 : index
      %swap3A_121 = tpu.vector_load %arg5[%swap3A_120] {strides = array<i32>} : memref<16xf32, #tpu.memory_space<vmem>>, vector<16xf32>,
      tpu.vector_store %arg5[%swap3A_120], %add3A_119 {strides = array<i32>} : memref<16xf32, #tpu.memory_space<vmem>>, vector<16xf32>,
      "tpu.region"() ({
        %run_scoped3A = tpu.sem_alloc : memref<!tpu.dma_semaphore, #tpu.memory_space<semaphore_mem>>
        tpu.enqueue_dma source(%arg5 : memref<16xf32, #tpu.memory_space<vmem>>) target(%arg3 : memref<16xf32, #tpu.memory_space<hbm>>) target_semaphore(%run_scoped3A : memref<!tpu.dma_semaphore, #tpu.memory_space<semaphore_mem>>)
        tpu.wait_dma2 semaphore(%run_scoped3A : memref<!tpu.dma_semaphore, #tpu.memory_space<semaphore_mem>>) src(%arg5 : memref<16xf32, #tpu.memory_space<vmem>>) dst(%arg3 : memref<16xf32, #tpu.memory_space<hbm>>)
        tpu.yield
      }) : () -> ()
    } else {
    }
    return
  }
}

#map = affine_map<(d0, d1) -> (0, 0, 0)>
#map1 = affine_map<(d0, d1) -> (0)>
#map2 = affine_map<(d0, d1) -> (0, 0)>
module attributes {stable_mosaic.version = 14 : i64} {
  func.func @_gather_body(%arg0: i32, %arg1: i32, %arg2: memref<128x8x100000xf32, #tpu.memory_space<hbm>>, %arg3: memref<1024xi32, #tpu.memory_space<hbm>>, %arg4: memref<16x16xf32, #tpu.memory_space<hbm>>, %arg5: memref<64xi32, #tpu.memory_space<vmem>>, %arg6: memref<64x8x128xf32, #tpu.memory_space<vmem>>, %arg7: memref<16xf32, #tpu.memory_space<vmem>>, %arg8: memref<!tpu.dma_semaphore, #tpu.memory_space<semaphore_mem>>) attributes {dimension_semantics = [#tpu.dimension_semantics<core_parallel>, #tpu.dimension_semantics<subcore_parallel>], iteration_bounds = array<i64: 1, 16>, scalar_prefetch = 0 : i64, scratch_operands = 4 : i64, tpu.core_type = #tpu.core_type<sc_vector_subcore>, window_params = [{transform_indices = #map}, {transform_indices = #map1}, {transform_indices = #map2}]} {
    %mul3A = arith.constant 1 : i32
    %mul3A_0 = arith.muli %arg1, %mul3A : i32
    %add3A = arith.addi %mul3A_0, %arg0 : i32
    %mul3A_1 = arith.constant 64 : i32
    %mul3A_2 = arith.muli %add3A, %mul3A_1 : i32
    %multiple_of3A = tpu.assume_multiple %mul3A_2, 64 : i32
    "tpu.region"() ({
      %run_scoped3A = tpu.sem_alloc : memref<!tpu.dma_semaphore, #tpu.memory_space<semaphore_mem>>
      %dma_start3A_3955 = tpu.memref_slice %arg3[%multiple_of3A] : memref<1024xi32, #tpu.memory_space<hbm>> -> memref<64xi32, #tpu.memory_space<hbm>>
      %dma_start3A_3956 = tpu.memref_slice %arg3[%multiple_of3A] : memref<1024xi32, #tpu.memory_space<hbm>> -> memref<64xi32, #tpu.memory_space<hbm>>
      tpu.enqueue_dma source(%dma_start3A_3956 : memref<64xi32, #tpu.memory_space<hbm>>) target(%arg5 : memref<64xi32, #tpu.memory_space<vmem>>) target_semaphore(%run_scoped3A : memref<!tpu.dma_semaphore, #tpu.memory_space<semaphore_mem>>)
      %dma_wait3A_3957 = tpu.memref_slice %arg3[%multiple_of3A] : memref<1024xi32, #tpu.memory_space<hbm>> -> memref<64xi32, #tpu.memory_space<hbm>>
      %dma_wait3A_3958 = tpu.memref_slice %arg3[%multiple_of3A] : memref<1024xi32, #tpu.memory_space<hbm>> -> memref<64xi32, #tpu.memory_space<hbm>>
      tpu.wait_dma2 semaphore(%run_scoped3A : memref<!tpu.dma_semaphore, #tpu.memory_space<semaphore_mem>>) src(%dma_wait3A_3958 : memref<64xi32, #tpu.memory_space<hbm>>) dst(%arg5 : memref<64xi32, #tpu.memory_space<vmem>>)
      tpu.yield
    }) : () -> ()
    %get3A = arith.constant 0 : index
    %get3A_3 = tpu.vector_load %arg5[%get3A] {strides = array<i32>} : memref<64xi32, #tpu.memory_space<vmem>>, vector<16xi32>,
    %jit3A = arith.constant 8 : i32
    %div3A = arith.divsi %multiple_of3A, %jit3A : i32
    %sign3A = arith.constant 0 : i32
    %sign3A_4 = arith.cmpi sgt, %multiple_of3A, %sign3A : i32
    %sign3A_5 = arith.extui %sign3A_4 : i1 to i32
    %sign3A_6 = arith.constant 0 : i32
    %sign3A_7 = arith.cmpi slt, %multiple_of3A, %sign3A_6 : i32
    %sign3A_8 = arith.extui %sign3A_7 : i1 to i32
    %sign3A_9 = arith.subi %sign3A_5, %sign3A_8 : i32
    %sign3A_10 = arith.constant 0 : i32
    %sign3A_11 = arith.cmpi sgt, %jit3A, %sign3A_10 : i32
    %sign3A_12 = arith.extui %sign3A_11 : i1 to i32
    %sign3A_13 = arith.constant 0 : i32
    %sign3A_14 = arith.cmpi slt, %jit3A, %sign3A_13 : i32
    %sign3A_15 = arith.extui %sign3A_14 : i1 to i32
    %sign3A_16 = arith.subi %sign3A_12, %sign3A_15 : i32
    %ne3A = arith.cmpi ne, %sign3A_9, %sign3A_16 : i32
    %rem3A = arith.remsi %multiple_of3A, %jit3A : i32
    %ne3A_17 = arith.constant 0 : i32
    %ne3A_18 = arith.cmpi ne, %rem3A, %ne3A_17 : i32
    %and3A = arith.andi %ne3A, %ne3A_18 : i1
    %sub3A = arith.constant 1 : i32
    %sub3A_19 = arith.subi %div3A, %sub3A : i32
    %select_n3A = arith.select %and3A, %sub3A_19, %div3A : i32
    %add3A_20 = arith.constant 0 : i32
    %add3A_21 = arith.addi %select_n3A, %add3A_20 : i32
    %slice3A = vector.extract_strided_slice %get3A_3 {offsets = [0], sizes = [1], strides = [1]} : vector<16xi32> to vector<1xi32>
    %squeeze3A = vector.extract %slice3A[0] : i32 from vector<1xi32>
    %and3A_22 = arith.constant -128 : i32
    %and3A_23 = arith.andi %squeeze3A, %and3A_22 : i32
    %multiple_of3A_24 = tpu.assume_multiple %and3A_23, 128 : i32
    %dma_start3A = arith.constant 0 : i32
    %dma_start3A_25 = arith.constant 0 : i32
    %dma_start3A_26 = arith.constant 0 : i32
    %dma_start3A_27 = tpu.memref_slice %arg6[%dma_start3A, %dma_start3A_25, %dma_start3A_26] : memref<64x8x128xf32, #tpu.memory_space<vmem>> -> memref<1x8x128xf32, #tpu.memory_space<vmem>>
    %dma_start3A_28 = tpu.memref_squeeze %dma_start3A_27 : memref<1x8x128xf32, #tpu.memory_space<vmem>> -> memref<8x128xf32, #tpu.memory_space<vmem>>
    %dma_start3A_29 = arith.constant 0 : i32
    %dma_start3A_30 = tpu.memref_slice %arg2[%add3A_21, %dma_start3A_29, %multiple_of3A_24] : memref<128x8x100000xf32, #tpu.memory_space<hbm>> -> memref<1x8x128xf32, #tpu.memory_space<hbm>>
    %dma_start3A_31 = tpu.memref_squeeze %dma_start3A_30 : memref<1x8x128xf32, #tpu.memory_space<hbm>> -> memref<8x128xf32, #tpu.memory_space<hbm>>
    %dma_start3A_32 = arith.constant 0 : i32
    %dma_start3A_33 = arith.constant 0 : i32
    %dma_start3A_34 = tpu.memref_slice %arg6[%dma_start3A, %dma_start3A_32, %dma_start3A_33] : memref<64x8x128xf32, #tpu.memory_space<vmem>> -> memref<1x8x128xf32, #tpu.memory_space<vmem>>
    %dma_start3A_35 = tpu.memref_squeeze %dma_start3A_34 : memref<1x8x128xf32, #tpu.memory_space<vmem>> -> memref<8x128xf32, #tpu.memory_space<vmem>>
    %dma_start3A_36 = arith.constant 0 : i32
    %dma_start3A_37 = tpu.memref_slice %arg2[%add3A_21, %dma_start3A_36, %multiple_of3A_24] : memref<128x8x100000xf32, #tpu.memory_space<hbm>> -> memref<1x8x128xf32, #tpu.memory_space<hbm>>
    %dma_start3A_38 = tpu.memref_squeeze %dma_start3A_37 : memref<1x8x128xf32, #tpu.memory_space<hbm>> -> memref<8x128xf32, #tpu.memory_space<hbm>>
    tpu.enqueue_dma source(%dma_start3A_38 : memref<8x128xf32, #tpu.memory_space<hbm>>) target(%dma_start3A_35 : memref<8x128xf32, #tpu.memory_space<vmem>>) target_semaphore(%arg8 : memref<!tpu.dma_semaphore, #tpu.memory_space<semaphore_mem>>)
    %jit3A_39 = arith.constant 8 : i32
    %div3A_40 = arith.divsi %multiple_of3A, %jit3A_39 : i32
    %sign3A_41 = arith.constant 0 : i32
    %sign3A_42 = arith.cmpi sgt, %multiple_of3A, %sign3A_41 : i32
    %sign3A_43 = arith.extui %sign3A_42 : i1 to i32
    %sign3A_44 = arith.constant 0 : i32
    %sign3A_45 = arith.cmpi slt, %multiple_of3A, %sign3A_44 : i32
    %sign3A_46 = arith.extui %sign3A_45 : i1 to i32
    %sign3A_47 = arith.subi %sign3A_43, %sign3A_46 : i32
    %sign3A_48 = arith.constant 0 : i32
    %sign3A_49 = arith.cmpi sgt, %jit3A_39, %sign3A_48 : i32
    %sign3A_50 = arith.extui %sign3A_49 : i1 to i32
    %sign3A_51 = arith.constant 0 : i32
    %sign3A_52 = arith.cmpi slt, %jit3A_39, %sign3A_51 : i32
    %sign3A_53 = arith.extui %sign3A_52 : i1 to i32
    %sign3A_54 = arith.subi %sign3A_50, %sign3A_53 : i32
    %ne3A_55 = arith.cmpi ne, %sign3A_47, %sign3A_54 : i32
    %rem3A_56 = arith.remsi %multiple_of3A, %jit3A_39 : i32
    %ne3A_57 = arith.constant 0 : i32
    %ne3A_58 = arith.cmpi ne, %rem3A_56, %ne3A_57 : i32
    %and3A_59 = arith.andi %ne3A_55, %ne3A_58 : i1
    %sub3A_60 = arith.constant 1 : i32
    %sub3A_61 = arith.subi %div3A_40, %sub3A_60 : i32
    %select_n3A_62 = arith.select %and3A_59, %sub3A_61, %div3A_40 : i32
    %add3A_63 = arith.constant 0 : i32
    %add3A_64 = arith.addi %select_n3A_62, %add3A_63 : i32
    %slice3A_65 = vector.extract_strided_slice %get3A_3 {offsets = [1], sizes = [1], strides = [1]} : vector<16xi32> to vector<1xi32>
    %squeeze3A_66 = vector.extract %slice3A_65[0] : i32 from vector<1xi32>
    %and3A_67 = arith.constant -128 : i32
    %and3A_68 = arith.andi %squeeze3A_66, %and3A_67 : i32
    %multiple_of3A_69 = tpu.assume_multiple %and3A_68, 128 : i32
    %dma_start3A_70 = arith.constant 1 : i32
    %dma_start3A_71 = arith.constant 0 : i32
    %dma_start3A_72 = arith.constant 0 : i32
    %dma_start3A_73 = tpu.memref_slice %arg6[%dma_start3A_70, %dma_start3A_71, %dma_start3A_72] : memref<64x8x128xf32, #tpu.memory_space<vmem>> -> memref<1x8x128xf32, #tpu.memory_space<vmem>>
    %dma_start3A_74 = tpu.memref_squeeze %dma_start3A_73 : memref<1x8x128xf32, #tpu.memory_space<vmem>> -> memref<8x128xf32, #tpu.memory_space<vmem>>
    %dma_start3A_75 = arith.constant 0 : i32
    %dma_start3A_76 = tpu.memref_slice %arg2[%add3A_64, %dma_start3A_75, %multiple_of3A_69] : memref<128x8x100000xf32, #tpu.memory_space<hbm>> -> memref<1x8x128xf32, #tpu.memory_space<hbm>>
    %dma_start3A_77 = tpu.memref_squeeze %dma_start3A_76 : memref<1x8x128xf32, #tpu.memory_space<hbm>> -> memref<8x128xf32, #tpu.memory_space<hbm>>
    %dma_start3A_78 = arith.constant 0 : i32
    %dma_start3A_79 = arith.constant 0 : i32
    %dma_start3A_80 = tpu.memref_slice %arg6[%dma_start3A_70, %dma_start3A_78, %dma_start3A_79] : memref<64x8x128xf32, #tpu.memory_space<vmem>> -> memref<1x8x128xf32, #tpu.memory_space<vmem>>
    %dma_start3A_81 = tpu.memref_squeeze %dma_start3A_80 : memref<1x8x128xf32, #tpu.memory_space<vmem>> -> memref<8x128xf32, #tpu.memory_space<vmem>>
    %dma_start3A_82 = arith.constant 0 : i32
    %dma_start3A_83 = tpu.memref_slice %arg2[%add3A_64, %dma_start3A_82, %multiple_of3A_69] : memref<128x8x100000xf32, #tpu.memory_space<hbm>> -> memref<1x8x128xf32, #tpu.memory_space<hbm>>
    %dma_start3A_84 = tpu.memref_squeeze %dma_start3A_83 : memref<1x8x128xf32, #tpu.memory_space<hbm>> -> memref<8x128xf32, #tpu.memory_space<hbm>>
    tpu.enqueue_dma source(%dma_start3A_84 : memref<8x128xf32, #tpu.memory_space<hbm>>) target(%dma_start3A_81 : memref<8x128xf32, #tpu.memory_space<vmem>>) target_semaphore(%arg8 : memref<!tpu.dma_semaphore, #tpu.memory_space<semaphore_mem>>)
    %jit3A_85 = arith.constant 8 : i32
    %div3A_86 = arith.divsi %multiple_of3A, %jit3A_85 : i32
    %sign3A_87 = arith.constant 0 : i32
    %sign3A_88 = arith.cmpi sgt, %multiple_of3A, %sign3A_87 : i32
    %sign3A_89 = arith.extui %sign3A_88 : i1 to i32
    %sign3A_90 = arith.constant 0 : i32
    %sign3A_91 = arith.cmpi slt, %multiple_of3A, %sign3A_90 : i32
    %sign3A_92 = arith.extui %sign3A_91 : i1 to i32
    %sign3A_93 = arith.subi %sign3A_89, %sign3A_92 : i32
    %sign3A_94 = arith.constant 0 : i32
    %sign3A_95 = arith.cmpi sgt, %jit3A_85, %sign3A_94 : i32
    %sign3A_96 = arith.extui %sign3A_95 : i1 to i32
    %sign3A_97 = arith.constant 0 : i32
    %sign3A_98 = arith.cmpi slt, %jit3A_85, %sign3A_97 : i32
    %sign3A_99 = arith.extui %sign3A_98 : i1 to i32
    %sign3A_100 = arith.subi %sign3A_96, %sign3A_99 : i32
    %ne3A_101 = arith.cmpi ne, %sign3A_93, %sign3A_100 : i32
    %rem3A_102 = arith.remsi %multiple_of3A, %jit3A_85 : i32
    %ne3A_103 = arith.constant 0 : i32
    %ne3A_104 = arith.cmpi ne, %rem3A_102, %ne3A_103 : i32
    %and3A_105 = arith.andi %ne3A_101, %ne3A_104 : i1
    %sub3A_106 = arith.constant 1 : i32
    %sub3A_107 = arith.subi %div3A_86, %sub3A_106 : i32
    %select_n3A_108 = arith.select %and3A_105, %sub3A_107, %div3A_86 : i32
    %add3A_109 = arith.constant 0 : i32
    %add3A_110 = arith.addi %select_n3A_108, %add3A_109 : i32
    %slice3A_111 = vector.extract_strided_slice %get3A_3 {offsets = [2], sizes = [1], strides = [1]} : vector<16xi32> to vector<1xi32>
    %squeeze3A_112 = vector.extract %slice3A_111[0] : i32 from vector<1xi32>
    %and3A_113 = arith.constant -128 : i32
    %and3A_114 = arith.andi %squeeze3A_112, %and3A_113 : i32
    %multiple_of3A_115 = tpu.assume_multiple %and3A_114, 128 : i32
    %dma_start3A_116 = arith.constant 2 : i32
    %dma_start3A_117 = arith.constant 0 : i32
    %dma_start3A_118 = arith.constant 0 : i32
    %dma_start3A_119 = tpu.memref_slice %arg6[%dma_start3A_116, %dma_start3A_117, %dma_start3A_118] : memref<64x8x128xf32, #tpu.memory_space<vmem>> -> memref<1x8x128xf32, #tpu.memory_space<vmem>>
    %dma_start3A_120 = tpu.memref_squeeze %dma_start3A_119 : memref<1x8x128xf32, #tpu.memory_space<vmem>> -> memref<8x128xf32, #tpu.memory_space<vmem>>
    %dma_start3A_121 = arith.constant 0 : i32
    %dma_start3A_122 = tpu.memref_slice %arg2[%add3A_110, %dma_start3A_121, %multiple_of3A_115] : memref<128x8x100000xf32, #tpu.memory_space<hbm>> -> memref<1x8x128xf32, #tpu.memory_space<hbm>>
    %dma_start3A_123 = tpu.memref_squeeze %dma_start3A_122 : memref<1x8x128xf32, #tpu.memory_space<hbm>> -> memref<8x128xf32, #tpu.memory_space<hbm>>
    %dma_start3A_124 = arith.constant 0 : i32
    %dma_start3A_125 = arith.constant 0 : i32
    %dma_start3A_126 = tpu.memref_slice %arg6[%dma_start3A_116, %dma_start3A_124, %dma_start3A_125] : memref<64x8x128xf32, #tpu.memory_space<vmem>> -> memref<1x8x128xf32, #tpu.memory_space<vmem>>
    %dma_start3A_127 = tpu.memref_squeeze %dma_start3A_126 : memref<1x8x128xf32, #tpu.memory_space<vmem>> -> memref<8x128xf32, #tpu.memory_space<vmem>>
    %dma_start3A_128 = arith.constant 0 : i32
    %dma_start3A_129 = tpu.memref_slice %arg2[%add3A_110, %dma_start3A_128, %multiple_of3A_115] : memref<128x8x100000xf32, #tpu.memory_space<hbm>> -> memref<1x8x128xf32, #tpu.memory_space<hbm>>
    %dma_start3A_130 = tpu.memref_squeeze %dma_start3A_129 : memref<1x8x128xf32, #tpu.memory_space<hbm>> -> memref<8x128xf32, #tpu.memory_space<hbm>>
    tpu.enqueue_dma source(%dma_start3A_130 : memref<8x128xf32, #tpu.memory_space<hbm>>) target(%dma_start3A_127 : memref<8x128xf32, #tpu.memory_space<vmem>>) target_semaphore(%arg8 : memref<!tpu.dma_semaphore, #tpu.memory_space<semaphore_mem>>)
    %jit3A_131 = arith.constant 8 : i32
    %div3A_132 = arith.divsi %multiple_of3A, %jit3A_131 : i32
    %sign3A_133 = arith.constant 0 : i32
    %sign3A_134 = arith.cmpi sgt, %multiple_of3A, %sign3A_133 : i32
    %sign3A_135 = arith.extui %sign3A_134 : i1 to i32
    %sign3A_136 = arith.constant 0 : i32
    %sign3A_137 = arith.cmpi slt, %multiple_of3A, %sign3A_136 : i32
    %sign3A_138 = arith.extui %sign3A_137 : i1 to i32
    %sign3A_139 = arith.subi %sign3A_135, %sign3A_138 : i32
    %sign3A_140 = arith.constant 0 : i32
    %sign3A_141 = arith.cmpi sgt, %jit3A_131, %sign3A_140 : i32
    %sign3A_142 = arith.extui %sign3A_141 : i1 to i32
    %sign3A_143 = arith.constant 0 : i32
    %sign3A_144 = arith.cmpi slt, %jit3A_131, %sign3A_143 : i32
    %sign3A_145 = arith.extui %sign3A_144 : i1 to i32
    %sign3A_146 = arith.subi %sign3A_142, %sign3A_145 : i32
    %ne3A_147 = arith.cmpi ne, %sign3A_139, %sign3A_146 : i32
    %rem3A_148 = arith.remsi %multiple_of3A, %jit3A_131 : i32
    %ne3A_149 = arith.constant 0 : i32
    %ne3A_150 = arith.cmpi ne, %rem3A_148, %ne3A_149 : i32
    %and3A_151 = arith.andi %ne3A_147, %ne3A_150 : i1
    %sub3A_152 = arith.constant 1 : i32
    %sub3A_153 = arith.subi %div3A_132, %sub3A_152 : i32
    %select_n3A_154 = arith.select %and3A_151, %sub3A_153, %div3A_132 : i32
    %add3A_155 = arith.constant 0 : i32
    %add3A_156 = arith.addi %select_n3A_154, %add3A_155 : i32
    %slice3A_157 = vector.extract_strided_slice %get3A_3 {offsets = [3], sizes = [1], strides = [1]} : vector<16xi32> to vector<1xi32>
    %squeeze3A_158 = vector.extract %slice3A_157[0] : i32 from vector<1xi32>
    %and3A_159 = arith.constant -128 : i32
    %and3A_160 = arith.andi %squeeze3A_158, %and3A_159 : i32
    %multiple_of3A_161 = tpu.assume_multiple %and3A_160, 128 : i32
    %dma_start3A_162 = arith.constant 3 : i32
    %dma_start3A_163 = arith.constant 0 : i32
    %dma_start3A_164 = arith.constant 0 : i32
    %dma_start3A_165 = tpu.memref_slice %arg6[%dma_start3A_162, %dma_start3A_163, %dma_start3A_164] : memref<64x8x128xf32, #tpu.memory_space<vmem>> -> memref<1x8x128xf32, #tpu.memory_space<vmem>>
    %dma_start3A_166 = tpu.memref_squeeze %dma_start3A_165 : memref<1x8x128xf32, #tpu.memory_space<vmem>> -> memref<8x128xf32, #tpu.memory_space<vmem>>
    %dma_start3A_167 = arith.constant 0 : i32
    %dma_start3A_168 = tpu.memref_slice %arg2[%add3A_156, %dma_start3A_167, %multiple_of3A_161] : memref<128x8x100000xf32, #tpu.memory_space<hbm>> -> memref<1x8x128xf32, #tpu.memory_space<hbm>>
    %dma_start3A_169 = tpu.memref_squeeze %dma_start3A_168 : memref<1x8x128xf32, #tpu.memory_space<hbm>> -> memref<8x128xf32, #tpu.memory_space<hbm>>
    %dma_start3A_170 = arith.constant 0 : i32
    %dma_start3A_171 = arith.constant 0 : i32
    %dma_start3A_172 = tpu.memref_slice %arg6[%dma_start3A_162, %dma_start3A_170, %dma_start3A_171] : memref<64x8x128xf32, #tpu.memory_space<vmem>> -> memref<1x8x128xf32, #tpu.memory_space<vmem>>
    %dma_start3A_173 = tpu.memref_squeeze %dma_start3A_172 : memref<1x8x128xf32, #tpu.memory_space<vmem>> -> memref<8x128xf32, #tpu.memory_space<vmem>>
    %dma_start3A_174 = arith.constant 0 : i32
    %dma_start3A_175 = tpu.memref_slice %arg2[%add3A_156, %dma_start3A_174, %multiple_of3A_161] : memref<128x8x100000xf32, #tpu.memory_space<hbm>> -> memref<1x8x128xf32, #tpu.memory_space<hbm>>
    %dma_start3A_176 = tpu.memref_squeeze %dma_start3A_175 : memref<1x8x128xf32, #tpu.memory_space<hbm>> -> memref<8x128xf32, #tpu.memory_space<hbm>>
    tpu.enqueue_dma source(%dma_start3A_176 : memref<8x128xf32, #tpu.memory_space<hbm>>) target(%dma_start3A_173 : memref<8x128xf32, #tpu.memory_space<vmem>>) target_semaphore(%arg8 : memref<!tpu.dma_semaphore, #tpu.memory_space<semaphore_mem>>)
    %jit3A_177 = arith.constant 8 : i32
    %div3A_178 = arith.divsi %multiple_of3A, %jit3A_177 : i32
    %sign3A_179 = arith.constant 0 : i32
    %sign3A_180 = arith.cmpi sgt, %multiple_of3A, %sign3A_179 : i32
    %sign3A_181 = arith.extui %sign3A_180 : i1 to i32
    %sign3A_182 = arith.constant 0 : i32
    %sign3A_183 = arith.cmpi slt, %multiple_of3A, %sign3A_182 : i32
    %sign3A_184 = arith.extui %sign3A_183 : i1 to i32
    %sign3A_185 = arith.subi %sign3A_181, %sign3A_184 : i32
    %sign3A_186 = arith.constant 0 : i32
    %sign3A_187 = arith.cmpi sgt, %jit3A_177, %sign3A_186 : i32
    %sign3A_188 = arith.extui %sign3A_187 : i1 to i32
    %sign3A_189 = arith.constant 0 : i32
    %sign3A_190 = arith.cmpi slt, %jit3A_177, %sign3A_189 : i32
    %sign3A_191 = arith.extui %sign3A_190 : i1 to i32
    %sign3A_192 = arith.subi %sign3A_188, %sign3A_191 : i32
    %ne3A_193 = arith.cmpi ne, %sign3A_185, %sign3A_192 : i32
    %rem3A_194 = arith.remsi %multiple_of3A, %jit3A_177 : i32
    %ne3A_195 = arith.constant 0 : i32
    %ne3A_196 = arith.cmpi ne, %rem3A_194, %ne3A_195 : i32
    %and3A_197 = arith.andi %ne3A_193, %ne3A_196 : i1
    %sub3A_198 = arith.constant 1 : i32
    %sub3A_199 = arith.subi %div3A_178, %sub3A_198 : i32
    %select_n3A_200 = arith.select %and3A_197, %sub3A_199, %div3A_178 : i32
    %add3A_201 = arith.constant 0 : i32
    %add3A_202 = arith.addi %select_n3A_200, %add3A_201 : i32
    %slice3A_203 = vector.extract_strided_slice %get3A_3 {offsets = [4], sizes = [1], strides = [1]} : vector<16xi32> to vector<1xi32>
    %squeeze3A_204 = vector.extract %slice3A_203[0] : i32 from vector<1xi32>
    %and3A_205 = arith.constant -128 : i32
    %and3A_206 = arith.andi %squeeze3A_204, %and3A_205 : i32
    %multiple_of3A_207 = tpu.assume_multiple %and3A_206, 128 : i32
    %dma_start3A_208 = arith.constant 4 : i32
    %dma_start3A_209 = arith.constant 0 : i32
    %dma_start3A_210 = arith.constant 0 : i32
    %dma_start3A_211 = tpu.memref_slice %arg6[%dma_start3A_208, %dma_start3A_209, %dma_start3A_210] : memref<64x8x128xf32, #tpu.memory_space<vmem>> -> memref<1x8x128xf32, #tpu.memory_space<vmem>>
    %dma_start3A_212 = tpu.memref_squeeze %dma_start3A_211 : memref<1x8x128xf32, #tpu.memory_space<vmem>> -> memref<8x128xf32, #tpu.memory_space<vmem>>
    %dma_start3A_213 = arith.constant 0 : i32
    %dma_start3A_214 = tpu.memref_slice %arg2[%add3A_202, %dma_start3A_213, %multiple_of3A_207] : memref<128x8x100000xf32, #tpu.memory_space<hbm>> -> memref<1x8x128xf32, #tpu.memory_space<hbm>>
    %dma_start3A_215 = tpu.memref_squeeze %dma_start3A_214 : memref<1x8x128xf32, #tpu.memory_space<hbm>> -> memref<8x128xf32, #tpu.memory_space<hbm>>
    %dma_start3A_216 = arith.constant 0 : i32
    %dma_start3A_217 = arith.constant 0 : i32
    %dma_start3A_218 = tpu.memref_slice %arg6[%dma_start3A_208, %dma_start3A_216, %dma_start3A_217] : memref<64x8x128xf32, #tpu.memory_space<vmem>> -> memref<1x8x128xf32, #tpu.memory_space<vmem>>
    %dma_start3A_219 = tpu.memref_squeeze %dma_start3A_218 : memref<1x8x128xf32, #tpu.memory_space<vmem>> -> memref<8x128xf32, #tpu.memory_space<vmem>>
    %dma_start3A_220 = arith.constant 0 : i32
    %dma_start3A_221 = tpu.memref_slice %arg2[%add3A_202, %dma_start3A_220, %multiple_of3A_207] : memref<128x8x100000xf32, #tpu.memory_space<hbm>> -> memref<1x8x128xf32, #tpu.memory_space<hbm>>
    %dma_start3A_222 = tpu.memref_squeeze %dma_start3A_221 : memref<1x8x128xf32, #tpu.memory_space<hbm>> -> memref<8x128xf32, #tpu.memory_space<hbm>>
    tpu.enqueue_dma source(%dma_start3A_222 : memref<8x128xf32, #tpu.memory_space<hbm>>) target(%dma_start3A_219 : memref<8x128xf32, #tpu.memory_space<vmem>>) target_semaphore(%arg8 : memref<!tpu.dma_semaphore, #tpu.memory_space<semaphore_mem>>)
    %jit3A_223 = arith.constant 8 : i32
    %div3A_224 = arith.divsi %multiple_of3A, %jit3A_223 : i32
    %sign3A_225 = arith.constant 0 : i32
    %sign3A_226 = arith.cmpi sgt, %multiple_of3A, %sign3A_225 : i32
    %sign3A_227 = arith.extui %sign3A_226 : i1 to i32
    %sign3A_228 = arith.constant 0 : i32
    %sign3A_229 = arith.cmpi slt, %multiple_of3A, %sign3A_228 : i32
    %sign3A_230 = arith.extui %sign3A_229 : i1 to i32
    %sign3A_231 = arith.subi %sign3A_227, %sign3A_230 : i32
    %sign3A_232 = arith.constant 0 : i32
    %sign3A_233 = arith.cmpi sgt, %jit3A_223, %sign3A_232 : i32
    %sign3A_234 = arith.extui %sign3A_233 : i1 to i32
    %sign3A_235 = arith.constant 0 : i32
    %sign3A_236 = arith.cmpi slt, %jit3A_223, %sign3A_235 : i32
    %sign3A_237 = arith.extui %sign3A_236 : i1 to i32
    %sign3A_238 = arith.subi %sign3A_234, %sign3A_237 : i32
    %ne3A_239 = arith.cmpi ne, %sign3A_231, %sign3A_238 : i32
    %rem3A_240 = arith.remsi %multiple_of3A, %jit3A_223 : i32
    %ne3A_241 = arith.constant 0 : i32
    %ne3A_242 = arith.cmpi ne, %rem3A_240, %ne3A_241 : i32
    %and3A_243 = arith.andi %ne3A_239, %ne3A_242 : i1
    %sub3A_244 = arith.constant 1 : i32
    %sub3A_245 = arith.subi %div3A_224, %sub3A_244 : i32
    %select_n3A_246 = arith.select %and3A_243, %sub3A_245, %div3A_224 : i32
    %add3A_247 = arith.constant 0 : i32
    %add3A_248 = arith.addi %select_n3A_246, %add3A_247 : i32
    %slice3A_249 = vector.extract_strided_slice %get3A_3 {offsets = [5], sizes = [1], strides = [1]} : vector<16xi32> to vector<1xi32>
    %squeeze3A_250 = vector.extract %slice3A_249[0] : i32 from vector<1xi32>
    %and3A_251 = arith.constant -128 : i32
    %and3A_252 = arith.andi %squeeze3A_250, %and3A_251 : i32
    %multiple_of3A_253 = tpu.assume_multiple %and3A_252, 128 : i32
    %dma_start3A_254 = arith.constant 5 : i32
    %dma_start3A_255 = arith.constant 0 : i32
    %dma_start3A_256 = arith.constant 0 : i32
    %dma_start3A_257 = tpu.memref_slice %arg6[%dma_start3A_254, %dma_start3A_255, %dma_start3A_256] : memref<64x8x128xf32, #tpu.memory_space<vmem>> -> memref<1x8x128xf32, #tpu.memory_space<vmem>>
    %dma_start3A_258 = tpu.memref_squeeze %dma_start3A_257 : memref<1x8x128xf32, #tpu.memory_space<vmem>> -> memref<8x128xf32, #tpu.memory_space<vmem>>
    %dma_start3A_259 = arith.constant 0 : i32
    %dma_start3A_260 = tpu.memref_slice %arg2[%add3A_248, %dma_start3A_259, %multiple_of3A_253] : memref<128x8x100000xf32, #tpu.memory_space<hbm>> -> memref<1x8x128xf32, #tpu.memory_space<hbm>>
    %dma_start3A_261 = tpu.memref_squeeze %dma_start3A_260 : memref<1x8x128xf32, #tpu.memory_space<hbm>> -> memref<8x128xf32, #tpu.memory_space<hbm>>
    %dma_start3A_262 = arith.constant 0 : i32
    %dma_start3A_263 = arith.constant 0 : i32
    %dma_start3A_264 = tpu.memref_slice %arg6[%dma_start3A_254, %dma_start3A_262, %dma_start3A_263] : memref<64x8x128xf32, #tpu.memory_space<vmem>> -> memref<1x8x128xf32, #tpu.memory_space<vmem>>
    %dma_start3A_265 = tpu.memref_squeeze %dma_start3A_264 : memref<1x8x128xf32, #tpu.memory_space<vmem>> -> memref<8x128xf32, #tpu.memory_space<vmem>>
    %dma_start3A_266 = arith.constant 0 : i32
    %dma_start3A_267 = tpu.memref_slice %arg2[%add3A_248, %dma_start3A_266, %multiple_of3A_253] : memref<128x8x100000xf32, #tpu.memory_space<hbm>> -> memref<1x8x128xf32, #tpu.memory_space<hbm>>
    %dma_start3A_268 = tpu.memref_squeeze %dma_start3A_267 : memref<1x8x128xf32, #tpu.memory_space<hbm>> -> memref<8x128xf32, #tpu.memory_space<hbm>>
    tpu.enqueue_dma source(%dma_start3A_268 : memref<8x128xf32, #tpu.memory_space<hbm>>) target(%dma_start3A_265 : memref<8x128xf32, #tpu.memory_space<vmem>>) target_semaphore(%arg8 : memref<!tpu.dma_semaphore, #tpu.memory_space<semaphore_mem>>)
    %jit3A_269 = arith.constant 8 : i32
    %div3A_270 = arith.divsi %multiple_of3A, %jit3A_269 : i32
    %sign3A_271 = arith.constant 0 : i32
    %sign3A_272 = arith.cmpi sgt, %multiple_of3A, %sign3A_271 : i32
    %sign3A_273 = arith.extui %sign3A_272 : i1 to i32
    %sign3A_274 = arith.constant 0 : i32
    %sign3A_275 = arith.cmpi slt, %multiple_of3A, %sign3A_274 : i32
    %sign3A_276 = arith.extui %sign3A_275 : i1 to i32
    %sign3A_277 = arith.subi %sign3A_273, %sign3A_276 : i32
    %sign3A_278 = arith.constant 0 : i32
    %sign3A_279 = arith.cmpi sgt, %jit3A_269, %sign3A_278 : i32
    %sign3A_280 = arith.extui %sign3A_279 : i1 to i32
    %sign3A_281 = arith.constant 0 : i32
    %sign3A_282 = arith.cmpi slt, %jit3A_269, %sign3A_281 : i32
    %sign3A_283 = arith.extui %sign3A_282 : i1 to i32
    %sign3A_284 = arith.subi %sign3A_280, %sign3A_283 : i32
    %ne3A_285 = arith.cmpi ne, %sign3A_277, %sign3A_284 : i32
    %rem3A_286 = arith.remsi %multiple_of3A, %jit3A_269 : i32
    %ne3A_287 = arith.constant 0 : i32
    %ne3A_288 = arith.cmpi ne, %rem3A_286, %ne3A_287 : i32
    %and3A_289 = arith.andi %ne3A_285, %ne3A_288 : i1
    %sub3A_290 = arith.constant 1 : i32
    %sub3A_291 = arith.subi %div3A_270, %sub3A_290 : i32
    %select_n3A_292 = arith.select %and3A_289, %sub3A_291, %div3A_270 : i32
    %add3A_293 = arith.constant 0 : i32
    %add3A_294 = arith.addi %select_n3A_292, %add3A_293 : i32
    %slice3A_295 = vector.extract_strided_slice %get3A_3 {offsets = [6], sizes = [1], strides = [1]} : vector<16xi32> to vector<1xi32>
    %squeeze3A_296 = vector.extract %slice3A_295[0] : i32 from vector<1xi32>
    %and3A_297 = arith.constant -128 : i32
    %and3A_298 = arith.andi %squeeze3A_296, %and3A_297 : i32
    %multiple_of3A_299 = tpu.assume_multiple %and3A_298, 128 : i32
    %dma_start3A_300 = arith.constant 6 : i32
    %dma_start3A_301 = arith.constant 0 : i32
    %dma_start3A_302 = arith.constant 0 : i32
    %dma_start3A_303 = tpu.memref_slice %arg6[%dma_start3A_300, %dma_start3A_301, %dma_start3A_302] : memref<64x8x128xf32, #tpu.memory_space<vmem>> -> memref<1x8x128xf32, #tpu.memory_space<vmem>>
    %dma_start3A_304 = tpu.memref_squeeze %dma_start3A_303 : memref<1x8x128xf32, #tpu.memory_space<vmem>> -> memref<8x128xf32, #tpu.memory_space<vmem>>
    %dma_start3A_305 = arith.constant 0 : i32
    %dma_start3A_306 = tpu.memref_slice %arg2[%add3A_294, %dma_start3A_305, %multiple_of3A_299] : memref<128x8x100000xf32, #tpu.memory_space<hbm>> -> memref<1x8x128xf32, #tpu.memory_space<hbm>>
    %dma_start3A_307 = tpu.memref_squeeze %dma_start3A_306 : memref<1x8x128xf32, #tpu.memory_space<hbm>> -> memref<8x128xf32, #tpu.memory_space<hbm>>
    %dma_start3A_308 = arith.constant 0 : i32
    %dma_start3A_309 = arith.constant 0 : i32
    %dma_start3A_310 = tpu.memref_slice %arg6[%dma_start3A_300, %dma_start3A_308, %dma_start3A_309] : memref<64x8x128xf32, #tpu.memory_space<vmem>> -> memref<1x8x128xf32, #tpu.memory_space<vmem>>
    %dma_start3A_311 = tpu.memref_squeeze %dma_start3A_310 : memref<1x8x128xf32, #tpu.memory_space<vmem>> -> memref<8x128xf32, #tpu.memory_space<vmem>>
    %dma_start3A_312 = arith.constant 0 : i32
    %dma_start3A_313 = tpu.memref_slice %arg2[%add3A_294, %dma_start3A_312, %multiple_of3A_299] : memref<128x8x100000xf32, #tpu.memory_space<hbm>> -> memref<1x8x128xf32, #tpu.memory_space<hbm>>
    %dma_start3A_314 = tpu.memref_squeeze %dma_start3A_313 : memref<1x8x128xf32, #tpu.memory_space<hbm>> -> memref<8x128xf32, #tpu.memory_space<hbm>>
    tpu.enqueue_dma source(%dma_start3A_314 : memref<8x128xf32, #tpu.memory_space<hbm>>) target(%dma_start3A_311 : memref<8x128xf32, #tpu.memory_space<vmem>>) target_semaphore(%arg8 : memref<!tpu.dma_semaphore, #tpu.memory_space<semaphore_mem>>)
    %jit3A_315 = arith.constant 8 : i32
    %div3A_316 = arith.divsi %multiple_of3A, %jit3A_315 : i32
    %sign3A_317 = arith.constant 0 : i32
    %sign3A_318 = arith.cmpi sgt, %multiple_of3A, %sign3A_317 : i32
    %sign3A_319 = arith.extui %sign3A_318 : i1 to i32
    %sign3A_320 = arith.constant 0 : i32
    %sign3A_321 = arith.cmpi slt, %multiple_of3A, %sign3A_320 : i32
    %sign3A_322 = arith.extui %sign3A_321 : i1 to i32
    %sign3A_323 = arith.subi %sign3A_319, %sign3A_322 : i32
    %sign3A_324 = arith.constant 0 : i32
    %sign3A_325 = arith.cmpi sgt, %jit3A_315, %sign3A_324 : i32
    %sign3A_326 = arith.extui %sign3A_325 : i1 to i32
    %sign3A_327 = arith.constant 0 : i32
    %sign3A_328 = arith.cmpi slt, %jit3A_315, %sign3A_327 : i32
    %sign3A_329 = arith.extui %sign3A_328 : i1 to i32
    %sign3A_330 = arith.subi %sign3A_326, %sign3A_329 : i32
    %ne3A_331 = arith.cmpi ne, %sign3A_323, %sign3A_330 : i32
    %rem3A_332 = arith.remsi %multiple_of3A, %jit3A_315 : i32
    %ne3A_333 = arith.constant 0 : i32
    %ne3A_334 = arith.cmpi ne, %rem3A_332, %ne3A_333 : i32
    %and3A_335 = arith.andi %ne3A_331, %ne3A_334 : i1
    %sub3A_336 = arith.constant 1 : i32
    %sub3A_337 = arith.subi %div3A_316, %sub3A_336 : i32
    %select_n3A_338 = arith.select %and3A_335, %sub3A_337, %div3A_316 : i32
    %add3A_339 = arith.constant 0 : i32
    %add3A_340 = arith.addi %select_n3A_338, %add3A_339 : i32
    %slice3A_341 = vector.extract_strided_slice %get3A_3 {offsets = [7], sizes = [1], strides = [1]} : vector<16xi32> to vector<1xi32>
    %squeeze3A_342 = vector.extract %slice3A_341[0] : i32 from vector<1xi32>
    %and3A_343 = arith.constant -128 : i32
    %and3A_344 = arith.andi %squeeze3A_342, %and3A_343 : i32
    %multiple_of3A_345 = tpu.assume_multiple %and3A_344, 128 : i32
    %dma_start3A_346 = arith.constant 7 : i32
    %dma_start3A_347 = arith.constant 0 : i32
    %dma_start3A_348 = arith.constant 0 : i32
    %dma_start3A_349 = tpu.memref_slice %arg6[%dma_start3A_346, %dma_start3A_347, %dma_start3A_348] : memref<64x8x128xf32, #tpu.memory_space<vmem>> -> memref<1x8x128xf32, #tpu.memory_space<vmem>>
    %dma_start3A_350 = tpu.memref_squeeze %dma_start3A_349 : memref<1x8x128xf32, #tpu.memory_space<vmem>> -> memref<8x128xf32, #tpu.memory_space<vmem>>
    %dma_start3A_351 = arith.constant 0 : i32
    %dma_start3A_352 = tpu.memref_slice %arg2[%add3A_340, %dma_start3A_351, %multiple_of3A_345] : memref<128x8x100000xf32, #tpu.memory_space<hbm>> -> memref<1x8x128xf32, #tpu.memory_space<hbm>>
    %dma_start3A_353 = tpu.memref_squeeze %dma_start3A_352 : memref<1x8x128xf32, #tpu.memory_space<hbm>> -> memref<8x128xf32, #tpu.memory_space<hbm>>
    %dma_start3A_354 = arith.constant 0 : i32
    %dma_start3A_355 = arith.constant 0 : i32
    %dma_start3A_356 = tpu.memref_slice %arg6[%dma_start3A_346, %dma_start3A_354, %dma_start3A_355] : memref<64x8x128xf32, #tpu.memory_space<vmem>> -> memref<1x8x128xf32, #tpu.memory_space<vmem>>
    %dma_start3A_357 = tpu.memref_squeeze %dma_start3A_356 : memref<1x8x128xf32, #tpu.memory_space<vmem>> -> memref<8x128xf32, #tpu.memory_space<vmem>>
    %dma_start3A_358 = arith.constant 0 : i32
    %dma_start3A_359 = tpu.memref_slice %arg2[%add3A_340, %dma_start3A_358, %multiple_of3A_345] : memref<128x8x100000xf32, #tpu.memory_space<hbm>> -> memref<1x8x128xf32, #tpu.memory_space<hbm>>
    %dma_start3A_360 = tpu.memref_squeeze %dma_start3A_359 : memref<1x8x128xf32, #tpu.memory_space<hbm>> -> memref<8x128xf32, #tpu.memory_space<hbm>>
    tpu.enqueue_dma source(%dma_start3A_360 : memref<8x128xf32, #tpu.memory_space<hbm>>) target(%dma_start3A_357 : memref<8x128xf32, #tpu.memory_space<vmem>>) target_semaphore(%arg8 : memref<!tpu.dma_semaphore, #tpu.memory_space<semaphore_mem>>)
    %jit3A_361 = arith.constant 8 : i32
    %div3A_362 = arith.divsi %multiple_of3A, %jit3A_361 : i32
    %sign3A_363 = arith.constant 0 : i32
    %sign3A_364 = arith.cmpi sgt, %multiple_of3A, %sign3A_363 : i32
    %sign3A_365 = arith.extui %sign3A_364 : i1 to i32
    %sign3A_366 = arith.constant 0 : i32
    %sign3A_367 = arith.cmpi slt, %multiple_of3A, %sign3A_366 : i32
    %sign3A_368 = arith.extui %sign3A_367 : i1 to i32
    %sign3A_369 = arith.subi %sign3A_365, %sign3A_368 : i32
    %sign3A_370 = arith.constant 0 : i32
    %sign3A_371 = arith.cmpi sgt, %jit3A_361, %sign3A_370 : i32
    %sign3A_372 = arith.extui %sign3A_371 : i1 to i32
    %sign3A_373 = arith.constant 0 : i32
    %sign3A_374 = arith.cmpi slt, %jit3A_361, %sign3A_373 : i32
    %sign3A_375 = arith.extui %sign3A_374 : i1 to i32
    %sign3A_376 = arith.subi %sign3A_372, %sign3A_375 : i32
    %ne3A_377 = arith.cmpi ne, %sign3A_369, %sign3A_376 : i32
    %rem3A_378 = arith.remsi %multiple_of3A, %jit3A_361 : i32
    %ne3A_379 = arith.constant 0 : i32
    %ne3A_380 = arith.cmpi ne, %rem3A_378, %ne3A_379 : i32
    %and3A_381 = arith.andi %ne3A_377, %ne3A_380 : i1
    %sub3A_382 = arith.constant 1 : i32
    %sub3A_383 = arith.subi %div3A_362, %sub3A_382 : i32
    %select_n3A_384 = arith.select %and3A_381, %sub3A_383, %div3A_362 : i32
    %add3A_385 = arith.constant 1 : i32
    %add3A_386 = arith.addi %select_n3A_384, %add3A_385 : i32
    %slice3A_387 = vector.extract_strided_slice %get3A_3 {offsets = [8], sizes = [1], strides = [1]} : vector<16xi32> to vector<1xi32>
    %squeeze3A_388 = vector.extract %slice3A_387[0] : i32 from vector<1xi32>
    %and3A_389 = arith.constant -128 : i32
    %and3A_390 = arith.andi %squeeze3A_388, %and3A_389 : i32
    %multiple_of3A_391 = tpu.assume_multiple %and3A_390, 128 : i32
    %dma_start3A_392 = arith.constant 8 : i32
    %dma_start3A_393 = arith.constant 0 : i32
    %dma_start3A_394 = arith.constant 0 : i32
    %dma_start3A_395 = tpu.memref_slice %arg6[%dma_start3A_392, %dma_start3A_393, %dma_start3A_394] : memref<64x8x128xf32, #tpu.memory_space<vmem>> -> memref<1x8x128xf32, #tpu.memory_space<vmem>>
    %dma_start3A_396 = tpu.memref_squeeze %dma_start3A_395 : memref<1x8x128xf32, #tpu.memory_space<vmem>> -> memref<8x128xf32, #tpu.memory_space<vmem>>
    %dma_start3A_397 = arith.constant 0 : i32
    %dma_start3A_398 = tpu.memref_slice %arg2[%add3A_386, %dma_start3A_397, %multiple_of3A_391] : memref<128x8x100000xf32, #tpu.memory_space<hbm>> -> memref<1x8x128xf32, #tpu.memory_space<hbm>>
    %dma_start3A_399 = tpu.memref_squeeze %dma_start3A_398 : memref<1x8x128xf32, #tpu.memory_space<hbm>> -> memref<8x128xf32, #tpu.memory_space<hbm>>
    %dma_start3A_400 = arith.constant 0 : i32
    %dma_start3A_401 = arith.constant 0 : i32
    %dma_start3A_402 = tpu.memref_slice %arg6[%dma_start3A_392, %dma_start3A_400, %dma_start3A_401] : memref<64x8x128xf32, #tpu.memory_space<vmem>> -> memref<1x8x128xf32, #tpu.memory_space<vmem>>
    %dma_start3A_403 = tpu.memref_squeeze %dma_start3A_402 : memref<1x8x128xf32, #tpu.memory_space<vmem>> -> memref<8x128xf32, #tpu.memory_space<vmem>>
    %dma_start3A_404 = arith.constant 0 : i32
    %dma_start3A_405 = tpu.memref_slice %arg2[%add3A_386, %dma_start3A_404, %multiple_of3A_391] : memref<128x8x100000xf32, #tpu.memory_space<hbm>> -> memref<1x8x128xf32, #tpu.memory_space<hbm>>
    %dma_start3A_406 = tpu.memref_squeeze %dma_start3A_405 : memref<1x8x128xf32, #tpu.memory_space<hbm>> -> memref<8x128xf32, #tpu.memory_space<hbm>>
    tpu.enqueue_dma source(%dma_start3A_406 : memref<8x128xf32, #tpu.memory_space<hbm>>) target(%dma_start3A_403 : memref<8x128xf32, #tpu.memory_space<vmem>>) target_semaphore(%arg8 : memref<!tpu.dma_semaphore, #tpu.memory_space<semaphore_mem>>)
    %jit3A_407 = arith.constant 8 : i32
    %div3A_408 = arith.divsi %multiple_of3A, %jit3A_407 : i32
    %sign3A_409 = arith.constant 0 : i32
    %sign3A_410 = arith.cmpi sgt, %multiple_of3A, %sign3A_409 : i32
    %sign3A_411 = arith.extui %sign3A_410 : i1 to i32
    %sign3A_412 = arith.constant 0 : i32
    %sign3A_413 = arith.cmpi slt, %multiple_of3A, %sign3A_412 : i32
    %sign3A_414 = arith.extui %sign3A_413 : i1 to i32
    %sign3A_415 = arith.subi %sign3A_411, %sign3A_414 : i32
    %sign3A_416 = arith.constant 0 : i32
    %sign3A_417 = arith.cmpi sgt, %jit3A_407, %sign3A_416 : i32
    %sign3A_418 = arith.extui %sign3A_417 : i1 to i32
    %sign3A_419 = arith.constant 0 : i32
    %sign3A_420 = arith.cmpi slt, %jit3A_407, %sign3A_419 : i32
    %sign3A_421 = arith.extui %sign3A_420 : i1 to i32
    %sign3A_422 = arith.subi %sign3A_418, %sign3A_421 : i32
    %ne3A_423 = arith.cmpi ne, %sign3A_415, %sign3A_422 : i32
    %rem3A_424 = arith.remsi %multiple_of3A, %jit3A_407 : i32
    %ne3A_425 = arith.constant 0 : i32
    %ne3A_426 = arith.cmpi ne, %rem3A_424, %ne3A_425 : i32
    %and3A_427 = arith.andi %ne3A_423, %ne3A_426 : i1
    %sub3A_428 = arith.constant 1 : i32
    %sub3A_429 = arith.subi %div3A_408, %sub3A_428 : i32
    %select_n3A_430 = arith.select %and3A_427, %sub3A_429, %div3A_408 : i32
    %add3A_431 = arith.constant 1 : i32
    %add3A_432 = arith.addi %select_n3A_430, %add3A_431 : i32
    %slice3A_433 = vector.extract_strided_slice %get3A_3 {offsets = [9], sizes = [1], strides = [1]} : vector<16xi32> to vector<1xi32>
    %squeeze3A_434 = vector.extract %slice3A_433[0] : i32 from vector<1xi32>
    %and3A_435 = arith.constant -128 : i32
    %and3A_436 = arith.andi %squeeze3A_434, %and3A_435 : i32
    %multiple_of3A_437 = tpu.assume_multiple %and3A_436, 128 : i32
    %dma_start3A_438 = arith.constant 9 : i32
    %dma_start3A_439 = arith.constant 0 : i32
    %dma_start3A_440 = arith.constant 0 : i32
    %dma_start3A_441 = tpu.memref_slice %arg6[%dma_start3A_438, %dma_start3A_439, %dma_start3A_440] : memref<64x8x128xf32, #tpu.memory_space<vmem>> -> memref<1x8x128xf32, #tpu.memory_space<vmem>>
    %dma_start3A_442 = tpu.memref_squeeze %dma_start3A_441 : memref<1x8x128xf32, #tpu.memory_space<vmem>> -> memref<8x128xf32, #tpu.memory_space<vmem>>
    %dma_start3A_443 = arith.constant 0 : i32
    %dma_start3A_444 = tpu.memref_slice %arg2[%add3A_432, %dma_start3A_443, %multiple_of3A_437] : memref<128x8x100000xf32, #tpu.memory_space<hbm>> -> memref<1x8x128xf32, #tpu.memory_space<hbm>>
    %dma_start3A_445 = tpu.memref_squeeze %dma_start3A_444 : memref<1x8x128xf32, #tpu.memory_space<hbm>> -> memref<8x128xf32, #tpu.memory_space<hbm>>
    %dma_start3A_446 = arith.constant 0 : i32
    %dma_start3A_447 = arith.constant 0 : i32
    %dma_start3A_448 = tpu.memref_slice %arg6[%dma_start3A_438, %dma_start3A_446, %dma_start3A_447] : memref<64x8x128xf32, #tpu.memory_space<vmem>> -> memref<1x8x128xf32, #tpu.memory_space<vmem>>
    %dma_start3A_449 = tpu.memref_squeeze %dma_start3A_448 : memref<1x8x128xf32, #tpu.memory_space<vmem>> -> memref<8x128xf32, #tpu.memory_space<vmem>>
    %dma_start3A_450 = arith.constant 0 : i32
    %dma_start3A_451 = tpu.memref_slice %arg2[%add3A_432, %dma_start3A_450, %multiple_of3A_437] : memref<128x8x100000xf32, #tpu.memory_space<hbm>> -> memref<1x8x128xf32, #tpu.memory_space<hbm>>
    %dma_start3A_452 = tpu.memref_squeeze %dma_start3A_451 : memref<1x8x128xf32, #tpu.memory_space<hbm>> -> memref<8x128xf32, #tpu.memory_space<hbm>>
    tpu.enqueue_dma source(%dma_start3A_452 : memref<8x128xf32, #tpu.memory_space<hbm>>) target(%dma_start3A_449 : memref<8x128xf32, #tpu.memory_space<vmem>>) target_semaphore(%arg8 : memref<!tpu.dma_semaphore, #tpu.memory_space<semaphore_mem>>)
    %jit3A_453 = arith.constant 8 : i32
    %div3A_454 = arith.divsi %multiple_of3A, %jit3A_453 : i32
    %sign3A_455 = arith.constant 0 : i32
    %sign3A_456 = arith.cmpi sgt, %multiple_of3A, %sign3A_455 : i32
    %sign3A_457 = arith.extui %sign3A_456 : i1 to i32
    %sign3A_458 = arith.constant 0 : i32
    %sign3A_459 = arith.cmpi slt, %multiple_of3A, %sign3A_458 : i32
    %sign3A_460 = arith.extui %sign3A_459 : i1 to i32
    %sign3A_461 = arith.subi %sign3A_457, %sign3A_460 : i32
    %sign3A_462 = arith.constant 0 : i32
    %sign3A_463 = arith.cmpi sgt, %jit3A_453, %sign3A_462 : i32
    %sign3A_464 = arith.extui %sign3A_463 : i1 to i32
    %sign3A_465 = arith.constant 0 : i32
    %sign3A_466 = arith.cmpi slt, %jit3A_453, %sign3A_465 : i32
    %sign3A_467 = arith.extui %sign3A_466 : i1 to i32
    %sign3A_468 = arith.subi %sign3A_464, %sign3A_467 : i32
    %ne3A_469 = arith.cmpi ne, %sign3A_461, %sign3A_468 : i32
    %rem3A_470 = arith.remsi %multiple_of3A, %jit3A_453 : i32
    %ne3A_471 = arith.constant 0 : i32
    %ne3A_472 = arith.cmpi ne, %rem3A_470, %ne3A_471 : i32
    %and3A_473 = arith.andi %ne3A_469, %ne3A_472 : i1
    %sub3A_474 = arith.constant 1 : i32
    %sub3A_475 = arith.subi %div3A_454, %sub3A_474 : i32
    %select_n3A_476 = arith.select %and3A_473, %sub3A_475, %div3A_454 : i32
    %add3A_477 = arith.constant 1 : i32
    %add3A_478 = arith.addi %select_n3A_476, %add3A_477 : i32
    %slice3A_479 = vector.extract_strided_slice %get3A_3 {offsets = [10], sizes = [1], strides = [1]} : vector<16xi32> to vector<1xi32>
    %squeeze3A_480 = vector.extract %slice3A_479[0] : i32 from vector<1xi32>
    %and3A_481 = arith.constant -128 : i32
    %and3A_482 = arith.andi %squeeze3A_480, %and3A_481 : i32
    %multiple_of3A_483 = tpu.assume_multiple %and3A_482, 128 : i32
    %dma_start3A_484 = arith.constant 10 : i32
    %dma_start3A_485 = arith.constant 0 : i32
    %dma_start3A_486 = arith.constant 0 : i32
    %dma_start3A_487 = tpu.memref_slice %arg6[%dma_start3A_484, %dma_start3A_485, %dma_start3A_486] : memref<64x8x128xf32, #tpu.memory_space<vmem>> -> memref<1x8x128xf32, #tpu.memory_space<vmem>>
    %dma_start3A_488 = tpu.memref_squeeze %dma_start3A_487 : memref<1x8x128xf32, #tpu.memory_space<vmem>> -> memref<8x128xf32, #tpu.memory_space<vmem>>
    %dma_start3A_489 = arith.constant 0 : i32
    %dma_start3A_490 = tpu.memref_slice %arg2[%add3A_478, %dma_start3A_489, %multiple_of3A_483] : memref<128x8x100000xf32, #tpu.memory_space<hbm>> -> memref<1x8x128xf32, #tpu.memory_space<hbm>>
    %dma_start3A_491 = tpu.memref_squeeze %dma_start3A_490 : memref<1x8x128xf32, #tpu.memory_space<hbm>> -> memref<8x128xf32, #tpu.memory_space<hbm>>
    %dma_start3A_492 = arith.constant 0 : i32
    %dma_start3A_493 = arith.constant 0 : i32
    %dma_start3A_494 = tpu.memref_slice %arg6[%dma_start3A_484, %dma_start3A_492, %dma_start3A_493] : memref<64x8x128xf32, #tpu.memory_space<vmem>> -> memref<1x8x128xf32, #tpu.memory_space<vmem>>
    %dma_start3A_495 = tpu.memref_squeeze %dma_start3A_494 : memref<1x8x128xf32, #tpu.memory_space<vmem>> -> memref<8x128xf32, #tpu.memory_space<vmem>>
    %dma_start3A_496 = arith.constant 0 : i32
    %dma_start3A_497 = tpu.memref_slice %arg2[%add3A_478, %dma_start3A_496, %multiple_of3A_483] : memref<128x8x100000xf32, #tpu.memory_space<hbm>> -> memref<1x8x128xf32, #tpu.memory_space<hbm>>
    %dma_start3A_498 = tpu.memref_squeeze %dma_start3A_497 : memref<1x8x128xf32, #tpu.memory_space<hbm>> -> memref<8x128xf32, #tpu.memory_space<hbm>>
    tpu.enqueue_dma source(%dma_start3A_498 : memref<8x128xf32, #tpu.memory_space<hbm>>) target(%dma_start3A_495 : memref<8x128xf32, #tpu.memory_space<vmem>>) target_semaphore(%arg8 : memref<!tpu.dma_semaphore, #tpu.memory_space<semaphore_mem>>)
    %jit3A_499 = arith.constant 8 : i32
    %div3A_500 = arith.divsi %multiple_of3A, %jit3A_499 : i32
    %sign3A_501 = arith.constant 0 : i32
    %sign3A_502 = arith.cmpi sgt, %multiple_of3A, %sign3A_501 : i32
    %sign3A_503 = arith.extui %sign3A_502 : i1 to i32
    %sign3A_504 = arith.constant 0 : i32
    %sign3A_505 = arith.cmpi slt, %multiple_of3A, %sign3A_504 : i32
    %sign3A_506 = arith.extui %sign3A_505 : i1 to i32
    %sign3A_507 = arith.subi %sign3A_503, %sign3A_506 : i32
    %sign3A_508 = arith.constant 0 : i32
    %sign3A_509 = arith.cmpi sgt, %jit3A_499, %sign3A_508 : i32
    %sign3A_510 = arith.extui %sign3A_509 : i1 to i32
    %sign3A_511 = arith.constant 0 : i32
    %sign3A_512 = arith.cmpi slt, %jit3A_499, %sign3A_511 : i32
    %sign3A_513 = arith.extui %sign3A_512 : i1 to i32
    %sign3A_514 = arith.subi %sign3A_510, %sign3A_513 : i32
    %ne3A_515 = arith.cmpi ne, %sign3A_507, %sign3A_514 : i32
    %rem3A_516 = arith.remsi %multiple_of3A, %jit3A_499 : i32
    %ne3A_517 = arith.constant 0 : i32
    %ne3A_518 = arith.cmpi ne, %rem3A_516, %ne3A_517 : i32
    %and3A_519 = arith.andi %ne3A_515, %ne3A_518 : i1
    %sub3A_520 = arith.constant 1 : i32
    %sub3A_521 = arith.subi %div3A_500, %sub3A_520 : i32
    %select_n3A_522 = arith.select %and3A_519, %sub3A_521, %div3A_500 : i32
    %add3A_523 = arith.constant 1 : i32
    %add3A_524 = arith.addi %select_n3A_522, %add3A_523 : i32
    %slice3A_525 = vector.extract_strided_slice %get3A_3 {offsets = [11], sizes = [1], strides = [1]} : vector<16xi32> to vector<1xi32>
    %squeeze3A_526 = vector.extract %slice3A_525[0] : i32 from vector<1xi32>
    %and3A_527 = arith.constant -128 : i32
    %and3A_528 = arith.andi %squeeze3A_526, %and3A_527 : i32
    %multiple_of3A_529 = tpu.assume_multiple %and3A_528, 128 : i32
    %dma_start3A_530 = arith.constant 11 : i32
    %dma_start3A_531 = arith.constant 0 : i32
    %dma_start3A_532 = arith.constant 0 : i32
    %dma_start3A_533 = tpu.memref_slice %arg6[%dma_start3A_530, %dma_start3A_531, %dma_start3A_532] : memref<64x8x128xf32, #tpu.memory_space<vmem>> -> memref<1x8x128xf32, #tpu.memory_space<vmem>>
    %dma_start3A_534 = tpu.memref_squeeze %dma_start3A_533 : memref<1x8x128xf32, #tpu.memory_space<vmem>> -> memref<8x128xf32, #tpu.memory_space<vmem>>
    %dma_start3A_535 = arith.constant 0 : i32
    %dma_start3A_536 = tpu.memref_slice %arg2[%add3A_524, %dma_start3A_535, %multiple_of3A_529] : memref<128x8x100000xf32, #tpu.memory_space<hbm>> -> memref<1x8x128xf32, #tpu.memory_space<hbm>>
    %dma_start3A_537 = tpu.memref_squeeze %dma_start3A_536 : memref<1x8x128xf32, #tpu.memory_space<hbm>> -> memref<8x128xf32, #tpu.memory_space<hbm>>
    %dma_start3A_538 = arith.constant 0 : i32
    %dma_start3A_539 = arith.constant 0 : i32
    %dma_start3A_540 = tpu.memref_slice %arg6[%dma_start3A_530, %dma_start3A_538, %dma_start3A_539] : memref<64x8x128xf32, #tpu.memory_space<vmem>> -> memref<1x8x128xf32, #tpu.memory_space<vmem>>
    %dma_start3A_541 = tpu.memref_squeeze %dma_start3A_540 : memref<1x8x128xf32, #tpu.memory_space<vmem>> -> memref<8x128xf32, #tpu.memory_space<vmem>>
    %dma_start3A_542 = arith.constant 0 : i32
    %dma_start3A_543 = tpu.memref_slice %arg2[%add3A_524, %dma_start3A_542, %multiple_of3A_529] : memref<128x8x100000xf32, #tpu.memory_space<hbm>> -> memref<1x8x128xf32, #tpu.memory_space<hbm>>
    %dma_start3A_544 = tpu.memref_squeeze %dma_start3A_543 : memref<1x8x128xf32, #tpu.memory_space<hbm>> -> memref<8x128xf32, #tpu.memory_space<hbm>>
    tpu.enqueue_dma source(%dma_start3A_544 : memref<8x128xf32, #tpu.memory_space<hbm>>) target(%dma_start3A_541 : memref<8x128xf32, #tpu.memory_space<vmem>>) target_semaphore(%arg8 : memref<!tpu.dma_semaphore, #tpu.memory_space<semaphore_mem>>)
    %jit3A_545 = arith.constant 8 : i32
    %div3A_546 = arith.divsi %multiple_of3A, %jit3A_545 : i32
    %sign3A_547 = arith.constant 0 : i32
    %sign3A_548 = arith.cmpi sgt, %multiple_of3A, %sign3A_547 : i32
    %sign3A_549 = arith.extui %sign3A_548 : i1 to i32
    %sign3A_550 = arith.constant 0 : i32
    %sign3A_551 = arith.cmpi slt, %multiple_of3A, %sign3A_550 : i32
    %sign3A_552 = arith.extui %sign3A_551 : i1 to i32
    %sign3A_553 = arith.subi %sign3A_549, %sign3A_552 : i32
    %sign3A_554 = arith.constant 0 : i32
    %sign3A_555 = arith.cmpi sgt, %jit3A_545, %sign3A_554 : i32
    %sign3A_556 = arith.extui %sign3A_555 : i1 to i32
    %sign3A_557 = arith.constant 0 : i32
    %sign3A_558 = arith.cmpi slt, %jit3A_545, %sign3A_557 : i32
    %sign3A_559 = arith.extui %sign3A_558 : i1 to i32
    %sign3A_560 = arith.subi %sign3A_556, %sign3A_559 : i32
    %ne3A_561 = arith.cmpi ne, %sign3A_553, %sign3A_560 : i32
    %rem3A_562 = arith.remsi %multiple_of3A, %jit3A_545 : i32
    %ne3A_563 = arith.constant 0 : i32
    %ne3A_564 = arith.cmpi ne, %rem3A_562, %ne3A_563 : i32
    %and3A_565 = arith.andi %ne3A_561, %ne3A_564 : i1
    %sub3A_566 = arith.constant 1 : i32
    %sub3A_567 = arith.subi %div3A_546, %sub3A_566 : i32
    %select_n3A_568 = arith.select %and3A_565, %sub3A_567, %div3A_546 : i32
    %add3A_569 = arith.constant 1 : i32
    %add3A_570 = arith.addi %select_n3A_568, %add3A_569 : i32
    %slice3A_571 = vector.extract_strided_slice %get3A_3 {offsets = [12], sizes = [1], strides = [1]} : vector<16xi32> to vector<1xi32>
    %squeeze3A_572 = vector.extract %slice3A_571[0] : i32 from vector<1xi32>
    %and3A_573 = arith.constant -128 : i32
    %and3A_574 = arith.andi %squeeze3A_572, %and3A_573 : i32
    %multiple_of3A_575 = tpu.assume_multiple %and3A_574, 128 : i32
    %dma_start3A_576 = arith.constant 12 : i32
    %dma_start3A_577 = arith.constant 0 : i32
    %dma_start3A_578 = arith.constant 0 : i32
    %dma_start3A_579 = tpu.memref_slice %arg6[%dma_start3A_576, %dma_start3A_577, %dma_start3A_578] : memref<64x8x128xf32, #tpu.memory_space<vmem>> -> memref<1x8x128xf32, #tpu.memory_space<vmem>>
    %dma_start3A_580 = tpu.memref_squeeze %dma_start3A_579 : memref<1x8x128xf32, #tpu.memory_space<vmem>> -> memref<8x128xf32, #tpu.memory_space<vmem>>
    %dma_start3A_581 = arith.constant 0 : i32
    %dma_start3A_582 = tpu.memref_slice %arg2[%add3A_570, %dma_start3A_581, %multiple_of3A_575] : memref<128x8x100000xf32, #tpu.memory_space<hbm>> -> memref<1x8x128xf32, #tpu.memory_space<hbm>>
    %dma_start3A_583 = tpu.memref_squeeze %dma_start3A_582 : memref<1x8x128xf32, #tpu.memory_space<hbm>> -> memref<8x128xf32, #tpu.memory_space<hbm>>
    %dma_start3A_584 = arith.constant 0 : i32
    %dma_start3A_585 = arith.constant 0 : i32
    %dma_start3A_586 = tpu.memref_slice %arg6[%dma_start3A_576, %dma_start3A_584, %dma_start3A_585] : memref<64x8x128xf32, #tpu.memory_space<vmem>> -> memref<1x8x128xf32, #tpu.memory_space<vmem>>
    %dma_start3A_587 = tpu.memref_squeeze %dma_start3A_586 : memref<1x8x128xf32, #tpu.memory_space<vmem>> -> memref<8x128xf32, #tpu.memory_space<vmem>>
    %dma_start3A_588 = arith.constant 0 : i32
    %dma_start3A_589 = tpu.memref_slice %arg2[%add3A_570, %dma_start3A_588, %multiple_of3A_575] : memref<128x8x100000xf32, #tpu.memory_space<hbm>> -> memref<1x8x128xf32, #tpu.memory_space<hbm>>
    %dma_start3A_590 = tpu.memref_squeeze %dma_start3A_589 : memref<1x8x128xf32, #tpu.memory_space<hbm>> -> memref<8x128xf32, #tpu.memory_space<hbm>>
    tpu.enqueue_dma source(%dma_start3A_590 : memref<8x128xf32, #tpu.memory_space<hbm>>) target(%dma_start3A_587 : memref<8x128xf32, #tpu.memory_space<vmem>>) target_semaphore(%arg8 : memref<!tpu.dma_semaphore, #tpu.memory_space<semaphore_mem>>)
    %jit3A_591 = arith.constant 8 : i32
    %div3A_592 = arith.divsi %multiple_of3A, %jit3A_591 : i32
    %sign3A_593 = arith.constant 0 : i32
    %sign3A_594 = arith.cmpi sgt, %multiple_of3A, %sign3A_593 : i32
    %sign3A_595 = arith.extui %sign3A_594 : i1 to i32
    %sign3A_596 = arith.constant 0 : i32
    %sign3A_597 = arith.cmpi slt, %multiple_of3A, %sign3A_596 : i32
    %sign3A_598 = arith.extui %sign3A_597 : i1 to i32
    %sign3A_599 = arith.subi %sign3A_595, %sign3A_598 : i32
    %sign3A_600 = arith.constant 0 : i32
    %sign3A_601 = arith.cmpi sgt, %jit3A_591, %sign3A_600 : i32
    %sign3A_602 = arith.extui %sign3A_601 : i1 to i32
    %sign3A_603 = arith.constant 0 : i32
    %sign3A_604 = arith.cmpi slt, %jit3A_591, %sign3A_603 : i32
    %sign3A_605 = arith.extui %sign3A_604 : i1 to i32
    %sign3A_606 = arith.subi %sign3A_602, %sign3A_605 : i32
    %ne3A_607 = arith.cmpi ne, %sign3A_599, %sign3A_606 : i32
    %rem3A_608 = arith.remsi %multiple_of3A, %jit3A_591 : i32
    %ne3A_609 = arith.constant 0 : i32
    %ne3A_610 = arith.cmpi ne, %rem3A_608, %ne3A_609 : i32
    %and3A_611 = arith.andi %ne3A_607, %ne3A_610 : i1
    %sub3A_612 = arith.constant 1 : i32
    %sub3A_613 = arith.subi %div3A_592, %sub3A_612 : i32
    %select_n3A_614 = arith.select %and3A_611, %sub3A_613, %div3A_592 : i32
    %add3A_615 = arith.constant 1 : i32
    %add3A_616 = arith.addi %select_n3A_614, %add3A_615 : i32
    %slice3A_617 = vector.extract_strided_slice %get3A_3 {offsets = [13], sizes = [1], strides = [1]} : vector<16xi32> to vector<1xi32>
    %squeeze3A_618 = vector.extract %slice3A_617[0] : i32 from vector<1xi32>
    %and3A_619 = arith.constant -128 : i32
    %and3A_620 = arith.andi %squeeze3A_618, %and3A_619 : i32
    %multiple_of3A_621 = tpu.assume_multiple %and3A_620, 128 : i32
    %dma_start3A_622 = arith.constant 13 : i32
    %dma_start3A_623 = arith.constant 0 : i32
    %dma_start3A_624 = arith.constant 0 : i32
    %dma_start3A_625 = tpu.memref_slice %arg6[%dma_start3A_622, %dma_start3A_623, %dma_start3A_624] : memref<64x8x128xf32, #tpu.memory_space<vmem>> -> memref<1x8x128xf32, #tpu.memory_space<vmem>>
    %dma_start3A_626 = tpu.memref_squeeze %dma_start3A_625 : memref<1x8x128xf32, #tpu.memory_space<vmem>> -> memref<8x128xf32, #tpu.memory_space<vmem>>
    %dma_start3A_627 = arith.constant 0 : i32
    %dma_start3A_628 = tpu.memref_slice %arg2[%add3A_616, %dma_start3A_627, %multiple_of3A_621] : memref<128x8x100000xf32, #tpu.memory_space<hbm>> -> memref<1x8x128xf32, #tpu.memory_space<hbm>>
    %dma_start3A_629 = tpu.memref_squeeze %dma_start3A_628 : memref<1x8x128xf32, #tpu.memory_space<hbm>> -> memref<8x128xf32, #tpu.memory_space<hbm>>
    %dma_start3A_630 = arith.constant 0 : i32
    %dma_start3A_631 = arith.constant 0 : i32
    %dma_start3A_632 = tpu.memref_slice %arg6[%dma_start3A_622, %dma_start3A_630, %dma_start3A_631] : memref<64x8x128xf32, #tpu.memory_space<vmem>> -> memref<1x8x128xf32, #tpu.memory_space<vmem>>
    %dma_start3A_633 = tpu.memref_squeeze %dma_start3A_632 : memref<1x8x128xf32, #tpu.memory_space<vmem>> -> memref<8x128xf32, #tpu.memory_space<vmem>>
    %dma_start3A_634 = arith.constant 0 : i32
    %dma_start3A_635 = tpu.memref_slice %arg2[%add3A_616, %dma_start3A_634, %multiple_of3A_621] : memref<128x8x100000xf32, #tpu.memory_space<hbm>> -> memref<1x8x128xf32, #tpu.memory_space<hbm>>
    %dma_start3A_636 = tpu.memref_squeeze %dma_start3A_635 : memref<1x8x128xf32, #tpu.memory_space<hbm>> -> memref<8x128xf32, #tpu.memory_space<hbm>>
    tpu.enqueue_dma source(%dma_start3A_636 : memref<8x128xf32, #tpu.memory_space<hbm>>) target(%dma_start3A_633 : memref<8x128xf32, #tpu.memory_space<vmem>>) target_semaphore(%arg8 : memref<!tpu.dma_semaphore, #tpu.memory_space<semaphore_mem>>)
    %jit3A_637 = arith.constant 8 : i32
    %div3A_638 = arith.divsi %multiple_of3A, %jit3A_637 : i32
    %sign3A_639 = arith.constant 0 : i32
    %sign3A_640 = arith.cmpi sgt, %multiple_of3A, %sign3A_639 : i32
    %sign3A_641 = arith.extui %sign3A_640 : i1 to i32
    %sign3A_642 = arith.constant 0 : i32
    %sign3A_643 = arith.cmpi slt, %multiple_of3A, %sign3A_642 : i32
    %sign3A_644 = arith.extui %sign3A_643 : i1 to i32
    %sign3A_645 = arith.subi %sign3A_641, %sign3A_644 : i32
    %sign3A_646 = arith.constant 0 : i32
    %sign3A_647 = arith.cmpi sgt, %jit3A_637, %sign3A_646 : i32
    %sign3A_648 = arith.extui %sign3A_647 : i1 to i32
    %sign3A_649 = arith.constant 0 : i32
    %sign3A_650 = arith.cmpi slt, %jit3A_637, %sign3A_649 : i32
    %sign3A_651 = arith.extui %sign3A_650 : i1 to i32
    %sign3A_652 = arith.subi %sign3A_648, %sign3A_651 : i32
    %ne3A_653 = arith.cmpi ne, %sign3A_645, %sign3A_652 : i32
    %rem3A_654 = arith.remsi %multiple_of3A, %jit3A_637 : i32
    %ne3A_655 = arith.constant 0 : i32
    %ne3A_656 = arith.cmpi ne, %rem3A_654, %ne3A_655 : i32
    %and3A_657 = arith.andi %ne3A_653, %ne3A_656 : i1
    %sub3A_658 = arith.constant 1 : i32
    %sub3A_659 = arith.subi %div3A_638, %sub3A_658 : i32
    %select_n3A_660 = arith.select %and3A_657, %sub3A_659, %div3A_638 : i32
    %add3A_661 = arith.constant 1 : i32
    %add3A_662 = arith.addi %select_n3A_660, %add3A_661 : i32
    %slice3A_663 = vector.extract_strided_slice %get3A_3 {offsets = [14], sizes = [1], strides = [1]} : vector<16xi32> to vector<1xi32>
    %squeeze3A_664 = vector.extract %slice3A_663[0] : i32 from vector<1xi32>
    %and3A_665 = arith.constant -128 : i32
    %and3A_666 = arith.andi %squeeze3A_664, %and3A_665 : i32
    %multiple_of3A_667 = tpu.assume_multiple %and3A_666, 128 : i32
    %dma_start3A_668 = arith.constant 14 : i32
    %dma_start3A_669 = arith.constant 0 : i32
    %dma_start3A_670 = arith.constant 0 : i32
    %dma_start3A_671 = tpu.memref_slice %arg6[%dma_start3A_668, %dma_start3A_669, %dma_start3A_670] : memref<64x8x128xf32, #tpu.memory_space<vmem>> -> memref<1x8x128xf32, #tpu.memory_space<vmem>>
    %dma_start3A_672 = tpu.memref_squeeze %dma_start3A_671 : memref<1x8x128xf32, #tpu.memory_space<vmem>> -> memref<8x128xf32, #tpu.memory_space<vmem>>
    %dma_start3A_673 = arith.constant 0 : i32
    %dma_start3A_674 = tpu.memref_slice %arg2[%add3A_662, %dma_start3A_673, %multiple_of3A_667] : memref<128x8x100000xf32, #tpu.memory_space<hbm>> -> memref<1x8x128xf32, #tpu.memory_space<hbm>>
    %dma_start3A_675 = tpu.memref_squeeze %dma_start3A_674 : memref<1x8x128xf32, #tpu.memory_space<hbm>> -> memref<8x128xf32, #tpu.memory_space<hbm>>
    %dma_start3A_676 = arith.constant 0 : i32
    %dma_start3A_677 = arith.constant 0 : i32
    %dma_start3A_678 = tpu.memref_slice %arg6[%dma_start3A_668, %dma_start3A_676, %dma_start3A_677] : memref<64x8x128xf32, #tpu.memory_space<vmem>> -> memref<1x8x128xf32, #tpu.memory_space<vmem>>
    %dma_start3A_679 = tpu.memref_squeeze %dma_start3A_678 : memref<1x8x128xf32, #tpu.memory_space<vmem>> -> memref<8x128xf32, #tpu.memory_space<vmem>>
    %dma_start3A_680 = arith.constant 0 : i32
    %dma_start3A_681 = tpu.memref_slice %arg2[%add3A_662, %dma_start3A_680, %multiple_of3A_667] : memref<128x8x100000xf32, #tpu.memory_space<hbm>> -> memref<1x8x128xf32, #tpu.memory_space<hbm>>
    %dma_start3A_682 = tpu.memref_squeeze %dma_start3A_681 : memref<1x8x128xf32, #tpu.memory_space<hbm>> -> memref<8x128xf32, #tpu.memory_space<hbm>>
    tpu.enqueue_dma source(%dma_start3A_682 : memref<8x128xf32, #tpu.memory_space<hbm>>) target(%dma_start3A_679 : memref<8x128xf32, #tpu.memory_space<vmem>>) target_semaphore(%arg8 : memref<!tpu.dma_semaphore, #tpu.memory_space<semaphore_mem>>)
    %jit3A_683 = arith.constant 8 : i32
    %div3A_684 = arith.divsi %multiple_of3A, %jit3A_683 : i32
    %sign3A_685 = arith.constant 0 : i32
    %sign3A_686 = arith.cmpi sgt, %multiple_of3A, %sign3A_685 : i32
    %sign3A_687 = arith.extui %sign3A_686 : i1 to i32
    %sign3A_688 = arith.constant 0 : i32
    %sign3A_689 = arith.cmpi slt, %multiple_of3A, %sign3A_688 : i32
    %sign3A_690 = arith.extui %sign3A_689 : i1 to i32
    %sign3A_691 = arith.subi %sign3A_687, %sign3A_690 : i32
    %sign3A_692 = arith.constant 0 : i32
    %sign3A_693 = arith.cmpi sgt, %jit3A_683, %sign3A_692 : i32
    %sign3A_694 = arith.extui %sign3A_693 : i1 to i32
    %sign3A_695 = arith.constant 0 : i32
    %sign3A_696 = arith.cmpi slt, %jit3A_683, %sign3A_695 : i32
    %sign3A_697 = arith.extui %sign3A_696 : i1 to i32
    %sign3A_698 = arith.subi %sign3A_694, %sign3A_697 : i32
    %ne3A_699 = arith.cmpi ne, %sign3A_691, %sign3A_698 : i32
    %rem3A_700 = arith.remsi %multiple_of3A, %jit3A_683 : i32
    %ne3A_701 = arith.constant 0 : i32
    %ne3A_702 = arith.cmpi ne, %rem3A_700, %ne3A_701 : i32
    %and3A_703 = arith.andi %ne3A_699, %ne3A_702 : i1
    %sub3A_704 = arith.constant 1 : i32
    %sub3A_705 = arith.subi %div3A_684, %sub3A_704 : i32
    %select_n3A_706 = arith.select %and3A_703, %sub3A_705, %div3A_684 : i32
    %add3A_707 = arith.constant 1 : i32
    %add3A_708 = arith.addi %select_n3A_706, %add3A_707 : i32
    %slice3A_709 = vector.extract_strided_slice %get3A_3 {offsets = [15], sizes = [1], strides = [1]} : vector<16xi32> to vector<1xi32>
    %squeeze3A_710 = vector.extract %slice3A_709[0] : i32 from vector<1xi32>
    %and3A_711 = arith.constant -128 : i32
    %and3A_712 = arith.andi %squeeze3A_710, %and3A_711 : i32
    %multiple_of3A_713 = tpu.assume_multiple %and3A_712, 128 : i32
    %dma_start3A_714 = arith.constant 15 : i32
    %dma_start3A_715 = arith.constant 0 : i32
    %dma_start3A_716 = arith.constant 0 : i32
    %dma_start3A_717 = tpu.memref_slice %arg6[%dma_start3A_714, %dma_start3A_715, %dma_start3A_716] : memref<64x8x128xf32, #tpu.memory_space<vmem>> -> memref<1x8x128xf32, #tpu.memory_space<vmem>>
    %dma_start3A_718 = tpu.memref_squeeze %dma_start3A_717 : memref<1x8x128xf32, #tpu.memory_space<vmem>> -> memref<8x128xf32, #tpu.memory_space<vmem>>
    %dma_start3A_719 = arith.constant 0 : i32
    %dma_start3A_720 = tpu.memref_slice %arg2[%add3A_708, %dma_start3A_719, %multiple_of3A_713] : memref<128x8x100000xf32, #tpu.memory_space<hbm>> -> memref<1x8x128xf32, #tpu.memory_space<hbm>>
    %dma_start3A_721 = tpu.memref_squeeze %dma_start3A_720 : memref<1x8x128xf32, #tpu.memory_space<hbm>> -> memref<8x128xf32, #tpu.memory_space<hbm>>
    %dma_start3A_722 = arith.constant 0 : i32
    %dma_start3A_723 = arith.constant 0 : i32
    %dma_start3A_724 = tpu.memref_slice %arg6[%dma_start3A_714, %dma_start3A_722, %dma_start3A_723] : memref<64x8x128xf32, #tpu.memory_space<vmem>> -> memref<1x8x128xf32, #tpu.memory_space<vmem>>
    %dma_start3A_725 = tpu.memref_squeeze %dma_start3A_724 : memref<1x8x128xf32, #tpu.memory_space<vmem>> -> memref<8x128xf32, #tpu.memory_space<vmem>>
    %dma_start3A_726 = arith.constant 0 : i32
    %dma_start3A_727 = tpu.memref_slice %arg2[%add3A_708, %dma_start3A_726, %multiple_of3A_713] : memref<128x8x100000xf32, #tpu.memory_space<hbm>> -> memref<1x8x128xf32, #tpu.memory_space<hbm>>
    %dma_start3A_728 = tpu.memref_squeeze %dma_start3A_727 : memref<1x8x128xf32, #tpu.memory_space<hbm>> -> memref<8x128xf32, #tpu.memory_space<hbm>>
    tpu.enqueue_dma source(%dma_start3A_728 : memref<8x128xf32, #tpu.memory_space<hbm>>) target(%dma_start3A_725 : memref<8x128xf32, #tpu.memory_space<vmem>>) target_semaphore(%arg8 : memref<!tpu.dma_semaphore, #tpu.memory_space<semaphore_mem>>)
    %get3A_729 = arith.constant 16 : index
    %get3A_730 = tpu.vector_load %arg5[%get3A_729] {strides = array<i32>} : memref<64xi32, #tpu.memory_space<vmem>>, vector<16xi32>,
    %jit3A_731 = arith.constant 8 : i32
    %div3A_732 = arith.divsi %multiple_of3A, %jit3A_731 : i32
    %sign3A_733 = arith.constant 0 : i32
    %sign3A_734 = arith.cmpi sgt, %multiple_of3A, %sign3A_733 : i32
    %sign3A_735 = arith.extui %sign3A_734 : i1 to i32
    %sign3A_736 = arith.constant 0 : i32
    %sign3A_737 = arith.cmpi slt, %multiple_of3A, %sign3A_736 : i32
    %sign3A_738 = arith.extui %sign3A_737 : i1 to i32
    %sign3A_739 = arith.subi %sign3A_735, %sign3A_738 : i32
    %sign3A_740 = arith.constant 0 : i32
    %sign3A_741 = arith.cmpi sgt, %jit3A_731, %sign3A_740 : i32
    %sign3A_742 = arith.extui %sign3A_741 : i1 to i32
    %sign3A_743 = arith.constant 0 : i32
    %sign3A_744 = arith.cmpi slt, %jit3A_731, %sign3A_743 : i32
    %sign3A_745 = arith.extui %sign3A_744 : i1 to i32
    %sign3A_746 = arith.subi %sign3A_742, %sign3A_745 : i32
    %ne3A_747 = arith.cmpi ne, %sign3A_739, %sign3A_746 : i32
    %rem3A_748 = arith.remsi %multiple_of3A, %jit3A_731 : i32
    %ne3A_749 = arith.constant 0 : i32
    %ne3A_750 = arith.cmpi ne, %rem3A_748, %ne3A_749 : i32
    %and3A_751 = arith.andi %ne3A_747, %ne3A_750 : i1
    %sub3A_752 = arith.constant 1 : i32
    %sub3A_753 = arith.subi %div3A_732, %sub3A_752 : i32
    %select_n3A_754 = arith.select %and3A_751, %sub3A_753, %div3A_732 : i32
    %add3A_755 = arith.constant 2 : i32
    %add3A_756 = arith.addi %select_n3A_754, %add3A_755 : i32
    %slice3A_757 = vector.extract_strided_slice %get3A_730 {offsets = [0], sizes = [1], strides = [1]} : vector<16xi32> to vector<1xi32>
    %squeeze3A_758 = vector.extract %slice3A_757[0] : i32 from vector<1xi32>
    %and3A_759 = arith.constant -128 : i32
    %and3A_760 = arith.andi %squeeze3A_758, %and3A_759 : i32
    %multiple_of3A_761 = tpu.assume_multiple %and3A_760, 128 : i32
    %dma_start3A_762 = arith.constant 16 : i32
    %dma_start3A_763 = arith.constant 0 : i32
    %dma_start3A_764 = arith.constant 0 : i32
    %dma_start3A_765 = tpu.memref_slice %arg6[%dma_start3A_762, %dma_start3A_763, %dma_start3A_764] : memref<64x8x128xf32, #tpu.memory_space<vmem>> -> memref<1x8x128xf32, #tpu.memory_space<vmem>>
    %dma_start3A_766 = tpu.memref_squeeze %dma_start3A_765 : memref<1x8x128xf32, #tpu.memory_space<vmem>> -> memref<8x128xf32, #tpu.memory_space<vmem>>
    %dma_start3A_767 = arith.constant 0 : i32
    %dma_start3A_768 = tpu.memref_slice %arg2[%add3A_756, %dma_start3A_767, %multiple_of3A_761] : memref<128x8x100000xf32, #tpu.memory_space<hbm>> -> memref<1x8x128xf32, #tpu.memory_space<hbm>>
    %dma_start3A_769 = tpu.memref_squeeze %dma_start3A_768 : memref<1x8x128xf32, #tpu.memory_space<hbm>> -> memref<8x128xf32, #tpu.memory_space<hbm>>
    %dma_start3A_770 = arith.constant 0 : i32
    %dma_start3A_771 = arith.constant 0 : i32
    %dma_start3A_772 = tpu.memref_slice %arg6[%dma_start3A_762, %dma_start3A_770, %dma_start3A_771] : memref<64x8x128xf32, #tpu.memory_space<vmem>> -> memref<1x8x128xf32, #tpu.memory_space<vmem>>
    %dma_start3A_773 = tpu.memref_squeeze %dma_start3A_772 : memref<1x8x128xf32, #tpu.memory_space<vmem>> -> memref<8x128xf32, #tpu.memory_space<vmem>>
    %dma_start3A_774 = arith.constant 0 : i32
    %dma_start3A_775 = tpu.memref_slice %arg2[%add3A_756, %dma_start3A_774, %multiple_of3A_761] : memref<128x8x100000xf32, #tpu.memory_space<hbm>> -> memref<1x8x128xf32, #tpu.memory_space<hbm>>
    %dma_start3A_776 = tpu.memref_squeeze %dma_start3A_775 : memref<1x8x128xf32, #tpu.memory_space<hbm>> -> memref<8x128xf32, #tpu.memory_space<hbm>>
    tpu.enqueue_dma source(%dma_start3A_776 : memref<8x128xf32, #tpu.memory_space<hbm>>) target(%dma_start3A_773 : memref<8x128xf32, #tpu.memory_space<vmem>>) target_semaphore(%arg8 : memref<!tpu.dma_semaphore, #tpu.memory_space<semaphore_mem>>)
    %jit3A_777 = arith.constant 8 : i32
    %div3A_778 = arith.divsi %multiple_of3A, %jit3A_777 : i32
    %sign3A_779 = arith.constant 0 : i32
    %sign3A_780 = arith.cmpi sgt, %multiple_of3A, %sign3A_779 : i32
    %sign3A_781 = arith.extui %sign3A_780 : i1 to i32
    %sign3A_782 = arith.constant 0 : i32
    %sign3A_783 = arith.cmpi slt, %multiple_of3A, %sign3A_782 : i32
    %sign3A_784 = arith.extui %sign3A_783 : i1 to i32
    %sign3A_785 = arith.subi %sign3A_781, %sign3A_784 : i32
    %sign3A_786 = arith.constant 0 : i32
    %sign3A_787 = arith.cmpi sgt, %jit3A_777, %sign3A_786 : i32
    %sign3A_788 = arith.extui %sign3A_787 : i1 to i32
    %sign3A_789 = arith.constant 0 : i32
    %sign3A_790 = arith.cmpi slt, %jit3A_777, %sign3A_789 : i32
    %sign3A_791 = arith.extui %sign3A_790 : i1 to i32
    %sign3A_792 = arith.subi %sign3A_788, %sign3A_791 : i32
    %ne3A_793 = arith.cmpi ne, %sign3A_785, %sign3A_792 : i32
    %rem3A_794 = arith.remsi %multiple_of3A, %jit3A_777 : i32
    %ne3A_795 = arith.constant 0 : i32
    %ne3A_796 = arith.cmpi ne, %rem3A_794, %ne3A_795 : i32
    %and3A_797 = arith.andi %ne3A_793, %ne3A_796 : i1
    %sub3A_798 = arith.constant 1 : i32
    %sub3A_799 = arith.subi %div3A_778, %sub3A_798 : i32
    %select_n3A_800 = arith.select %and3A_797, %sub3A_799, %div3A_778 : i32
    %add3A_801 = arith.constant 2 : i32
    %add3A_802 = arith.addi %select_n3A_800, %add3A_801 : i32
    %slice3A_803 = vector.extract_strided_slice %get3A_730 {offsets = [1], sizes = [1], strides = [1]} : vector<16xi32> to vector<1xi32>
    %squeeze3A_804 = vector.extract %slice3A_803[0] : i32 from vector<1xi32>
    %and3A_805 = arith.constant -128 : i32
    %and3A_806 = arith.andi %squeeze3A_804, %and3A_805 : i32
    %multiple_of3A_807 = tpu.assume_multiple %and3A_806, 128 : i32
    %dma_start3A_808 = arith.constant 17 : i32
    %dma_start3A_809 = arith.constant 0 : i32
    %dma_start3A_810 = arith.constant 0 : i32
    %dma_start3A_811 = tpu.memref_slice %arg6[%dma_start3A_808, %dma_start3A_809, %dma_start3A_810] : memref<64x8x128xf32, #tpu.memory_space<vmem>> -> memref<1x8x128xf32, #tpu.memory_space<vmem>>
    %dma_start3A_812 = tpu.memref_squeeze %dma_start3A_811 : memref<1x8x128xf32, #tpu.memory_space<vmem>> -> memref<8x128xf32, #tpu.memory_space<vmem>>
    %dma_start3A_813 = arith.constant 0 : i32
    %dma_start3A_814 = tpu.memref_slice %arg2[%add3A_802, %dma_start3A_813, %multiple_of3A_807] : memref<128x8x100000xf32, #tpu.memory_space<hbm>> -> memref<1x8x128xf32, #tpu.memory_space<hbm>>
    %dma_start3A_815 = tpu.memref_squeeze %dma_start3A_814 : memref<1x8x128xf32, #tpu.memory_space<hbm>> -> memref<8x128xf32, #tpu.memory_space<hbm>>
    %dma_start3A_816 = arith.constant 0 : i32
    %dma_start3A_817 = arith.constant 0 : i32
    %dma_start3A_818 = tpu.memref_slice %arg6[%dma_start3A_808, %dma_start3A_816, %dma_start3A_817] : memref<64x8x128xf32, #tpu.memory_space<vmem>> -> memref<1x8x128xf32, #tpu.memory_space<vmem>>
    %dma_start3A_819 = tpu.memref_squeeze %dma_start3A_818 : memref<1x8x128xf32, #tpu.memory_space<vmem>> -> memref<8x128xf32, #tpu.memory_space<vmem>>
    %dma_start3A_820 = arith.constant 0 : i32
    %dma_start3A_821 = tpu.memref_slice %arg2[%add3A_802, %dma_start3A_820, %multiple_of3A_807] : memref<128x8x100000xf32, #tpu.memory_space<hbm>> -> memref<1x8x128xf32, #tpu.memory_space<hbm>>
    %dma_start3A_822 = tpu.memref_squeeze %dma_start3A_821 : memref<1x8x128xf32, #tpu.memory_space<hbm>> -> memref<8x128xf32, #tpu.memory_space<hbm>>
    tpu.enqueue_dma source(%dma_start3A_822 : memref<8x128xf32, #tpu.memory_space<hbm>>) target(%dma_start3A_819 : memref<8x128xf32, #tpu.memory_space<vmem>>) target_semaphore(%arg8 : memref<!tpu.dma_semaphore, #tpu.memory_space<semaphore_mem>>)
    %jit3A_823 = arith.constant 8 : i32
    %div3A_824 = arith.divsi %multiple_of3A, %jit3A_823 : i32
    %sign3A_825 = arith.constant 0 : i32
    %sign3A_826 = arith.cmpi sgt, %multiple_of3A, %sign3A_825 : i32
    %sign3A_827 = arith.extui %sign3A_826 : i1 to i32
    %sign3A_828 = arith.constant 0 : i32
    %sign3A_829 = arith.cmpi slt, %multiple_of3A, %sign3A_828 : i32
    %sign3A_830 = arith.extui %sign3A_829 : i1 to i32
    %sign3A_831 = arith.subi %sign3A_827, %sign3A_830 : i32
    %sign3A_832 = arith.constant 0 : i32
    %sign3A_833 = arith.cmpi sgt, %jit3A_823, %sign3A_832 : i32
    %sign3A_834 = arith.extui %sign3A_833 : i1 to i32
    %sign3A_835 = arith.constant 0 : i32
    %sign3A_836 = arith.cmpi slt, %jit3A_823, %sign3A_835 : i32
    %sign3A_837 = arith.extui %sign3A_836 : i1 to i32
    %sign3A_838 = arith.subi %sign3A_834, %sign3A_837 : i32
    %ne3A_839 = arith.cmpi ne, %sign3A_831, %sign3A_838 : i32
    %rem3A_840 = arith.remsi %multiple_of3A, %jit3A_823 : i32
    %ne3A_841 = arith.constant 0 : i32
    %ne3A_842 = arith.cmpi ne, %rem3A_840, %ne3A_841 : i32
    %and3A_843 = arith.andi %ne3A_839, %ne3A_842 : i1
    %sub3A_844 = arith.constant 1 : i32
    %sub3A_845 = arith.subi %div3A_824, %sub3A_844 : i32
    %select_n3A_846 = arith.select %and3A_843, %sub3A_845, %div3A_824 : i32
    %add3A_847 = arith.constant 2 : i32
    %add3A_848 = arith.addi %select_n3A_846, %add3A_847 : i32
    %slice3A_849 = vector.extract_strided_slice %get3A_730 {offsets = [2], sizes = [1], strides = [1]} : vector<16xi32> to vector<1xi32>
    %squeeze3A_850 = vector.extract %slice3A_849[0] : i32 from vector<1xi32>
    %and3A_851 = arith.constant -128 : i32
    %and3A_852 = arith.andi %squeeze3A_850, %and3A_851 : i32
    %multiple_of3A_853 = tpu.assume_multiple %and3A_852, 128 : i32
    %dma_start3A_854 = arith.constant 18 : i32
    %dma_start3A_855 = arith.constant 0 : i32
    %dma_start3A_856 = arith.constant 0 : i32
    %dma_start3A_857 = tpu.memref_slice %arg6[%dma_start3A_854, %dma_start3A_855, %dma_start3A_856] : memref<64x8x128xf32, #tpu.memory_space<vmem>> -> memref<1x8x128xf32, #tpu.memory_space<vmem>>
    %dma_start3A_858 = tpu.memref_squeeze %dma_start3A_857 : memref<1x8x128xf32, #tpu.memory_space<vmem>> -> memref<8x128xf32, #tpu.memory_space<vmem>>
    %dma_start3A_859 = arith.constant 0 : i32
    %dma_start3A_860 = tpu.memref_slice %arg2[%add3A_848, %dma_start3A_859, %multiple_of3A_853] : memref<128x8x100000xf32, #tpu.memory_space<hbm>> -> memref<1x8x128xf32, #tpu.memory_space<hbm>>
    %dma_start3A_861 = tpu.memref_squeeze %dma_start3A_860 : memref<1x8x128xf32, #tpu.memory_space<hbm>> -> memref<8x128xf32, #tpu.memory_space<hbm>>
    %dma_start3A_862 = arith.constant 0 : i32
    %dma_start3A_863 = arith.constant 0 : i32
    %dma_start3A_864 = tpu.memref_slice %arg6[%dma_start3A_854, %dma_start3A_862, %dma_start3A_863] : memref<64x8x128xf32, #tpu.memory_space<vmem>> -> memref<1x8x128xf32, #tpu.memory_space<vmem>>
    %dma_start3A_865 = tpu.memref_squeeze %dma_start3A_864 : memref<1x8x128xf32, #tpu.memory_space<vmem>> -> memref<8x128xf32, #tpu.memory_space<vmem>>
    %dma_start3A_866 = arith.constant 0 : i32
    %dma_start3A_867 = tpu.memref_slice %arg2[%add3A_848, %dma_start3A_866, %multiple_of3A_853] : memref<128x8x100000xf32, #tpu.memory_space<hbm>> -> memref<1x8x128xf32, #tpu.memory_space<hbm>>
    %dma_start3A_868 = tpu.memref_squeeze %dma_start3A_867 : memref<1x8x128xf32, #tpu.memory_space<hbm>> -> memref<8x128xf32, #tpu.memory_space<hbm>>
    tpu.enqueue_dma source(%dma_start3A_868 : memref<8x128xf32, #tpu.memory_space<hbm>>) target(%dma_start3A_865 : memref<8x128xf32, #tpu.memory_space<vmem>>) target_semaphore(%arg8 : memref<!tpu.dma_semaphore, #tpu.memory_space<semaphore_mem>>)
    %jit3A_869 = arith.constant 8 : i32
    %div3A_870 = arith.divsi %multiple_of3A, %jit3A_869 : i32
    %sign3A_871 = arith.constant 0 : i32
    %sign3A_872 = arith.cmpi sgt, %multiple_of3A, %sign3A_871 : i32
    %sign3A_873 = arith.extui %sign3A_872 : i1 to i32
    %sign3A_874 = arith.constant 0 : i32
    %sign3A_875 = arith.cmpi slt, %multiple_of3A, %sign3A_874 : i32
    %sign3A_876 = arith.extui %sign3A_875 : i1 to i32
    %sign3A_877 = arith.subi %sign3A_873, %sign3A_876 : i32
    %sign3A_878 = arith.constant 0 : i32
    %sign3A_879 = arith.cmpi sgt, %jit3A_869, %sign3A_878 : i32
    %sign3A_880 = arith.extui %sign3A_879 : i1 to i32
    %sign3A_881 = arith.constant 0 : i32
    %sign3A_882 = arith.cmpi slt, %jit3A_869, %sign3A_881 : i32
    %sign3A_883 = arith.extui %sign3A_882 : i1 to i32
    %sign3A_884 = arith.subi %sign3A_880, %sign3A_883 : i32
    %ne3A_885 = arith.cmpi ne, %sign3A_877, %sign3A_884 : i32
    %rem3A_886 = arith.remsi %multiple_of3A, %jit3A_869 : i32
    %ne3A_887 = arith.constant 0 : i32
    %ne3A_888 = arith.cmpi ne, %rem3A_886, %ne3A_887 : i32
    %and3A_889 = arith.andi %ne3A_885, %ne3A_888 : i1
    %sub3A_890 = arith.constant 1 : i32
    %sub3A_891 = arith.subi %div3A_870, %sub3A_890 : i32
    %select_n3A_892 = arith.select %and3A_889, %sub3A_891, %div3A_870 : i32
    %add3A_893 = arith.constant 2 : i32
    %add3A_894 = arith.addi %select_n3A_892, %add3A_893 : i32
    %slice3A_895 = vector.extract_strided_slice %get3A_730 {offsets = [3], sizes = [1], strides = [1]} : vector<16xi32> to vector<1xi32>
    %squeeze3A_896 = vector.extract %slice3A_895[0] : i32 from vector<1xi32>
    %and3A_897 = arith.constant -128 : i32
    %and3A_898 = arith.andi %squeeze3A_896, %and3A_897 : i32
    %multiple_of3A_899 = tpu.assume_multiple %and3A_898, 128 : i32
    %dma_start3A_900 = arith.constant 19 : i32
    %dma_start3A_901 = arith.constant 0 : i32
    %dma_start3A_902 = arith.constant 0 : i32
    %dma_start3A_903 = tpu.memref_slice %arg6[%dma_start3A_900, %dma_start3A_901, %dma_start3A_902] : memref<64x8x128xf32, #tpu.memory_space<vmem>> -> memref<1x8x128xf32, #tpu.memory_space<vmem>>
    %dma_start3A_904 = tpu.memref_squeeze %dma_start3A_903 : memref<1x8x128xf32, #tpu.memory_space<vmem>> -> memref<8x128xf32, #tpu.memory_space<vmem>>
    %dma_start3A_905 = arith.constant 0 : i32
    %dma_start3A_906 = tpu.memref_slice %arg2[%add3A_894, %dma_start3A_905, %multiple_of3A_899] : memref<128x8x100000xf32, #tpu.memory_space<hbm>> -> memref<1x8x128xf32, #tpu.memory_space<hbm>>
    %dma_start3A_907 = tpu.memref_squeeze %dma_start3A_906 : memref<1x8x128xf32, #tpu.memory_space<hbm>> -> memref<8x128xf32, #tpu.memory_space<hbm>>
    %dma_start3A_908 = arith.constant 0 : i32
    %dma_start3A_909 = arith.constant 0 : i32
    %dma_start3A_910 = tpu.memref_slice %arg6[%dma_start3A_900, %dma_start3A_908, %dma_start3A_909] : memref<64x8x128xf32, #tpu.memory_space<vmem>> -> memref<1x8x128xf32, #tpu.memory_space<vmem>>
    %dma_start3A_911 = tpu.memref_squeeze %dma_start3A_910 : memref<1x8x128xf32, #tpu.memory_space<vmem>> -> memref<8x128xf32, #tpu.memory_space<vmem>>
    %dma_start3A_912 = arith.constant 0 : i32
    %dma_start3A_913 = tpu.memref_slice %arg2[%add3A_894, %dma_start3A_912, %multiple_of3A_899] : memref<128x8x100000xf32, #tpu.memory_space<hbm>> -> memref<1x8x128xf32, #tpu.memory_space<hbm>>
    %dma_start3A_914 = tpu.memref_squeeze %dma_start3A_913 : memref<1x8x128xf32, #tpu.memory_space<hbm>> -> memref<8x128xf32, #tpu.memory_space<hbm>>
    tpu.enqueue_dma source(%dma_start3A_914 : memref<8x128xf32, #tpu.memory_space<hbm>>) target(%dma_start3A_911 : memref<8x128xf32, #tpu.memory_space<vmem>>) target_semaphore(%arg8 : memref<!tpu.dma_semaphore, #tpu.memory_space<semaphore_mem>>)
    %jit3A_915 = arith.constant 8 : i32
    %div3A_916 = arith.divsi %multiple_of3A, %jit3A_915 : i32
    %sign3A_917 = arith.constant 0 : i32
    %sign3A_918 = arith.cmpi sgt, %multiple_of3A, %sign3A_917 : i32
    %sign3A_919 = arith.extui %sign3A_918 : i1 to i32
    %sign3A_920 = arith.constant 0 : i32
    %sign3A_921 = arith.cmpi slt, %multiple_of3A, %sign3A_920 : i32
    %sign3A_922 = arith.extui %sign3A_921 : i1 to i32
    %sign3A_923 = arith.subi %sign3A_919, %sign3A_922 : i32
    %sign3A_924 = arith.constant 0 : i32
    %sign3A_925 = arith.cmpi sgt, %jit3A_915, %sign3A_924 : i32
    %sign3A_926 = arith.extui %sign3A_925 : i1 to i32
    %sign3A_927 = arith.constant 0 : i32
    %sign3A_928 = arith.cmpi slt, %jit3A_915, %sign3A_927 : i32
    %sign3A_929 = arith.extui %sign3A_928 : i1 to i32
    %sign3A_930 = arith.subi %sign3A_926, %sign3A_929 : i32
    %ne3A_931 = arith.cmpi ne, %sign3A_923, %sign3A_930 : i32
    %rem3A_932 = arith.remsi %multiple_of3A, %jit3A_915 : i32
    %ne3A_933 = arith.constant 0 : i32
    %ne3A_934 = arith.cmpi ne, %rem3A_932, %ne3A_933 : i32
    %and3A_935 = arith.andi %ne3A_931, %ne3A_934 : i1
    %sub3A_936 = arith.constant 1 : i32
    %sub3A_937 = arith.subi %div3A_916, %sub3A_936 : i32
    %select_n3A_938 = arith.select %and3A_935, %sub3A_937, %div3A_916 : i32
    %add3A_939 = arith.constant 2 : i32
    %add3A_940 = arith.addi %select_n3A_938, %add3A_939 : i32
    %slice3A_941 = vector.extract_strided_slice %get3A_730 {offsets = [4], sizes = [1], strides = [1]} : vector<16xi32> to vector<1xi32>
    %squeeze3A_942 = vector.extract %slice3A_941[0] : i32 from vector<1xi32>
    %and3A_943 = arith.constant -128 : i32
    %and3A_944 = arith.andi %squeeze3A_942, %and3A_943 : i32
    %multiple_of3A_945 = tpu.assume_multiple %and3A_944, 128 : i32
    %dma_start3A_946 = arith.constant 20 : i32
    %dma_start3A_947 = arith.constant 0 : i32
    %dma_start3A_948 = arith.constant 0 : i32
    %dma_start3A_949 = tpu.memref_slice %arg6[%dma_start3A_946, %dma_start3A_947, %dma_start3A_948] : memref<64x8x128xf32, #tpu.memory_space<vmem>> -> memref<1x8x128xf32, #tpu.memory_space<vmem>>
    %dma_start3A_950 = tpu.memref_squeeze %dma_start3A_949 : memref<1x8x128xf32, #tpu.memory_space<vmem>> -> memref<8x128xf32, #tpu.memory_space<vmem>>
    %dma_start3A_951 = arith.constant 0 : i32
    %dma_start3A_952 = tpu.memref_slice %arg2[%add3A_940, %dma_start3A_951, %multiple_of3A_945] : memref<128x8x100000xf32, #tpu.memory_space<hbm>> -> memref<1x8x128xf32, #tpu.memory_space<hbm>>
    %dma_start3A_953 = tpu.memref_squeeze %dma_start3A_952 : memref<1x8x128xf32, #tpu.memory_space<hbm>> -> memref<8x128xf32, #tpu.memory_space<hbm>>
    %dma_start3A_954 = arith.constant 0 : i32
    %dma_start3A_955 = arith.constant 0 : i32
    %dma_start3A_956 = tpu.memref_slice %arg6[%dma_start3A_946, %dma_start3A_954, %dma_start3A_955] : memref<64x8x128xf32, #tpu.memory_space<vmem>> -> memref<1x8x128xf32, #tpu.memory_space<vmem>>
    %dma_start3A_957 = tpu.memref_squeeze %dma_start3A_956 : memref<1x8x128xf32, #tpu.memory_space<vmem>> -> memref<8x128xf32, #tpu.memory_space<vmem>>
    %dma_start3A_958 = arith.constant 0 : i32
    %dma_start3A_959 = tpu.memref_slice %arg2[%add3A_940, %dma_start3A_958, %multiple_of3A_945] : memref<128x8x100000xf32, #tpu.memory_space<hbm>> -> memref<1x8x128xf32, #tpu.memory_space<hbm>>
    %dma_start3A_960 = tpu.memref_squeeze %dma_start3A_959 : memref<1x8x128xf32, #tpu.memory_space<hbm>> -> memref<8x128xf32, #tpu.memory_space<hbm>>
    tpu.enqueue_dma source(%dma_start3A_960 : memref<8x128xf32, #tpu.memory_space<hbm>>) target(%dma_start3A_957 : memref<8x128xf32, #tpu.memory_space<vmem>>) target_semaphore(%arg8 : memref<!tpu.dma_semaphore, #tpu.memory_space<semaphore_mem>>)
    %jit3A_961 = arith.constant 8 : i32
    %div3A_962 = arith.divsi %multiple_of3A, %jit3A_961 : i32
    %sign3A_963 = arith.constant 0 : i32
    %sign3A_964 = arith.cmpi sgt, %multiple_of3A, %sign3A_963 : i32
    %sign3A_965 = arith.extui %sign3A_964 : i1 to i32
    %sign3A_966 = arith.constant 0 : i32
    %sign3A_967 = arith.cmpi slt, %multiple_of3A, %sign3A_966 : i32
    %sign3A_968 = arith.extui %sign3A_967 : i1 to i32
    %sign3A_969 = arith.subi %sign3A_965, %sign3A_968 : i32
    %sign3A_970 = arith.constant 0 : i32
    %sign3A_971 = arith.cmpi sgt, %jit3A_961, %sign3A_970 : i32
    %sign3A_972 = arith.extui %sign3A_971 : i1 to i32
    %sign3A_973 = arith.constant 0 : i32
    %sign3A_974 = arith.cmpi slt, %jit3A_961, %sign3A_973 : i32
    %sign3A_975 = arith.extui %sign3A_974 : i1 to i32
    %sign3A_976 = arith.subi %sign3A_972, %sign3A_975 : i32
    %ne3A_977 = arith.cmpi ne, %sign3A_969, %sign3A_976 : i32
    %rem3A_978 = arith.remsi %multiple_of3A, %jit3A_961 : i32
    %ne3A_979 = arith.constant 0 : i32
    %ne3A_980 = arith.cmpi ne, %rem3A_978, %ne3A_979 : i32
    %and3A_981 = arith.andi %ne3A_977, %ne3A_980 : i1
    %sub3A_982 = arith.constant 1 : i32
    %sub3A_983 = arith.subi %div3A_962, %sub3A_982 : i32
    %select_n3A_984 = arith.select %and3A_981, %sub3A_983, %div3A_962 : i32
    %add3A_985 = arith.constant 2 : i32
    %add3A_986 = arith.addi %select_n3A_984, %add3A_985 : i32
    %slice3A_987 = vector.extract_strided_slice %get3A_730 {offsets = [5], sizes = [1], strides = [1]} : vector<16xi32> to vector<1xi32>
    %squeeze3A_988 = vector.extract %slice3A_987[0] : i32 from vector<1xi32>
    %and3A_989 = arith.constant -128 : i32
    %and3A_990 = arith.andi %squeeze3A_988, %and3A_989 : i32
    %multiple_of3A_991 = tpu.assume_multiple %and3A_990, 128 : i32
    %dma_start3A_992 = arith.constant 21 : i32
    %dma_start3A_993 = arith.constant 0 : i32
    %dma_start3A_994 = arith.constant 0 : i32
    %dma_start3A_995 = tpu.memref_slice %arg6[%dma_start3A_992, %dma_start3A_993, %dma_start3A_994] : memref<64x8x128xf32, #tpu.memory_space<vmem>> -> memref<1x8x128xf32, #tpu.memory_space<vmem>>
    %dma_start3A_996 = tpu.memref_squeeze %dma_start3A_995 : memref<1x8x128xf32, #tpu.memory_space<vmem>> -> memref<8x128xf32, #tpu.memory_space<vmem>>
    %dma_start3A_997 = arith.constant 0 : i32
    %dma_start3A_998 = tpu.memref_slice %arg2[%add3A_986, %dma_start3A_997, %multiple_of3A_991] : memref<128x8x100000xf32, #tpu.memory_space<hbm>> -> memref<1x8x128xf32, #tpu.memory_space<hbm>>
    %dma_start3A_999 = tpu.memref_squeeze %dma_start3A_998 : memref<1x8x128xf32, #tpu.memory_space<hbm>> -> memref<8x128xf32, #tpu.memory_space<hbm>>
    %dma_start3A_1000 = arith.constant 0 : i32
    %dma_start3A_1001 = arith.constant 0 : i32
    %dma_start3A_1002 = tpu.memref_slice %arg6[%dma_start3A_992, %dma_start3A_1000, %dma_start3A_1001] : memref<64x8x128xf32, #tpu.memory_space<vmem>> -> memref<1x8x128xf32, #tpu.memory_space<vmem>>
    %dma_start3A_1003 = tpu.memref_squeeze %dma_start3A_1002 : memref<1x8x128xf32, #tpu.memory_space<vmem>> -> memref<8x128xf32, #tpu.memory_space<vmem>>
    %dma_start3A_1004 = arith.constant 0 : i32
    %dma_start3A_1005 = tpu.memref_slice %arg2[%add3A_986, %dma_start3A_1004, %multiple_of3A_991] : memref<128x8x100000xf32, #tpu.memory_space<hbm>> -> memref<1x8x128xf32, #tpu.memory_space<hbm>>
    %dma_start3A_1006 = tpu.memref_squeeze %dma_start3A_1005 : memref<1x8x128xf32, #tpu.memory_space<hbm>> -> memref<8x128xf32, #tpu.memory_space<hbm>>
    tpu.enqueue_dma source(%dma_start3A_1006 : memref<8x128xf32, #tpu.memory_space<hbm>>) target(%dma_start3A_1003 : memref<8x128xf32, #tpu.memory_space<vmem>>) target_semaphore(%arg8 : memref<!tpu.dma_semaphore, #tpu.memory_space<semaphore_mem>>)
    %jit3A_1007 = arith.constant 8 : i32
    %div3A_1008 = arith.divsi %multiple_of3A, %jit3A_1007 : i32
    %sign3A_1009 = arith.constant 0 : i32
    %sign3A_1010 = arith.cmpi sgt, %multiple_of3A, %sign3A_1009 : i32
    %sign3A_1011 = arith.extui %sign3A_1010 : i1 to i32
    %sign3A_1012 = arith.constant 0 : i32
    %sign3A_1013 = arith.cmpi slt, %multiple_of3A, %sign3A_1012 : i32
    %sign3A_1014 = arith.extui %sign3A_1013 : i1 to i32
    %sign3A_1015 = arith.subi %sign3A_1011, %sign3A_1014 : i32
    %sign3A_1016 = arith.constant 0 : i32
    %sign3A_1017 = arith.cmpi sgt, %jit3A_1007, %sign3A_1016 : i32
    %sign3A_1018 = arith.extui %sign3A_1017 : i1 to i32
    %sign3A_1019 = arith.constant 0 : i32
    %sign3A_1020 = arith.cmpi slt, %jit3A_1007, %sign3A_1019 : i32
    %sign3A_1021 = arith.extui %sign3A_1020 : i1 to i32
    %sign3A_1022 = arith.subi %sign3A_1018, %sign3A_1021 : i32
    %ne3A_1023 = arith.cmpi ne, %sign3A_1015, %sign3A_1022 : i32
    %rem3A_1024 = arith.remsi %multiple_of3A, %jit3A_1007 : i32
    %ne3A_1025 = arith.constant 0 : i32
    %ne3A_1026 = arith.cmpi ne, %rem3A_1024, %ne3A_1025 : i32
    %and3A_1027 = arith.andi %ne3A_1023, %ne3A_1026 : i1
    %sub3A_1028 = arith.constant 1 : i32
    %sub3A_1029 = arith.subi %div3A_1008, %sub3A_1028 : i32
    %select_n3A_1030 = arith.select %and3A_1027, %sub3A_1029, %div3A_1008 : i32
    %add3A_1031 = arith.constant 2 : i32
    %add3A_1032 = arith.addi %select_n3A_1030, %add3A_1031 : i32
    %slice3A_1033 = vector.extract_strided_slice %get3A_730 {offsets = [6], sizes = [1], strides = [1]} : vector<16xi32> to vector<1xi32>
    %squeeze3A_1034 = vector.extract %slice3A_1033[0] : i32 from vector<1xi32>
    %and3A_1035 = arith.constant -128 : i32
    %and3A_1036 = arith.andi %squeeze3A_1034, %and3A_1035 : i32
    %multiple_of3A_1037 = tpu.assume_multiple %and3A_1036, 128 : i32
    %dma_start3A_1038 = arith.constant 22 : i32
    %dma_start3A_1039 = arith.constant 0 : i32
    %dma_start3A_1040 = arith.constant 0 : i32
    %dma_start3A_1041 = tpu.memref_slice %arg6[%dma_start3A_1038, %dma_start3A_1039, %dma_start3A_1040] : memref<64x8x128xf32, #tpu.memory_space<vmem>> -> memref<1x8x128xf32, #tpu.memory_space<vmem>>
    %dma_start3A_1042 = tpu.memref_squeeze %dma_start3A_1041 : memref<1x8x128xf32, #tpu.memory_space<vmem>> -> memref<8x128xf32, #tpu.memory_space<vmem>>
    %dma_start3A_1043 = arith.constant 0 : i32
    %dma_start3A_1044 = tpu.memref_slice %arg2[%add3A_1032, %dma_start3A_1043, %multiple_of3A_1037] : memref<128x8x100000xf32, #tpu.memory_space<hbm>> -> memref<1x8x128xf32, #tpu.memory_space<hbm>>
    %dma_start3A_1045 = tpu.memref_squeeze %dma_start3A_1044 : memref<1x8x128xf32, #tpu.memory_space<hbm>> -> memref<8x128xf32, #tpu.memory_space<hbm>>
    %dma_start3A_1046 = arith.constant 0 : i32
    %dma_start3A_1047 = arith.constant 0 : i32
    %dma_start3A_1048 = tpu.memref_slice %arg6[%dma_start3A_1038, %dma_start3A_1046, %dma_start3A_1047] : memref<64x8x128xf32, #tpu.memory_space<vmem>> -> memref<1x8x128xf32, #tpu.memory_space<vmem>>
    %dma_start3A_1049 = tpu.memref_squeeze %dma_start3A_1048 : memref<1x8x128xf32, #tpu.memory_space<vmem>> -> memref<8x128xf32, #tpu.memory_space<vmem>>
    %dma_start3A_1050 = arith.constant 0 : i32
    %dma_start3A_1051 = tpu.memref_slice %arg2[%add3A_1032, %dma_start3A_1050, %multiple_of3A_1037] : memref<128x8x100000xf32, #tpu.memory_space<hbm>> -> memref<1x8x128xf32, #tpu.memory_space<hbm>>
    %dma_start3A_1052 = tpu.memref_squeeze %dma_start3A_1051 : memref<1x8x128xf32, #tpu.memory_space<hbm>> -> memref<8x128xf32, #tpu.memory_space<hbm>>
    tpu.enqueue_dma source(%dma_start3A_1052 : memref<8x128xf32, #tpu.memory_space<hbm>>) target(%dma_start3A_1049 : memref<8x128xf32, #tpu.memory_space<vmem>>) target_semaphore(%arg8 : memref<!tpu.dma_semaphore, #tpu.memory_space<semaphore_mem>>)
    %jit3A_1053 = arith.constant 8 : i32
    %div3A_1054 = arith.divsi %multiple_of3A, %jit3A_1053 : i32
    %sign3A_1055 = arith.constant 0 : i32
    %sign3A_1056 = arith.cmpi sgt, %multiple_of3A, %sign3A_1055 : i32
    %sign3A_1057 = arith.extui %sign3A_1056 : i1 to i32
    %sign3A_1058 = arith.constant 0 : i32
    %sign3A_1059 = arith.cmpi slt, %multiple_of3A, %sign3A_1058 : i32
    %sign3A_1060 = arith.extui %sign3A_1059 : i1 to i32
    %sign3A_1061 = arith.subi %sign3A_1057, %sign3A_1060 : i32
    %sign3A_1062 = arith.constant 0 : i32
    %sign3A_1063 = arith.cmpi sgt, %jit3A_1053, %sign3A_1062 : i32
    %sign3A_1064 = arith.extui %sign3A_1063 : i1 to i32
    %sign3A_1065 = arith.constant 0 : i32
    %sign3A_1066 = arith.cmpi slt, %jit3A_1053, %sign3A_1065 : i32
    %sign3A_1067 = arith.extui %sign3A_1066 : i1 to i32
    %sign3A_1068 = arith.subi %sign3A_1064, %sign3A_1067 : i32
    %ne3A_1069 = arith.cmpi ne, %sign3A_1061, %sign3A_1068 : i32
    %rem3A_1070 = arith.remsi %multiple_of3A, %jit3A_1053 : i32
    %ne3A_1071 = arith.constant 0 : i32
    %ne3A_1072 = arith.cmpi ne, %rem3A_1070, %ne3A_1071 : i32
    %and3A_1073 = arith.andi %ne3A_1069, %ne3A_1072 : i1
    %sub3A_1074 = arith.constant 1 : i32
    %sub3A_1075 = arith.subi %div3A_1054, %sub3A_1074 : i32
    %select_n3A_1076 = arith.select %and3A_1073, %sub3A_1075, %div3A_1054 : i32
    %add3A_1077 = arith.constant 2 : i32
    %add3A_1078 = arith.addi %select_n3A_1076, %add3A_1077 : i32
    %slice3A_1079 = vector.extract_strided_slice %get3A_730 {offsets = [7], sizes = [1], strides = [1]} : vector<16xi32> to vector<1xi32>
    %squeeze3A_1080 = vector.extract %slice3A_1079[0] : i32 from vector<1xi32>
    %and3A_1081 = arith.constant -128 : i32
    %and3A_1082 = arith.andi %squeeze3A_1080, %and3A_1081 : i32
    %multiple_of3A_1083 = tpu.assume_multiple %and3A_1082, 128 : i32
    %dma_start3A_1084 = arith.constant 23 : i32
    %dma_start3A_1085 = arith.constant 0 : i32
    %dma_start3A_1086 = arith.constant 0 : i32
    %dma_start3A_1087 = tpu.memref_slice %arg6[%dma_start3A_1084, %dma_start3A_1085, %dma_start3A_1086] : memref<64x8x128xf32, #tpu.memory_space<vmem>> -> memref<1x8x128xf32, #tpu.memory_space<vmem>>
    %dma_start3A_1088 = tpu.memref_squeeze %dma_start3A_1087 : memref<1x8x128xf32, #tpu.memory_space<vmem>> -> memref<8x128xf32, #tpu.memory_space<vmem>>
    %dma_start3A_1089 = arith.constant 0 : i32
    %dma_start3A_1090 = tpu.memref_slice %arg2[%add3A_1078, %dma_start3A_1089, %multiple_of3A_1083] : memref<128x8x100000xf32, #tpu.memory_space<hbm>> -> memref<1x8x128xf32, #tpu.memory_space<hbm>>
    %dma_start3A_1091 = tpu.memref_squeeze %dma_start3A_1090 : memref<1x8x128xf32, #tpu.memory_space<hbm>> -> memref<8x128xf32, #tpu.memory_space<hbm>>
    %dma_start3A_1092 = arith.constant 0 : i32
    %dma_start3A_1093 = arith.constant 0 : i32
    %dma_start3A_1094 = tpu.memref_slice %arg6[%dma_start3A_1084, %dma_start3A_1092, %dma_start3A_1093] : memref<64x8x128xf32, #tpu.memory_space<vmem>> -> memref<1x8x128xf32, #tpu.memory_space<vmem>>
    %dma_start3A_1095 = tpu.memref_squeeze %dma_start3A_1094 : memref<1x8x128xf32, #tpu.memory_space<vmem>> -> memref<8x128xf32, #tpu.memory_space<vmem>>
    %dma_start3A_1096 = arith.constant 0 : i32
    %dma_start3A_1097 = tpu.memref_slice %arg2[%add3A_1078, %dma_start3A_1096, %multiple_of3A_1083] : memref<128x8x100000xf32, #tpu.memory_space<hbm>> -> memref<1x8x128xf32, #tpu.memory_space<hbm>>
    %dma_start3A_1098 = tpu.memref_squeeze %dma_start3A_1097 : memref<1x8x128xf32, #tpu.memory_space<hbm>> -> memref<8x128xf32, #tpu.memory_space<hbm>>
    tpu.enqueue_dma source(%dma_start3A_1098 : memref<8x128xf32, #tpu.memory_space<hbm>>) target(%dma_start3A_1095 : memref<8x128xf32, #tpu.memory_space<vmem>>) target_semaphore(%arg8 : memref<!tpu.dma_semaphore, #tpu.memory_space<semaphore_mem>>)
    %jit3A_1099 = arith.constant 8 : i32
    %div3A_1100 = arith.divsi %multiple_of3A, %jit3A_1099 : i32
    %sign3A_1101 = arith.constant 0 : i32
    %sign3A_1102 = arith.cmpi sgt, %multiple_of3A, %sign3A_1101 : i32
    %sign3A_1103 = arith.extui %sign3A_1102 : i1 to i32
    %sign3A_1104 = arith.constant 0 : i32
    %sign3A_1105 = arith.cmpi slt, %multiple_of3A, %sign3A_1104 : i32
    %sign3A_1106 = arith.extui %sign3A_1105 : i1 to i32
    %sign3A_1107 = arith.subi %sign3A_1103, %sign3A_1106 : i32
    %sign3A_1108 = arith.constant 0 : i32
    %sign3A_1109 = arith.cmpi sgt, %jit3A_1099, %sign3A_1108 : i32
    %sign3A_1110 = arith.extui %sign3A_1109 : i1 to i32
    %sign3A_1111 = arith.constant 0 : i32
    %sign3A_1112 = arith.cmpi slt, %jit3A_1099, %sign3A_1111 : i32
    %sign3A_1113 = arith.extui %sign3A_1112 : i1 to i32
    %sign3A_1114 = arith.subi %sign3A_1110, %sign3A_1113 : i32
    %ne3A_1115 = arith.cmpi ne, %sign3A_1107, %sign3A_1114 : i32
    %rem3A_1116 = arith.remsi %multiple_of3A, %jit3A_1099 : i32
    %ne3A_1117 = arith.constant 0 : i32
    %ne3A_1118 = arith.cmpi ne, %rem3A_1116, %ne3A_1117 : i32
    %and3A_1119 = arith.andi %ne3A_1115, %ne3A_1118 : i1
    %sub3A_1120 = arith.constant 1 : i32
    %sub3A_1121 = arith.subi %div3A_1100, %sub3A_1120 : i32
    %select_n3A_1122 = arith.select %and3A_1119, %sub3A_1121, %div3A_1100 : i32
    %add3A_1123 = arith.constant 3 : i32
    %add3A_1124 = arith.addi %select_n3A_1122, %add3A_1123 : i32
    %slice3A_1125 = vector.extract_strided_slice %get3A_730 {offsets = [8], sizes = [1], strides = [1]} : vector<16xi32> to vector<1xi32>
    %squeeze3A_1126 = vector.extract %slice3A_1125[0] : i32 from vector<1xi32>
    %and3A_1127 = arith.constant -128 : i32
    %and3A_1128 = arith.andi %squeeze3A_1126, %and3A_1127 : i32
    %multiple_of3A_1129 = tpu.assume_multiple %and3A_1128, 128 : i32
    %dma_start3A_1130 = arith.constant 24 : i32
    %dma_start3A_1131 = arith.constant 0 : i32
    %dma_start3A_1132 = arith.constant 0 : i32
    %dma_start3A_1133 = tpu.memref_slice %arg6[%dma_start3A_1130, %dma_start3A_1131, %dma_start3A_1132] : memref<64x8x128xf32, #tpu.memory_space<vmem>> -> memref<1x8x128xf32, #tpu.memory_space<vmem>>
    %dma_start3A_1134 = tpu.memref_squeeze %dma_start3A_1133 : memref<1x8x128xf32, #tpu.memory_space<vmem>> -> memref<8x128xf32, #tpu.memory_space<vmem>>
    %dma_start3A_1135 = arith.constant 0 : i32
    %dma_start3A_1136 = tpu.memref_slice %arg2[%add3A_1124, %dma_start3A_1135, %multiple_of3A_1129] : memref<128x8x100000xf32, #tpu.memory_space<hbm>> -> memref<1x8x128xf32, #tpu.memory_space<hbm>>
    %dma_start3A_1137 = tpu.memref_squeeze %dma_start3A_1136 : memref<1x8x128xf32, #tpu.memory_space<hbm>> -> memref<8x128xf32, #tpu.memory_space<hbm>>
    %dma_start3A_1138 = arith.constant 0 : i32
    %dma_start3A_1139 = arith.constant 0 : i32
    %dma_start3A_1140 = tpu.memref_slice %arg6[%dma_start3A_1130, %dma_start3A_1138, %dma_start3A_1139] : memref<64x8x128xf32, #tpu.memory_space<vmem>> -> memref<1x8x128xf32, #tpu.memory_space<vmem>>
    %dma_start3A_1141 = tpu.memref_squeeze %dma_start3A_1140 : memref<1x8x128xf32, #tpu.memory_space<vmem>> -> memref<8x128xf32, #tpu.memory_space<vmem>>
    %dma_start3A_1142 = arith.constant 0 : i32
    %dma_start3A_1143 = tpu.memref_slice %arg2[%add3A_1124, %dma_start3A_1142, %multiple_of3A_1129] : memref<128x8x100000xf32, #tpu.memory_space<hbm>> -> memref<1x8x128xf32, #tpu.memory_space<hbm>>
    %dma_start3A_1144 = tpu.memref_squeeze %dma_start3A_1143 : memref<1x8x128xf32, #tpu.memory_space<hbm>> -> memref<8x128xf32, #tpu.memory_space<hbm>>
    tpu.enqueue_dma source(%dma_start3A_1144 : memref<8x128xf32, #tpu.memory_space<hbm>>) target(%dma_start3A_1141 : memref<8x128xf32, #tpu.memory_space<vmem>>) target_semaphore(%arg8 : memref<!tpu.dma_semaphore, #tpu.memory_space<semaphore_mem>>)
    %jit3A_1145 = arith.constant 8 : i32
    %div3A_1146 = arith.divsi %multiple_of3A, %jit3A_1145 : i32
    %sign3A_1147 = arith.constant 0 : i32
    %sign3A_1148 = arith.cmpi sgt, %multiple_of3A, %sign3A_1147 : i32
    %sign3A_1149 = arith.extui %sign3A_1148 : i1 to i32
    %sign3A_1150 = arith.constant 0 : i32
    %sign3A_1151 = arith.cmpi slt, %multiple_of3A, %sign3A_1150 : i32
    %sign3A_1152 = arith.extui %sign3A_1151 : i1 to i32
    %sign3A_1153 = arith.subi %sign3A_1149, %sign3A_1152 : i32
    %sign3A_1154 = arith.constant 0 : i32
    %sign3A_1155 = arith.cmpi sgt, %jit3A_1145, %sign3A_1154 : i32
    %sign3A_1156 = arith.extui %sign3A_1155 : i1 to i32
    %sign3A_1157 = arith.constant 0 : i32
    %sign3A_1158 = arith.cmpi slt, %jit3A_1145, %sign3A_1157 : i32
    %sign3A_1159 = arith.extui %sign3A_1158 : i1 to i32
    %sign3A_1160 = arith.subi %sign3A_1156, %sign3A_1159 : i32
    %ne3A_1161 = arith.cmpi ne, %sign3A_1153, %sign3A_1160 : i32
    %rem3A_1162 = arith.remsi %multiple_of3A, %jit3A_1145 : i32
    %ne3A_1163 = arith.constant 0 : i32
    %ne3A_1164 = arith.cmpi ne, %rem3A_1162, %ne3A_1163 : i32
    %and3A_1165 = arith.andi %ne3A_1161, %ne3A_1164 : i1
    %sub3A_1166 = arith.constant 1 : i32
    %sub3A_1167 = arith.subi %div3A_1146, %sub3A_1166 : i32
    %select_n3A_1168 = arith.select %and3A_1165, %sub3A_1167, %div3A_1146 : i32
    %add3A_1169 = arith.constant 3 : i32
    %add3A_1170 = arith.addi %select_n3A_1168, %add3A_1169 : i32
    %slice3A_1171 = vector.extract_strided_slice %get3A_730 {offsets = [9], sizes = [1], strides = [1]} : vector<16xi32> to vector<1xi32>
    %squeeze3A_1172 = vector.extract %slice3A_1171[0] : i32 from vector<1xi32>
    %and3A_1173 = arith.constant -128 : i32
    %and3A_1174 = arith.andi %squeeze3A_1172, %and3A_1173 : i32
    %multiple_of3A_1175 = tpu.assume_multiple %and3A_1174, 128 : i32
    %dma_start3A_1176 = arith.constant 25 : i32
    %dma_start3A_1177 = arith.constant 0 : i32
    %dma_start3A_1178 = arith.constant 0 : i32
    %dma_start3A_1179 = tpu.memref_slice %arg6[%dma_start3A_1176, %dma_start3A_1177, %dma_start3A_1178] : memref<64x8x128xf32, #tpu.memory_space<vmem>> -> memref<1x8x128xf32, #tpu.memory_space<vmem>>
    %dma_start3A_1180 = tpu.memref_squeeze %dma_start3A_1179 : memref<1x8x128xf32, #tpu.memory_space<vmem>> -> memref<8x128xf32, #tpu.memory_space<vmem>>
    %dma_start3A_1181 = arith.constant 0 : i32
    %dma_start3A_1182 = tpu.memref_slice %arg2[%add3A_1170, %dma_start3A_1181, %multiple_of3A_1175] : memref<128x8x100000xf32, #tpu.memory_space<hbm>> -> memref<1x8x128xf32, #tpu.memory_space<hbm>>
    %dma_start3A_1183 = tpu.memref_squeeze %dma_start3A_1182 : memref<1x8x128xf32, #tpu.memory_space<hbm>> -> memref<8x128xf32, #tpu.memory_space<hbm>>
    %dma_start3A_1184 = arith.constant 0 : i32
    %dma_start3A_1185 = arith.constant 0 : i32
    %dma_start3A_1186 = tpu.memref_slice %arg6[%dma_start3A_1176, %dma_start3A_1184, %dma_start3A_1185] : memref<64x8x128xf32, #tpu.memory_space<vmem>> -> memref<1x8x128xf32, #tpu.memory_space<vmem>>
    %dma_start3A_1187 = tpu.memref_squeeze %dma_start3A_1186 : memref<1x8x128xf32, #tpu.memory_space<vmem>> -> memref<8x128xf32, #tpu.memory_space<vmem>>
    %dma_start3A_1188 = arith.constant 0 : i32
    %dma_start3A_1189 = tpu.memref_slice %arg2[%add3A_1170, %dma_start3A_1188, %multiple_of3A_1175] : memref<128x8x100000xf32, #tpu.memory_space<hbm>> -> memref<1x8x128xf32, #tpu.memory_space<hbm>>
    %dma_start3A_1190 = tpu.memref_squeeze %dma_start3A_1189 : memref<1x8x128xf32, #tpu.memory_space<hbm>> -> memref<8x128xf32, #tpu.memory_space<hbm>>
    tpu.enqueue_dma source(%dma_start3A_1190 : memref<8x128xf32, #tpu.memory_space<hbm>>) target(%dma_start3A_1187 : memref<8x128xf32, #tpu.memory_space<vmem>>) target_semaphore(%arg8 : memref<!tpu.dma_semaphore, #tpu.memory_space<semaphore_mem>>)
    %jit3A_1191 = arith.constant 8 : i32
    %div3A_1192 = arith.divsi %multiple_of3A, %jit3A_1191 : i32
    %sign3A_1193 = arith.constant 0 : i32
    %sign3A_1194 = arith.cmpi sgt, %multiple_of3A, %sign3A_1193 : i32
    %sign3A_1195 = arith.extui %sign3A_1194 : i1 to i32
    %sign3A_1196 = arith.constant 0 : i32
    %sign3A_1197 = arith.cmpi slt, %multiple_of3A, %sign3A_1196 : i32
    %sign3A_1198 = arith.extui %sign3A_1197 : i1 to i32
    %sign3A_1199 = arith.subi %sign3A_1195, %sign3A_1198 : i32
    %sign3A_1200 = arith.constant 0 : i32
    %sign3A_1201 = arith.cmpi sgt, %jit3A_1191, %sign3A_1200 : i32
    %sign3A_1202 = arith.extui %sign3A_1201 : i1 to i32
    %sign3A_1203 = arith.constant 0 : i32
    %sign3A_1204 = arith.cmpi slt, %jit3A_1191, %sign3A_1203 : i32
    %sign3A_1205 = arith.extui %sign3A_1204 : i1 to i32
    %sign3A_1206 = arith.subi %sign3A_1202, %sign3A_1205 : i32
    %ne3A_1207 = arith.cmpi ne, %sign3A_1199, %sign3A_1206 : i32
    %rem3A_1208 = arith.remsi %multiple_of3A, %jit3A_1191 : i32
    %ne3A_1209 = arith.constant 0 : i32
    %ne3A_1210 = arith.cmpi ne, %rem3A_1208, %ne3A_1209 : i32
    %and3A_1211 = arith.andi %ne3A_1207, %ne3A_1210 : i1
    %sub3A_1212 = arith.constant 1 : i32
    %sub3A_1213 = arith.subi %div3A_1192, %sub3A_1212 : i32
    %select_n3A_1214 = arith.select %and3A_1211, %sub3A_1213, %div3A_1192 : i32
    %add3A_1215 = arith.constant 3 : i32
    %add3A_1216 = arith.addi %select_n3A_1214, %add3A_1215 : i32
    %slice3A_1217 = vector.extract_strided_slice %get3A_730 {offsets = [10], sizes = [1], strides = [1]} : vector<16xi32> to vector<1xi32>
    %squeeze3A_1218 = vector.extract %slice3A_1217[0] : i32 from vector<1xi32>
    %and3A_1219 = arith.constant -128 : i32
    %and3A_1220 = arith.andi %squeeze3A_1218, %and3A_1219 : i32
    %multiple_of3A_1221 = tpu.assume_multiple %and3A_1220, 128 : i32
    %dma_start3A_1222 = arith.constant 26 : i32
    %dma_start3A_1223 = arith.constant 0 : i32
    %dma_start3A_1224 = arith.constant 0 : i32
    %dma_start3A_1225 = tpu.memref_slice %arg6[%dma_start3A_1222, %dma_start3A_1223, %dma_start3A_1224] : memref<64x8x128xf32, #tpu.memory_space<vmem>> -> memref<1x8x128xf32, #tpu.memory_space<vmem>>
    %dma_start3A_1226 = tpu.memref_squeeze %dma_start3A_1225 : memref<1x8x128xf32, #tpu.memory_space<vmem>> -> memref<8x128xf32, #tpu.memory_space<vmem>>
    %dma_start3A_1227 = arith.constant 0 : i32
    %dma_start3A_1228 = tpu.memref_slice %arg2[%add3A_1216, %dma_start3A_1227, %multiple_of3A_1221] : memref<128x8x100000xf32, #tpu.memory_space<hbm>> -> memref<1x8x128xf32, #tpu.memory_space<hbm>>
    %dma_start3A_1229 = tpu.memref_squeeze %dma_start3A_1228 : memref<1x8x128xf32, #tpu.memory_space<hbm>> -> memref<8x128xf32, #tpu.memory_space<hbm>>
    %dma_start3A_1230 = arith.constant 0 : i32
    %dma_start3A_1231 = arith.constant 0 : i32
    %dma_start3A_1232 = tpu.memref_slice %arg6[%dma_start3A_1222, %dma_start3A_1230, %dma_start3A_1231] : memref<64x8x128xf32, #tpu.memory_space<vmem>> -> memref<1x8x128xf32, #tpu.memory_space<vmem>>
    %dma_start3A_1233 = tpu.memref_squeeze %dma_start3A_1232 : memref<1x8x128xf32, #tpu.memory_space<vmem>> -> memref<8x128xf32, #tpu.memory_space<vmem>>
    %dma_start3A_1234 = arith.constant 0 : i32
    %dma_start3A_1235 = tpu.memref_slice %arg2[%add3A_1216, %dma_start3A_1234, %multiple_of3A_1221] : memref<128x8x100000xf32, #tpu.memory_space<hbm>> -> memref<1x8x128xf32, #tpu.memory_space<hbm>>
    %dma_start3A_1236 = tpu.memref_squeeze %dma_start3A_1235 : memref<1x8x128xf32, #tpu.memory_space<hbm>> -> memref<8x128xf32, #tpu.memory_space<hbm>>
    tpu.enqueue_dma source(%dma_start3A_1236 : memref<8x128xf32, #tpu.memory_space<hbm>>) target(%dma_start3A_1233 : memref<8x128xf32, #tpu.memory_space<vmem>>) target_semaphore(%arg8 : memref<!tpu.dma_semaphore, #tpu.memory_space<semaphore_mem>>)
    %jit3A_1237 = arith.constant 8 : i32
    %div3A_1238 = arith.divsi %multiple_of3A, %jit3A_1237 : i32
    %sign3A_1239 = arith.constant 0 : i32
    %sign3A_1240 = arith.cmpi sgt, %multiple_of3A, %sign3A_1239 : i32
    %sign3A_1241 = arith.extui %sign3A_1240 : i1 to i32
    %sign3A_1242 = arith.constant 0 : i32
    %sign3A_1243 = arith.cmpi slt, %multiple_of3A, %sign3A_1242 : i32
    %sign3A_1244 = arith.extui %sign3A_1243 : i1 to i32
    %sign3A_1245 = arith.subi %sign3A_1241, %sign3A_1244 : i32
    %sign3A_1246 = arith.constant 0 : i32
    %sign3A_1247 = arith.cmpi sgt, %jit3A_1237, %sign3A_1246 : i32
    %sign3A_1248 = arith.extui %sign3A_1247 : i1 to i32
    %sign3A_1249 = arith.constant 0 : i32
    %sign3A_1250 = arith.cmpi slt, %jit3A_1237, %sign3A_1249 : i32
    %sign3A_1251 = arith.extui %sign3A_1250 : i1 to i32
    %sign3A_1252 = arith.subi %sign3A_1248, %sign3A_1251 : i32
    %ne3A_1253 = arith.cmpi ne, %sign3A_1245, %sign3A_1252 : i32
    %rem3A_1254 = arith.remsi %multiple_of3A, %jit3A_1237 : i32
    %ne3A_1255 = arith.constant 0 : i32
    %ne3A_1256 = arith.cmpi ne, %rem3A_1254, %ne3A_1255 : i32
    %and3A_1257 = arith.andi %ne3A_1253, %ne3A_1256 : i1
    %sub3A_1258 = arith.constant 1 : i32
    %sub3A_1259 = arith.subi %div3A_1238, %sub3A_1258 : i32
    %select_n3A_1260 = arith.select %and3A_1257, %sub3A_1259, %div3A_1238 : i32
    %add3A_1261 = arith.constant 3 : i32
    %add3A_1262 = arith.addi %select_n3A_1260, %add3A_1261 : i32
    %slice3A_1263 = vector.extract_strided_slice %get3A_730 {offsets = [11], sizes = [1], strides = [1]} : vector<16xi32> to vector<1xi32>
    %squeeze3A_1264 = vector.extract %slice3A_1263[0] : i32 from vector<1xi32>
    %and3A_1265 = arith.constant -128 : i32
    %and3A_1266 = arith.andi %squeeze3A_1264, %and3A_1265 : i32
    %multiple_of3A_1267 = tpu.assume_multiple %and3A_1266, 128 : i32
    %dma_start3A_1268 = arith.constant 27 : i32
    %dma_start3A_1269 = arith.constant 0 : i32
    %dma_start3A_1270 = arith.constant 0 : i32
    %dma_start3A_1271 = tpu.memref_slice %arg6[%dma_start3A_1268, %dma_start3A_1269, %dma_start3A_1270] : memref<64x8x128xf32, #tpu.memory_space<vmem>> -> memref<1x8x128xf32, #tpu.memory_space<vmem>>
    %dma_start3A_1272 = tpu.memref_squeeze %dma_start3A_1271 : memref<1x8x128xf32, #tpu.memory_space<vmem>> -> memref<8x128xf32, #tpu.memory_space<vmem>>
    %dma_start3A_1273 = arith.constant 0 : i32
    %dma_start3A_1274 = tpu.memref_slice %arg2[%add3A_1262, %dma_start3A_1273, %multiple_of3A_1267] : memref<128x8x100000xf32, #tpu.memory_space<hbm>> -> memref<1x8x128xf32, #tpu.memory_space<hbm>>
    %dma_start3A_1275 = tpu.memref_squeeze %dma_start3A_1274 : memref<1x8x128xf32, #tpu.memory_space<hbm>> -> memref<8x128xf32, #tpu.memory_space<hbm>>
    %dma_start3A_1276 = arith.constant 0 : i32
    %dma_start3A_1277 = arith.constant 0 : i32
    %dma_start3A_1278 = tpu.memref_slice %arg6[%dma_start3A_1268, %dma_start3A_1276, %dma_start3A_1277] : memref<64x8x128xf32, #tpu.memory_space<vmem>> -> memref<1x8x128xf32, #tpu.memory_space<vmem>>
    %dma_start3A_1279 = tpu.memref_squeeze %dma_start3A_1278 : memref<1x8x128xf32, #tpu.memory_space<vmem>> -> memref<8x128xf32, #tpu.memory_space<vmem>>
    %dma_start3A_1280 = arith.constant 0 : i32
    %dma_start3A_1281 = tpu.memref_slice %arg2[%add3A_1262, %dma_start3A_1280, %multiple_of3A_1267] : memref<128x8x100000xf32, #tpu.memory_space<hbm>> -> memref<1x8x128xf32, #tpu.memory_space<hbm>>
    %dma_start3A_1282 = tpu.memref_squeeze %dma_start3A_1281 : memref<1x8x128xf32, #tpu.memory_space<hbm>> -> memref<8x128xf32, #tpu.memory_space<hbm>>
    tpu.enqueue_dma source(%dma_start3A_1282 : memref<8x128xf32, #tpu.memory_space<hbm>>) target(%dma_start3A_1279 : memref<8x128xf32, #tpu.memory_space<vmem>>) target_semaphore(%arg8 : memref<!tpu.dma_semaphore, #tpu.memory_space<semaphore_mem>>)
    %jit3A_1283 = arith.constant 8 : i32
    %div3A_1284 = arith.divsi %multiple_of3A, %jit3A_1283 : i32
    %sign3A_1285 = arith.constant 0 : i32
    %sign3A_1286 = arith.cmpi sgt, %multiple_of3A, %sign3A_1285 : i32
    %sign3A_1287 = arith.extui %sign3A_1286 : i1 to i32
    %sign3A_1288 = arith.constant 0 : i32
    %sign3A_1289 = arith.cmpi slt, %multiple_of3A, %sign3A_1288 : i32
    %sign3A_1290 = arith.extui %sign3A_1289 : i1 to i32
    %sign3A_1291 = arith.subi %sign3A_1287, %sign3A_1290 : i32
    %sign3A_1292 = arith.constant 0 : i32
    %sign3A_1293 = arith.cmpi sgt, %jit3A_1283, %sign3A_1292 : i32
    %sign3A_1294 = arith.extui %sign3A_1293 : i1 to i32
    %sign3A_1295 = arith.constant 0 : i32
    %sign3A_1296 = arith.cmpi slt, %jit3A_1283, %sign3A_1295 : i32
    %sign3A_1297 = arith.extui %sign3A_1296 : i1 to i32
    %sign3A_1298 = arith.subi %sign3A_1294, %sign3A_1297 : i32
    %ne3A_1299 = arith.cmpi ne, %sign3A_1291, %sign3A_1298 : i32
    %rem3A_1300 = arith.remsi %multiple_of3A, %jit3A_1283 : i32
    %ne3A_1301 = arith.constant 0 : i32
    %ne3A_1302 = arith.cmpi ne, %rem3A_1300, %ne3A_1301 : i32
    %and3A_1303 = arith.andi %ne3A_1299, %ne3A_1302 : i1
    %sub3A_1304 = arith.constant 1 : i32
    %sub3A_1305 = arith.subi %div3A_1284, %sub3A_1304 : i32
    %select_n3A_1306 = arith.select %and3A_1303, %sub3A_1305, %div3A_1284 : i32
    %add3A_1307 = arith.constant 3 : i32
    %add3A_1308 = arith.addi %select_n3A_1306, %add3A_1307 : i32
    %slice3A_1309 = vector.extract_strided_slice %get3A_730 {offsets = [12], sizes = [1], strides = [1]} : vector<16xi32> to vector<1xi32>
    %squeeze3A_1310 = vector.extract %slice3A_1309[0] : i32 from vector<1xi32>
    %and3A_1311 = arith.constant -128 : i32
    %and3A_1312 = arith.andi %squeeze3A_1310, %and3A_1311 : i32
    %multiple_of3A_1313 = tpu.assume_multiple %and3A_1312, 128 : i32
    %dma_start3A_1314 = arith.constant 28 : i32
    %dma_start3A_1315 = arith.constant 0 : i32
    %dma_start3A_1316 = arith.constant 0 : i32
    %dma_start3A_1317 = tpu.memref_slice %arg6[%dma_start3A_1314, %dma_start3A_1315, %dma_start3A_1316] : memref<64x8x128xf32, #tpu.memory_space<vmem>> -> memref<1x8x128xf32, #tpu.memory_space<vmem>>
    %dma_start3A_1318 = tpu.memref_squeeze %dma_start3A_1317 : memref<1x8x128xf32, #tpu.memory_space<vmem>> -> memref<8x128xf32, #tpu.memory_space<vmem>>
    %dma_start3A_1319 = arith.constant 0 : i32
    %dma_start3A_1320 = tpu.memref_slice %arg2[%add3A_1308, %dma_start3A_1319, %multiple_of3A_1313] : memref<128x8x100000xf32, #tpu.memory_space<hbm>> -> memref<1x8x128xf32, #tpu.memory_space<hbm>>
    %dma_start3A_1321 = tpu.memref_squeeze %dma_start3A_1320 : memref<1x8x128xf32, #tpu.memory_space<hbm>> -> memref<8x128xf32, #tpu.memory_space<hbm>>
    %dma_start3A_1322 = arith.constant 0 : i32
    %dma_start3A_1323 = arith.constant 0 : i32
    %dma_start3A_1324 = tpu.memref_slice %arg6[%dma_start3A_1314, %dma_start3A_1322, %dma_start3A_1323] : memref<64x8x128xf32, #tpu.memory_space<vmem>> -> memref<1x8x128xf32, #tpu.memory_space<vmem>>
    %dma_start3A_1325 = tpu.memref_squeeze %dma_start3A_1324 : memref<1x8x128xf32, #tpu.memory_space<vmem>> -> memref<8x128xf32, #tpu.memory_space<vmem>>
    %dma_start3A_1326 = arith.constant 0 : i32
    %dma_start3A_1327 = tpu.memref_slice %arg2[%add3A_1308, %dma_start3A_1326, %multiple_of3A_1313] : memref<128x8x100000xf32, #tpu.memory_space<hbm>> -> memref<1x8x128xf32, #tpu.memory_space<hbm>>
    %dma_start3A_1328 = tpu.memref_squeeze %dma_start3A_1327 : memref<1x8x128xf32, #tpu.memory_space<hbm>> -> memref<8x128xf32, #tpu.memory_space<hbm>>
    tpu.enqueue_dma source(%dma_start3A_1328 : memref<8x128xf32, #tpu.memory_space<hbm>>) target(%dma_start3A_1325 : memref<8x128xf32, #tpu.memory_space<vmem>>) target_semaphore(%arg8 : memref<!tpu.dma_semaphore, #tpu.memory_space<semaphore_mem>>)
    %jit3A_1329 = arith.constant 8 : i32
    %div3A_1330 = arith.divsi %multiple_of3A, %jit3A_1329 : i32
    %sign3A_1331 = arith.constant 0 : i32
    %sign3A_1332 = arith.cmpi sgt, %multiple_of3A, %sign3A_1331 : i32
    %sign3A_1333 = arith.extui %sign3A_1332 : i1 to i32
    %sign3A_1334 = arith.constant 0 : i32
    %sign3A_1335 = arith.cmpi slt, %multiple_of3A, %sign3A_1334 : i32
    %sign3A_1336 = arith.extui %sign3A_1335 : i1 to i32
    %sign3A_1337 = arith.subi %sign3A_1333, %sign3A_1336 : i32
    %sign3A_1338 = arith.constant 0 : i32
    %sign3A_1339 = arith.cmpi sgt, %jit3A_1329, %sign3A_1338 : i32
    %sign3A_1340 = arith.extui %sign3A_1339 : i1 to i32
    %sign3A_1341 = arith.constant 0 : i32
    %sign3A_1342 = arith.cmpi slt, %jit3A_1329, %sign3A_1341 : i32
    %sign3A_1343 = arith.extui %sign3A_1342 : i1 to i32
    %sign3A_1344 = arith.subi %sign3A_1340, %sign3A_1343 : i32
    %ne3A_1345 = arith.cmpi ne, %sign3A_1337, %sign3A_1344 : i32
    %rem3A_1346 = arith.remsi %multiple_of3A, %jit3A_1329 : i32
    %ne3A_1347 = arith.constant 0 : i32
    %ne3A_1348 = arith.cmpi ne, %rem3A_1346, %ne3A_1347 : i32
    %and3A_1349 = arith.andi %ne3A_1345, %ne3A_1348 : i1
    %sub3A_1350 = arith.constant 1 : i32
    %sub3A_1351 = arith.subi %div3A_1330, %sub3A_1350 : i32
    %select_n3A_1352 = arith.select %and3A_1349, %sub3A_1351, %div3A_1330 : i32
    %add3A_1353 = arith.constant 3 : i32
    %add3A_1354 = arith.addi %select_n3A_1352, %add3A_1353 : i32
    %slice3A_1355 = vector.extract_strided_slice %get3A_730 {offsets = [13], sizes = [1], strides = [1]} : vector<16xi32> to vector<1xi32>
    %squeeze3A_1356 = vector.extract %slice3A_1355[0] : i32 from vector<1xi32>
    %and3A_1357 = arith.constant -128 : i32
    %and3A_1358 = arith.andi %squeeze3A_1356, %and3A_1357 : i32
    %multiple_of3A_1359 = tpu.assume_multiple %and3A_1358, 128 : i32
    %dma_start3A_1360 = arith.constant 29 : i32
    %dma_start3A_1361 = arith.constant 0 : i32
    %dma_start3A_1362 = arith.constant 0 : i32
    %dma_start3A_1363 = tpu.memref_slice %arg6[%dma_start3A_1360, %dma_start3A_1361, %dma_start3A_1362] : memref<64x8x128xf32, #tpu.memory_space<vmem>> -> memref<1x8x128xf32, #tpu.memory_space<vmem>>
    %dma_start3A_1364 = tpu.memref_squeeze %dma_start3A_1363 : memref<1x8x128xf32, #tpu.memory_space<vmem>> -> memref<8x128xf32, #tpu.memory_space<vmem>>
    %dma_start3A_1365 = arith.constant 0 : i32
    %dma_start3A_1366 = tpu.memref_slice %arg2[%add3A_1354, %dma_start3A_1365, %multiple_of3A_1359] : memref<128x8x100000xf32, #tpu.memory_space<hbm>> -> memref<1x8x128xf32, #tpu.memory_space<hbm>>
    %dma_start3A_1367 = tpu.memref_squeeze %dma_start3A_1366 : memref<1x8x128xf32, #tpu.memory_space<hbm>> -> memref<8x128xf32, #tpu.memory_space<hbm>>
    %dma_start3A_1368 = arith.constant 0 : i32
    %dma_start3A_1369 = arith.constant 0 : i32
    %dma_start3A_1370 = tpu.memref_slice %arg6[%dma_start3A_1360, %dma_start3A_1368, %dma_start3A_1369] : memref<64x8x128xf32, #tpu.memory_space<vmem>> -> memref<1x8x128xf32, #tpu.memory_space<vmem>>
    %dma_start3A_1371 = tpu.memref_squeeze %dma_start3A_1370 : memref<1x8x128xf32, #tpu.memory_space<vmem>> -> memref<8x128xf32, #tpu.memory_space<vmem>>
    %dma_start3A_1372 = arith.constant 0 : i32
    %dma_start3A_1373 = tpu.memref_slice %arg2[%add3A_1354, %dma_start3A_1372, %multiple_of3A_1359] : memref<128x8x100000xf32, #tpu.memory_space<hbm>> -> memref<1x8x128xf32, #tpu.memory_space<hbm>>
    %dma_start3A_1374 = tpu.memref_squeeze %dma_start3A_1373 : memref<1x8x128xf32, #tpu.memory_space<hbm>> -> memref<8x128xf32, #tpu.memory_space<hbm>>
    tpu.enqueue_dma source(%dma_start3A_1374 : memref<8x128xf32, #tpu.memory_space<hbm>>) target(%dma_start3A_1371 : memref<8x128xf32, #tpu.memory_space<vmem>>) target_semaphore(%arg8 : memref<!tpu.dma_semaphore, #tpu.memory_space<semaphore_mem>>)
    %jit3A_1375 = arith.constant 8 : i32
    %div3A_1376 = arith.divsi %multiple_of3A, %jit3A_1375 : i32
    %sign3A_1377 = arith.constant 0 : i32
    %sign3A_1378 = arith.cmpi sgt, %multiple_of3A, %sign3A_1377 : i32
    %sign3A_1379 = arith.extui %sign3A_1378 : i1 to i32
    %sign3A_1380 = arith.constant 0 : i32
    %sign3A_1381 = arith.cmpi slt, %multiple_of3A, %sign3A_1380 : i32
    %sign3A_1382 = arith.extui %sign3A_1381 : i1 to i32
    %sign3A_1383 = arith.subi %sign3A_1379, %sign3A_1382 : i32
    %sign3A_1384 = arith.constant 0 : i32
    %sign3A_1385 = arith.cmpi sgt, %jit3A_1375, %sign3A_1384 : i32
    %sign3A_1386 = arith.extui %sign3A_1385 : i1 to i32
    %sign3A_1387 = arith.constant 0 : i32
    %sign3A_1388 = arith.cmpi slt, %jit3A_1375, %sign3A_1387 : i32
    %sign3A_1389 = arith.extui %sign3A_1388 : i1 to i32
    %sign3A_1390 = arith.subi %sign3A_1386, %sign3A_1389 : i32
    %ne3A_1391 = arith.cmpi ne, %sign3A_1383, %sign3A_1390 : i32
    %rem3A_1392 = arith.remsi %multiple_of3A, %jit3A_1375 : i32
    %ne3A_1393 = arith.constant 0 : i32
    %ne3A_1394 = arith.cmpi ne, %rem3A_1392, %ne3A_1393 : i32
    %and3A_1395 = arith.andi %ne3A_1391, %ne3A_1394 : i1
    %sub3A_1396 = arith.constant 1 : i32
    %sub3A_1397 = arith.subi %div3A_1376, %sub3A_1396 : i32
    %select_n3A_1398 = arith.select %and3A_1395, %sub3A_1397, %div3A_1376 : i32
    %add3A_1399 = arith.constant 3 : i32
    %add3A_1400 = arith.addi %select_n3A_1398, %add3A_1399 : i32
    %slice3A_1401 = vector.extract_strided_slice %get3A_730 {offsets = [14], sizes = [1], strides = [1]} : vector<16xi32> to vector<1xi32>
    %squeeze3A_1402 = vector.extract %slice3A_1401[0] : i32 from vector<1xi32>
    %and3A_1403 = arith.constant -128 : i32
    %and3A_1404 = arith.andi %squeeze3A_1402, %and3A_1403 : i32
    %multiple_of3A_1405 = tpu.assume_multiple %and3A_1404, 128 : i32
    %dma_start3A_1406 = arith.constant 30 : i32
    %dma_start3A_1407 = arith.constant 0 : i32
    %dma_start3A_1408 = arith.constant 0 : i32
    %dma_start3A_1409 = tpu.memref_slice %arg6[%dma_start3A_1406, %dma_start3A_1407, %dma_start3A_1408] : memref<64x8x128xf32, #tpu.memory_space<vmem>> -> memref<1x8x128xf32, #tpu.memory_space<vmem>>
    %dma_start3A_1410 = tpu.memref_squeeze %dma_start3A_1409 : memref<1x8x128xf32, #tpu.memory_space<vmem>> -> memref<8x128xf32, #tpu.memory_space<vmem>>
    %dma_start3A_1411 = arith.constant 0 : i32
    %dma_start3A_1412 = tpu.memref_slice %arg2[%add3A_1400, %dma_start3A_1411, %multiple_of3A_1405] : memref<128x8x100000xf32, #tpu.memory_space<hbm>> -> memref<1x8x128xf32, #tpu.memory_space<hbm>>
    %dma_start3A_1413 = tpu.memref_squeeze %dma_start3A_1412 : memref<1x8x128xf32, #tpu.memory_space<hbm>> -> memref<8x128xf32, #tpu.memory_space<hbm>>
    %dma_start3A_1414 = arith.constant 0 : i32
    %dma_start3A_1415 = arith.constant 0 : i32
    %dma_start3A_1416 = tpu.memref_slice %arg6[%dma_start3A_1406, %dma_start3A_1414, %dma_start3A_1415] : memref<64x8x128xf32, #tpu.memory_space<vmem>> -> memref<1x8x128xf32, #tpu.memory_space<vmem>>
    %dma_start3A_1417 = tpu.memref_squeeze %dma_start3A_1416 : memref<1x8x128xf32, #tpu.memory_space<vmem>> -> memref<8x128xf32, #tpu.memory_space<vmem>>
    %dma_start3A_1418 = arith.constant 0 : i32
    %dma_start3A_1419 = tpu.memref_slice %arg2[%add3A_1400, %dma_start3A_1418, %multiple_of3A_1405] : memref<128x8x100000xf32, #tpu.memory_space<hbm>> -> memref<1x8x128xf32, #tpu.memory_space<hbm>>
    %dma_start3A_1420 = tpu.memref_squeeze %dma_start3A_1419 : memref<1x8x128xf32, #tpu.memory_space<hbm>> -> memref<8x128xf32, #tpu.memory_space<hbm>>
    tpu.enqueue_dma source(%dma_start3A_1420 : memref<8x128xf32, #tpu.memory_space<hbm>>) target(%dma_start3A_1417 : memref<8x128xf32, #tpu.memory_space<vmem>>) target_semaphore(%arg8 : memref<!tpu.dma_semaphore, #tpu.memory_space<semaphore_mem>>)
    %jit3A_1421 = arith.constant 8 : i32
    %div3A_1422 = arith.divsi %multiple_of3A, %jit3A_1421 : i32
    %sign3A_1423 = arith.constant 0 : i32
    %sign3A_1424 = arith.cmpi sgt, %multiple_of3A, %sign3A_1423 : i32
    %sign3A_1425 = arith.extui %sign3A_1424 : i1 to i32
    %sign3A_1426 = arith.constant 0 : i32
    %sign3A_1427 = arith.cmpi slt, %multiple_of3A, %sign3A_1426 : i32
    %sign3A_1428 = arith.extui %sign3A_1427 : i1 to i32
    %sign3A_1429 = arith.subi %sign3A_1425, %sign3A_1428 : i32
    %sign3A_1430 = arith.constant 0 : i32
    %sign3A_1431 = arith.cmpi sgt, %jit3A_1421, %sign3A_1430 : i32
    %sign3A_1432 = arith.extui %sign3A_1431 : i1 to i32
    %sign3A_1433 = arith.constant 0 : i32
    %sign3A_1434 = arith.cmpi slt, %jit3A_1421, %sign3A_1433 : i32
    %sign3A_1435 = arith.extui %sign3A_1434 : i1 to i32
    %sign3A_1436 = arith.subi %sign3A_1432, %sign3A_1435 : i32
    %ne3A_1437 = arith.cmpi ne, %sign3A_1429, %sign3A_1436 : i32
    %rem3A_1438 = arith.remsi %multiple_of3A, %jit3A_1421 : i32
    %ne3A_1439 = arith.constant 0 : i32
    %ne3A_1440 = arith.cmpi ne, %rem3A_1438, %ne3A_1439 : i32
    %and3A_1441 = arith.andi %ne3A_1437, %ne3A_1440 : i1
    %sub3A_1442 = arith.constant 1 : i32
    %sub3A_1443 = arith.subi %div3A_1422, %sub3A_1442 : i32
    %select_n3A_1444 = arith.select %and3A_1441, %sub3A_1443, %div3A_1422 : i32
    %add3A_1445 = arith.constant 3 : i32
    %add3A_1446 = arith.addi %select_n3A_1444, %add3A_1445 : i32
    %slice3A_1447 = vector.extract_strided_slice %get3A_730 {offsets = [15], sizes = [1], strides = [1]} : vector<16xi32> to vector<1xi32>
    %squeeze3A_1448 = vector.extract %slice3A_1447[0] : i32 from vector<1xi32>
    %and3A_1449 = arith.constant -128 : i32
    %and3A_1450 = arith.andi %squeeze3A_1448, %and3A_1449 : i32
    %multiple_of3A_1451 = tpu.assume_multiple %and3A_1450, 128 : i32
    %dma_start3A_1452 = arith.constant 31 : i32
    %dma_start3A_1453 = arith.constant 0 : i32
    %dma_start3A_1454 = arith.constant 0 : i32
    %dma_start3A_1455 = tpu.memref_slice %arg6[%dma_start3A_1452, %dma_start3A_1453, %dma_start3A_1454] : memref<64x8x128xf32, #tpu.memory_space<vmem>> -> memref<1x8x128xf32, #tpu.memory_space<vmem>>
    %dma_start3A_1456 = tpu.memref_squeeze %dma_start3A_1455 : memref<1x8x128xf32, #tpu.memory_space<vmem>> -> memref<8x128xf32, #tpu.memory_space<vmem>>
    %dma_start3A_1457 = arith.constant 0 : i32
    %dma_start3A_1458 = tpu.memref_slice %arg2[%add3A_1446, %dma_start3A_1457, %multiple_of3A_1451] : memref<128x8x100000xf32, #tpu.memory_space<hbm>> -> memref<1x8x128xf32, #tpu.memory_space<hbm>>
    %dma_start3A_1459 = tpu.memref_squeeze %dma_start3A_1458 : memref<1x8x128xf32, #tpu.memory_space<hbm>> -> memref<8x128xf32, #tpu.memory_space<hbm>>
    %dma_start3A_1460 = arith.constant 0 : i32
    %dma_start3A_1461 = arith.constant 0 : i32
    %dma_start3A_1462 = tpu.memref_slice %arg6[%dma_start3A_1452, %dma_start3A_1460, %dma_start3A_1461] : memref<64x8x128xf32, #tpu.memory_space<vmem>> -> memref<1x8x128xf32, #tpu.memory_space<vmem>>
    %dma_start3A_1463 = tpu.memref_squeeze %dma_start3A_1462 : memref<1x8x128xf32, #tpu.memory_space<vmem>> -> memref<8x128xf32, #tpu.memory_space<vmem>>
    %dma_start3A_1464 = arith.constant 0 : i32
    %dma_start3A_1465 = tpu.memref_slice %arg2[%add3A_1446, %dma_start3A_1464, %multiple_of3A_1451] : memref<128x8x100000xf32, #tpu.memory_space<hbm>> -> memref<1x8x128xf32, #tpu.memory_space<hbm>>
    %dma_start3A_1466 = tpu.memref_squeeze %dma_start3A_1465 : memref<1x8x128xf32, #tpu.memory_space<hbm>> -> memref<8x128xf32, #tpu.memory_space<hbm>>
    tpu.enqueue_dma source(%dma_start3A_1466 : memref<8x128xf32, #tpu.memory_space<hbm>>) target(%dma_start3A_1463 : memref<8x128xf32, #tpu.memory_space<vmem>>) target_semaphore(%arg8 : memref<!tpu.dma_semaphore, #tpu.memory_space<semaphore_mem>>)
    %get3A_1467 = arith.constant 32 : index
    %get3A_1468 = tpu.vector_load %arg5[%get3A_1467] {strides = array<i32>} : memref<64xi32, #tpu.memory_space<vmem>>, vector<16xi32>,
    %jit3A_1469 = arith.constant 8 : i32
    %div3A_1470 = arith.divsi %multiple_of3A, %jit3A_1469 : i32
    %sign3A_1471 = arith.constant 0 : i32
    %sign3A_1472 = arith.cmpi sgt, %multiple_of3A, %sign3A_1471 : i32
    %sign3A_1473 = arith.extui %sign3A_1472 : i1 to i32
    %sign3A_1474 = arith.constant 0 : i32
    %sign3A_1475 = arith.cmpi slt, %multiple_of3A, %sign3A_1474 : i32
    %sign3A_1476 = arith.extui %sign3A_1475 : i1 to i32
    %sign3A_1477 = arith.subi %sign3A_1473, %sign3A_1476 : i32
    %sign3A_1478 = arith.constant 0 : i32
    %sign3A_1479 = arith.cmpi sgt, %jit3A_1469, %sign3A_1478 : i32
    %sign3A_1480 = arith.extui %sign3A_1479 : i1 to i32
    %sign3A_1481 = arith.constant 0 : i32
    %sign3A_1482 = arith.cmpi slt, %jit3A_1469, %sign3A_1481 : i32
    %sign3A_1483 = arith.extui %sign3A_1482 : i1 to i32
    %sign3A_1484 = arith.subi %sign3A_1480, %sign3A_1483 : i32
    %ne3A_1485 = arith.cmpi ne, %sign3A_1477, %sign3A_1484 : i32
    %rem3A_1486 = arith.remsi %multiple_of3A, %jit3A_1469 : i32
    %ne3A_1487 = arith.constant 0 : i32
    %ne3A_1488 = arith.cmpi ne, %rem3A_1486, %ne3A_1487 : i32
    %and3A_1489 = arith.andi %ne3A_1485, %ne3A_1488 : i1
    %sub3A_1490 = arith.constant 1 : i32
    %sub3A_1491 = arith.subi %div3A_1470, %sub3A_1490 : i32
    %select_n3A_1492 = arith.select %and3A_1489, %sub3A_1491, %div3A_1470 : i32
    %add3A_1493 = arith.constant 4 : i32
    %add3A_1494 = arith.addi %select_n3A_1492, %add3A_1493 : i32
    %slice3A_1495 = vector.extract_strided_slice %get3A_1468 {offsets = [0], sizes = [1], strides = [1]} : vector<16xi32> to vector<1xi32>
    %squeeze3A_1496 = vector.extract %slice3A_1495[0] : i32 from vector<1xi32>
    %and3A_1497 = arith.constant -128 : i32
    %and3A_1498 = arith.andi %squeeze3A_1496, %and3A_1497 : i32
    %multiple_of3A_1499 = tpu.assume_multiple %and3A_1498, 128 : i32
    %dma_start3A_1500 = arith.constant 32 : i32
    %dma_start3A_1501 = arith.constant 0 : i32
    %dma_start3A_1502 = arith.constant 0 : i32
    %dma_start3A_1503 = tpu.memref_slice %arg6[%dma_start3A_1500, %dma_start3A_1501, %dma_start3A_1502] : memref<64x8x128xf32, #tpu.memory_space<vmem>> -> memref<1x8x128xf32, #tpu.memory_space<vmem>>
    %dma_start3A_1504 = tpu.memref_squeeze %dma_start3A_1503 : memref<1x8x128xf32, #tpu.memory_space<vmem>> -> memref<8x128xf32, #tpu.memory_space<vmem>>
    %dma_start3A_1505 = arith.constant 0 : i32
    %dma_start3A_1506 = tpu.memref_slice %arg2[%add3A_1494, %dma_start3A_1505, %multiple_of3A_1499] : memref<128x8x100000xf32, #tpu.memory_space<hbm>> -> memref<1x8x128xf32, #tpu.memory_space<hbm>>
    %dma_start3A_1507 = tpu.memref_squeeze %dma_start3A_1506 : memref<1x8x128xf32, #tpu.memory_space<hbm>> -> memref<8x128xf32, #tpu.memory_space<hbm>>
    %dma_start3A_1508 = arith.constant 0 : i32
    %dma_start3A_1509 = arith.constant 0 : i32
    %dma_start3A_1510 = tpu.memref_slice %arg6[%dma_start3A_1500, %dma_start3A_1508, %dma_start3A_1509] : memref<64x8x128xf32, #tpu.memory_space<vmem>> -> memref<1x8x128xf32, #tpu.memory_space<vmem>>
    %dma_start3A_1511 = tpu.memref_squeeze %dma_start3A_1510 : memref<1x8x128xf32, #tpu.memory_space<vmem>> -> memref<8x128xf32, #tpu.memory_space<vmem>>
    %dma_start3A_1512 = arith.constant 0 : i32
    %dma_start3A_1513 = tpu.memref_slice %arg2[%add3A_1494, %dma_start3A_1512, %multiple_of3A_1499] : memref<128x8x100000xf32, #tpu.memory_space<hbm>> -> memref<1x8x128xf32, #tpu.memory_space<hbm>>
    %dma_start3A_1514 = tpu.memref_squeeze %dma_start3A_1513 : memref<1x8x128xf32, #tpu.memory_space<hbm>> -> memref<8x128xf32, #tpu.memory_space<hbm>>
    tpu.enqueue_dma source(%dma_start3A_1514 : memref<8x128xf32, #tpu.memory_space<hbm>>) target(%dma_start3A_1511 : memref<8x128xf32, #tpu.memory_space<vmem>>) target_semaphore(%arg8 : memref<!tpu.dma_semaphore, #tpu.memory_space<semaphore_mem>>)
    %jit3A_1515 = arith.constant 8 : i32
    %div3A_1516 = arith.divsi %multiple_of3A, %jit3A_1515 : i32
    %sign3A_1517 = arith.constant 0 : i32
    %sign3A_1518 = arith.cmpi sgt, %multiple_of3A, %sign3A_1517 : i32
    %sign3A_1519 = arith.extui %sign3A_1518 : i1 to i32
    %sign3A_1520 = arith.constant 0 : i32
    %sign3A_1521 = arith.cmpi slt, %multiple_of3A, %sign3A_1520 : i32
    %sign3A_1522 = arith.extui %sign3A_1521 : i1 to i32
    %sign3A_1523 = arith.subi %sign3A_1519, %sign3A_1522 : i32
    %sign3A_1524 = arith.constant 0 : i32
    %sign3A_1525 = arith.cmpi sgt, %jit3A_1515, %sign3A_1524 : i32
    %sign3A_1526 = arith.extui %sign3A_1525 : i1 to i32
    %sign3A_1527 = arith.constant 0 : i32
    %sign3A_1528 = arith.cmpi slt, %jit3A_1515, %sign3A_1527 : i32
    %sign3A_1529 = arith.extui %sign3A_1528 : i1 to i32
    %sign3A_1530 = arith.subi %sign3A_1526, %sign3A_1529 : i32
    %ne3A_1531 = arith.cmpi ne, %sign3A_1523, %sign3A_1530 : i32
    %rem3A_1532 = arith.remsi %multiple_of3A, %jit3A_1515 : i32
    %ne3A_1533 = arith.constant 0 : i32
    %ne3A_1534 = arith.cmpi ne, %rem3A_1532, %ne3A_1533 : i32
    %and3A_1535 = arith.andi %ne3A_1531, %ne3A_1534 : i1
    %sub3A_1536 = arith.constant 1 : i32
    %sub3A_1537 = arith.subi %div3A_1516, %sub3A_1536 : i32
    %select_n3A_1538 = arith.select %and3A_1535, %sub3A_1537, %div3A_1516 : i32
    %add3A_1539 = arith.constant 4 : i32
    %add3A_1540 = arith.addi %select_n3A_1538, %add3A_1539 : i32
    %slice3A_1541 = vector.extract_strided_slice %get3A_1468 {offsets = [1], sizes = [1], strides = [1]} : vector<16xi32> to vector<1xi32>
    %squeeze3A_1542 = vector.extract %slice3A_1541[0] : i32 from vector<1xi32>
    %and3A_1543 = arith.constant -128 : i32
    %and3A_1544 = arith.andi %squeeze3A_1542, %and3A_1543 : i32
    %multiple_of3A_1545 = tpu.assume_multiple %and3A_1544, 128 : i32
    %dma_start3A_1546 = arith.constant 33 : i32
    %dma_start3A_1547 = arith.constant 0 : i32
    %dma_start3A_1548 = arith.constant 0 : i32
    %dma_start3A_1549 = tpu.memref_slice %arg6[%dma_start3A_1546, %dma_start3A_1547, %dma_start3A_1548] : memref<64x8x128xf32, #tpu.memory_space<vmem>> -> memref<1x8x128xf32, #tpu.memory_space<vmem>>
    %dma_start3A_1550 = tpu.memref_squeeze %dma_start3A_1549 : memref<1x8x128xf32, #tpu.memory_space<vmem>> -> memref<8x128xf32, #tpu.memory_space<vmem>>
    %dma_start3A_1551 = arith.constant 0 : i32
    %dma_start3A_1552 = tpu.memref_slice %arg2[%add3A_1540, %dma_start3A_1551, %multiple_of3A_1545] : memref<128x8x100000xf32, #tpu.memory_space<hbm>> -> memref<1x8x128xf32, #tpu.memory_space<hbm>>
    %dma_start3A_1553 = tpu.memref_squeeze %dma_start3A_1552 : memref<1x8x128xf32, #tpu.memory_space<hbm>> -> memref<8x128xf32, #tpu.memory_space<hbm>>
    %dma_start3A_1554 = arith.constant 0 : i32
    %dma_start3A_1555 = arith.constant 0 : i32
    %dma_start3A_1556 = tpu.memref_slice %arg6[%dma_start3A_1546, %dma_start3A_1554, %dma_start3A_1555] : memref<64x8x128xf32, #tpu.memory_space<vmem>> -> memref<1x8x128xf32, #tpu.memory_space<vmem>>
    %dma_start3A_1557 = tpu.memref_squeeze %dma_start3A_1556 : memref<1x8x128xf32, #tpu.memory_space<vmem>> -> memref<8x128xf32, #tpu.memory_space<vmem>>
    %dma_start3A_1558 = arith.constant 0 : i32
    %dma_start3A_1559 = tpu.memref_slice %arg2[%add3A_1540, %dma_start3A_1558, %multiple_of3A_1545] : memref<128x8x100000xf32, #tpu.memory_space<hbm>> -> memref<1x8x128xf32, #tpu.memory_space<hbm>>
    %dma_start3A_1560 = tpu.memref_squeeze %dma_start3A_1559 : memref<1x8x128xf32, #tpu.memory_space<hbm>> -> memref<8x128xf32, #tpu.memory_space<hbm>>
    tpu.enqueue_dma source(%dma_start3A_1560 : memref<8x128xf32, #tpu.memory_space<hbm>>) target(%dma_start3A_1557 : memref<8x128xf32, #tpu.memory_space<vmem>>) target_semaphore(%arg8 : memref<!tpu.dma_semaphore, #tpu.memory_space<semaphore_mem>>)
    %jit3A_1561 = arith.constant 8 : i32
    %div3A_1562 = arith.divsi %multiple_of3A, %jit3A_1561 : i32
    %sign3A_1563 = arith.constant 0 : i32
    %sign3A_1564 = arith.cmpi sgt, %multiple_of3A, %sign3A_1563 : i32
    %sign3A_1565 = arith.extui %sign3A_1564 : i1 to i32
    %sign3A_1566 = arith.constant 0 : i32
    %sign3A_1567 = arith.cmpi slt, %multiple_of3A, %sign3A_1566 : i32
    %sign3A_1568 = arith.extui %sign3A_1567 : i1 to i32
    %sign3A_1569 = arith.subi %sign3A_1565, %sign3A_1568 : i32
    %sign3A_1570 = arith.constant 0 : i32
    %sign3A_1571 = arith.cmpi sgt, %jit3A_1561, %sign3A_1570 : i32
    %sign3A_1572 = arith.extui %sign3A_1571 : i1 to i32
    %sign3A_1573 = arith.constant 0 : i32
    %sign3A_1574 = arith.cmpi slt, %jit3A_1561, %sign3A_1573 : i32
    %sign3A_1575 = arith.extui %sign3A_1574 : i1 to i32
    %sign3A_1576 = arith.subi %sign3A_1572, %sign3A_1575 : i32
    %ne3A_1577 = arith.cmpi ne, %sign3A_1569, %sign3A_1576 : i32
    %rem3A_1578 = arith.remsi %multiple_of3A, %jit3A_1561 : i32
    %ne3A_1579 = arith.constant 0 : i32
    %ne3A_1580 = arith.cmpi ne, %rem3A_1578, %ne3A_1579 : i32
    %and3A_1581 = arith.andi %ne3A_1577, %ne3A_1580 : i1
    %sub3A_1582 = arith.constant 1 : i32
    %sub3A_1583 = arith.subi %div3A_1562, %sub3A_1582 : i32
    %select_n3A_1584 = arith.select %and3A_1581, %sub3A_1583, %div3A_1562 : i32
    %add3A_1585 = arith.constant 4 : i32
    %add3A_1586 = arith.addi %select_n3A_1584, %add3A_1585 : i32
    %slice3A_1587 = vector.extract_strided_slice %get3A_1468 {offsets = [2], sizes = [1], strides = [1]} : vector<16xi32> to vector<1xi32>
    %squeeze3A_1588 = vector.extract %slice3A_1587[0] : i32 from vector<1xi32>
    %and3A_1589 = arith.constant -128 : i32
    %and3A_1590 = arith.andi %squeeze3A_1588, %and3A_1589 : i32
    %multiple_of3A_1591 = tpu.assume_multiple %and3A_1590, 128 : i32
    %dma_start3A_1592 = arith.constant 34 : i32
    %dma_start3A_1593 = arith.constant 0 : i32
    %dma_start3A_1594 = arith.constant 0 : i32
    %dma_start3A_1595 = tpu.memref_slice %arg6[%dma_start3A_1592, %dma_start3A_1593, %dma_start3A_1594] : memref<64x8x128xf32, #tpu.memory_space<vmem>> -> memref<1x8x128xf32, #tpu.memory_space<vmem>>
    %dma_start3A_1596 = tpu.memref_squeeze %dma_start3A_1595 : memref<1x8x128xf32, #tpu.memory_space<vmem>> -> memref<8x128xf32, #tpu.memory_space<vmem>>
    %dma_start3A_1597 = arith.constant 0 : i32
    %dma_start3A_1598 = tpu.memref_slice %arg2[%add3A_1586, %dma_start3A_1597, %multiple_of3A_1591] : memref<128x8x100000xf32, #tpu.memory_space<hbm>> -> memref<1x8x128xf32, #tpu.memory_space<hbm>>
    %dma_start3A_1599 = tpu.memref_squeeze %dma_start3A_1598 : memref<1x8x128xf32, #tpu.memory_space<hbm>> -> memref<8x128xf32, #tpu.memory_space<hbm>>
    %dma_start3A_1600 = arith.constant 0 : i32
    %dma_start3A_1601 = arith.constant 0 : i32
    %dma_start3A_1602 = tpu.memref_slice %arg6[%dma_start3A_1592, %dma_start3A_1600, %dma_start3A_1601] : memref<64x8x128xf32, #tpu.memory_space<vmem>> -> memref<1x8x128xf32, #tpu.memory_space<vmem>>
    %dma_start3A_1603 = tpu.memref_squeeze %dma_start3A_1602 : memref<1x8x128xf32, #tpu.memory_space<vmem>> -> memref<8x128xf32, #tpu.memory_space<vmem>>
    %dma_start3A_1604 = arith.constant 0 : i32
    %dma_start3A_1605 = tpu.memref_slice %arg2[%add3A_1586, %dma_start3A_1604, %multiple_of3A_1591] : memref<128x8x100000xf32, #tpu.memory_space<hbm>> -> memref<1x8x128xf32, #tpu.memory_space<hbm>>
    %dma_start3A_1606 = tpu.memref_squeeze %dma_start3A_1605 : memref<1x8x128xf32, #tpu.memory_space<hbm>> -> memref<8x128xf32, #tpu.memory_space<hbm>>
    tpu.enqueue_dma source(%dma_start3A_1606 : memref<8x128xf32, #tpu.memory_space<hbm>>) target(%dma_start3A_1603 : memref<8x128xf32, #tpu.memory_space<vmem>>) target_semaphore(%arg8 : memref<!tpu.dma_semaphore, #tpu.memory_space<semaphore_mem>>)
    %jit3A_1607 = arith.constant 8 : i32
    %div3A_1608 = arith.divsi %multiple_of3A, %jit3A_1607 : i32
    %sign3A_1609 = arith.constant 0 : i32
    %sign3A_1610 = arith.cmpi sgt, %multiple_of3A, %sign3A_1609 : i32
    %sign3A_1611 = arith.extui %sign3A_1610 : i1 to i32
    %sign3A_1612 = arith.constant 0 : i32
    %sign3A_1613 = arith.cmpi slt, %multiple_of3A, %sign3A_1612 : i32
    %sign3A_1614 = arith.extui %sign3A_1613 : i1 to i32
    %sign3A_1615 = arith.subi %sign3A_1611, %sign3A_1614 : i32
    %sign3A_1616 = arith.constant 0 : i32
    %sign3A_1617 = arith.cmpi sgt, %jit3A_1607, %sign3A_1616 : i32
    %sign3A_1618 = arith.extui %sign3A_1617 : i1 to i32
    %sign3A_1619 = arith.constant 0 : i32
    %sign3A_1620 = arith.cmpi slt, %jit3A_1607, %sign3A_1619 : i32
    %sign3A_1621 = arith.extui %sign3A_1620 : i1 to i32
    %sign3A_1622 = arith.subi %sign3A_1618, %sign3A_1621 : i32
    %ne3A_1623 = arith.cmpi ne, %sign3A_1615, %sign3A_1622 : i32
    %rem3A_1624 = arith.remsi %multiple_of3A, %jit3A_1607 : i32
    %ne3A_1625 = arith.constant 0 : i32
    %ne3A_1626 = arith.cmpi ne, %rem3A_1624, %ne3A_1625 : i32
    %and3A_1627 = arith.andi %ne3A_1623, %ne3A_1626 : i1
    %sub3A_1628 = arith.constant 1 : i32
    %sub3A_1629 = arith.subi %div3A_1608, %sub3A_1628 : i32
    %select_n3A_1630 = arith.select %and3A_1627, %sub3A_1629, %div3A_1608 : i32
    %add3A_1631 = arith.constant 4 : i32
    %add3A_1632 = arith.addi %select_n3A_1630, %add3A_1631 : i32
    %slice3A_1633 = vector.extract_strided_slice %get3A_1468 {offsets = [3], sizes = [1], strides = [1]} : vector<16xi32> to vector<1xi32>
    %squeeze3A_1634 = vector.extract %slice3A_1633[0] : i32 from vector<1xi32>
    %and3A_1635 = arith.constant -128 : i32
    %and3A_1636 = arith.andi %squeeze3A_1634, %and3A_1635 : i32
    %multiple_of3A_1637 = tpu.assume_multiple %and3A_1636, 128 : i32
    %dma_start3A_1638 = arith.constant 35 : i32
    %dma_start3A_1639 = arith.constant 0 : i32
    %dma_start3A_1640 = arith.constant 0 : i32
    %dma_start3A_1641 = tpu.memref_slice %arg6[%dma_start3A_1638, %dma_start3A_1639, %dma_start3A_1640] : memref<64x8x128xf32, #tpu.memory_space<vmem>> -> memref<1x8x128xf32, #tpu.memory_space<vmem>>
    %dma_start3A_1642 = tpu.memref_squeeze %dma_start3A_1641 : memref<1x8x128xf32, #tpu.memory_space<vmem>> -> memref<8x128xf32, #tpu.memory_space<vmem>>
    %dma_start3A_1643 = arith.constant 0 : i32
    %dma_start3A_1644 = tpu.memref_slice %arg2[%add3A_1632, %dma_start3A_1643, %multiple_of3A_1637] : memref<128x8x100000xf32, #tpu.memory_space<hbm>> -> memref<1x8x128xf32, #tpu.memory_space<hbm>>
    %dma_start3A_1645 = tpu.memref_squeeze %dma_start3A_1644 : memref<1x8x128xf32, #tpu.memory_space<hbm>> -> memref<8x128xf32, #tpu.memory_space<hbm>>
    %dma_start3A_1646 = arith.constant 0 : i32
    %dma_start3A_1647 = arith.constant 0 : i32
    %dma_start3A_1648 = tpu.memref_slice %arg6[%dma_start3A_1638, %dma_start3A_1646, %dma_start3A_1647] : memref<64x8x128xf32, #tpu.memory_space<vmem>> -> memref<1x8x128xf32, #tpu.memory_space<vmem>>
    %dma_start3A_1649 = tpu.memref_squeeze %dma_start3A_1648 : memref<1x8x128xf32, #tpu.memory_space<vmem>> -> memref<8x128xf32, #tpu.memory_space<vmem>>
    %dma_start3A_1650 = arith.constant 0 : i32
    %dma_start3A_1651 = tpu.memref_slice %arg2[%add3A_1632, %dma_start3A_1650, %multiple_of3A_1637] : memref<128x8x100000xf32, #tpu.memory_space<hbm>> -> memref<1x8x128xf32, #tpu.memory_space<hbm>>
    %dma_start3A_1652 = tpu.memref_squeeze %dma_start3A_1651 : memref<1x8x128xf32, #tpu.memory_space<hbm>> -> memref<8x128xf32, #tpu.memory_space<hbm>>
    tpu.enqueue_dma source(%dma_start3A_1652 : memref<8x128xf32, #tpu.memory_space<hbm>>) target(%dma_start3A_1649 : memref<8x128xf32, #tpu.memory_space<vmem>>) target_semaphore(%arg8 : memref<!tpu.dma_semaphore, #tpu.memory_space<semaphore_mem>>)
    %jit3A_1653 = arith.constant 8 : i32
    %div3A_1654 = arith.divsi %multiple_of3A, %jit3A_1653 : i32
    %sign3A_1655 = arith.constant 0 : i32
    %sign3A_1656 = arith.cmpi sgt, %multiple_of3A, %sign3A_1655 : i32
    %sign3A_1657 = arith.extui %sign3A_1656 : i1 to i32
    %sign3A_1658 = arith.constant 0 : i32
    %sign3A_1659 = arith.cmpi slt, %multiple_of3A, %sign3A_1658 : i32
    %sign3A_1660 = arith.extui %sign3A_1659 : i1 to i32
    %sign3A_1661 = arith.subi %sign3A_1657, %sign3A_1660 : i32
    %sign3A_1662 = arith.constant 0 : i32
    %sign3A_1663 = arith.cmpi sgt, %jit3A_1653, %sign3A_1662 : i32
    %sign3A_1664 = arith.extui %sign3A_1663 : i1 to i32
    %sign3A_1665 = arith.constant 0 : i32
    %sign3A_1666 = arith.cmpi slt, %jit3A_1653, %sign3A_1665 : i32
    %sign3A_1667 = arith.extui %sign3A_1666 : i1 to i32
    %sign3A_1668 = arith.subi %sign3A_1664, %sign3A_1667 : i32
    %ne3A_1669 = arith.cmpi ne, %sign3A_1661, %sign3A_1668 : i32
    %rem3A_1670 = arith.remsi %multiple_of3A, %jit3A_1653 : i32
    %ne3A_1671 = arith.constant 0 : i32
    %ne3A_1672 = arith.cmpi ne, %rem3A_1670, %ne3A_1671 : i32
    %and3A_1673 = arith.andi %ne3A_1669, %ne3A_1672 : i1
    %sub3A_1674 = arith.constant 1 : i32
    %sub3A_1675 = arith.subi %div3A_1654, %sub3A_1674 : i32
    %select_n3A_1676 = arith.select %and3A_1673, %sub3A_1675, %div3A_1654 : i32
    %add3A_1677 = arith.constant 4 : i32
    %add3A_1678 = arith.addi %select_n3A_1676, %add3A_1677 : i32
    %slice3A_1679 = vector.extract_strided_slice %get3A_1468 {offsets = [4], sizes = [1], strides = [1]} : vector<16xi32> to vector<1xi32>
    %squeeze3A_1680 = vector.extract %slice3A_1679[0] : i32 from vector<1xi32>
    %and3A_1681 = arith.constant -128 : i32
    %and3A_1682 = arith.andi %squeeze3A_1680, %and3A_1681 : i32
    %multiple_of3A_1683 = tpu.assume_multiple %and3A_1682, 128 : i32
    %dma_start3A_1684 = arith.constant 36 : i32
    %dma_start3A_1685 = arith.constant 0 : i32
    %dma_start3A_1686 = arith.constant 0 : i32
    %dma_start3A_1687 = tpu.memref_slice %arg6[%dma_start3A_1684, %dma_start3A_1685, %dma_start3A_1686] : memref<64x8x128xf32, #tpu.memory_space<vmem>> -> memref<1x8x128xf32, #tpu.memory_space<vmem>>
    %dma_start3A_1688 = tpu.memref_squeeze %dma_start3A_1687 : memref<1x8x128xf32, #tpu.memory_space<vmem>> -> memref<8x128xf32, #tpu.memory_space<vmem>>
    %dma_start3A_1689 = arith.constant 0 : i32
    %dma_start3A_1690 = tpu.memref_slice %arg2[%add3A_1678, %dma_start3A_1689, %multiple_of3A_1683] : memref<128x8x100000xf32, #tpu.memory_space<hbm>> -> memref<1x8x128xf32, #tpu.memory_space<hbm>>
    %dma_start3A_1691 = tpu.memref_squeeze %dma_start3A_1690 : memref<1x8x128xf32, #tpu.memory_space<hbm>> -> memref<8x128xf32, #tpu.memory_space<hbm>>
    %dma_start3A_1692 = arith.constant 0 : i32
    %dma_start3A_1693 = arith.constant 0 : i32
    %dma_start3A_1694 = tpu.memref_slice %arg6[%dma_start3A_1684, %dma_start3A_1692, %dma_start3A_1693] : memref<64x8x128xf32, #tpu.memory_space<vmem>> -> memref<1x8x128xf32, #tpu.memory_space<vmem>>
    %dma_start3A_1695 = tpu.memref_squeeze %dma_start3A_1694 : memref<1x8x128xf32, #tpu.memory_space<vmem>> -> memref<8x128xf32, #tpu.memory_space<vmem>>
    %dma_start3A_1696 = arith.constant 0 : i32
    %dma_start3A_1697 = tpu.memref_slice %arg2[%add3A_1678, %dma_start3A_1696, %multiple_of3A_1683] : memref<128x8x100000xf32, #tpu.memory_space<hbm>> -> memref<1x8x128xf32, #tpu.memory_space<hbm>>
    %dma_start3A_1698 = tpu.memref_squeeze %dma_start3A_1697 : memref<1x8x128xf32, #tpu.memory_space<hbm>> -> memref<8x128xf32, #tpu.memory_space<hbm>>
    tpu.enqueue_dma source(%dma_start3A_1698 : memref<8x128xf32, #tpu.memory_space<hbm>>) target(%dma_start3A_1695 : memref<8x128xf32, #tpu.memory_space<vmem>>) target_semaphore(%arg8 : memref<!tpu.dma_semaphore, #tpu.memory_space<semaphore_mem>>)
    %jit3A_1699 = arith.constant 8 : i32
    %div3A_1700 = arith.divsi %multiple_of3A, %jit3A_1699 : i32
    %sign3A_1701 = arith.constant 0 : i32
    %sign3A_1702 = arith.cmpi sgt, %multiple_of3A, %sign3A_1701 : i32
    %sign3A_1703 = arith.extui %sign3A_1702 : i1 to i32
    %sign3A_1704 = arith.constant 0 : i32
    %sign3A_1705 = arith.cmpi slt, %multiple_of3A, %sign3A_1704 : i32
    %sign3A_1706 = arith.extui %sign3A_1705 : i1 to i32
    %sign3A_1707 = arith.subi %sign3A_1703, %sign3A_1706 : i32
    %sign3A_1708 = arith.constant 0 : i32
    %sign3A_1709 = arith.cmpi sgt, %jit3A_1699, %sign3A_1708 : i32
    %sign3A_1710 = arith.extui %sign3A_1709 : i1 to i32
    %sign3A_1711 = arith.constant 0 : i32
    %sign3A_1712 = arith.cmpi slt, %jit3A_1699, %sign3A_1711 : i32
    %sign3A_1713 = arith.extui %sign3A_1712 : i1 to i32
    %sign3A_1714 = arith.subi %sign3A_1710, %sign3A_1713 : i32
    %ne3A_1715 = arith.cmpi ne, %sign3A_1707, %sign3A_1714 : i32
    %rem3A_1716 = arith.remsi %multiple_of3A, %jit3A_1699 : i32
    %ne3A_1717 = arith.constant 0 : i32
    %ne3A_1718 = arith.cmpi ne, %rem3A_1716, %ne3A_1717 : i32
    %and3A_1719 = arith.andi %ne3A_1715, %ne3A_1718 : i1
    %sub3A_1720 = arith.constant 1 : i32
    %sub3A_1721 = arith.subi %div3A_1700, %sub3A_1720 : i32
    %select_n3A_1722 = arith.select %and3A_1719, %sub3A_1721, %div3A_1700 : i32
    %add3A_1723 = arith.constant 4 : i32
    %add3A_1724 = arith.addi %select_n3A_1722, %add3A_1723 : i32
    %slice3A_1725 = vector.extract_strided_slice %get3A_1468 {offsets = [5], sizes = [1], strides = [1]} : vector<16xi32> to vector<1xi32>
    %squeeze3A_1726 = vector.extract %slice3A_1725[0] : i32 from vector<1xi32>
    %and3A_1727 = arith.constant -128 : i32
    %and3A_1728 = arith.andi %squeeze3A_1726, %and3A_1727 : i32
    %multiple_of3A_1729 = tpu.assume_multiple %and3A_1728, 128 : i32
    %dma_start3A_1730 = arith.constant 37 : i32
    %dma_start3A_1731 = arith.constant 0 : i32
    %dma_start3A_1732 = arith.constant 0 : i32
    %dma_start3A_1733 = tpu.memref_slice %arg6[%dma_start3A_1730, %dma_start3A_1731, %dma_start3A_1732] : memref<64x8x128xf32, #tpu.memory_space<vmem>> -> memref<1x8x128xf32, #tpu.memory_space<vmem>>
    %dma_start3A_1734 = tpu.memref_squeeze %dma_start3A_1733 : memref<1x8x128xf32, #tpu.memory_space<vmem>> -> memref<8x128xf32, #tpu.memory_space<vmem>>
    %dma_start3A_1735 = arith.constant 0 : i32
    %dma_start3A_1736 = tpu.memref_slice %arg2[%add3A_1724, %dma_start3A_1735, %multiple_of3A_1729] : memref<128x8x100000xf32, #tpu.memory_space<hbm>> -> memref<1x8x128xf32, #tpu.memory_space<hbm>>
    %dma_start3A_1737 = tpu.memref_squeeze %dma_start3A_1736 : memref<1x8x128xf32, #tpu.memory_space<hbm>> -> memref<8x128xf32, #tpu.memory_space<hbm>>
    %dma_start3A_1738 = arith.constant 0 : i32
    %dma_start3A_1739 = arith.constant 0 : i32
    %dma_start3A_1740 = tpu.memref_slice %arg6[%dma_start3A_1730, %dma_start3A_1738, %dma_start3A_1739] : memref<64x8x128xf32, #tpu.memory_space<vmem>> -> memref<1x8x128xf32, #tpu.memory_space<vmem>>
    %dma_start3A_1741 = tpu.memref_squeeze %dma_start3A_1740 : memref<1x8x128xf32, #tpu.memory_space<vmem>> -> memref<8x128xf32, #tpu.memory_space<vmem>>
    %dma_start3A_1742 = arith.constant 0 : i32
    %dma_start3A_1743 = tpu.memref_slice %arg2[%add3A_1724, %dma_start3A_1742, %multiple_of3A_1729] : memref<128x8x100000xf32, #tpu.memory_space<hbm>> -> memref<1x8x128xf32, #tpu.memory_space<hbm>>
    %dma_start3A_1744 = tpu.memref_squeeze %dma_start3A_1743 : memref<1x8x128xf32, #tpu.memory_space<hbm>> -> memref<8x128xf32, #tpu.memory_space<hbm>>
    tpu.enqueue_dma source(%dma_start3A_1744 : memref<8x128xf32, #tpu.memory_space<hbm>>) target(%dma_start3A_1741 : memref<8x128xf32, #tpu.memory_space<vmem>>) target_semaphore(%arg8 : memref<!tpu.dma_semaphore, #tpu.memory_space<semaphore_mem>>)
    %jit3A_1745 = arith.constant 8 : i32
    %div3A_1746 = arith.divsi %multiple_of3A, %jit3A_1745 : i32
    %sign3A_1747 = arith.constant 0 : i32
    %sign3A_1748 = arith.cmpi sgt, %multiple_of3A, %sign3A_1747 : i32
    %sign3A_1749 = arith.extui %sign3A_1748 : i1 to i32
    %sign3A_1750 = arith.constant 0 : i32
    %sign3A_1751 = arith.cmpi slt, %multiple_of3A, %sign3A_1750 : i32
    %sign3A_1752 = arith.extui %sign3A_1751 : i1 to i32
    %sign3A_1753 = arith.subi %sign3A_1749, %sign3A_1752 : i32
    %sign3A_1754 = arith.constant 0 : i32
    %sign3A_1755 = arith.cmpi sgt, %jit3A_1745, %sign3A_1754 : i32
    %sign3A_1756 = arith.extui %sign3A_1755 : i1 to i32
    %sign3A_1757 = arith.constant 0 : i32
    %sign3A_1758 = arith.cmpi slt, %jit3A_1745, %sign3A_1757 : i32
    %sign3A_1759 = arith.extui %sign3A_1758 : i1 to i32
    %sign3A_1760 = arith.subi %sign3A_1756, %sign3A_1759 : i32
    %ne3A_1761 = arith.cmpi ne, %sign3A_1753, %sign3A_1760 : i32
    %rem3A_1762 = arith.remsi %multiple_of3A, %jit3A_1745 : i32
    %ne3A_1763 = arith.constant 0 : i32
    %ne3A_1764 = arith.cmpi ne, %rem3A_1762, %ne3A_1763 : i32
    %and3A_1765 = arith.andi %ne3A_1761, %ne3A_1764 : i1
    %sub3A_1766 = arith.constant 1 : i32
    %sub3A_1767 = arith.subi %div3A_1746, %sub3A_1766 : i32
    %select_n3A_1768 = arith.select %and3A_1765, %sub3A_1767, %div3A_1746 : i32
    %add3A_1769 = arith.constant 4 : i32
    %add3A_1770 = arith.addi %select_n3A_1768, %add3A_1769 : i32
    %slice3A_1771 = vector.extract_strided_slice %get3A_1468 {offsets = [6], sizes = [1], strides = [1]} : vector<16xi32> to vector<1xi32>
    %squeeze3A_1772 = vector.extract %slice3A_1771[0] : i32 from vector<1xi32>
    %and3A_1773 = arith.constant -128 : i32
    %and3A_1774 = arith.andi %squeeze3A_1772, %and3A_1773 : i32
    %multiple_of3A_1775 = tpu.assume_multiple %and3A_1774, 128 : i32
    %dma_start3A_1776 = arith.constant 38 : i32
    %dma_start3A_1777 = arith.constant 0 : i32
    %dma_start3A_1778 = arith.constant 0 : i32
    %dma_start3A_1779 = tpu.memref_slice %arg6[%dma_start3A_1776, %dma_start3A_1777, %dma_start3A_1778] : memref<64x8x128xf32, #tpu.memory_space<vmem>> -> memref<1x8x128xf32, #tpu.memory_space<vmem>>
    %dma_start3A_1780 = tpu.memref_squeeze %dma_start3A_1779 : memref<1x8x128xf32, #tpu.memory_space<vmem>> -> memref<8x128xf32, #tpu.memory_space<vmem>>
    %dma_start3A_1781 = arith.constant 0 : i32
    %dma_start3A_1782 = tpu.memref_slice %arg2[%add3A_1770, %dma_start3A_1781, %multiple_of3A_1775] : memref<128x8x100000xf32, #tpu.memory_space<hbm>> -> memref<1x8x128xf32, #tpu.memory_space<hbm>>
    %dma_start3A_1783 = tpu.memref_squeeze %dma_start3A_1782 : memref<1x8x128xf32, #tpu.memory_space<hbm>> -> memref<8x128xf32, #tpu.memory_space<hbm>>
    %dma_start3A_1784 = arith.constant 0 : i32
    %dma_start3A_1785 = arith.constant 0 : i32
    %dma_start3A_1786 = tpu.memref_slice %arg6[%dma_start3A_1776, %dma_start3A_1784, %dma_start3A_1785] : memref<64x8x128xf32, #tpu.memory_space<vmem>> -> memref<1x8x128xf32, #tpu.memory_space<vmem>>
    %dma_start3A_1787 = tpu.memref_squeeze %dma_start3A_1786 : memref<1x8x128xf32, #tpu.memory_space<vmem>> -> memref<8x128xf32, #tpu.memory_space<vmem>>
    %dma_start3A_1788 = arith.constant 0 : i32
    %dma_start3A_1789 = tpu.memref_slice %arg2[%add3A_1770, %dma_start3A_1788, %multiple_of3A_1775] : memref<128x8x100000xf32, #tpu.memory_space<hbm>> -> memref<1x8x128xf32, #tpu.memory_space<hbm>>
    %dma_start3A_1790 = tpu.memref_squeeze %dma_start3A_1789 : memref<1x8x128xf32, #tpu.memory_space<hbm>> -> memref<8x128xf32, #tpu.memory_space<hbm>>
    tpu.enqueue_dma source(%dma_start3A_1790 : memref<8x128xf32, #tpu.memory_space<hbm>>) target(%dma_start3A_1787 : memref<8x128xf32, #tpu.memory_space<vmem>>) target_semaphore(%arg8 : memref<!tpu.dma_semaphore, #tpu.memory_space<semaphore_mem>>)
    %jit3A_1791 = arith.constant 8 : i32
    %div3A_1792 = arith.divsi %multiple_of3A, %jit3A_1791 : i32
    %sign3A_1793 = arith.constant 0 : i32
    %sign3A_1794 = arith.cmpi sgt, %multiple_of3A, %sign3A_1793 : i32
    %sign3A_1795 = arith.extui %sign3A_1794 : i1 to i32
    %sign3A_1796 = arith.constant 0 : i32
    %sign3A_1797 = arith.cmpi slt, %multiple_of3A, %sign3A_1796 : i32
    %sign3A_1798 = arith.extui %sign3A_1797 : i1 to i32
    %sign3A_1799 = arith.subi %sign3A_1795, %sign3A_1798 : i32
    %sign3A_1800 = arith.constant 0 : i32
    %sign3A_1801 = arith.cmpi sgt, %jit3A_1791, %sign3A_1800 : i32
    %sign3A_1802 = arith.extui %sign3A_1801 : i1 to i32
    %sign3A_1803 = arith.constant 0 : i32
    %sign3A_1804 = arith.cmpi slt, %jit3A_1791, %sign3A_1803 : i32
    %sign3A_1805 = arith.extui %sign3A_1804 : i1 to i32
    %sign3A_1806 = arith.subi %sign3A_1802, %sign3A_1805 : i32
    %ne3A_1807 = arith.cmpi ne, %sign3A_1799, %sign3A_1806 : i32
    %rem3A_1808 = arith.remsi %multiple_of3A, %jit3A_1791 : i32
    %ne3A_1809 = arith.constant 0 : i32
    %ne3A_1810 = arith.cmpi ne, %rem3A_1808, %ne3A_1809 : i32
    %and3A_1811 = arith.andi %ne3A_1807, %ne3A_1810 : i1
    %sub3A_1812 = arith.constant 1 : i32
    %sub3A_1813 = arith.subi %div3A_1792, %sub3A_1812 : i32
    %select_n3A_1814 = arith.select %and3A_1811, %sub3A_1813, %div3A_1792 : i32
    %add3A_1815 = arith.constant 4 : i32
    %add3A_1816 = arith.addi %select_n3A_1814, %add3A_1815 : i32
    %slice3A_1817 = vector.extract_strided_slice %get3A_1468 {offsets = [7], sizes = [1], strides = [1]} : vector<16xi32> to vector<1xi32>
    %squeeze3A_1818 = vector.extract %slice3A_1817[0] : i32 from vector<1xi32>
    %and3A_1819 = arith.constant -128 : i32
    %and3A_1820 = arith.andi %squeeze3A_1818, %and3A_1819 : i32
    %multiple_of3A_1821 = tpu.assume_multiple %and3A_1820, 128 : i32
    %dma_start3A_1822 = arith.constant 39 : i32
    %dma_start3A_1823 = arith.constant 0 : i32
    %dma_start3A_1824 = arith.constant 0 : i32
    %dma_start3A_1825 = tpu.memref_slice %arg6[%dma_start3A_1822, %dma_start3A_1823, %dma_start3A_1824] : memref<64x8x128xf32, #tpu.memory_space<vmem>> -> memref<1x8x128xf32, #tpu.memory_space<vmem>>
    %dma_start3A_1826 = tpu.memref_squeeze %dma_start3A_1825 : memref<1x8x128xf32, #tpu.memory_space<vmem>> -> memref<8x128xf32, #tpu.memory_space<vmem>>
    %dma_start3A_1827 = arith.constant 0 : i32
    %dma_start3A_1828 = tpu.memref_slice %arg2[%add3A_1816, %dma_start3A_1827, %multiple_of3A_1821] : memref<128x8x100000xf32, #tpu.memory_space<hbm>> -> memref<1x8x128xf32, #tpu.memory_space<hbm>>
    %dma_start3A_1829 = tpu.memref_squeeze %dma_start3A_1828 : memref<1x8x128xf32, #tpu.memory_space<hbm>> -> memref<8x128xf32, #tpu.memory_space<hbm>>
    %dma_start3A_1830 = arith.constant 0 : i32
    %dma_start3A_1831 = arith.constant 0 : i32
    %dma_start3A_1832 = tpu.memref_slice %arg6[%dma_start3A_1822, %dma_start3A_1830, %dma_start3A_1831] : memref<64x8x128xf32, #tpu.memory_space<vmem>> -> memref<1x8x128xf32, #tpu.memory_space<vmem>>
    %dma_start3A_1833 = tpu.memref_squeeze %dma_start3A_1832 : memref<1x8x128xf32, #tpu.memory_space<vmem>> -> memref<8x128xf32, #tpu.memory_space<vmem>>
    %dma_start3A_1834 = arith.constant 0 : i32
    %dma_start3A_1835 = tpu.memref_slice %arg2[%add3A_1816, %dma_start3A_1834, %multiple_of3A_1821] : memref<128x8x100000xf32, #tpu.memory_space<hbm>> -> memref<1x8x128xf32, #tpu.memory_space<hbm>>
    %dma_start3A_1836 = tpu.memref_squeeze %dma_start3A_1835 : memref<1x8x128xf32, #tpu.memory_space<hbm>> -> memref<8x128xf32, #tpu.memory_space<hbm>>
    tpu.enqueue_dma source(%dma_start3A_1836 : memref<8x128xf32, #tpu.memory_space<hbm>>) target(%dma_start3A_1833 : memref<8x128xf32, #tpu.memory_space<vmem>>) target_semaphore(%arg8 : memref<!tpu.dma_semaphore, #tpu.memory_space<semaphore_mem>>)
    %jit3A_1837 = arith.constant 8 : i32
    %div3A_1838 = arith.divsi %multiple_of3A, %jit3A_1837 : i32
    %sign3A_1839 = arith.constant 0 : i32
    %sign3A_1840 = arith.cmpi sgt, %multiple_of3A, %sign3A_1839 : i32
    %sign3A_1841 = arith.extui %sign3A_1840 : i1 to i32
    %sign3A_1842 = arith.constant 0 : i32
    %sign3A_1843 = arith.cmpi slt, %multiple_of3A, %sign3A_1842 : i32
    %sign3A_1844 = arith.extui %sign3A_1843 : i1 to i32
    %sign3A_1845 = arith.subi %sign3A_1841, %sign3A_1844 : i32
    %sign3A_1846 = arith.constant 0 : i32
    %sign3A_1847 = arith.cmpi sgt, %jit3A_1837, %sign3A_1846 : i32
    %sign3A_1848 = arith.extui %sign3A_1847 : i1 to i32
    %sign3A_1849 = arith.constant 0 : i32
    %sign3A_1850 = arith.cmpi slt, %jit3A_1837, %sign3A_1849 : i32
    %sign3A_1851 = arith.extui %sign3A_1850 : i1 to i32
    %sign3A_1852 = arith.subi %sign3A_1848, %sign3A_1851 : i32
    %ne3A_1853 = arith.cmpi ne, %sign3A_1845, %sign3A_1852 : i32
    %rem3A_1854 = arith.remsi %multiple_of3A, %jit3A_1837 : i32
    %ne3A_1855 = arith.constant 0 : i32
    %ne3A_1856 = arith.cmpi ne, %rem3A_1854, %ne3A_1855 : i32
    %and3A_1857 = arith.andi %ne3A_1853, %ne3A_1856 : i1
    %sub3A_1858 = arith.constant 1 : i32
    %sub3A_1859 = arith.subi %div3A_1838, %sub3A_1858 : i32
    %select_n3A_1860 = arith.select %and3A_1857, %sub3A_1859, %div3A_1838 : i32
    %add3A_1861 = arith.constant 5 : i32
    %add3A_1862 = arith.addi %select_n3A_1860, %add3A_1861 : i32
    %slice3A_1863 = vector.extract_strided_slice %get3A_1468 {offsets = [8], sizes = [1], strides = [1]} : vector<16xi32> to vector<1xi32>
    %squeeze3A_1864 = vector.extract %slice3A_1863[0] : i32 from vector<1xi32>
    %and3A_1865 = arith.constant -128 : i32
    %and3A_1866 = arith.andi %squeeze3A_1864, %and3A_1865 : i32
    %multiple_of3A_1867 = tpu.assume_multiple %and3A_1866, 128 : i32
    %dma_start3A_1868 = arith.constant 40 : i32
    %dma_start3A_1869 = arith.constant 0 : i32
    %dma_start3A_1870 = arith.constant 0 : i32
    %dma_start3A_1871 = tpu.memref_slice %arg6[%dma_start3A_1868, %dma_start3A_1869, %dma_start3A_1870] : memref<64x8x128xf32, #tpu.memory_space<vmem>> -> memref<1x8x128xf32, #tpu.memory_space<vmem>>
    %dma_start3A_1872 = tpu.memref_squeeze %dma_start3A_1871 : memref<1x8x128xf32, #tpu.memory_space<vmem>> -> memref<8x128xf32, #tpu.memory_space<vmem>>
    %dma_start3A_1873 = arith.constant 0 : i32
    %dma_start3A_1874 = tpu.memref_slice %arg2[%add3A_1862, %dma_start3A_1873, %multiple_of3A_1867] : memref<128x8x100000xf32, #tpu.memory_space<hbm>> -> memref<1x8x128xf32, #tpu.memory_space<hbm>>
    %dma_start3A_1875 = tpu.memref_squeeze %dma_start3A_1874 : memref<1x8x128xf32, #tpu.memory_space<hbm>> -> memref<8x128xf32, #tpu.memory_space<hbm>>
    %dma_start3A_1876 = arith.constant 0 : i32
    %dma_start3A_1877 = arith.constant 0 : i32
    %dma_start3A_1878 = tpu.memref_slice %arg6[%dma_start3A_1868, %dma_start3A_1876, %dma_start3A_1877] : memref<64x8x128xf32, #tpu.memory_space<vmem>> -> memref<1x8x128xf32, #tpu.memory_space<vmem>>
    %dma_start3A_1879 = tpu.memref_squeeze %dma_start3A_1878 : memref<1x8x128xf32, #tpu.memory_space<vmem>> -> memref<8x128xf32, #tpu.memory_space<vmem>>
    %dma_start3A_1880 = arith.constant 0 : i32
    %dma_start3A_1881 = tpu.memref_slice %arg2[%add3A_1862, %dma_start3A_1880, %multiple_of3A_1867] : memref<128x8x100000xf32, #tpu.memory_space<hbm>> -> memref<1x8x128xf32, #tpu.memory_space<hbm>>
    %dma_start3A_1882 = tpu.memref_squeeze %dma_start3A_1881 : memref<1x8x128xf32, #tpu.memory_space<hbm>> -> memref<8x128xf32, #tpu.memory_space<hbm>>
    tpu.enqueue_dma source(%dma_start3A_1882 : memref<8x128xf32, #tpu.memory_space<hbm>>) target(%dma_start3A_1879 : memref<8x128xf32, #tpu.memory_space<vmem>>) target_semaphore(%arg8 : memref<!tpu.dma_semaphore, #tpu.memory_space<semaphore_mem>>)
    %jit3A_1883 = arith.constant 8 : i32
    %div3A_1884 = arith.divsi %multiple_of3A, %jit3A_1883 : i32
    %sign3A_1885 = arith.constant 0 : i32
    %sign3A_1886 = arith.cmpi sgt, %multiple_of3A, %sign3A_1885 : i32
    %sign3A_1887 = arith.extui %sign3A_1886 : i1 to i32
    %sign3A_1888 = arith.constant 0 : i32
    %sign3A_1889 = arith.cmpi slt, %multiple_of3A, %sign3A_1888 : i32
    %sign3A_1890 = arith.extui %sign3A_1889 : i1 to i32
    %sign3A_1891 = arith.subi %sign3A_1887, %sign3A_1890 : i32
    %sign3A_1892 = arith.constant 0 : i32
    %sign3A_1893 = arith.cmpi sgt, %jit3A_1883, %sign3A_1892 : i32
    %sign3A_1894 = arith.extui %sign3A_1893 : i1 to i32
    %sign3A_1895 = arith.constant 0 : i32
    %sign3A_1896 = arith.cmpi slt, %jit3A_1883, %sign3A_1895 : i32
    %sign3A_1897 = arith.extui %sign3A_1896 : i1 to i32
    %sign3A_1898 = arith.subi %sign3A_1894, %sign3A_1897 : i32
    %ne3A_1899 = arith.cmpi ne, %sign3A_1891, %sign3A_1898 : i32
    %rem3A_1900 = arith.remsi %multiple_of3A, %jit3A_1883 : i32
    %ne3A_1901 = arith.constant 0 : i32
    %ne3A_1902 = arith.cmpi ne, %rem3A_1900, %ne3A_1901 : i32
    %and3A_1903 = arith.andi %ne3A_1899, %ne3A_1902 : i1
    %sub3A_1904 = arith.constant 1 : i32
    %sub3A_1905 = arith.subi %div3A_1884, %sub3A_1904 : i32
    %select_n3A_1906 = arith.select %and3A_1903, %sub3A_1905, %div3A_1884 : i32
    %add3A_1907 = arith.constant 5 : i32
    %add3A_1908 = arith.addi %select_n3A_1906, %add3A_1907 : i32
    %slice3A_1909 = vector.extract_strided_slice %get3A_1468 {offsets = [9], sizes = [1], strides = [1]} : vector<16xi32> to vector<1xi32>
    %squeeze3A_1910 = vector.extract %slice3A_1909[0] : i32 from vector<1xi32>
    %and3A_1911 = arith.constant -128 : i32
    %and3A_1912 = arith.andi %squeeze3A_1910, %and3A_1911 : i32
    %multiple_of3A_1913 = tpu.assume_multiple %and3A_1912, 128 : i32
    %dma_start3A_1914 = arith.constant 41 : i32
    %dma_start3A_1915 = arith.constant 0 : i32
    %dma_start3A_1916 = arith.constant 0 : i32
    %dma_start3A_1917 = tpu.memref_slice %arg6[%dma_start3A_1914, %dma_start3A_1915, %dma_start3A_1916] : memref<64x8x128xf32, #tpu.memory_space<vmem>> -> memref<1x8x128xf32, #tpu.memory_space<vmem>>
    %dma_start3A_1918 = tpu.memref_squeeze %dma_start3A_1917 : memref<1x8x128xf32, #tpu.memory_space<vmem>> -> memref<8x128xf32, #tpu.memory_space<vmem>>
    %dma_start3A_1919 = arith.constant 0 : i32
    %dma_start3A_1920 = tpu.memref_slice %arg2[%add3A_1908, %dma_start3A_1919, %multiple_of3A_1913] : memref<128x8x100000xf32, #tpu.memory_space<hbm>> -> memref<1x8x128xf32, #tpu.memory_space<hbm>>
    %dma_start3A_1921 = tpu.memref_squeeze %dma_start3A_1920 : memref<1x8x128xf32, #tpu.memory_space<hbm>> -> memref<8x128xf32, #tpu.memory_space<hbm>>
    %dma_start3A_1922 = arith.constant 0 : i32
    %dma_start3A_1923 = arith.constant 0 : i32
    %dma_start3A_1924 = tpu.memref_slice %arg6[%dma_start3A_1914, %dma_start3A_1922, %dma_start3A_1923] : memref<64x8x128xf32, #tpu.memory_space<vmem>> -> memref<1x8x128xf32, #tpu.memory_space<vmem>>
    %dma_start3A_1925 = tpu.memref_squeeze %dma_start3A_1924 : memref<1x8x128xf32, #tpu.memory_space<vmem>> -> memref<8x128xf32, #tpu.memory_space<vmem>>
    %dma_start3A_1926 = arith.constant 0 : i32
    %dma_start3A_1927 = tpu.memref_slice %arg2[%add3A_1908, %dma_start3A_1926, %multiple_of3A_1913] : memref<128x8x100000xf32, #tpu.memory_space<hbm>> -> memref<1x8x128xf32, #tpu.memory_space<hbm>>
    %dma_start3A_1928 = tpu.memref_squeeze %dma_start3A_1927 : memref<1x8x128xf32, #tpu.memory_space<hbm>> -> memref<8x128xf32, #tpu.memory_space<hbm>>
    tpu.enqueue_dma source(%dma_start3A_1928 : memref<8x128xf32, #tpu.memory_space<hbm>>) target(%dma_start3A_1925 : memref<8x128xf32, #tpu.memory_space<vmem>>) target_semaphore(%arg8 : memref<!tpu.dma_semaphore, #tpu.memory_space<semaphore_mem>>)
    %jit3A_1929 = arith.constant 8 : i32
    %div3A_1930 = arith.divsi %multiple_of3A, %jit3A_1929 : i32
    %sign3A_1931 = arith.constant 0 : i32
    %sign3A_1932 = arith.cmpi sgt, %multiple_of3A, %sign3A_1931 : i32
    %sign3A_1933 = arith.extui %sign3A_1932 : i1 to i32
    %sign3A_1934 = arith.constant 0 : i32
    %sign3A_1935 = arith.cmpi slt, %multiple_of3A, %sign3A_1934 : i32
    %sign3A_1936 = arith.extui %sign3A_1935 : i1 to i32
    %sign3A_1937 = arith.subi %sign3A_1933, %sign3A_1936 : i32
    %sign3A_1938 = arith.constant 0 : i32
    %sign3A_1939 = arith.cmpi sgt, %jit3A_1929, %sign3A_1938 : i32
    %sign3A_1940 = arith.extui %sign3A_1939 : i1 to i32
    %sign3A_1941 = arith.constant 0 : i32
    %sign3A_1942 = arith.cmpi slt, %jit3A_1929, %sign3A_1941 : i32
    %sign3A_1943 = arith.extui %sign3A_1942 : i1 to i32
    %sign3A_1944 = arith.subi %sign3A_1940, %sign3A_1943 : i32
    %ne3A_1945 = arith.cmpi ne, %sign3A_1937, %sign3A_1944 : i32
    %rem3A_1946 = arith.remsi %multiple_of3A, %jit3A_1929 : i32
    %ne3A_1947 = arith.constant 0 : i32
    %ne3A_1948 = arith.cmpi ne, %rem3A_1946, %ne3A_1947 : i32
    %and3A_1949 = arith.andi %ne3A_1945, %ne3A_1948 : i1
    %sub3A_1950 = arith.constant 1 : i32
    %sub3A_1951 = arith.subi %div3A_1930, %sub3A_1950 : i32
    %select_n3A_1952 = arith.select %and3A_1949, %sub3A_1951, %div3A_1930 : i32
    %add3A_1953 = arith.constant 5 : i32
    %add3A_1954 = arith.addi %select_n3A_1952, %add3A_1953 : i32
    %slice3A_1955 = vector.extract_strided_slice %get3A_1468 {offsets = [10], sizes = [1], strides = [1]} : vector<16xi32> to vector<1xi32>
    %squeeze3A_1956 = vector.extract %slice3A_1955[0] : i32 from vector<1xi32>
    %and3A_1957 = arith.constant -128 : i32
    %and3A_1958 = arith.andi %squeeze3A_1956, %and3A_1957 : i32
    %multiple_of3A_1959 = tpu.assume_multiple %and3A_1958, 128 : i32
    %dma_start3A_1960 = arith.constant 42 : i32
    %dma_start3A_1961 = arith.constant 0 : i32
    %dma_start3A_1962 = arith.constant 0 : i32
    %dma_start3A_1963 = tpu.memref_slice %arg6[%dma_start3A_1960, %dma_start3A_1961, %dma_start3A_1962] : memref<64x8x128xf32, #tpu.memory_space<vmem>> -> memref<1x8x128xf32, #tpu.memory_space<vmem>>
    %dma_start3A_1964 = tpu.memref_squeeze %dma_start3A_1963 : memref<1x8x128xf32, #tpu.memory_space<vmem>> -> memref<8x128xf32, #tpu.memory_space<vmem>>
    %dma_start3A_1965 = arith.constant 0 : i32
    %dma_start3A_1966 = tpu.memref_slice %arg2[%add3A_1954, %dma_start3A_1965, %multiple_of3A_1959] : memref<128x8x100000xf32, #tpu.memory_space<hbm>> -> memref<1x8x128xf32, #tpu.memory_space<hbm>>
    %dma_start3A_1967 = tpu.memref_squeeze %dma_start3A_1966 : memref<1x8x128xf32, #tpu.memory_space<hbm>> -> memref<8x128xf32, #tpu.memory_space<hbm>>
    %dma_start3A_1968 = arith.constant 0 : i32
    %dma_start3A_1969 = arith.constant 0 : i32
    %dma_start3A_1970 = tpu.memref_slice %arg6[%dma_start3A_1960, %dma_start3A_1968, %dma_start3A_1969] : memref<64x8x128xf32, #tpu.memory_space<vmem>> -> memref<1x8x128xf32, #tpu.memory_space<vmem>>
    %dma_start3A_1971 = tpu.memref_squeeze %dma_start3A_1970 : memref<1x8x128xf32, #tpu.memory_space<vmem>> -> memref<8x128xf32, #tpu.memory_space<vmem>>
    %dma_start3A_1972 = arith.constant 0 : i32
    %dma_start3A_1973 = tpu.memref_slice %arg2[%add3A_1954, %dma_start3A_1972, %multiple_of3A_1959] : memref<128x8x100000xf32, #tpu.memory_space<hbm>> -> memref<1x8x128xf32, #tpu.memory_space<hbm>>
    %dma_start3A_1974 = tpu.memref_squeeze %dma_start3A_1973 : memref<1x8x128xf32, #tpu.memory_space<hbm>> -> memref<8x128xf32, #tpu.memory_space<hbm>>
    tpu.enqueue_dma source(%dma_start3A_1974 : memref<8x128xf32, #tpu.memory_space<hbm>>) target(%dma_start3A_1971 : memref<8x128xf32, #tpu.memory_space<vmem>>) target_semaphore(%arg8 : memref<!tpu.dma_semaphore, #tpu.memory_space<semaphore_mem>>)
    %jit3A_1975 = arith.constant 8 : i32
    %div3A_1976 = arith.divsi %multiple_of3A, %jit3A_1975 : i32
    %sign3A_1977 = arith.constant 0 : i32
    %sign3A_1978 = arith.cmpi sgt, %multiple_of3A, %sign3A_1977 : i32
    %sign3A_1979 = arith.extui %sign3A_1978 : i1 to i32
    %sign3A_1980 = arith.constant 0 : i32
    %sign3A_1981 = arith.cmpi slt, %multiple_of3A, %sign3A_1980 : i32
    %sign3A_1982 = arith.extui %sign3A_1981 : i1 to i32
    %sign3A_1983 = arith.subi %sign3A_1979, %sign3A_1982 : i32
    %sign3A_1984 = arith.constant 0 : i32
    %sign3A_1985 = arith.cmpi sgt, %jit3A_1975, %sign3A_1984 : i32
    %sign3A_1986 = arith.extui %sign3A_1985 : i1 to i32
    %sign3A_1987 = arith.constant 0 : i32
    %sign3A_1988 = arith.cmpi slt, %jit3A_1975, %sign3A_1987 : i32
    %sign3A_1989 = arith.extui %sign3A_1988 : i1 to i32
    %sign3A_1990 = arith.subi %sign3A_1986, %sign3A_1989 : i32
    %ne3A_1991 = arith.cmpi ne, %sign3A_1983, %sign3A_1990 : i32
    %rem3A_1992 = arith.remsi %multiple_of3A, %jit3A_1975 : i32
    %ne3A_1993 = arith.constant 0 : i32
    %ne3A_1994 = arith.cmpi ne, %rem3A_1992, %ne3A_1993 : i32
    %and3A_1995 = arith.andi %ne3A_1991, %ne3A_1994 : i1
    %sub3A_1996 = arith.constant 1 : i32
    %sub3A_1997 = arith.subi %div3A_1976, %sub3A_1996 : i32
    %select_n3A_1998 = arith.select %and3A_1995, %sub3A_1997, %div3A_1976 : i32
    %add3A_1999 = arith.constant 5 : i32
    %add3A_2000 = arith.addi %select_n3A_1998, %add3A_1999 : i32
    %slice3A_2001 = vector.extract_strided_slice %get3A_1468 {offsets = [11], sizes = [1], strides = [1]} : vector<16xi32> to vector<1xi32>
    %squeeze3A_2002 = vector.extract %slice3A_2001[0] : i32 from vector<1xi32>
    %and3A_2003 = arith.constant -128 : i32
    %and3A_2004 = arith.andi %squeeze3A_2002, %and3A_2003 : i32
    %multiple_of3A_2005 = tpu.assume_multiple %and3A_2004, 128 : i32
    %dma_start3A_2006 = arith.constant 43 : i32
    %dma_start3A_2007 = arith.constant 0 : i32
    %dma_start3A_2008 = arith.constant 0 : i32
    %dma_start3A_2009 = tpu.memref_slice %arg6[%dma_start3A_2006, %dma_start3A_2007, %dma_start3A_2008] : memref<64x8x128xf32, #tpu.memory_space<vmem>> -> memref<1x8x128xf32, #tpu.memory_space<vmem>>
    %dma_start3A_2010 = tpu.memref_squeeze %dma_start3A_2009 : memref<1x8x128xf32, #tpu.memory_space<vmem>> -> memref<8x128xf32, #tpu.memory_space<vmem>>
    %dma_start3A_2011 = arith.constant 0 : i32
    %dma_start3A_2012 = tpu.memref_slice %arg2[%add3A_2000, %dma_start3A_2011, %multiple_of3A_2005] : memref<128x8x100000xf32, #tpu.memory_space<hbm>> -> memref<1x8x128xf32, #tpu.memory_space<hbm>>
    %dma_start3A_2013 = tpu.memref_squeeze %dma_start3A_2012 : memref<1x8x128xf32, #tpu.memory_space<hbm>> -> memref<8x128xf32, #tpu.memory_space<hbm>>
    %dma_start3A_2014 = arith.constant 0 : i32
    %dma_start3A_2015 = arith.constant 0 : i32
    %dma_start3A_2016 = tpu.memref_slice %arg6[%dma_start3A_2006, %dma_start3A_2014, %dma_start3A_2015] : memref<64x8x128xf32, #tpu.memory_space<vmem>> -> memref<1x8x128xf32, #tpu.memory_space<vmem>>
    %dma_start3A_2017 = tpu.memref_squeeze %dma_start3A_2016 : memref<1x8x128xf32, #tpu.memory_space<vmem>> -> memref<8x128xf32, #tpu.memory_space<vmem>>
    %dma_start3A_2018 = arith.constant 0 : i32
    %dma_start3A_2019 = tpu.memref_slice %arg2[%add3A_2000, %dma_start3A_2018, %multiple_of3A_2005] : memref<128x8x100000xf32, #tpu.memory_space<hbm>> -> memref<1x8x128xf32, #tpu.memory_space<hbm>>
    %dma_start3A_2020 = tpu.memref_squeeze %dma_start3A_2019 : memref<1x8x128xf32, #tpu.memory_space<hbm>> -> memref<8x128xf32, #tpu.memory_space<hbm>>
    tpu.enqueue_dma source(%dma_start3A_2020 : memref<8x128xf32, #tpu.memory_space<hbm>>) target(%dma_start3A_2017 : memref<8x128xf32, #tpu.memory_space<vmem>>) target_semaphore(%arg8 : memref<!tpu.dma_semaphore, #tpu.memory_space<semaphore_mem>>)
    %jit3A_2021 = arith.constant 8 : i32
    %div3A_2022 = arith.divsi %multiple_of3A, %jit3A_2021 : i32
    %sign3A_2023 = arith.constant 0 : i32
    %sign3A_2024 = arith.cmpi sgt, %multiple_of3A, %sign3A_2023 : i32
    %sign3A_2025 = arith.extui %sign3A_2024 : i1 to i32
    %sign3A_2026 = arith.constant 0 : i32
    %sign3A_2027 = arith.cmpi slt, %multiple_of3A, %sign3A_2026 : i32
    %sign3A_2028 = arith.extui %sign3A_2027 : i1 to i32
    %sign3A_2029 = arith.subi %sign3A_2025, %sign3A_2028 : i32
    %sign3A_2030 = arith.constant 0 : i32
    %sign3A_2031 = arith.cmpi sgt, %jit3A_2021, %sign3A_2030 : i32
    %sign3A_2032 = arith.extui %sign3A_2031 : i1 to i32
    %sign3A_2033 = arith.constant 0 : i32
    %sign3A_2034 = arith.cmpi slt, %jit3A_2021, %sign3A_2033 : i32
    %sign3A_2035 = arith.extui %sign3A_2034 : i1 to i32
    %sign3A_2036 = arith.subi %sign3A_2032, %sign3A_2035 : i32
    %ne3A_2037 = arith.cmpi ne, %sign3A_2029, %sign3A_2036 : i32
    %rem3A_2038 = arith.remsi %multiple_of3A, %jit3A_2021 : i32
    %ne3A_2039 = arith.constant 0 : i32
    %ne3A_2040 = arith.cmpi ne, %rem3A_2038, %ne3A_2039 : i32
    %and3A_2041 = arith.andi %ne3A_2037, %ne3A_2040 : i1
    %sub3A_2042 = arith.constant 1 : i32
    %sub3A_2043 = arith.subi %div3A_2022, %sub3A_2042 : i32
    %select_n3A_2044 = arith.select %and3A_2041, %sub3A_2043, %div3A_2022 : i32
    %add3A_2045 = arith.constant 5 : i32
    %add3A_2046 = arith.addi %select_n3A_2044, %add3A_2045 : i32
    %slice3A_2047 = vector.extract_strided_slice %get3A_1468 {offsets = [12], sizes = [1], strides = [1]} : vector<16xi32> to vector<1xi32>
    %squeeze3A_2048 = vector.extract %slice3A_2047[0] : i32 from vector<1xi32>
    %and3A_2049 = arith.constant -128 : i32
    %and3A_2050 = arith.andi %squeeze3A_2048, %and3A_2049 : i32
    %multiple_of3A_2051 = tpu.assume_multiple %and3A_2050, 128 : i32
    %dma_start3A_2052 = arith.constant 44 : i32
    %dma_start3A_2053 = arith.constant 0 : i32
    %dma_start3A_2054 = arith.constant 0 : i32
    %dma_start3A_2055 = tpu.memref_slice %arg6[%dma_start3A_2052, %dma_start3A_2053, %dma_start3A_2054] : memref<64x8x128xf32, #tpu.memory_space<vmem>> -> memref<1x8x128xf32, #tpu.memory_space<vmem>>
    %dma_start3A_2056 = tpu.memref_squeeze %dma_start3A_2055 : memref<1x8x128xf32, #tpu.memory_space<vmem>> -> memref<8x128xf32, #tpu.memory_space<vmem>>
    %dma_start3A_2057 = arith.constant 0 : i32
    %dma_start3A_2058 = tpu.memref_slice %arg2[%add3A_2046, %dma_start3A_2057, %multiple_of3A_2051] : memref<128x8x100000xf32, #tpu.memory_space<hbm>> -> memref<1x8x128xf32, #tpu.memory_space<hbm>>
    %dma_start3A_2059 = tpu.memref_squeeze %dma_start3A_2058 : memref<1x8x128xf32, #tpu.memory_space<hbm>> -> memref<8x128xf32, #tpu.memory_space<hbm>>
    %dma_start3A_2060 = arith.constant 0 : i32
    %dma_start3A_2061 = arith.constant 0 : i32
    %dma_start3A_2062 = tpu.memref_slice %arg6[%dma_start3A_2052, %dma_start3A_2060, %dma_start3A_2061] : memref<64x8x128xf32, #tpu.memory_space<vmem>> -> memref<1x8x128xf32, #tpu.memory_space<vmem>>
    %dma_start3A_2063 = tpu.memref_squeeze %dma_start3A_2062 : memref<1x8x128xf32, #tpu.memory_space<vmem>> -> memref<8x128xf32, #tpu.memory_space<vmem>>
    %dma_start3A_2064 = arith.constant 0 : i32
    %dma_start3A_2065 = tpu.memref_slice %arg2[%add3A_2046, %dma_start3A_2064, %multiple_of3A_2051] : memref<128x8x100000xf32, #tpu.memory_space<hbm>> -> memref<1x8x128xf32, #tpu.memory_space<hbm>>
    %dma_start3A_2066 = tpu.memref_squeeze %dma_start3A_2065 : memref<1x8x128xf32, #tpu.memory_space<hbm>> -> memref<8x128xf32, #tpu.memory_space<hbm>>
    tpu.enqueue_dma source(%dma_start3A_2066 : memref<8x128xf32, #tpu.memory_space<hbm>>) target(%dma_start3A_2063 : memref<8x128xf32, #tpu.memory_space<vmem>>) target_semaphore(%arg8 : memref<!tpu.dma_semaphore, #tpu.memory_space<semaphore_mem>>)
    %jit3A_2067 = arith.constant 8 : i32
    %div3A_2068 = arith.divsi %multiple_of3A, %jit3A_2067 : i32
    %sign3A_2069 = arith.constant 0 : i32
    %sign3A_2070 = arith.cmpi sgt, %multiple_of3A, %sign3A_2069 : i32
    %sign3A_2071 = arith.extui %sign3A_2070 : i1 to i32
    %sign3A_2072 = arith.constant 0 : i32
    %sign3A_2073 = arith.cmpi slt, %multiple_of3A, %sign3A_2072 : i32
    %sign3A_2074 = arith.extui %sign3A_2073 : i1 to i32
    %sign3A_2075 = arith.subi %sign3A_2071, %sign3A_2074 : i32
    %sign3A_2076 = arith.constant 0 : i32
    %sign3A_2077 = arith.cmpi sgt, %jit3A_2067, %sign3A_2076 : i32
    %sign3A_2078 = arith.extui %sign3A_2077 : i1 to i32
    %sign3A_2079 = arith.constant 0 : i32
    %sign3A_2080 = arith.cmpi slt, %jit3A_2067, %sign3A_2079 : i32
    %sign3A_2081 = arith.extui %sign3A_2080 : i1 to i32
    %sign3A_2082 = arith.subi %sign3A_2078, %sign3A_2081 : i32
    %ne3A_2083 = arith.cmpi ne, %sign3A_2075, %sign3A_2082 : i32
    %rem3A_2084 = arith.remsi %multiple_of3A, %jit3A_2067 : i32
    %ne3A_2085 = arith.constant 0 : i32
    %ne3A_2086 = arith.cmpi ne, %rem3A_2084, %ne3A_2085 : i32
    %and3A_2087 = arith.andi %ne3A_2083, %ne3A_2086 : i1
    %sub3A_2088 = arith.constant 1 : i32
    %sub3A_2089 = arith.subi %div3A_2068, %sub3A_2088 : i32
    %select_n3A_2090 = arith.select %and3A_2087, %sub3A_2089, %div3A_2068 : i32
    %add3A_2091 = arith.constant 5 : i32
    %add3A_2092 = arith.addi %select_n3A_2090, %add3A_2091 : i32
    %slice3A_2093 = vector.extract_strided_slice %get3A_1468 {offsets = [13], sizes = [1], strides = [1]} : vector<16xi32> to vector<1xi32>
    %squeeze3A_2094 = vector.extract %slice3A_2093[0] : i32 from vector<1xi32>
    %and3A_2095 = arith.constant -128 : i32
    %and3A_2096 = arith.andi %squeeze3A_2094, %and3A_2095 : i32
    %multiple_of3A_2097 = tpu.assume_multiple %and3A_2096, 128 : i32
    %dma_start3A_2098 = arith.constant 45 : i32
    %dma_start3A_2099 = arith.constant 0 : i32
    %dma_start3A_2100 = arith.constant 0 : i32
    %dma_start3A_2101 = tpu.memref_slice %arg6[%dma_start3A_2098, %dma_start3A_2099, %dma_start3A_2100] : memref<64x8x128xf32, #tpu.memory_space<vmem>> -> memref<1x8x128xf32, #tpu.memory_space<vmem>>
    %dma_start3A_2102 = tpu.memref_squeeze %dma_start3A_2101 : memref<1x8x128xf32, #tpu.memory_space<vmem>> -> memref<8x128xf32, #tpu.memory_space<vmem>>
    %dma_start3A_2103 = arith.constant 0 : i32
    %dma_start3A_2104 = tpu.memref_slice %arg2[%add3A_2092, %dma_start3A_2103, %multiple_of3A_2097] : memref<128x8x100000xf32, #tpu.memory_space<hbm>> -> memref<1x8x128xf32, #tpu.memory_space<hbm>>
    %dma_start3A_2105 = tpu.memref_squeeze %dma_start3A_2104 : memref<1x8x128xf32, #tpu.memory_space<hbm>> -> memref<8x128xf32, #tpu.memory_space<hbm>>
    %dma_start3A_2106 = arith.constant 0 : i32
    %dma_start3A_2107 = arith.constant 0 : i32
    %dma_start3A_2108 = tpu.memref_slice %arg6[%dma_start3A_2098, %dma_start3A_2106, %dma_start3A_2107] : memref<64x8x128xf32, #tpu.memory_space<vmem>> -> memref<1x8x128xf32, #tpu.memory_space<vmem>>
    %dma_start3A_2109 = tpu.memref_squeeze %dma_start3A_2108 : memref<1x8x128xf32, #tpu.memory_space<vmem>> -> memref<8x128xf32, #tpu.memory_space<vmem>>
    %dma_start3A_2110 = arith.constant 0 : i32
    %dma_start3A_2111 = tpu.memref_slice %arg2[%add3A_2092, %dma_start3A_2110, %multiple_of3A_2097] : memref<128x8x100000xf32, #tpu.memory_space<hbm>> -> memref<1x8x128xf32, #tpu.memory_space<hbm>>
    %dma_start3A_2112 = tpu.memref_squeeze %dma_start3A_2111 : memref<1x8x128xf32, #tpu.memory_space<hbm>> -> memref<8x128xf32, #tpu.memory_space<hbm>>
    tpu.enqueue_dma source(%dma_start3A_2112 : memref<8x128xf32, #tpu.memory_space<hbm>>) target(%dma_start3A_2109 : memref<8x128xf32, #tpu.memory_space<vmem>>) target_semaphore(%arg8 : memref<!tpu.dma_semaphore, #tpu.memory_space<semaphore_mem>>)
    %jit3A_2113 = arith.constant 8 : i32
    %div3A_2114 = arith.divsi %multiple_of3A, %jit3A_2113 : i32
    %sign3A_2115 = arith.constant 0 : i32
    %sign3A_2116 = arith.cmpi sgt, %multiple_of3A, %sign3A_2115 : i32
    %sign3A_2117 = arith.extui %sign3A_2116 : i1 to i32
    %sign3A_2118 = arith.constant 0 : i32
    %sign3A_2119 = arith.cmpi slt, %multiple_of3A, %sign3A_2118 : i32
    %sign3A_2120 = arith.extui %sign3A_2119 : i1 to i32
    %sign3A_2121 = arith.subi %sign3A_2117, %sign3A_2120 : i32
    %sign3A_2122 = arith.constant 0 : i32
    %sign3A_2123 = arith.cmpi sgt, %jit3A_2113, %sign3A_2122 : i32
    %sign3A_2124 = arith.extui %sign3A_2123 : i1 to i32
    %sign3A_2125 = arith.constant 0 : i32
    %sign3A_2126 = arith.cmpi slt, %jit3A_2113, %sign3A_2125 : i32
    %sign3A_2127 = arith.extui %sign3A_2126 : i1 to i32
    %sign3A_2128 = arith.subi %sign3A_2124, %sign3A_2127 : i32
    %ne3A_2129 = arith.cmpi ne, %sign3A_2121, %sign3A_2128 : i32
    %rem3A_2130 = arith.remsi %multiple_of3A, %jit3A_2113 : i32
    %ne3A_2131 = arith.constant 0 : i32
    %ne3A_2132 = arith.cmpi ne, %rem3A_2130, %ne3A_2131 : i32
    %and3A_2133 = arith.andi %ne3A_2129, %ne3A_2132 : i1
    %sub3A_2134 = arith.constant 1 : i32
    %sub3A_2135 = arith.subi %div3A_2114, %sub3A_2134 : i32
    %select_n3A_2136 = arith.select %and3A_2133, %sub3A_2135, %div3A_2114 : i32
    %add3A_2137 = arith.constant 5 : i32
    %add3A_2138 = arith.addi %select_n3A_2136, %add3A_2137 : i32
    %slice3A_2139 = vector.extract_strided_slice %get3A_1468 {offsets = [14], sizes = [1], strides = [1]} : vector<16xi32> to vector<1xi32>
    %squeeze3A_2140 = vector.extract %slice3A_2139[0] : i32 from vector<1xi32>
    %and3A_2141 = arith.constant -128 : i32
    %and3A_2142 = arith.andi %squeeze3A_2140, %and3A_2141 : i32
    %multiple_of3A_2143 = tpu.assume_multiple %and3A_2142, 128 : i32
    %dma_start3A_2144 = arith.constant 46 : i32
    %dma_start3A_2145 = arith.constant 0 : i32
    %dma_start3A_2146 = arith.constant 0 : i32
    %dma_start3A_2147 = tpu.memref_slice %arg6[%dma_start3A_2144, %dma_start3A_2145, %dma_start3A_2146] : memref<64x8x128xf32, #tpu.memory_space<vmem>> -> memref<1x8x128xf32, #tpu.memory_space<vmem>>
    %dma_start3A_2148 = tpu.memref_squeeze %dma_start3A_2147 : memref<1x8x128xf32, #tpu.memory_space<vmem>> -> memref<8x128xf32, #tpu.memory_space<vmem>>
    %dma_start3A_2149 = arith.constant 0 : i32
    %dma_start3A_2150 = tpu.memref_slice %arg2[%add3A_2138, %dma_start3A_2149, %multiple_of3A_2143] : memref<128x8x100000xf32, #tpu.memory_space<hbm>> -> memref<1x8x128xf32, #tpu.memory_space<hbm>>
    %dma_start3A_2151 = tpu.memref_squeeze %dma_start3A_2150 : memref<1x8x128xf32, #tpu.memory_space<hbm>> -> memref<8x128xf32, #tpu.memory_space<hbm>>
    %dma_start3A_2152 = arith.constant 0 : i32
    %dma_start3A_2153 = arith.constant 0 : i32
    %dma_start3A_2154 = tpu.memref_slice %arg6[%dma_start3A_2144, %dma_start3A_2152, %dma_start3A_2153] : memref<64x8x128xf32, #tpu.memory_space<vmem>> -> memref<1x8x128xf32, #tpu.memory_space<vmem>>
    %dma_start3A_2155 = tpu.memref_squeeze %dma_start3A_2154 : memref<1x8x128xf32, #tpu.memory_space<vmem>> -> memref<8x128xf32, #tpu.memory_space<vmem>>
    %dma_start3A_2156 = arith.constant 0 : i32
    %dma_start3A_2157 = tpu.memref_slice %arg2[%add3A_2138, %dma_start3A_2156, %multiple_of3A_2143] : memref<128x8x100000xf32, #tpu.memory_space<hbm>> -> memref<1x8x128xf32, #tpu.memory_space<hbm>>
    %dma_start3A_2158 = tpu.memref_squeeze %dma_start3A_2157 : memref<1x8x128xf32, #tpu.memory_space<hbm>> -> memref<8x128xf32, #tpu.memory_space<hbm>>
    tpu.enqueue_dma source(%dma_start3A_2158 : memref<8x128xf32, #tpu.memory_space<hbm>>) target(%dma_start3A_2155 : memref<8x128xf32, #tpu.memory_space<vmem>>) target_semaphore(%arg8 : memref<!tpu.dma_semaphore, #tpu.memory_space<semaphore_mem>>)
    %jit3A_2159 = arith.constant 8 : i32
    %div3A_2160 = arith.divsi %multiple_of3A, %jit3A_2159 : i32
    %sign3A_2161 = arith.constant 0 : i32
    %sign3A_2162 = arith.cmpi sgt, %multiple_of3A, %sign3A_2161 : i32
    %sign3A_2163 = arith.extui %sign3A_2162 : i1 to i32
    %sign3A_2164 = arith.constant 0 : i32
    %sign3A_2165 = arith.cmpi slt, %multiple_of3A, %sign3A_2164 : i32
    %sign3A_2166 = arith.extui %sign3A_2165 : i1 to i32
    %sign3A_2167 = arith.subi %sign3A_2163, %sign3A_2166 : i32
    %sign3A_2168 = arith.constant 0 : i32
    %sign3A_2169 = arith.cmpi sgt, %jit3A_2159, %sign3A_2168 : i32
    %sign3A_2170 = arith.extui %sign3A_2169 : i1 to i32
    %sign3A_2171 = arith.constant 0 : i32
    %sign3A_2172 = arith.cmpi slt, %jit3A_2159, %sign3A_2171 : i32
    %sign3A_2173 = arith.extui %sign3A_2172 : i1 to i32
    %sign3A_2174 = arith.subi %sign3A_2170, %sign3A_2173 : i32
    %ne3A_2175 = arith.cmpi ne, %sign3A_2167, %sign3A_2174 : i32
    %rem3A_2176 = arith.remsi %multiple_of3A, %jit3A_2159 : i32
    %ne3A_2177 = arith.constant 0 : i32
    %ne3A_2178 = arith.cmpi ne, %rem3A_2176, %ne3A_2177 : i32
    %and3A_2179 = arith.andi %ne3A_2175, %ne3A_2178 : i1
    %sub3A_2180 = arith.constant 1 : i32
    %sub3A_2181 = arith.subi %div3A_2160, %sub3A_2180 : i32
    %select_n3A_2182 = arith.select %and3A_2179, %sub3A_2181, %div3A_2160 : i32
    %add3A_2183 = arith.constant 5 : i32
    %add3A_2184 = arith.addi %select_n3A_2182, %add3A_2183 : i32
    %slice3A_2185 = vector.extract_strided_slice %get3A_1468 {offsets = [15], sizes = [1], strides = [1]} : vector<16xi32> to vector<1xi32>
    %squeeze3A_2186 = vector.extract %slice3A_2185[0] : i32 from vector<1xi32>
    %and3A_2187 = arith.constant -128 : i32
    %and3A_2188 = arith.andi %squeeze3A_2186, %and3A_2187 : i32
    %multiple_of3A_2189 = tpu.assume_multiple %and3A_2188, 128 : i32
    %dma_start3A_2190 = arith.constant 47 : i32
    %dma_start3A_2191 = arith.constant 0 : i32
    %dma_start3A_2192 = arith.constant 0 : i32
    %dma_start3A_2193 = tpu.memref_slice %arg6[%dma_start3A_2190, %dma_start3A_2191, %dma_start3A_2192] : memref<64x8x128xf32, #tpu.memory_space<vmem>> -> memref<1x8x128xf32, #tpu.memory_space<vmem>>
    %dma_start3A_2194 = tpu.memref_squeeze %dma_start3A_2193 : memref<1x8x128xf32, #tpu.memory_space<vmem>> -> memref<8x128xf32, #tpu.memory_space<vmem>>
    %dma_start3A_2195 = arith.constant 0 : i32
    %dma_start3A_2196 = tpu.memref_slice %arg2[%add3A_2184, %dma_start3A_2195, %multiple_of3A_2189] : memref<128x8x100000xf32, #tpu.memory_space<hbm>> -> memref<1x8x128xf32, #tpu.memory_space<hbm>>
    %dma_start3A_2197 = tpu.memref_squeeze %dma_start3A_2196 : memref<1x8x128xf32, #tpu.memory_space<hbm>> -> memref<8x128xf32, #tpu.memory_space<hbm>>
    %dma_start3A_2198 = arith.constant 0 : i32
    %dma_start3A_2199 = arith.constant 0 : i32
    %dma_start3A_2200 = tpu.memref_slice %arg6[%dma_start3A_2190, %dma_start3A_2198, %dma_start3A_2199] : memref<64x8x128xf32, #tpu.memory_space<vmem>> -> memref<1x8x128xf32, #tpu.memory_space<vmem>>
    %dma_start3A_2201 = tpu.memref_squeeze %dma_start3A_2200 : memref<1x8x128xf32, #tpu.memory_space<vmem>> -> memref<8x128xf32, #tpu.memory_space<vmem>>
    %dma_start3A_2202 = arith.constant 0 : i32
    %dma_start3A_2203 = tpu.memref_slice %arg2[%add3A_2184, %dma_start3A_2202, %multiple_of3A_2189] : memref<128x8x100000xf32, #tpu.memory_space<hbm>> -> memref<1x8x128xf32, #tpu.memory_space<hbm>>
    %dma_start3A_2204 = tpu.memref_squeeze %dma_start3A_2203 : memref<1x8x128xf32, #tpu.memory_space<hbm>> -> memref<8x128xf32, #tpu.memory_space<hbm>>
    tpu.enqueue_dma source(%dma_start3A_2204 : memref<8x128xf32, #tpu.memory_space<hbm>>) target(%dma_start3A_2201 : memref<8x128xf32, #tpu.memory_space<vmem>>) target_semaphore(%arg8 : memref<!tpu.dma_semaphore, #tpu.memory_space<semaphore_mem>>)
    %get3A_2205 = arith.constant 48 : index
    %get3A_2206 = tpu.vector_load %arg5[%get3A_2205] {strides = array<i32>} : memref<64xi32, #tpu.memory_space<vmem>>, vector<16xi32>,
    %jit3A_2207 = arith.constant 8 : i32
    %div3A_2208 = arith.divsi %multiple_of3A, %jit3A_2207 : i32
    %sign3A_2209 = arith.constant 0 : i32
    %sign3A_2210 = arith.cmpi sgt, %multiple_of3A, %sign3A_2209 : i32
    %sign3A_2211 = arith.extui %sign3A_2210 : i1 to i32
    %sign3A_2212 = arith.constant 0 : i32
    %sign3A_2213 = arith.cmpi slt, %multiple_of3A, %sign3A_2212 : i32
    %sign3A_2214 = arith.extui %sign3A_2213 : i1 to i32
    %sign3A_2215 = arith.subi %sign3A_2211, %sign3A_2214 : i32
    %sign3A_2216 = arith.constant 0 : i32
    %sign3A_2217 = arith.cmpi sgt, %jit3A_2207, %sign3A_2216 : i32
    %sign3A_2218 = arith.extui %sign3A_2217 : i1 to i32
    %sign3A_2219 = arith.constant 0 : i32
    %sign3A_2220 = arith.cmpi slt, %jit3A_2207, %sign3A_2219 : i32
    %sign3A_2221 = arith.extui %sign3A_2220 : i1 to i32
    %sign3A_2222 = arith.subi %sign3A_2218, %sign3A_2221 : i32
    %ne3A_2223 = arith.cmpi ne, %sign3A_2215, %sign3A_2222 : i32
    %rem3A_2224 = arith.remsi %multiple_of3A, %jit3A_2207 : i32
    %ne3A_2225 = arith.constant 0 : i32
    %ne3A_2226 = arith.cmpi ne, %rem3A_2224, %ne3A_2225 : i32
    %and3A_2227 = arith.andi %ne3A_2223, %ne3A_2226 : i1
    %sub3A_2228 = arith.constant 1 : i32
    %sub3A_2229 = arith.subi %div3A_2208, %sub3A_2228 : i32
    %select_n3A_2230 = arith.select %and3A_2227, %sub3A_2229, %div3A_2208 : i32
    %add3A_2231 = arith.constant 6 : i32
    %add3A_2232 = arith.addi %select_n3A_2230, %add3A_2231 : i32
    %slice3A_2233 = vector.extract_strided_slice %get3A_2206 {offsets = [0], sizes = [1], strides = [1]} : vector<16xi32> to vector<1xi32>
    %squeeze3A_2234 = vector.extract %slice3A_2233[0] : i32 from vector<1xi32>
    %and3A_2235 = arith.constant -128 : i32
    %and3A_2236 = arith.andi %squeeze3A_2234, %and3A_2235 : i32
    %multiple_of3A_2237 = tpu.assume_multiple %and3A_2236, 128 : i32
    %dma_start3A_2238 = arith.constant 48 : i32
    %dma_start3A_2239 = arith.constant 0 : i32
    %dma_start3A_2240 = arith.constant 0 : i32
    %dma_start3A_2241 = tpu.memref_slice %arg6[%dma_start3A_2238, %dma_start3A_2239, %dma_start3A_2240] : memref<64x8x128xf32, #tpu.memory_space<vmem>> -> memref<1x8x128xf32, #tpu.memory_space<vmem>>
    %dma_start3A_2242 = tpu.memref_squeeze %dma_start3A_2241 : memref<1x8x128xf32, #tpu.memory_space<vmem>> -> memref<8x128xf32, #tpu.memory_space<vmem>>
    %dma_start3A_2243 = arith.constant 0 : i32
    %dma_start3A_2244 = tpu.memref_slice %arg2[%add3A_2232, %dma_start3A_2243, %multiple_of3A_2237] : memref<128x8x100000xf32, #tpu.memory_space<hbm>> -> memref<1x8x128xf32, #tpu.memory_space<hbm>>
    %dma_start3A_2245 = tpu.memref_squeeze %dma_start3A_2244 : memref<1x8x128xf32, #tpu.memory_space<hbm>> -> memref<8x128xf32, #tpu.memory_space<hbm>>
    %dma_start3A_2246 = arith.constant 0 : i32
    %dma_start3A_2247 = arith.constant 0 : i32
    %dma_start3A_2248 = tpu.memref_slice %arg6[%dma_start3A_2238, %dma_start3A_2246, %dma_start3A_2247] : memref<64x8x128xf32, #tpu.memory_space<vmem>> -> memref<1x8x128xf32, #tpu.memory_space<vmem>>
    %dma_start3A_2249 = tpu.memref_squeeze %dma_start3A_2248 : memref<1x8x128xf32, #tpu.memory_space<vmem>> -> memref<8x128xf32, #tpu.memory_space<vmem>>
    %dma_start3A_2250 = arith.constant 0 : i32
    %dma_start3A_2251 = tpu.memref_slice %arg2[%add3A_2232, %dma_start3A_2250, %multiple_of3A_2237] : memref<128x8x100000xf32, #tpu.memory_space<hbm>> -> memref<1x8x128xf32, #tpu.memory_space<hbm>>
    %dma_start3A_2252 = tpu.memref_squeeze %dma_start3A_2251 : memref<1x8x128xf32, #tpu.memory_space<hbm>> -> memref<8x128xf32, #tpu.memory_space<hbm>>
    tpu.enqueue_dma source(%dma_start3A_2252 : memref<8x128xf32, #tpu.memory_space<hbm>>) target(%dma_start3A_2249 : memref<8x128xf32, #tpu.memory_space<vmem>>) target_semaphore(%arg8 : memref<!tpu.dma_semaphore, #tpu.memory_space<semaphore_mem>>)
    %jit3A_2253 = arith.constant 8 : i32
    %div3A_2254 = arith.divsi %multiple_of3A, %jit3A_2253 : i32
    %sign3A_2255 = arith.constant 0 : i32
    %sign3A_2256 = arith.cmpi sgt, %multiple_of3A, %sign3A_2255 : i32
    %sign3A_2257 = arith.extui %sign3A_2256 : i1 to i32
    %sign3A_2258 = arith.constant 0 : i32
    %sign3A_2259 = arith.cmpi slt, %multiple_of3A, %sign3A_2258 : i32
    %sign3A_2260 = arith.extui %sign3A_2259 : i1 to i32
    %sign3A_2261 = arith.subi %sign3A_2257, %sign3A_2260 : i32
    %sign3A_2262 = arith.constant 0 : i32
    %sign3A_2263 = arith.cmpi sgt, %jit3A_2253, %sign3A_2262 : i32
    %sign3A_2264 = arith.extui %sign3A_2263 : i1 to i32
    %sign3A_2265 = arith.constant 0 : i32
    %sign3A_2266 = arith.cmpi slt, %jit3A_2253, %sign3A_2265 : i32
    %sign3A_2267 = arith.extui %sign3A_2266 : i1 to i32
    %sign3A_2268 = arith.subi %sign3A_2264, %sign3A_2267 : i32
    %ne3A_2269 = arith.cmpi ne, %sign3A_2261, %sign3A_2268 : i32
    %rem3A_2270 = arith.remsi %multiple_of3A, %jit3A_2253 : i32
    %ne3A_2271 = arith.constant 0 : i32
    %ne3A_2272 = arith.cmpi ne, %rem3A_2270, %ne3A_2271 : i32
    %and3A_2273 = arith.andi %ne3A_2269, %ne3A_2272 : i1
    %sub3A_2274 = arith.constant 1 : i32
    %sub3A_2275 = arith.subi %div3A_2254, %sub3A_2274 : i32
    %select_n3A_2276 = arith.select %and3A_2273, %sub3A_2275, %div3A_2254 : i32
    %add3A_2277 = arith.constant 6 : i32
    %add3A_2278 = arith.addi %select_n3A_2276, %add3A_2277 : i32
    %slice3A_2279 = vector.extract_strided_slice %get3A_2206 {offsets = [1], sizes = [1], strides = [1]} : vector<16xi32> to vector<1xi32>
    %squeeze3A_2280 = vector.extract %slice3A_2279[0] : i32 from vector<1xi32>
    %and3A_2281 = arith.constant -128 : i32
    %and3A_2282 = arith.andi %squeeze3A_2280, %and3A_2281 : i32
    %multiple_of3A_2283 = tpu.assume_multiple %and3A_2282, 128 : i32
    %dma_start3A_2284 = arith.constant 49 : i32
    %dma_start3A_2285 = arith.constant 0 : i32
    %dma_start3A_2286 = arith.constant 0 : i32
    %dma_start3A_2287 = tpu.memref_slice %arg6[%dma_start3A_2284, %dma_start3A_2285, %dma_start3A_2286] : memref<64x8x128xf32, #tpu.memory_space<vmem>> -> memref<1x8x128xf32, #tpu.memory_space<vmem>>
    %dma_start3A_2288 = tpu.memref_squeeze %dma_start3A_2287 : memref<1x8x128xf32, #tpu.memory_space<vmem>> -> memref<8x128xf32, #tpu.memory_space<vmem>>
    %dma_start3A_2289 = arith.constant 0 : i32
    %dma_start3A_2290 = tpu.memref_slice %arg2[%add3A_2278, %dma_start3A_2289, %multiple_of3A_2283] : memref<128x8x100000xf32, #tpu.memory_space<hbm>> -> memref<1x8x128xf32, #tpu.memory_space<hbm>>
    %dma_start3A_2291 = tpu.memref_squeeze %dma_start3A_2290 : memref<1x8x128xf32, #tpu.memory_space<hbm>> -> memref<8x128xf32, #tpu.memory_space<hbm>>
    %dma_start3A_2292 = arith.constant 0 : i32
    %dma_start3A_2293 = arith.constant 0 : i32
    %dma_start3A_2294 = tpu.memref_slice %arg6[%dma_start3A_2284, %dma_start3A_2292, %dma_start3A_2293] : memref<64x8x128xf32, #tpu.memory_space<vmem>> -> memref<1x8x128xf32, #tpu.memory_space<vmem>>
    %dma_start3A_2295 = tpu.memref_squeeze %dma_start3A_2294 : memref<1x8x128xf32, #tpu.memory_space<vmem>> -> memref<8x128xf32, #tpu.memory_space<vmem>>
    %dma_start3A_2296 = arith.constant 0 : i32
    %dma_start3A_2297 = tpu.memref_slice %arg2[%add3A_2278, %dma_start3A_2296, %multiple_of3A_2283] : memref<128x8x100000xf32, #tpu.memory_space<hbm>> -> memref<1x8x128xf32, #tpu.memory_space<hbm>>
    %dma_start3A_2298 = tpu.memref_squeeze %dma_start3A_2297 : memref<1x8x128xf32, #tpu.memory_space<hbm>> -> memref<8x128xf32, #tpu.memory_space<hbm>>
    tpu.enqueue_dma source(%dma_start3A_2298 : memref<8x128xf32, #tpu.memory_space<hbm>>) target(%dma_start3A_2295 : memref<8x128xf32, #tpu.memory_space<vmem>>) target_semaphore(%arg8 : memref<!tpu.dma_semaphore, #tpu.memory_space<semaphore_mem>>)
    %jit3A_2299 = arith.constant 8 : i32
    %div3A_2300 = arith.divsi %multiple_of3A, %jit3A_2299 : i32
    %sign3A_2301 = arith.constant 0 : i32
    %sign3A_2302 = arith.cmpi sgt, %multiple_of3A, %sign3A_2301 : i32
    %sign3A_2303 = arith.extui %sign3A_2302 : i1 to i32
    %sign3A_2304 = arith.constant 0 : i32
    %sign3A_2305 = arith.cmpi slt, %multiple_of3A, %sign3A_2304 : i32
    %sign3A_2306 = arith.extui %sign3A_2305 : i1 to i32
    %sign3A_2307 = arith.subi %sign3A_2303, %sign3A_2306 : i32
    %sign3A_2308 = arith.constant 0 : i32
    %sign3A_2309 = arith.cmpi sgt, %jit3A_2299, %sign3A_2308 : i32
    %sign3A_2310 = arith.extui %sign3A_2309 : i1 to i32
    %sign3A_2311 = arith.constant 0 : i32
    %sign3A_2312 = arith.cmpi slt, %jit3A_2299, %sign3A_2311 : i32
    %sign3A_2313 = arith.extui %sign3A_2312 : i1 to i32
    %sign3A_2314 = arith.subi %sign3A_2310, %sign3A_2313 : i32
    %ne3A_2315 = arith.cmpi ne, %sign3A_2307, %sign3A_2314 : i32
    %rem3A_2316 = arith.remsi %multiple_of3A, %jit3A_2299 : i32
    %ne3A_2317 = arith.constant 0 : i32
    %ne3A_2318 = arith.cmpi ne, %rem3A_2316, %ne3A_2317 : i32
    %and3A_2319 = arith.andi %ne3A_2315, %ne3A_2318 : i1
    %sub3A_2320 = arith.constant 1 : i32
    %sub3A_2321 = arith.subi %div3A_2300, %sub3A_2320 : i32
    %select_n3A_2322 = arith.select %and3A_2319, %sub3A_2321, %div3A_2300 : i32
    %add3A_2323 = arith.constant 6 : i32
    %add3A_2324 = arith.addi %select_n3A_2322, %add3A_2323 : i32
    %slice3A_2325 = vector.extract_strided_slice %get3A_2206 {offsets = [2], sizes = [1], strides = [1]} : vector<16xi32> to vector<1xi32>
    %squeeze3A_2326 = vector.extract %slice3A_2325[0] : i32 from vector<1xi32>
    %and3A_2327 = arith.constant -128 : i32
    %and3A_2328 = arith.andi %squeeze3A_2326, %and3A_2327 : i32
    %multiple_of3A_2329 = tpu.assume_multiple %and3A_2328, 128 : i32
    %dma_start3A_2330 = arith.constant 50 : i32
    %dma_start3A_2331 = arith.constant 0 : i32
    %dma_start3A_2332 = arith.constant 0 : i32
    %dma_start3A_2333 = tpu.memref_slice %arg6[%dma_start3A_2330, %dma_start3A_2331, %dma_start3A_2332] : memref<64x8x128xf32, #tpu.memory_space<vmem>> -> memref<1x8x128xf32, #tpu.memory_space<vmem>>
    %dma_start3A_2334 = tpu.memref_squeeze %dma_start3A_2333 : memref<1x8x128xf32, #tpu.memory_space<vmem>> -> memref<8x128xf32, #tpu.memory_space<vmem>>
    %dma_start3A_2335 = arith.constant 0 : i32
    %dma_start3A_2336 = tpu.memref_slice %arg2[%add3A_2324, %dma_start3A_2335, %multiple_of3A_2329] : memref<128x8x100000xf32, #tpu.memory_space<hbm>> -> memref<1x8x128xf32, #tpu.memory_space<hbm>>
    %dma_start3A_2337 = tpu.memref_squeeze %dma_start3A_2336 : memref<1x8x128xf32, #tpu.memory_space<hbm>> -> memref<8x128xf32, #tpu.memory_space<hbm>>
    %dma_start3A_2338 = arith.constant 0 : i32
    %dma_start3A_2339 = arith.constant 0 : i32
    %dma_start3A_2340 = tpu.memref_slice %arg6[%dma_start3A_2330, %dma_start3A_2338, %dma_start3A_2339] : memref<64x8x128xf32, #tpu.memory_space<vmem>> -> memref<1x8x128xf32, #tpu.memory_space<vmem>>
    %dma_start3A_2341 = tpu.memref_squeeze %dma_start3A_2340 : memref<1x8x128xf32, #tpu.memory_space<vmem>> -> memref<8x128xf32, #tpu.memory_space<vmem>>
    %dma_start3A_2342 = arith.constant 0 : i32
    %dma_start3A_2343 = tpu.memref_slice %arg2[%add3A_2324, %dma_start3A_2342, %multiple_of3A_2329] : memref<128x8x100000xf32, #tpu.memory_space<hbm>> -> memref<1x8x128xf32, #tpu.memory_space<hbm>>
    %dma_start3A_2344 = tpu.memref_squeeze %dma_start3A_2343 : memref<1x8x128xf32, #tpu.memory_space<hbm>> -> memref<8x128xf32, #tpu.memory_space<hbm>>
    tpu.enqueue_dma source(%dma_start3A_2344 : memref<8x128xf32, #tpu.memory_space<hbm>>) target(%dma_start3A_2341 : memref<8x128xf32, #tpu.memory_space<vmem>>) target_semaphore(%arg8 : memref<!tpu.dma_semaphore, #tpu.memory_space<semaphore_mem>>)
    %jit3A_2345 = arith.constant 8 : i32
    %div3A_2346 = arith.divsi %multiple_of3A, %jit3A_2345 : i32
    %sign3A_2347 = arith.constant 0 : i32
    %sign3A_2348 = arith.cmpi sgt, %multiple_of3A, %sign3A_2347 : i32
    %sign3A_2349 = arith.extui %sign3A_2348 : i1 to i32
    %sign3A_2350 = arith.constant 0 : i32
    %sign3A_2351 = arith.cmpi slt, %multiple_of3A, %sign3A_2350 : i32
    %sign3A_2352 = arith.extui %sign3A_2351 : i1 to i32
    %sign3A_2353 = arith.subi %sign3A_2349, %sign3A_2352 : i32
    %sign3A_2354 = arith.constant 0 : i32
    %sign3A_2355 = arith.cmpi sgt, %jit3A_2345, %sign3A_2354 : i32
    %sign3A_2356 = arith.extui %sign3A_2355 : i1 to i32
    %sign3A_2357 = arith.constant 0 : i32
    %sign3A_2358 = arith.cmpi slt, %jit3A_2345, %sign3A_2357 : i32
    %sign3A_2359 = arith.extui %sign3A_2358 : i1 to i32
    %sign3A_2360 = arith.subi %sign3A_2356, %sign3A_2359 : i32
    %ne3A_2361 = arith.cmpi ne, %sign3A_2353, %sign3A_2360 : i32
    %rem3A_2362 = arith.remsi %multiple_of3A, %jit3A_2345 : i32
    %ne3A_2363 = arith.constant 0 : i32
    %ne3A_2364 = arith.cmpi ne, %rem3A_2362, %ne3A_2363 : i32
    %and3A_2365 = arith.andi %ne3A_2361, %ne3A_2364 : i1
    %sub3A_2366 = arith.constant 1 : i32
    %sub3A_2367 = arith.subi %div3A_2346, %sub3A_2366 : i32
    %select_n3A_2368 = arith.select %and3A_2365, %sub3A_2367, %div3A_2346 : i32
    %add3A_2369 = arith.constant 6 : i32
    %add3A_2370 = arith.addi %select_n3A_2368, %add3A_2369 : i32
    %slice3A_2371 = vector.extract_strided_slice %get3A_2206 {offsets = [3], sizes = [1], strides = [1]} : vector<16xi32> to vector<1xi32>
    %squeeze3A_2372 = vector.extract %slice3A_2371[0] : i32 from vector<1xi32>
    %and3A_2373 = arith.constant -128 : i32
    %and3A_2374 = arith.andi %squeeze3A_2372, %and3A_2373 : i32
    %multiple_of3A_2375 = tpu.assume_multiple %and3A_2374, 128 : i32
    %dma_start3A_2376 = arith.constant 51 : i32
    %dma_start3A_2377 = arith.constant 0 : i32
    %dma_start3A_2378 = arith.constant 0 : i32
    %dma_start3A_2379 = tpu.memref_slice %arg6[%dma_start3A_2376, %dma_start3A_2377, %dma_start3A_2378] : memref<64x8x128xf32, #tpu.memory_space<vmem>> -> memref<1x8x128xf32, #tpu.memory_space<vmem>>
    %dma_start3A_2380 = tpu.memref_squeeze %dma_start3A_2379 : memref<1x8x128xf32, #tpu.memory_space<vmem>> -> memref<8x128xf32, #tpu.memory_space<vmem>>
    %dma_start3A_2381 = arith.constant 0 : i32
    %dma_start3A_2382 = tpu.memref_slice %arg2[%add3A_2370, %dma_start3A_2381, %multiple_of3A_2375] : memref<128x8x100000xf32, #tpu.memory_space<hbm>> -> memref<1x8x128xf32, #tpu.memory_space<hbm>>
    %dma_start3A_2383 = tpu.memref_squeeze %dma_start3A_2382 : memref<1x8x128xf32, #tpu.memory_space<hbm>> -> memref<8x128xf32, #tpu.memory_space<hbm>>
    %dma_start3A_2384 = arith.constant 0 : i32
    %dma_start3A_2385 = arith.constant 0 : i32
    %dma_start3A_2386 = tpu.memref_slice %arg6[%dma_start3A_2376, %dma_start3A_2384, %dma_start3A_2385] : memref<64x8x128xf32, #tpu.memory_space<vmem>> -> memref<1x8x128xf32, #tpu.memory_space<vmem>>
    %dma_start3A_2387 = tpu.memref_squeeze %dma_start3A_2386 : memref<1x8x128xf32, #tpu.memory_space<vmem>> -> memref<8x128xf32, #tpu.memory_space<vmem>>
    %dma_start3A_2388 = arith.constant 0 : i32
    %dma_start3A_2389 = tpu.memref_slice %arg2[%add3A_2370, %dma_start3A_2388, %multiple_of3A_2375] : memref<128x8x100000xf32, #tpu.memory_space<hbm>> -> memref<1x8x128xf32, #tpu.memory_space<hbm>>
    %dma_start3A_2390 = tpu.memref_squeeze %dma_start3A_2389 : memref<1x8x128xf32, #tpu.memory_space<hbm>> -> memref<8x128xf32, #tpu.memory_space<hbm>>
    tpu.enqueue_dma source(%dma_start3A_2390 : memref<8x128xf32, #tpu.memory_space<hbm>>) target(%dma_start3A_2387 : memref<8x128xf32, #tpu.memory_space<vmem>>) target_semaphore(%arg8 : memref<!tpu.dma_semaphore, #tpu.memory_space<semaphore_mem>>)
    %jit3A_2391 = arith.constant 8 : i32
    %div3A_2392 = arith.divsi %multiple_of3A, %jit3A_2391 : i32
    %sign3A_2393 = arith.constant 0 : i32
    %sign3A_2394 = arith.cmpi sgt, %multiple_of3A, %sign3A_2393 : i32
    %sign3A_2395 = arith.extui %sign3A_2394 : i1 to i32
    %sign3A_2396 = arith.constant 0 : i32
    %sign3A_2397 = arith.cmpi slt, %multiple_of3A, %sign3A_2396 : i32
    %sign3A_2398 = arith.extui %sign3A_2397 : i1 to i32
    %sign3A_2399 = arith.subi %sign3A_2395, %sign3A_2398 : i32
    %sign3A_2400 = arith.constant 0 : i32
    %sign3A_2401 = arith.cmpi sgt, %jit3A_2391, %sign3A_2400 : i32
    %sign3A_2402 = arith.extui %sign3A_2401 : i1 to i32
    %sign3A_2403 = arith.constant 0 : i32
    %sign3A_2404 = arith.cmpi slt, %jit3A_2391, %sign3A_2403 : i32
    %sign3A_2405 = arith.extui %sign3A_2404 : i1 to i32
    %sign3A_2406 = arith.subi %sign3A_2402, %sign3A_2405 : i32
    %ne3A_2407 = arith.cmpi ne, %sign3A_2399, %sign3A_2406 : i32
    %rem3A_2408 = arith.remsi %multiple_of3A, %jit3A_2391 : i32
    %ne3A_2409 = arith.constant 0 : i32
    %ne3A_2410 = arith.cmpi ne, %rem3A_2408, %ne3A_2409 : i32
    %and3A_2411 = arith.andi %ne3A_2407, %ne3A_2410 : i1
    %sub3A_2412 = arith.constant 1 : i32
    %sub3A_2413 = arith.subi %div3A_2392, %sub3A_2412 : i32
    %select_n3A_2414 = arith.select %and3A_2411, %sub3A_2413, %div3A_2392 : i32
    %add3A_2415 = arith.constant 6 : i32
    %add3A_2416 = arith.addi %select_n3A_2414, %add3A_2415 : i32
    %slice3A_2417 = vector.extract_strided_slice %get3A_2206 {offsets = [4], sizes = [1], strides = [1]} : vector<16xi32> to vector<1xi32>
    %squeeze3A_2418 = vector.extract %slice3A_2417[0] : i32 from vector<1xi32>
    %and3A_2419 = arith.constant -128 : i32
    %and3A_2420 = arith.andi %squeeze3A_2418, %and3A_2419 : i32
    %multiple_of3A_2421 = tpu.assume_multiple %and3A_2420, 128 : i32
    %dma_start3A_2422 = arith.constant 52 : i32
    %dma_start3A_2423 = arith.constant 0 : i32
    %dma_start3A_2424 = arith.constant 0 : i32
    %dma_start3A_2425 = tpu.memref_slice %arg6[%dma_start3A_2422, %dma_start3A_2423, %dma_start3A_2424] : memref<64x8x128xf32, #tpu.memory_space<vmem>> -> memref<1x8x128xf32, #tpu.memory_space<vmem>>
    %dma_start3A_2426 = tpu.memref_squeeze %dma_start3A_2425 : memref<1x8x128xf32, #tpu.memory_space<vmem>> -> memref<8x128xf32, #tpu.memory_space<vmem>>
    %dma_start3A_2427 = arith.constant 0 : i32
    %dma_start3A_2428 = tpu.memref_slice %arg2[%add3A_2416, %dma_start3A_2427, %multiple_of3A_2421] : memref<128x8x100000xf32, #tpu.memory_space<hbm>> -> memref<1x8x128xf32, #tpu.memory_space<hbm>>
    %dma_start3A_2429 = tpu.memref_squeeze %dma_start3A_2428 : memref<1x8x128xf32, #tpu.memory_space<hbm>> -> memref<8x128xf32, #tpu.memory_space<hbm>>
    %dma_start3A_2430 = arith.constant 0 : i32
    %dma_start3A_2431 = arith.constant 0 : i32
    %dma_start3A_2432 = tpu.memref_slice %arg6[%dma_start3A_2422, %dma_start3A_2430, %dma_start3A_2431] : memref<64x8x128xf32, #tpu.memory_space<vmem>> -> memref<1x8x128xf32, #tpu.memory_space<vmem>>
    %dma_start3A_2433 = tpu.memref_squeeze %dma_start3A_2432 : memref<1x8x128xf32, #tpu.memory_space<vmem>> -> memref<8x128xf32, #tpu.memory_space<vmem>>
    %dma_start3A_2434 = arith.constant 0 : i32
    %dma_start3A_2435 = tpu.memref_slice %arg2[%add3A_2416, %dma_start3A_2434, %multiple_of3A_2421] : memref<128x8x100000xf32, #tpu.memory_space<hbm>> -> memref<1x8x128xf32, #tpu.memory_space<hbm>>
    %dma_start3A_2436 = tpu.memref_squeeze %dma_start3A_2435 : memref<1x8x128xf32, #tpu.memory_space<hbm>> -> memref<8x128xf32, #tpu.memory_space<hbm>>
    tpu.enqueue_dma source(%dma_start3A_2436 : memref<8x128xf32, #tpu.memory_space<hbm>>) target(%dma_start3A_2433 : memref<8x128xf32, #tpu.memory_space<vmem>>) target_semaphore(%arg8 : memref<!tpu.dma_semaphore, #tpu.memory_space<semaphore_mem>>)
    %jit3A_2437 = arith.constant 8 : i32
    %div3A_2438 = arith.divsi %multiple_of3A, %jit3A_2437 : i32
    %sign3A_2439 = arith.constant 0 : i32
    %sign3A_2440 = arith.cmpi sgt, %multiple_of3A, %sign3A_2439 : i32
    %sign3A_2441 = arith.extui %sign3A_2440 : i1 to i32
    %sign3A_2442 = arith.constant 0 : i32
    %sign3A_2443 = arith.cmpi slt, %multiple_of3A, %sign3A_2442 : i32
    %sign3A_2444 = arith.extui %sign3A_2443 : i1 to i32
    %sign3A_2445 = arith.subi %sign3A_2441, %sign3A_2444 : i32
    %sign3A_2446 = arith.constant 0 : i32
    %sign3A_2447 = arith.cmpi sgt, %jit3A_2437, %sign3A_2446 : i32
    %sign3A_2448 = arith.extui %sign3A_2447 : i1 to i32
    %sign3A_2449 = arith.constant 0 : i32
    %sign3A_2450 = arith.cmpi slt, %jit3A_2437, %sign3A_2449 : i32
    %sign3A_2451 = arith.extui %sign3A_2450 : i1 to i32
    %sign3A_2452 = arith.subi %sign3A_2448, %sign3A_2451 : i32
    %ne3A_2453 = arith.cmpi ne, %sign3A_2445, %sign3A_2452 : i32
    %rem3A_2454 = arith.remsi %multiple_of3A, %jit3A_2437 : i32
    %ne3A_2455 = arith.constant 0 : i32
    %ne3A_2456 = arith.cmpi ne, %rem3A_2454, %ne3A_2455 : i32
    %and3A_2457 = arith.andi %ne3A_2453, %ne3A_2456 : i1
    %sub3A_2458 = arith.constant 1 : i32
    %sub3A_2459 = arith.subi %div3A_2438, %sub3A_2458 : i32
    %select_n3A_2460 = arith.select %and3A_2457, %sub3A_2459, %div3A_2438 : i32
    %add3A_2461 = arith.constant 6 : i32
    %add3A_2462 = arith.addi %select_n3A_2460, %add3A_2461 : i32
    %slice3A_2463 = vector.extract_strided_slice %get3A_2206 {offsets = [5], sizes = [1], strides = [1]} : vector<16xi32> to vector<1xi32>
    %squeeze3A_2464 = vector.extract %slice3A_2463[0] : i32 from vector<1xi32>
    %and3A_2465 = arith.constant -128 : i32
    %and3A_2466 = arith.andi %squeeze3A_2464, %and3A_2465 : i32
    %multiple_of3A_2467 = tpu.assume_multiple %and3A_2466, 128 : i32
    %dma_start3A_2468 = arith.constant 53 : i32
    %dma_start3A_2469 = arith.constant 0 : i32
    %dma_start3A_2470 = arith.constant 0 : i32
    %dma_start3A_2471 = tpu.memref_slice %arg6[%dma_start3A_2468, %dma_start3A_2469, %dma_start3A_2470] : memref<64x8x128xf32, #tpu.memory_space<vmem>> -> memref<1x8x128xf32, #tpu.memory_space<vmem>>
    %dma_start3A_2472 = tpu.memref_squeeze %dma_start3A_2471 : memref<1x8x128xf32, #tpu.memory_space<vmem>> -> memref<8x128xf32, #tpu.memory_space<vmem>>
    %dma_start3A_2473 = arith.constant 0 : i32
    %dma_start3A_2474 = tpu.memref_slice %arg2[%add3A_2462, %dma_start3A_2473, %multiple_of3A_2467] : memref<128x8x100000xf32, #tpu.memory_space<hbm>> -> memref<1x8x128xf32, #tpu.memory_space<hbm>>
    %dma_start3A_2475 = tpu.memref_squeeze %dma_start3A_2474 : memref<1x8x128xf32, #tpu.memory_space<hbm>> -> memref<8x128xf32, #tpu.memory_space<hbm>>
    %dma_start3A_2476 = arith.constant 0 : i32
    %dma_start3A_2477 = arith.constant 0 : i32
    %dma_start3A_2478 = tpu.memref_slice %arg6[%dma_start3A_2468, %dma_start3A_2476, %dma_start3A_2477] : memref<64x8x128xf32, #tpu.memory_space<vmem>> -> memref<1x8x128xf32, #tpu.memory_space<vmem>>
    %dma_start3A_2479 = tpu.memref_squeeze %dma_start3A_2478 : memref<1x8x128xf32, #tpu.memory_space<vmem>> -> memref<8x128xf32, #tpu.memory_space<vmem>>
    %dma_start3A_2480 = arith.constant 0 : i32
    %dma_start3A_2481 = tpu.memref_slice %arg2[%add3A_2462, %dma_start3A_2480, %multiple_of3A_2467] : memref<128x8x100000xf32, #tpu.memory_space<hbm>> -> memref<1x8x128xf32, #tpu.memory_space<hbm>>
    %dma_start3A_2482 = tpu.memref_squeeze %dma_start3A_2481 : memref<1x8x128xf32, #tpu.memory_space<hbm>> -> memref<8x128xf32, #tpu.memory_space<hbm>>
    tpu.enqueue_dma source(%dma_start3A_2482 : memref<8x128xf32, #tpu.memory_space<hbm>>) target(%dma_start3A_2479 : memref<8x128xf32, #tpu.memory_space<vmem>>) target_semaphore(%arg8 : memref<!tpu.dma_semaphore, #tpu.memory_space<semaphore_mem>>)
    %jit3A_2483 = arith.constant 8 : i32
    %div3A_2484 = arith.divsi %multiple_of3A, %jit3A_2483 : i32
    %sign3A_2485 = arith.constant 0 : i32
    %sign3A_2486 = arith.cmpi sgt, %multiple_of3A, %sign3A_2485 : i32
    %sign3A_2487 = arith.extui %sign3A_2486 : i1 to i32
    %sign3A_2488 = arith.constant 0 : i32
    %sign3A_2489 = arith.cmpi slt, %multiple_of3A, %sign3A_2488 : i32
    %sign3A_2490 = arith.extui %sign3A_2489 : i1 to i32
    %sign3A_2491 = arith.subi %sign3A_2487, %sign3A_2490 : i32
    %sign3A_2492 = arith.constant 0 : i32
    %sign3A_2493 = arith.cmpi sgt, %jit3A_2483, %sign3A_2492 : i32
    %sign3A_2494 = arith.extui %sign3A_2493 : i1 to i32
    %sign3A_2495 = arith.constant 0 : i32
    %sign3A_2496 = arith.cmpi slt, %jit3A_2483, %sign3A_2495 : i32
    %sign3A_2497 = arith.extui %sign3A_2496 : i1 to i32
    %sign3A_2498 = arith.subi %sign3A_2494, %sign3A_2497 : i32
    %ne3A_2499 = arith.cmpi ne, %sign3A_2491, %sign3A_2498 : i32
    %rem3A_2500 = arith.remsi %multiple_of3A, %jit3A_2483 : i32
    %ne3A_2501 = arith.constant 0 : i32
    %ne3A_2502 = arith.cmpi ne, %rem3A_2500, %ne3A_2501 : i32
    %and3A_2503 = arith.andi %ne3A_2499, %ne3A_2502 : i1
    %sub3A_2504 = arith.constant 1 : i32
    %sub3A_2505 = arith.subi %div3A_2484, %sub3A_2504 : i32
    %select_n3A_2506 = arith.select %and3A_2503, %sub3A_2505, %div3A_2484 : i32
    %add3A_2507 = arith.constant 6 : i32
    %add3A_2508 = arith.addi %select_n3A_2506, %add3A_2507 : i32
    %slice3A_2509 = vector.extract_strided_slice %get3A_2206 {offsets = [6], sizes = [1], strides = [1]} : vector<16xi32> to vector<1xi32>
    %squeeze3A_2510 = vector.extract %slice3A_2509[0] : i32 from vector<1xi32>
    %and3A_2511 = arith.constant -128 : i32
    %and3A_2512 = arith.andi %squeeze3A_2510, %and3A_2511 : i32
    %multiple_of3A_2513 = tpu.assume_multiple %and3A_2512, 128 : i32
    %dma_start3A_2514 = arith.constant 54 : i32
    %dma_start3A_2515 = arith.constant 0 : i32
    %dma_start3A_2516 = arith.constant 0 : i32
    %dma_start3A_2517 = tpu.memref_slice %arg6[%dma_start3A_2514, %dma_start3A_2515, %dma_start3A_2516] : memref<64x8x128xf32, #tpu.memory_space<vmem>> -> memref<1x8x128xf32, #tpu.memory_space<vmem>>
    %dma_start3A_2518 = tpu.memref_squeeze %dma_start3A_2517 : memref<1x8x128xf32, #tpu.memory_space<vmem>> -> memref<8x128xf32, #tpu.memory_space<vmem>>
    %dma_start3A_2519 = arith.constant 0 : i32
    %dma_start3A_2520 = tpu.memref_slice %arg2[%add3A_2508, %dma_start3A_2519, %multiple_of3A_2513] : memref<128x8x100000xf32, #tpu.memory_space<hbm>> -> memref<1x8x128xf32, #tpu.memory_space<hbm>>
    %dma_start3A_2521 = tpu.memref_squeeze %dma_start3A_2520 : memref<1x8x128xf32, #tpu.memory_space<hbm>> -> memref<8x128xf32, #tpu.memory_space<hbm>>
    %dma_start3A_2522 = arith.constant 0 : i32
    %dma_start3A_2523 = arith.constant 0 : i32
    %dma_start3A_2524 = tpu.memref_slice %arg6[%dma_start3A_2514, %dma_start3A_2522, %dma_start3A_2523] : memref<64x8x128xf32, #tpu.memory_space<vmem>> -> memref<1x8x128xf32, #tpu.memory_space<vmem>>
    %dma_start3A_2525 = tpu.memref_squeeze %dma_start3A_2524 : memref<1x8x128xf32, #tpu.memory_space<vmem>> -> memref<8x128xf32, #tpu.memory_space<vmem>>
    %dma_start3A_2526 = arith.constant 0 : i32
    %dma_start3A_2527 = tpu.memref_slice %arg2[%add3A_2508, %dma_start3A_2526, %multiple_of3A_2513] : memref<128x8x100000xf32, #tpu.memory_space<hbm>> -> memref<1x8x128xf32, #tpu.memory_space<hbm>>
    %dma_start3A_2528 = tpu.memref_squeeze %dma_start3A_2527 : memref<1x8x128xf32, #tpu.memory_space<hbm>> -> memref<8x128xf32, #tpu.memory_space<hbm>>
    tpu.enqueue_dma source(%dma_start3A_2528 : memref<8x128xf32, #tpu.memory_space<hbm>>) target(%dma_start3A_2525 : memref<8x128xf32, #tpu.memory_space<vmem>>) target_semaphore(%arg8 : memref<!tpu.dma_semaphore, #tpu.memory_space<semaphore_mem>>)
    %jit3A_2529 = arith.constant 8 : i32
    %div3A_2530 = arith.divsi %multiple_of3A, %jit3A_2529 : i32
    %sign3A_2531 = arith.constant 0 : i32
    %sign3A_2532 = arith.cmpi sgt, %multiple_of3A, %sign3A_2531 : i32
    %sign3A_2533 = arith.extui %sign3A_2532 : i1 to i32
    %sign3A_2534 = arith.constant 0 : i32
    %sign3A_2535 = arith.cmpi slt, %multiple_of3A, %sign3A_2534 : i32
    %sign3A_2536 = arith.extui %sign3A_2535 : i1 to i32
    %sign3A_2537 = arith.subi %sign3A_2533, %sign3A_2536 : i32
    %sign3A_2538 = arith.constant 0 : i32
    %sign3A_2539 = arith.cmpi sgt, %jit3A_2529, %sign3A_2538 : i32
    %sign3A_2540 = arith.extui %sign3A_2539 : i1 to i32
    %sign3A_2541 = arith.constant 0 : i32
    %sign3A_2542 = arith.cmpi slt, %jit3A_2529, %sign3A_2541 : i32
    %sign3A_2543 = arith.extui %sign3A_2542 : i1 to i32
    %sign3A_2544 = arith.subi %sign3A_2540, %sign3A_2543 : i32
    %ne3A_2545 = arith.cmpi ne, %sign3A_2537, %sign3A_2544 : i32
    %rem3A_2546 = arith.remsi %multiple_of3A, %jit3A_2529 : i32
    %ne3A_2547 = arith.constant 0 : i32
    %ne3A_2548 = arith.cmpi ne, %rem3A_2546, %ne3A_2547 : i32
    %and3A_2549 = arith.andi %ne3A_2545, %ne3A_2548 : i1
    %sub3A_2550 = arith.constant 1 : i32
    %sub3A_2551 = arith.subi %div3A_2530, %sub3A_2550 : i32
    %select_n3A_2552 = arith.select %and3A_2549, %sub3A_2551, %div3A_2530 : i32
    %add3A_2553 = arith.constant 6 : i32
    %add3A_2554 = arith.addi %select_n3A_2552, %add3A_2553 : i32
    %slice3A_2555 = vector.extract_strided_slice %get3A_2206 {offsets = [7], sizes = [1], strides = [1]} : vector<16xi32> to vector<1xi32>
    %squeeze3A_2556 = vector.extract %slice3A_2555[0] : i32 from vector<1xi32>
    %and3A_2557 = arith.constant -128 : i32
    %and3A_2558 = arith.andi %squeeze3A_2556, %and3A_2557 : i32
    %multiple_of3A_2559 = tpu.assume_multiple %and3A_2558, 128 : i32
    %dma_start3A_2560 = arith.constant 55 : i32
    %dma_start3A_2561 = arith.constant 0 : i32
    %dma_start3A_2562 = arith.constant 0 : i32
    %dma_start3A_2563 = tpu.memref_slice %arg6[%dma_start3A_2560, %dma_start3A_2561, %dma_start3A_2562] : memref<64x8x128xf32, #tpu.memory_space<vmem>> -> memref<1x8x128xf32, #tpu.memory_space<vmem>>
    %dma_start3A_2564 = tpu.memref_squeeze %dma_start3A_2563 : memref<1x8x128xf32, #tpu.memory_space<vmem>> -> memref<8x128xf32, #tpu.memory_space<vmem>>
    %dma_start3A_2565 = arith.constant 0 : i32
    %dma_start3A_2566 = tpu.memref_slice %arg2[%add3A_2554, %dma_start3A_2565, %multiple_of3A_2559] : memref<128x8x100000xf32, #tpu.memory_space<hbm>> -> memref<1x8x128xf32, #tpu.memory_space<hbm>>
    %dma_start3A_2567 = tpu.memref_squeeze %dma_start3A_2566 : memref<1x8x128xf32, #tpu.memory_space<hbm>> -> memref<8x128xf32, #tpu.memory_space<hbm>>
    %dma_start3A_2568 = arith.constant 0 : i32
    %dma_start3A_2569 = arith.constant 0 : i32
    %dma_start3A_2570 = tpu.memref_slice %arg6[%dma_start3A_2560, %dma_start3A_2568, %dma_start3A_2569] : memref<64x8x128xf32, #tpu.memory_space<vmem>> -> memref<1x8x128xf32, #tpu.memory_space<vmem>>
    %dma_start3A_2571 = tpu.memref_squeeze %dma_start3A_2570 : memref<1x8x128xf32, #tpu.memory_space<vmem>> -> memref<8x128xf32, #tpu.memory_space<vmem>>
    %dma_start3A_2572 = arith.constant 0 : i32
    %dma_start3A_2573 = tpu.memref_slice %arg2[%add3A_2554, %dma_start3A_2572, %multiple_of3A_2559] : memref<128x8x100000xf32, #tpu.memory_space<hbm>> -> memref<1x8x128xf32, #tpu.memory_space<hbm>>
    %dma_start3A_2574 = tpu.memref_squeeze %dma_start3A_2573 : memref<1x8x128xf32, #tpu.memory_space<hbm>> -> memref<8x128xf32, #tpu.memory_space<hbm>>
    tpu.enqueue_dma source(%dma_start3A_2574 : memref<8x128xf32, #tpu.memory_space<hbm>>) target(%dma_start3A_2571 : memref<8x128xf32, #tpu.memory_space<vmem>>) target_semaphore(%arg8 : memref<!tpu.dma_semaphore, #tpu.memory_space<semaphore_mem>>)
    %jit3A_2575 = arith.constant 8 : i32
    %div3A_2576 = arith.divsi %multiple_of3A, %jit3A_2575 : i32
    %sign3A_2577 = arith.constant 0 : i32
    %sign3A_2578 = arith.cmpi sgt, %multiple_of3A, %sign3A_2577 : i32
    %sign3A_2579 = arith.extui %sign3A_2578 : i1 to i32
    %sign3A_2580 = arith.constant 0 : i32
    %sign3A_2581 = arith.cmpi slt, %multiple_of3A, %sign3A_2580 : i32
    %sign3A_2582 = arith.extui %sign3A_2581 : i1 to i32
    %sign3A_2583 = arith.subi %sign3A_2579, %sign3A_2582 : i32
    %sign3A_2584 = arith.constant 0 : i32
    %sign3A_2585 = arith.cmpi sgt, %jit3A_2575, %sign3A_2584 : i32
    %sign3A_2586 = arith.extui %sign3A_2585 : i1 to i32
    %sign3A_2587 = arith.constant 0 : i32
    %sign3A_2588 = arith.cmpi slt, %jit3A_2575, %sign3A_2587 : i32
    %sign3A_2589 = arith.extui %sign3A_2588 : i1 to i32
    %sign3A_2590 = arith.subi %sign3A_2586, %sign3A_2589 : i32
    %ne3A_2591 = arith.cmpi ne, %sign3A_2583, %sign3A_2590 : i32
    %rem3A_2592 = arith.remsi %multiple_of3A, %jit3A_2575 : i32
    %ne3A_2593 = arith.constant 0 : i32
    %ne3A_2594 = arith.cmpi ne, %rem3A_2592, %ne3A_2593 : i32
    %and3A_2595 = arith.andi %ne3A_2591, %ne3A_2594 : i1
    %sub3A_2596 = arith.constant 1 : i32
    %sub3A_2597 = arith.subi %div3A_2576, %sub3A_2596 : i32
    %select_n3A_2598 = arith.select %and3A_2595, %sub3A_2597, %div3A_2576 : i32
    %add3A_2599 = arith.constant 7 : i32
    %add3A_2600 = arith.addi %select_n3A_2598, %add3A_2599 : i32
    %slice3A_2601 = vector.extract_strided_slice %get3A_2206 {offsets = [8], sizes = [1], strides = [1]} : vector<16xi32> to vector<1xi32>
    %squeeze3A_2602 = vector.extract %slice3A_2601[0] : i32 from vector<1xi32>
    %and3A_2603 = arith.constant -128 : i32
    %and3A_2604 = arith.andi %squeeze3A_2602, %and3A_2603 : i32
    %multiple_of3A_2605 = tpu.assume_multiple %and3A_2604, 128 : i32
    %dma_start3A_2606 = arith.constant 56 : i32
    %dma_start3A_2607 = arith.constant 0 : i32
    %dma_start3A_2608 = arith.constant 0 : i32
    %dma_start3A_2609 = tpu.memref_slice %arg6[%dma_start3A_2606, %dma_start3A_2607, %dma_start3A_2608] : memref<64x8x128xf32, #tpu.memory_space<vmem>> -> memref<1x8x128xf32, #tpu.memory_space<vmem>>
    %dma_start3A_2610 = tpu.memref_squeeze %dma_start3A_2609 : memref<1x8x128xf32, #tpu.memory_space<vmem>> -> memref<8x128xf32, #tpu.memory_space<vmem>>
    %dma_start3A_2611 = arith.constant 0 : i32
    %dma_start3A_2612 = tpu.memref_slice %arg2[%add3A_2600, %dma_start3A_2611, %multiple_of3A_2605] : memref<128x8x100000xf32, #tpu.memory_space<hbm>> -> memref<1x8x128xf32, #tpu.memory_space<hbm>>
    %dma_start3A_2613 = tpu.memref_squeeze %dma_start3A_2612 : memref<1x8x128xf32, #tpu.memory_space<hbm>> -> memref<8x128xf32, #tpu.memory_space<hbm>>
    %dma_start3A_2614 = arith.constant 0 : i32
    %dma_start3A_2615 = arith.constant 0 : i32
    %dma_start3A_2616 = tpu.memref_slice %arg6[%dma_start3A_2606, %dma_start3A_2614, %dma_start3A_2615] : memref<64x8x128xf32, #tpu.memory_space<vmem>> -> memref<1x8x128xf32, #tpu.memory_space<vmem>>
    %dma_start3A_2617 = tpu.memref_squeeze %dma_start3A_2616 : memref<1x8x128xf32, #tpu.memory_space<vmem>> -> memref<8x128xf32, #tpu.memory_space<vmem>>
    %dma_start3A_2618 = arith.constant 0 : i32
    %dma_start3A_2619 = tpu.memref_slice %arg2[%add3A_2600, %dma_start3A_2618, %multiple_of3A_2605] : memref<128x8x100000xf32, #tpu.memory_space<hbm>> -> memref<1x8x128xf32, #tpu.memory_space<hbm>>
    %dma_start3A_2620 = tpu.memref_squeeze %dma_start3A_2619 : memref<1x8x128xf32, #tpu.memory_space<hbm>> -> memref<8x128xf32, #tpu.memory_space<hbm>>
    tpu.enqueue_dma source(%dma_start3A_2620 : memref<8x128xf32, #tpu.memory_space<hbm>>) target(%dma_start3A_2617 : memref<8x128xf32, #tpu.memory_space<vmem>>) target_semaphore(%arg8 : memref<!tpu.dma_semaphore, #tpu.memory_space<semaphore_mem>>)
    %jit3A_2621 = arith.constant 8 : i32
    %div3A_2622 = arith.divsi %multiple_of3A, %jit3A_2621 : i32
    %sign3A_2623 = arith.constant 0 : i32
    %sign3A_2624 = arith.cmpi sgt, %multiple_of3A, %sign3A_2623 : i32
    %sign3A_2625 = arith.extui %sign3A_2624 : i1 to i32
    %sign3A_2626 = arith.constant 0 : i32
    %sign3A_2627 = arith.cmpi slt, %multiple_of3A, %sign3A_2626 : i32
    %sign3A_2628 = arith.extui %sign3A_2627 : i1 to i32
    %sign3A_2629 = arith.subi %sign3A_2625, %sign3A_2628 : i32
    %sign3A_2630 = arith.constant 0 : i32
    %sign3A_2631 = arith.cmpi sgt, %jit3A_2621, %sign3A_2630 : i32
    %sign3A_2632 = arith.extui %sign3A_2631 : i1 to i32
    %sign3A_2633 = arith.constant 0 : i32
    %sign3A_2634 = arith.cmpi slt, %jit3A_2621, %sign3A_2633 : i32
    %sign3A_2635 = arith.extui %sign3A_2634 : i1 to i32
    %sign3A_2636 = arith.subi %sign3A_2632, %sign3A_2635 : i32
    %ne3A_2637 = arith.cmpi ne, %sign3A_2629, %sign3A_2636 : i32
    %rem3A_2638 = arith.remsi %multiple_of3A, %jit3A_2621 : i32
    %ne3A_2639 = arith.constant 0 : i32
    %ne3A_2640 = arith.cmpi ne, %rem3A_2638, %ne3A_2639 : i32
    %and3A_2641 = arith.andi %ne3A_2637, %ne3A_2640 : i1
    %sub3A_2642 = arith.constant 1 : i32
    %sub3A_2643 = arith.subi %div3A_2622, %sub3A_2642 : i32
    %select_n3A_2644 = arith.select %and3A_2641, %sub3A_2643, %div3A_2622 : i32
    %add3A_2645 = arith.constant 7 : i32
    %add3A_2646 = arith.addi %select_n3A_2644, %add3A_2645 : i32
    %slice3A_2647 = vector.extract_strided_slice %get3A_2206 {offsets = [9], sizes = [1], strides = [1]} : vector<16xi32> to vector<1xi32>
    %squeeze3A_2648 = vector.extract %slice3A_2647[0] : i32 from vector<1xi32>
    %and3A_2649 = arith.constant -128 : i32
    %and3A_2650 = arith.andi %squeeze3A_2648, %and3A_2649 : i32
    %multiple_of3A_2651 = tpu.assume_multiple %and3A_2650, 128 : i32
    %dma_start3A_2652 = arith.constant 57 : i32
    %dma_start3A_2653 = arith.constant 0 : i32
    %dma_start3A_2654 = arith.constant 0 : i32
    %dma_start3A_2655 = tpu.memref_slice %arg6[%dma_start3A_2652, %dma_start3A_2653, %dma_start3A_2654] : memref<64x8x128xf32, #tpu.memory_space<vmem>> -> memref<1x8x128xf32, #tpu.memory_space<vmem>>
    %dma_start3A_2656 = tpu.memref_squeeze %dma_start3A_2655 : memref<1x8x128xf32, #tpu.memory_space<vmem>> -> memref<8x128xf32, #tpu.memory_space<vmem>>
    %dma_start3A_2657 = arith.constant 0 : i32
    %dma_start3A_2658 = tpu.memref_slice %arg2[%add3A_2646, %dma_start3A_2657, %multiple_of3A_2651] : memref<128x8x100000xf32, #tpu.memory_space<hbm>> -> memref<1x8x128xf32, #tpu.memory_space<hbm>>
    %dma_start3A_2659 = tpu.memref_squeeze %dma_start3A_2658 : memref<1x8x128xf32, #tpu.memory_space<hbm>> -> memref<8x128xf32, #tpu.memory_space<hbm>>
    %dma_start3A_2660 = arith.constant 0 : i32
    %dma_start3A_2661 = arith.constant 0 : i32
    %dma_start3A_2662 = tpu.memref_slice %arg6[%dma_start3A_2652, %dma_start3A_2660, %dma_start3A_2661] : memref<64x8x128xf32, #tpu.memory_space<vmem>> -> memref<1x8x128xf32, #tpu.memory_space<vmem>>
    %dma_start3A_2663 = tpu.memref_squeeze %dma_start3A_2662 : memref<1x8x128xf32, #tpu.memory_space<vmem>> -> memref<8x128xf32, #tpu.memory_space<vmem>>
    %dma_start3A_2664 = arith.constant 0 : i32
    %dma_start3A_2665 = tpu.memref_slice %arg2[%add3A_2646, %dma_start3A_2664, %multiple_of3A_2651] : memref<128x8x100000xf32, #tpu.memory_space<hbm>> -> memref<1x8x128xf32, #tpu.memory_space<hbm>>
    %dma_start3A_2666 = tpu.memref_squeeze %dma_start3A_2665 : memref<1x8x128xf32, #tpu.memory_space<hbm>> -> memref<8x128xf32, #tpu.memory_space<hbm>>
    tpu.enqueue_dma source(%dma_start3A_2666 : memref<8x128xf32, #tpu.memory_space<hbm>>) target(%dma_start3A_2663 : memref<8x128xf32, #tpu.memory_space<vmem>>) target_semaphore(%arg8 : memref<!tpu.dma_semaphore, #tpu.memory_space<semaphore_mem>>)
    %jit3A_2667 = arith.constant 8 : i32
    %div3A_2668 = arith.divsi %multiple_of3A, %jit3A_2667 : i32
    %sign3A_2669 = arith.constant 0 : i32
    %sign3A_2670 = arith.cmpi sgt, %multiple_of3A, %sign3A_2669 : i32
    %sign3A_2671 = arith.extui %sign3A_2670 : i1 to i32
    %sign3A_2672 = arith.constant 0 : i32
    %sign3A_2673 = arith.cmpi slt, %multiple_of3A, %sign3A_2672 : i32
    %sign3A_2674 = arith.extui %sign3A_2673 : i1 to i32
    %sign3A_2675 = arith.subi %sign3A_2671, %sign3A_2674 : i32
    %sign3A_2676 = arith.constant 0 : i32
    %sign3A_2677 = arith.cmpi sgt, %jit3A_2667, %sign3A_2676 : i32
    %sign3A_2678 = arith.extui %sign3A_2677 : i1 to i32
    %sign3A_2679 = arith.constant 0 : i32
    %sign3A_2680 = arith.cmpi slt, %jit3A_2667, %sign3A_2679 : i32
    %sign3A_2681 = arith.extui %sign3A_2680 : i1 to i32
    %sign3A_2682 = arith.subi %sign3A_2678, %sign3A_2681 : i32
    %ne3A_2683 = arith.cmpi ne, %sign3A_2675, %sign3A_2682 : i32
    %rem3A_2684 = arith.remsi %multiple_of3A, %jit3A_2667 : i32
    %ne3A_2685 = arith.constant 0 : i32
    %ne3A_2686 = arith.cmpi ne, %rem3A_2684, %ne3A_2685 : i32
    %and3A_2687 = arith.andi %ne3A_2683, %ne3A_2686 : i1
    %sub3A_2688 = arith.constant 1 : i32
    %sub3A_2689 = arith.subi %div3A_2668, %sub3A_2688 : i32
    %select_n3A_2690 = arith.select %and3A_2687, %sub3A_2689, %div3A_2668 : i32
    %add3A_2691 = arith.constant 7 : i32
    %add3A_2692 = arith.addi %select_n3A_2690, %add3A_2691 : i32
    %slice3A_2693 = vector.extract_strided_slice %get3A_2206 {offsets = [10], sizes = [1], strides = [1]} : vector<16xi32> to vector<1xi32>
    %squeeze3A_2694 = vector.extract %slice3A_2693[0] : i32 from vector<1xi32>
    %and3A_2695 = arith.constant -128 : i32
    %and3A_2696 = arith.andi %squeeze3A_2694, %and3A_2695 : i32
    %multiple_of3A_2697 = tpu.assume_multiple %and3A_2696, 128 : i32
    %dma_start3A_2698 = arith.constant 58 : i32
    %dma_start3A_2699 = arith.constant 0 : i32
    %dma_start3A_2700 = arith.constant 0 : i32
    %dma_start3A_2701 = tpu.memref_slice %arg6[%dma_start3A_2698, %dma_start3A_2699, %dma_start3A_2700] : memref<64x8x128xf32, #tpu.memory_space<vmem>> -> memref<1x8x128xf32, #tpu.memory_space<vmem>>
    %dma_start3A_2702 = tpu.memref_squeeze %dma_start3A_2701 : memref<1x8x128xf32, #tpu.memory_space<vmem>> -> memref<8x128xf32, #tpu.memory_space<vmem>>
    %dma_start3A_2703 = arith.constant 0 : i32
    %dma_start3A_2704 = tpu.memref_slice %arg2[%add3A_2692, %dma_start3A_2703, %multiple_of3A_2697] : memref<128x8x100000xf32, #tpu.memory_space<hbm>> -> memref<1x8x128xf32, #tpu.memory_space<hbm>>
    %dma_start3A_2705 = tpu.memref_squeeze %dma_start3A_2704 : memref<1x8x128xf32, #tpu.memory_space<hbm>> -> memref<8x128xf32, #tpu.memory_space<hbm>>
    %dma_start3A_2706 = arith.constant 0 : i32
    %dma_start3A_2707 = arith.constant 0 : i32
    %dma_start3A_2708 = tpu.memref_slice %arg6[%dma_start3A_2698, %dma_start3A_2706, %dma_start3A_2707] : memref<64x8x128xf32, #tpu.memory_space<vmem>> -> memref<1x8x128xf32, #tpu.memory_space<vmem>>
    %dma_start3A_2709 = tpu.memref_squeeze %dma_start3A_2708 : memref<1x8x128xf32, #tpu.memory_space<vmem>> -> memref<8x128xf32, #tpu.memory_space<vmem>>
    %dma_start3A_2710 = arith.constant 0 : i32
    %dma_start3A_2711 = tpu.memref_slice %arg2[%add3A_2692, %dma_start3A_2710, %multiple_of3A_2697] : memref<128x8x100000xf32, #tpu.memory_space<hbm>> -> memref<1x8x128xf32, #tpu.memory_space<hbm>>
    %dma_start3A_2712 = tpu.memref_squeeze %dma_start3A_2711 : memref<1x8x128xf32, #tpu.memory_space<hbm>> -> memref<8x128xf32, #tpu.memory_space<hbm>>
    tpu.enqueue_dma source(%dma_start3A_2712 : memref<8x128xf32, #tpu.memory_space<hbm>>) target(%dma_start3A_2709 : memref<8x128xf32, #tpu.memory_space<vmem>>) target_semaphore(%arg8 : memref<!tpu.dma_semaphore, #tpu.memory_space<semaphore_mem>>)
    %jit3A_2713 = arith.constant 8 : i32
    %div3A_2714 = arith.divsi %multiple_of3A, %jit3A_2713 : i32
    %sign3A_2715 = arith.constant 0 : i32
    %sign3A_2716 = arith.cmpi sgt, %multiple_of3A, %sign3A_2715 : i32
    %sign3A_2717 = arith.extui %sign3A_2716 : i1 to i32
    %sign3A_2718 = arith.constant 0 : i32
    %sign3A_2719 = arith.cmpi slt, %multiple_of3A, %sign3A_2718 : i32
    %sign3A_2720 = arith.extui %sign3A_2719 : i1 to i32
    %sign3A_2721 = arith.subi %sign3A_2717, %sign3A_2720 : i32
    %sign3A_2722 = arith.constant 0 : i32
    %sign3A_2723 = arith.cmpi sgt, %jit3A_2713, %sign3A_2722 : i32
    %sign3A_2724 = arith.extui %sign3A_2723 : i1 to i32
    %sign3A_2725 = arith.constant 0 : i32
    %sign3A_2726 = arith.cmpi slt, %jit3A_2713, %sign3A_2725 : i32
    %sign3A_2727 = arith.extui %sign3A_2726 : i1 to i32
    %sign3A_2728 = arith.subi %sign3A_2724, %sign3A_2727 : i32
    %ne3A_2729 = arith.cmpi ne, %sign3A_2721, %sign3A_2728 : i32
    %rem3A_2730 = arith.remsi %multiple_of3A, %jit3A_2713 : i32
    %ne3A_2731 = arith.constant 0 : i32
    %ne3A_2732 = arith.cmpi ne, %rem3A_2730, %ne3A_2731 : i32
    %and3A_2733 = arith.andi %ne3A_2729, %ne3A_2732 : i1
    %sub3A_2734 = arith.constant 1 : i32
    %sub3A_2735 = arith.subi %div3A_2714, %sub3A_2734 : i32
    %select_n3A_2736 = arith.select %and3A_2733, %sub3A_2735, %div3A_2714 : i32
    %add3A_2737 = arith.constant 7 : i32
    %add3A_2738 = arith.addi %select_n3A_2736, %add3A_2737 : i32
    %slice3A_2739 = vector.extract_strided_slice %get3A_2206 {offsets = [11], sizes = [1], strides = [1]} : vector<16xi32> to vector<1xi32>
    %squeeze3A_2740 = vector.extract %slice3A_2739[0] : i32 from vector<1xi32>
    %and3A_2741 = arith.constant -128 : i32
    %and3A_2742 = arith.andi %squeeze3A_2740, %and3A_2741 : i32
    %multiple_of3A_2743 = tpu.assume_multiple %and3A_2742, 128 : i32
    %dma_start3A_2744 = arith.constant 59 : i32
    %dma_start3A_2745 = arith.constant 0 : i32
    %dma_start3A_2746 = arith.constant 0 : i32
    %dma_start3A_2747 = tpu.memref_slice %arg6[%dma_start3A_2744, %dma_start3A_2745, %dma_start3A_2746] : memref<64x8x128xf32, #tpu.memory_space<vmem>> -> memref<1x8x128xf32, #tpu.memory_space<vmem>>
    %dma_start3A_2748 = tpu.memref_squeeze %dma_start3A_2747 : memref<1x8x128xf32, #tpu.memory_space<vmem>> -> memref<8x128xf32, #tpu.memory_space<vmem>>
    %dma_start3A_2749 = arith.constant 0 : i32
    %dma_start3A_2750 = tpu.memref_slice %arg2[%add3A_2738, %dma_start3A_2749, %multiple_of3A_2743] : memref<128x8x100000xf32, #tpu.memory_space<hbm>> -> memref<1x8x128xf32, #tpu.memory_space<hbm>>
    %dma_start3A_2751 = tpu.memref_squeeze %dma_start3A_2750 : memref<1x8x128xf32, #tpu.memory_space<hbm>> -> memref<8x128xf32, #tpu.memory_space<hbm>>
    %dma_start3A_2752 = arith.constant 0 : i32
    %dma_start3A_2753 = arith.constant 0 : i32
    %dma_start3A_2754 = tpu.memref_slice %arg6[%dma_start3A_2744, %dma_start3A_2752, %dma_start3A_2753] : memref<64x8x128xf32, #tpu.memory_space<vmem>> -> memref<1x8x128xf32, #tpu.memory_space<vmem>>
    %dma_start3A_2755 = tpu.memref_squeeze %dma_start3A_2754 : memref<1x8x128xf32, #tpu.memory_space<vmem>> -> memref<8x128xf32, #tpu.memory_space<vmem>>
    %dma_start3A_2756 = arith.constant 0 : i32
    %dma_start3A_2757 = tpu.memref_slice %arg2[%add3A_2738, %dma_start3A_2756, %multiple_of3A_2743] : memref<128x8x100000xf32, #tpu.memory_space<hbm>> -> memref<1x8x128xf32, #tpu.memory_space<hbm>>
    %dma_start3A_2758 = tpu.memref_squeeze %dma_start3A_2757 : memref<1x8x128xf32, #tpu.memory_space<hbm>> -> memref<8x128xf32, #tpu.memory_space<hbm>>
    tpu.enqueue_dma source(%dma_start3A_2758 : memref<8x128xf32, #tpu.memory_space<hbm>>) target(%dma_start3A_2755 : memref<8x128xf32, #tpu.memory_space<vmem>>) target_semaphore(%arg8 : memref<!tpu.dma_semaphore, #tpu.memory_space<semaphore_mem>>)
    %jit3A_2759 = arith.constant 8 : i32
    %div3A_2760 = arith.divsi %multiple_of3A, %jit3A_2759 : i32
    %sign3A_2761 = arith.constant 0 : i32
    %sign3A_2762 = arith.cmpi sgt, %multiple_of3A, %sign3A_2761 : i32
    %sign3A_2763 = arith.extui %sign3A_2762 : i1 to i32
    %sign3A_2764 = arith.constant 0 : i32
    %sign3A_2765 = arith.cmpi slt, %multiple_of3A, %sign3A_2764 : i32
    %sign3A_2766 = arith.extui %sign3A_2765 : i1 to i32
    %sign3A_2767 = arith.subi %sign3A_2763, %sign3A_2766 : i32
    %sign3A_2768 = arith.constant 0 : i32
    %sign3A_2769 = arith.cmpi sgt, %jit3A_2759, %sign3A_2768 : i32
    %sign3A_2770 = arith.extui %sign3A_2769 : i1 to i32
    %sign3A_2771 = arith.constant 0 : i32
    %sign3A_2772 = arith.cmpi slt, %jit3A_2759, %sign3A_2771 : i32
    %sign3A_2773 = arith.extui %sign3A_2772 : i1 to i32
    %sign3A_2774 = arith.subi %sign3A_2770, %sign3A_2773 : i32
    %ne3A_2775 = arith.cmpi ne, %sign3A_2767, %sign3A_2774 : i32
    %rem3A_2776 = arith.remsi %multiple_of3A, %jit3A_2759 : i32
    %ne3A_2777 = arith.constant 0 : i32
    %ne3A_2778 = arith.cmpi ne, %rem3A_2776, %ne3A_2777 : i32
    %and3A_2779 = arith.andi %ne3A_2775, %ne3A_2778 : i1
    %sub3A_2780 = arith.constant 1 : i32
    %sub3A_2781 = arith.subi %div3A_2760, %sub3A_2780 : i32
    %select_n3A_2782 = arith.select %and3A_2779, %sub3A_2781, %div3A_2760 : i32
    %add3A_2783 = arith.constant 7 : i32
    %add3A_2784 = arith.addi %select_n3A_2782, %add3A_2783 : i32
    %slice3A_2785 = vector.extract_strided_slice %get3A_2206 {offsets = [12], sizes = [1], strides = [1]} : vector<16xi32> to vector<1xi32>
    %squeeze3A_2786 = vector.extract %slice3A_2785[0] : i32 from vector<1xi32>
    %and3A_2787 = arith.constant -128 : i32
    %and3A_2788 = arith.andi %squeeze3A_2786, %and3A_2787 : i32
    %multiple_of3A_2789 = tpu.assume_multiple %and3A_2788, 128 : i32
    %dma_start3A_2790 = arith.constant 60 : i32
    %dma_start3A_2791 = arith.constant 0 : i32
    %dma_start3A_2792 = arith.constant 0 : i32
    %dma_start3A_2793 = tpu.memref_slice %arg6[%dma_start3A_2790, %dma_start3A_2791, %dma_start3A_2792] : memref<64x8x128xf32, #tpu.memory_space<vmem>> -> memref<1x8x128xf32, #tpu.memory_space<vmem>>
    %dma_start3A_2794 = tpu.memref_squeeze %dma_start3A_2793 : memref<1x8x128xf32, #tpu.memory_space<vmem>> -> memref<8x128xf32, #tpu.memory_space<vmem>>
    %dma_start3A_2795 = arith.constant 0 : i32
    %dma_start3A_2796 = tpu.memref_slice %arg2[%add3A_2784, %dma_start3A_2795, %multiple_of3A_2789] : memref<128x8x100000xf32, #tpu.memory_space<hbm>> -> memref<1x8x128xf32, #tpu.memory_space<hbm>>
    %dma_start3A_2797 = tpu.memref_squeeze %dma_start3A_2796 : memref<1x8x128xf32, #tpu.memory_space<hbm>> -> memref<8x128xf32, #tpu.memory_space<hbm>>
    %dma_start3A_2798 = arith.constant 0 : i32
    %dma_start3A_2799 = arith.constant 0 : i32
    %dma_start3A_2800 = tpu.memref_slice %arg6[%dma_start3A_2790, %dma_start3A_2798, %dma_start3A_2799] : memref<64x8x128xf32, #tpu.memory_space<vmem>> -> memref<1x8x128xf32, #tpu.memory_space<vmem>>
    %dma_start3A_2801 = tpu.memref_squeeze %dma_start3A_2800 : memref<1x8x128xf32, #tpu.memory_space<vmem>> -> memref<8x128xf32, #tpu.memory_space<vmem>>
    %dma_start3A_2802 = arith.constant 0 : i32
    %dma_start3A_2803 = tpu.memref_slice %arg2[%add3A_2784, %dma_start3A_2802, %multiple_of3A_2789] : memref<128x8x100000xf32, #tpu.memory_space<hbm>> -> memref<1x8x128xf32, #tpu.memory_space<hbm>>
    %dma_start3A_2804 = tpu.memref_squeeze %dma_start3A_2803 : memref<1x8x128xf32, #tpu.memory_space<hbm>> -> memref<8x128xf32, #tpu.memory_space<hbm>>
    tpu.enqueue_dma source(%dma_start3A_2804 : memref<8x128xf32, #tpu.memory_space<hbm>>) target(%dma_start3A_2801 : memref<8x128xf32, #tpu.memory_space<vmem>>) target_semaphore(%arg8 : memref<!tpu.dma_semaphore, #tpu.memory_space<semaphore_mem>>)
    %jit3A_2805 = arith.constant 8 : i32
    %div3A_2806 = arith.divsi %multiple_of3A, %jit3A_2805 : i32
    %sign3A_2807 = arith.constant 0 : i32
    %sign3A_2808 = arith.cmpi sgt, %multiple_of3A, %sign3A_2807 : i32
    %sign3A_2809 = arith.extui %sign3A_2808 : i1 to i32
    %sign3A_2810 = arith.constant 0 : i32
    %sign3A_2811 = arith.cmpi slt, %multiple_of3A, %sign3A_2810 : i32
    %sign3A_2812 = arith.extui %sign3A_2811 : i1 to i32
    %sign3A_2813 = arith.subi %sign3A_2809, %sign3A_2812 : i32
    %sign3A_2814 = arith.constant 0 : i32
    %sign3A_2815 = arith.cmpi sgt, %jit3A_2805, %sign3A_2814 : i32
    %sign3A_2816 = arith.extui %sign3A_2815 : i1 to i32
    %sign3A_2817 = arith.constant 0 : i32
    %sign3A_2818 = arith.cmpi slt, %jit3A_2805, %sign3A_2817 : i32
    %sign3A_2819 = arith.extui %sign3A_2818 : i1 to i32
    %sign3A_2820 = arith.subi %sign3A_2816, %sign3A_2819 : i32
    %ne3A_2821 = arith.cmpi ne, %sign3A_2813, %sign3A_2820 : i32
    %rem3A_2822 = arith.remsi %multiple_of3A, %jit3A_2805 : i32
    %ne3A_2823 = arith.constant 0 : i32
    %ne3A_2824 = arith.cmpi ne, %rem3A_2822, %ne3A_2823 : i32
    %and3A_2825 = arith.andi %ne3A_2821, %ne3A_2824 : i1
    %sub3A_2826 = arith.constant 1 : i32
    %sub3A_2827 = arith.subi %div3A_2806, %sub3A_2826 : i32
    %select_n3A_2828 = arith.select %and3A_2825, %sub3A_2827, %div3A_2806 : i32
    %add3A_2829 = arith.constant 7 : i32
    %add3A_2830 = arith.addi %select_n3A_2828, %add3A_2829 : i32
    %slice3A_2831 = vector.extract_strided_slice %get3A_2206 {offsets = [13], sizes = [1], strides = [1]} : vector<16xi32> to vector<1xi32>
    %squeeze3A_2832 = vector.extract %slice3A_2831[0] : i32 from vector<1xi32>
    %and3A_2833 = arith.constant -128 : i32
    %and3A_2834 = arith.andi %squeeze3A_2832, %and3A_2833 : i32
    %multiple_of3A_2835 = tpu.assume_multiple %and3A_2834, 128 : i32
    %dma_start3A_2836 = arith.constant 61 : i32
    %dma_start3A_2837 = arith.constant 0 : i32
    %dma_start3A_2838 = arith.constant 0 : i32
    %dma_start3A_2839 = tpu.memref_slice %arg6[%dma_start3A_2836, %dma_start3A_2837, %dma_start3A_2838] : memref<64x8x128xf32, #tpu.memory_space<vmem>> -> memref<1x8x128xf32, #tpu.memory_space<vmem>>
    %dma_start3A_2840 = tpu.memref_squeeze %dma_start3A_2839 : memref<1x8x128xf32, #tpu.memory_space<vmem>> -> memref<8x128xf32, #tpu.memory_space<vmem>>
    %dma_start3A_2841 = arith.constant 0 : i32
    %dma_start3A_2842 = tpu.memref_slice %arg2[%add3A_2830, %dma_start3A_2841, %multiple_of3A_2835] : memref<128x8x100000xf32, #tpu.memory_space<hbm>> -> memref<1x8x128xf32, #tpu.memory_space<hbm>>
    %dma_start3A_2843 = tpu.memref_squeeze %dma_start3A_2842 : memref<1x8x128xf32, #tpu.memory_space<hbm>> -> memref<8x128xf32, #tpu.memory_space<hbm>>
    %dma_start3A_2844 = arith.constant 0 : i32
    %dma_start3A_2845 = arith.constant 0 : i32
    %dma_start3A_2846 = tpu.memref_slice %arg6[%dma_start3A_2836, %dma_start3A_2844, %dma_start3A_2845] : memref<64x8x128xf32, #tpu.memory_space<vmem>> -> memref<1x8x128xf32, #tpu.memory_space<vmem>>
    %dma_start3A_2847 = tpu.memref_squeeze %dma_start3A_2846 : memref<1x8x128xf32, #tpu.memory_space<vmem>> -> memref<8x128xf32, #tpu.memory_space<vmem>>
    %dma_start3A_2848 = arith.constant 0 : i32
    %dma_start3A_2849 = tpu.memref_slice %arg2[%add3A_2830, %dma_start3A_2848, %multiple_of3A_2835] : memref<128x8x100000xf32, #tpu.memory_space<hbm>> -> memref<1x8x128xf32, #tpu.memory_space<hbm>>
    %dma_start3A_2850 = tpu.memref_squeeze %dma_start3A_2849 : memref<1x8x128xf32, #tpu.memory_space<hbm>> -> memref<8x128xf32, #tpu.memory_space<hbm>>
    tpu.enqueue_dma source(%dma_start3A_2850 : memref<8x128xf32, #tpu.memory_space<hbm>>) target(%dma_start3A_2847 : memref<8x128xf32, #tpu.memory_space<vmem>>) target_semaphore(%arg8 : memref<!tpu.dma_semaphore, #tpu.memory_space<semaphore_mem>>)
    %jit3A_2851 = arith.constant 8 : i32
    %div3A_2852 = arith.divsi %multiple_of3A, %jit3A_2851 : i32
    %sign3A_2853 = arith.constant 0 : i32
    %sign3A_2854 = arith.cmpi sgt, %multiple_of3A, %sign3A_2853 : i32
    %sign3A_2855 = arith.extui %sign3A_2854 : i1 to i32
    %sign3A_2856 = arith.constant 0 : i32
    %sign3A_2857 = arith.cmpi slt, %multiple_of3A, %sign3A_2856 : i32
    %sign3A_2858 = arith.extui %sign3A_2857 : i1 to i32
    %sign3A_2859 = arith.subi %sign3A_2855, %sign3A_2858 : i32
    %sign3A_2860 = arith.constant 0 : i32
    %sign3A_2861 = arith.cmpi sgt, %jit3A_2851, %sign3A_2860 : i32
    %sign3A_2862 = arith.extui %sign3A_2861 : i1 to i32
    %sign3A_2863 = arith.constant 0 : i32
    %sign3A_2864 = arith.cmpi slt, %jit3A_2851, %sign3A_2863 : i32
    %sign3A_2865 = arith.extui %sign3A_2864 : i1 to i32
    %sign3A_2866 = arith.subi %sign3A_2862, %sign3A_2865 : i32
    %ne3A_2867 = arith.cmpi ne, %sign3A_2859, %sign3A_2866 : i32
    %rem3A_2868 = arith.remsi %multiple_of3A, %jit3A_2851 : i32
    %ne3A_2869 = arith.constant 0 : i32
    %ne3A_2870 = arith.cmpi ne, %rem3A_2868, %ne3A_2869 : i32
    %and3A_2871 = arith.andi %ne3A_2867, %ne3A_2870 : i1
    %sub3A_2872 = arith.constant 1 : i32
    %sub3A_2873 = arith.subi %div3A_2852, %sub3A_2872 : i32
    %select_n3A_2874 = arith.select %and3A_2871, %sub3A_2873, %div3A_2852 : i32
    %add3A_2875 = arith.constant 7 : i32
    %add3A_2876 = arith.addi %select_n3A_2874, %add3A_2875 : i32
    %slice3A_2877 = vector.extract_strided_slice %get3A_2206 {offsets = [14], sizes = [1], strides = [1]} : vector<16xi32> to vector<1xi32>
    %squeeze3A_2878 = vector.extract %slice3A_2877[0] : i32 from vector<1xi32>
    %and3A_2879 = arith.constant -128 : i32
    %and3A_2880 = arith.andi %squeeze3A_2878, %and3A_2879 : i32
    %multiple_of3A_2881 = tpu.assume_multiple %and3A_2880, 128 : i32
    %dma_start3A_2882 = arith.constant 62 : i32
    %dma_start3A_2883 = arith.constant 0 : i32
    %dma_start3A_2884 = arith.constant 0 : i32
    %dma_start3A_2885 = tpu.memref_slice %arg6[%dma_start3A_2882, %dma_start3A_2883, %dma_start3A_2884] : memref<64x8x128xf32, #tpu.memory_space<vmem>> -> memref<1x8x128xf32, #tpu.memory_space<vmem>>
    %dma_start3A_2886 = tpu.memref_squeeze %dma_start3A_2885 : memref<1x8x128xf32, #tpu.memory_space<vmem>> -> memref<8x128xf32, #tpu.memory_space<vmem>>
    %dma_start3A_2887 = arith.constant 0 : i32
    %dma_start3A_2888 = tpu.memref_slice %arg2[%add3A_2876, %dma_start3A_2887, %multiple_of3A_2881] : memref<128x8x100000xf32, #tpu.memory_space<hbm>> -> memref<1x8x128xf32, #tpu.memory_space<hbm>>
    %dma_start3A_2889 = tpu.memref_squeeze %dma_start3A_2888 : memref<1x8x128xf32, #tpu.memory_space<hbm>> -> memref<8x128xf32, #tpu.memory_space<hbm>>
    %dma_start3A_2890 = arith.constant 0 : i32
    %dma_start3A_2891 = arith.constant 0 : i32
    %dma_start3A_2892 = tpu.memref_slice %arg6[%dma_start3A_2882, %dma_start3A_2890, %dma_start3A_2891] : memref<64x8x128xf32, #tpu.memory_space<vmem>> -> memref<1x8x128xf32, #tpu.memory_space<vmem>>
    %dma_start3A_2893 = tpu.memref_squeeze %dma_start3A_2892 : memref<1x8x128xf32, #tpu.memory_space<vmem>> -> memref<8x128xf32, #tpu.memory_space<vmem>>
    %dma_start3A_2894 = arith.constant 0 : i32
    %dma_start3A_2895 = tpu.memref_slice %arg2[%add3A_2876, %dma_start3A_2894, %multiple_of3A_2881] : memref<128x8x100000xf32, #tpu.memory_space<hbm>> -> memref<1x8x128xf32, #tpu.memory_space<hbm>>
    %dma_start3A_2896 = tpu.memref_squeeze %dma_start3A_2895 : memref<1x8x128xf32, #tpu.memory_space<hbm>> -> memref<8x128xf32, #tpu.memory_space<hbm>>
    tpu.enqueue_dma source(%dma_start3A_2896 : memref<8x128xf32, #tpu.memory_space<hbm>>) target(%dma_start3A_2893 : memref<8x128xf32, #tpu.memory_space<vmem>>) target_semaphore(%arg8 : memref<!tpu.dma_semaphore, #tpu.memory_space<semaphore_mem>>)
    %jit3A_2897 = arith.constant 8 : i32
    %div3A_2898 = arith.divsi %multiple_of3A, %jit3A_2897 : i32
    %sign3A_2899 = arith.constant 0 : i32
    %sign3A_2900 = arith.cmpi sgt, %multiple_of3A, %sign3A_2899 : i32
    %sign3A_2901 = arith.extui %sign3A_2900 : i1 to i32
    %sign3A_2902 = arith.constant 0 : i32
    %sign3A_2903 = arith.cmpi slt, %multiple_of3A, %sign3A_2902 : i32
    %sign3A_2904 = arith.extui %sign3A_2903 : i1 to i32
    %sign3A_2905 = arith.subi %sign3A_2901, %sign3A_2904 : i32
    %sign3A_2906 = arith.constant 0 : i32
    %sign3A_2907 = arith.cmpi sgt, %jit3A_2897, %sign3A_2906 : i32
    %sign3A_2908 = arith.extui %sign3A_2907 : i1 to i32
    %sign3A_2909 = arith.constant 0 : i32
    %sign3A_2910 = arith.cmpi slt, %jit3A_2897, %sign3A_2909 : i32
    %sign3A_2911 = arith.extui %sign3A_2910 : i1 to i32
    %sign3A_2912 = arith.subi %sign3A_2908, %sign3A_2911 : i32
    %ne3A_2913 = arith.cmpi ne, %sign3A_2905, %sign3A_2912 : i32
    %rem3A_2914 = arith.remsi %multiple_of3A, %jit3A_2897 : i32
    %ne3A_2915 = arith.constant 0 : i32
    %ne3A_2916 = arith.cmpi ne, %rem3A_2914, %ne3A_2915 : i32
    %and3A_2917 = arith.andi %ne3A_2913, %ne3A_2916 : i1
    %sub3A_2918 = arith.constant 1 : i32
    %sub3A_2919 = arith.subi %div3A_2898, %sub3A_2918 : i32
    %select_n3A_2920 = arith.select %and3A_2917, %sub3A_2919, %div3A_2898 : i32
    %add3A_2921 = arith.constant 7 : i32
    %add3A_2922 = arith.addi %select_n3A_2920, %add3A_2921 : i32
    %slice3A_2923 = vector.extract_strided_slice %get3A_2206 {offsets = [15], sizes = [1], strides = [1]} : vector<16xi32> to vector<1xi32>
    %squeeze3A_2924 = vector.extract %slice3A_2923[0] : i32 from vector<1xi32>
    %and3A_2925 = arith.constant -128 : i32
    %and3A_2926 = arith.andi %squeeze3A_2924, %and3A_2925 : i32
    %multiple_of3A_2927 = tpu.assume_multiple %and3A_2926, 128 : i32
    %dma_start3A_2928 = arith.constant 63 : i32
    %dma_start3A_2929 = arith.constant 0 : i32
    %dma_start3A_2930 = arith.constant 0 : i32
    %dma_start3A_2931 = tpu.memref_slice %arg6[%dma_start3A_2928, %dma_start3A_2929, %dma_start3A_2930] : memref<64x8x128xf32, #tpu.memory_space<vmem>> -> memref<1x8x128xf32, #tpu.memory_space<vmem>>
    %dma_start3A_2932 = tpu.memref_squeeze %dma_start3A_2931 : memref<1x8x128xf32, #tpu.memory_space<vmem>> -> memref<8x128xf32, #tpu.memory_space<vmem>>
    %dma_start3A_2933 = arith.constant 0 : i32
    %dma_start3A_2934 = tpu.memref_slice %arg2[%add3A_2922, %dma_start3A_2933, %multiple_of3A_2927] : memref<128x8x100000xf32, #tpu.memory_space<hbm>> -> memref<1x8x128xf32, #tpu.memory_space<hbm>>
    %dma_start3A_2935 = tpu.memref_squeeze %dma_start3A_2934 : memref<1x8x128xf32, #tpu.memory_space<hbm>> -> memref<8x128xf32, #tpu.memory_space<hbm>>
    %dma_start3A_2936 = arith.constant 0 : i32
    %dma_start3A_2937 = arith.constant 0 : i32
    %dma_start3A_2938 = tpu.memref_slice %arg6[%dma_start3A_2928, %dma_start3A_2936, %dma_start3A_2937] : memref<64x8x128xf32, #tpu.memory_space<vmem>> -> memref<1x8x128xf32, #tpu.memory_space<vmem>>
    %dma_start3A_2939 = tpu.memref_squeeze %dma_start3A_2938 : memref<1x8x128xf32, #tpu.memory_space<vmem>> -> memref<8x128xf32, #tpu.memory_space<vmem>>
    %dma_start3A_2940 = arith.constant 0 : i32
    %dma_start3A_2941 = tpu.memref_slice %arg2[%add3A_2922, %dma_start3A_2940, %multiple_of3A_2927] : memref<128x8x100000xf32, #tpu.memory_space<hbm>> -> memref<1x8x128xf32, #tpu.memory_space<hbm>>
    %dma_start3A_2942 = tpu.memref_squeeze %dma_start3A_2941 : memref<1x8x128xf32, #tpu.memory_space<hbm>> -> memref<8x128xf32, #tpu.memory_space<hbm>>
    tpu.enqueue_dma source(%dma_start3A_2942 : memref<8x128xf32, #tpu.memory_space<hbm>>) target(%dma_start3A_2939 : memref<8x128xf32, #tpu.memory_space<vmem>>) target_semaphore(%arg8 : memref<!tpu.dma_semaphore, #tpu.memory_space<semaphore_mem>>)
    %dma_wait3A = arith.constant 0 : i32
    %dma_wait3A_2943 = arith.constant 0 : i32
    %dma_wait3A_2944 = arith.constant 0 : i32
    %dma_wait3A_2945 = tpu.memref_slice %arg6[%dma_wait3A, %dma_wait3A_2943, %dma_wait3A_2944] : memref<64x8x128xf32, #tpu.memory_space<vmem>> -> memref<1x8x128xf32, #tpu.memory_space<vmem>>
    %dma_wait3A_2946 = tpu.memref_squeeze %dma_wait3A_2945 : memref<1x8x128xf32, #tpu.memory_space<vmem>> -> memref<8x128xf32, #tpu.memory_space<vmem>>
    %dma_wait3A_2947 = arith.constant 0 : i32
    %dma_wait3A_2948 = tpu.memref_slice %arg2[%add3A_21, %dma_wait3A_2947, %multiple_of3A_24] : memref<128x8x100000xf32, #tpu.memory_space<hbm>> -> memref<1x8x128xf32, #tpu.memory_space<hbm>>
    %dma_wait3A_2949 = tpu.memref_squeeze %dma_wait3A_2948 : memref<1x8x128xf32, #tpu.memory_space<hbm>> -> memref<8x128xf32, #tpu.memory_space<hbm>>
    %dma_wait3A_2950 = arith.constant 0 : i32
    %dma_wait3A_2951 = arith.constant 0 : i32
    %dma_wait3A_2952 = tpu.memref_slice %arg6[%dma_wait3A, %dma_wait3A_2950, %dma_wait3A_2951] : memref<64x8x128xf32, #tpu.memory_space<vmem>> -> memref<1x8x128xf32, #tpu.memory_space<vmem>>
    %dma_wait3A_2953 = tpu.memref_squeeze %dma_wait3A_2952 : memref<1x8x128xf32, #tpu.memory_space<vmem>> -> memref<8x128xf32, #tpu.memory_space<vmem>>
    %dma_wait3A_2954 = arith.constant 0 : i32
    %dma_wait3A_2955 = tpu.memref_slice %arg2[%add3A_21, %dma_wait3A_2954, %multiple_of3A_24] : memref<128x8x100000xf32, #tpu.memory_space<hbm>> -> memref<1x8x128xf32, #tpu.memory_space<hbm>>
    %dma_wait3A_2956 = tpu.memref_squeeze %dma_wait3A_2955 : memref<1x8x128xf32, #tpu.memory_space<hbm>> -> memref<8x128xf32, #tpu.memory_space<hbm>>
    tpu.wait_dma2 semaphore(%arg8 : memref<!tpu.dma_semaphore, #tpu.memory_space<semaphore_mem>>) src(%dma_wait3A_2956 : memref<8x128xf32, #tpu.memory_space<hbm>>) dst(%dma_wait3A_2953 : memref<8x128xf32, #tpu.memory_space<vmem>>)
    %dma_wait3A_2957 = arith.constant 1 : i32
    %dma_wait3A_2958 = arith.constant 0 : i32
    %dma_wait3A_2959 = arith.constant 0 : i32
    %dma_wait3A_2960 = tpu.memref_slice %arg6[%dma_wait3A_2957, %dma_wait3A_2958, %dma_wait3A_2959] : memref<64x8x128xf32, #tpu.memory_space<vmem>> -> memref<1x8x128xf32, #tpu.memory_space<vmem>>
    %dma_wait3A_2961 = tpu.memref_squeeze %dma_wait3A_2960 : memref<1x8x128xf32, #tpu.memory_space<vmem>> -> memref<8x128xf32, #tpu.memory_space<vmem>>
    %dma_wait3A_2962 = arith.constant 0 : i32
    %dma_wait3A_2963 = tpu.memref_slice %arg2[%add3A_64, %dma_wait3A_2962, %multiple_of3A_69] : memref<128x8x100000xf32, #tpu.memory_space<hbm>> -> memref<1x8x128xf32, #tpu.memory_space<hbm>>
    %dma_wait3A_2964 = tpu.memref_squeeze %dma_wait3A_2963 : memref<1x8x128xf32, #tpu.memory_space<hbm>> -> memref<8x128xf32, #tpu.memory_space<hbm>>
    %dma_wait3A_2965 = arith.constant 0 : i32
    %dma_wait3A_2966 = arith.constant 0 : i32
    %dma_wait3A_2967 = tpu.memref_slice %arg6[%dma_wait3A_2957, %dma_wait3A_2965, %dma_wait3A_2966] : memref<64x8x128xf32, #tpu.memory_space<vmem>> -> memref<1x8x128xf32, #tpu.memory_space<vmem>>
    %dma_wait3A_2968 = tpu.memref_squeeze %dma_wait3A_2967 : memref<1x8x128xf32, #tpu.memory_space<vmem>> -> memref<8x128xf32, #tpu.memory_space<vmem>>
    %dma_wait3A_2969 = arith.constant 0 : i32
    %dma_wait3A_2970 = tpu.memref_slice %arg2[%add3A_64, %dma_wait3A_2969, %multiple_of3A_69] : memref<128x8x100000xf32, #tpu.memory_space<hbm>> -> memref<1x8x128xf32, #tpu.memory_space<hbm>>
    %dma_wait3A_2971 = tpu.memref_squeeze %dma_wait3A_2970 : memref<1x8x128xf32, #tpu.memory_space<hbm>> -> memref<8x128xf32, #tpu.memory_space<hbm>>
    tpu.wait_dma2 semaphore(%arg8 : memref<!tpu.dma_semaphore, #tpu.memory_space<semaphore_mem>>) src(%dma_wait3A_2971 : memref<8x128xf32, #tpu.memory_space<hbm>>) dst(%dma_wait3A_2968 : memref<8x128xf32, #tpu.memory_space<vmem>>)
    %dma_wait3A_2972 = arith.constant 2 : i32
    %dma_wait3A_2973 = arith.constant 0 : i32
    %dma_wait3A_2974 = arith.constant 0 : i32
    %dma_wait3A_2975 = tpu.memref_slice %arg6[%dma_wait3A_2972, %dma_wait3A_2973, %dma_wait3A_2974] : memref<64x8x128xf32, #tpu.memory_space<vmem>> -> memref<1x8x128xf32, #tpu.memory_space<vmem>>
    %dma_wait3A_2976 = tpu.memref_squeeze %dma_wait3A_2975 : memref<1x8x128xf32, #tpu.memory_space<vmem>> -> memref<8x128xf32, #tpu.memory_space<vmem>>
    %dma_wait3A_2977 = arith.constant 0 : i32
    %dma_wait3A_2978 = tpu.memref_slice %arg2[%add3A_110, %dma_wait3A_2977, %multiple_of3A_115] : memref<128x8x100000xf32, #tpu.memory_space<hbm>> -> memref<1x8x128xf32, #tpu.memory_space<hbm>>
    %dma_wait3A_2979 = tpu.memref_squeeze %dma_wait3A_2978 : memref<1x8x128xf32, #tpu.memory_space<hbm>> -> memref<8x128xf32, #tpu.memory_space<hbm>>
    %dma_wait3A_2980 = arith.constant 0 : i32
    %dma_wait3A_2981 = arith.constant 0 : i32
    %dma_wait3A_2982 = tpu.memref_slice %arg6[%dma_wait3A_2972, %dma_wait3A_2980, %dma_wait3A_2981] : memref<64x8x128xf32, #tpu.memory_space<vmem>> -> memref<1x8x128xf32, #tpu.memory_space<vmem>>
    %dma_wait3A_2983 = tpu.memref_squeeze %dma_wait3A_2982 : memref<1x8x128xf32, #tpu.memory_space<vmem>> -> memref<8x128xf32, #tpu.memory_space<vmem>>
    %dma_wait3A_2984 = arith.constant 0 : i32
    %dma_wait3A_2985 = tpu.memref_slice %arg2[%add3A_110, %dma_wait3A_2984, %multiple_of3A_115] : memref<128x8x100000xf32, #tpu.memory_space<hbm>> -> memref<1x8x128xf32, #tpu.memory_space<hbm>>
    %dma_wait3A_2986 = tpu.memref_squeeze %dma_wait3A_2985 : memref<1x8x128xf32, #tpu.memory_space<hbm>> -> memref<8x128xf32, #tpu.memory_space<hbm>>
    tpu.wait_dma2 semaphore(%arg8 : memref<!tpu.dma_semaphore, #tpu.memory_space<semaphore_mem>>) src(%dma_wait3A_2986 : memref<8x128xf32, #tpu.memory_space<hbm>>) dst(%dma_wait3A_2983 : memref<8x128xf32, #tpu.memory_space<vmem>>)
    %dma_wait3A_2987 = arith.constant 3 : i32
    %dma_wait3A_2988 = arith.constant 0 : i32
    %dma_wait3A_2989 = arith.constant 0 : i32
    %dma_wait3A_2990 = tpu.memref_slice %arg6[%dma_wait3A_2987, %dma_wait3A_2988, %dma_wait3A_2989] : memref<64x8x128xf32, #tpu.memory_space<vmem>> -> memref<1x8x128xf32, #tpu.memory_space<vmem>>
    %dma_wait3A_2991 = tpu.memref_squeeze %dma_wait3A_2990 : memref<1x8x128xf32, #tpu.memory_space<vmem>> -> memref<8x128xf32, #tpu.memory_space<vmem>>
    %dma_wait3A_2992 = arith.constant 0 : i32
    %dma_wait3A_2993 = tpu.memref_slice %arg2[%add3A_156, %dma_wait3A_2992, %multiple_of3A_161] : memref<128x8x100000xf32, #tpu.memory_space<hbm>> -> memref<1x8x128xf32, #tpu.memory_space<hbm>>
    %dma_wait3A_2994 = tpu.memref_squeeze %dma_wait3A_2993 : memref<1x8x128xf32, #tpu.memory_space<hbm>> -> memref<8x128xf32, #tpu.memory_space<hbm>>
    %dma_wait3A_2995 = arith.constant 0 : i32
    %dma_wait3A_2996 = arith.constant 0 : i32
    %dma_wait3A_2997 = tpu.memref_slice %arg6[%dma_wait3A_2987, %dma_wait3A_2995, %dma_wait3A_2996] : memref<64x8x128xf32, #tpu.memory_space<vmem>> -> memref<1x8x128xf32, #tpu.memory_space<vmem>>
    %dma_wait3A_2998 = tpu.memref_squeeze %dma_wait3A_2997 : memref<1x8x128xf32, #tpu.memory_space<vmem>> -> memref<8x128xf32, #tpu.memory_space<vmem>>
    %dma_wait3A_2999 = arith.constant 0 : i32
    %dma_wait3A_3000 = tpu.memref_slice %arg2[%add3A_156, %dma_wait3A_2999, %multiple_of3A_161] : memref<128x8x100000xf32, #tpu.memory_space<hbm>> -> memref<1x8x128xf32, #tpu.memory_space<hbm>>
    %dma_wait3A_3001 = tpu.memref_squeeze %dma_wait3A_3000 : memref<1x8x128xf32, #tpu.memory_space<hbm>> -> memref<8x128xf32, #tpu.memory_space<hbm>>
    tpu.wait_dma2 semaphore(%arg8 : memref<!tpu.dma_semaphore, #tpu.memory_space<semaphore_mem>>) src(%dma_wait3A_3001 : memref<8x128xf32, #tpu.memory_space<hbm>>) dst(%dma_wait3A_2998 : memref<8x128xf32, #tpu.memory_space<vmem>>)
    %dma_wait3A_3002 = arith.constant 4 : i32
    %dma_wait3A_3003 = arith.constant 0 : i32
    %dma_wait3A_3004 = arith.constant 0 : i32
    %dma_wait3A_3005 = tpu.memref_slice %arg6[%dma_wait3A_3002, %dma_wait3A_3003, %dma_wait3A_3004] : memref<64x8x128xf32, #tpu.memory_space<vmem>> -> memref<1x8x128xf32, #tpu.memory_space<vmem>>
    %dma_wait3A_3006 = tpu.memref_squeeze %dma_wait3A_3005 : memref<1x8x128xf32, #tpu.memory_space<vmem>> -> memref<8x128xf32, #tpu.memory_space<vmem>>
    %dma_wait3A_3007 = arith.constant 0 : i32
    %dma_wait3A_3008 = tpu.memref_slice %arg2[%add3A_202, %dma_wait3A_3007, %multiple_of3A_207] : memref<128x8x100000xf32, #tpu.memory_space<hbm>> -> memref<1x8x128xf32, #tpu.memory_space<hbm>>
    %dma_wait3A_3009 = tpu.memref_squeeze %dma_wait3A_3008 : memref<1x8x128xf32, #tpu.memory_space<hbm>> -> memref<8x128xf32, #tpu.memory_space<hbm>>
    %dma_wait3A_3010 = arith.constant 0 : i32
    %dma_wait3A_3011 = arith.constant 0 : i32
    %dma_wait3A_3012 = tpu.memref_slice %arg6[%dma_wait3A_3002, %dma_wait3A_3010, %dma_wait3A_3011] : memref<64x8x128xf32, #tpu.memory_space<vmem>> -> memref<1x8x128xf32, #tpu.memory_space<vmem>>
    %dma_wait3A_3013 = tpu.memref_squeeze %dma_wait3A_3012 : memref<1x8x128xf32, #tpu.memory_space<vmem>> -> memref<8x128xf32, #tpu.memory_space<vmem>>
    %dma_wait3A_3014 = arith.constant 0 : i32
    %dma_wait3A_3015 = tpu.memref_slice %arg2[%add3A_202, %dma_wait3A_3014, %multiple_of3A_207] : memref<128x8x100000xf32, #tpu.memory_space<hbm>> -> memref<1x8x128xf32, #tpu.memory_space<hbm>>
    %dma_wait3A_3016 = tpu.memref_squeeze %dma_wait3A_3015 : memref<1x8x128xf32, #tpu.memory_space<hbm>> -> memref<8x128xf32, #tpu.memory_space<hbm>>
    tpu.wait_dma2 semaphore(%arg8 : memref<!tpu.dma_semaphore, #tpu.memory_space<semaphore_mem>>) src(%dma_wait3A_3016 : memref<8x128xf32, #tpu.memory_space<hbm>>) dst(%dma_wait3A_3013 : memref<8x128xf32, #tpu.memory_space<vmem>>)
    %dma_wait3A_3017 = arith.constant 5 : i32
    %dma_wait3A_3018 = arith.constant 0 : i32
    %dma_wait3A_3019 = arith.constant 0 : i32
    %dma_wait3A_3020 = tpu.memref_slice %arg6[%dma_wait3A_3017, %dma_wait3A_3018, %dma_wait3A_3019] : memref<64x8x128xf32, #tpu.memory_space<vmem>> -> memref<1x8x128xf32, #tpu.memory_space<vmem>>
    %dma_wait3A_3021 = tpu.memref_squeeze %dma_wait3A_3020 : memref<1x8x128xf32, #tpu.memory_space<vmem>> -> memref<8x128xf32, #tpu.memory_space<vmem>>
    %dma_wait3A_3022 = arith.constant 0 : i32
    %dma_wait3A_3023 = tpu.memref_slice %arg2[%add3A_248, %dma_wait3A_3022, %multiple_of3A_253] : memref<128x8x100000xf32, #tpu.memory_space<hbm>> -> memref<1x8x128xf32, #tpu.memory_space<hbm>>
    %dma_wait3A_3024 = tpu.memref_squeeze %dma_wait3A_3023 : memref<1x8x128xf32, #tpu.memory_space<hbm>> -> memref<8x128xf32, #tpu.memory_space<hbm>>
    %dma_wait3A_3025 = arith.constant 0 : i32
    %dma_wait3A_3026 = arith.constant 0 : i32
    %dma_wait3A_3027 = tpu.memref_slice %arg6[%dma_wait3A_3017, %dma_wait3A_3025, %dma_wait3A_3026] : memref<64x8x128xf32, #tpu.memory_space<vmem>> -> memref<1x8x128xf32, #tpu.memory_space<vmem>>
    %dma_wait3A_3028 = tpu.memref_squeeze %dma_wait3A_3027 : memref<1x8x128xf32, #tpu.memory_space<vmem>> -> memref<8x128xf32, #tpu.memory_space<vmem>>
    %dma_wait3A_3029 = arith.constant 0 : i32
    %dma_wait3A_3030 = tpu.memref_slice %arg2[%add3A_248, %dma_wait3A_3029, %multiple_of3A_253] : memref<128x8x100000xf32, #tpu.memory_space<hbm>> -> memref<1x8x128xf32, #tpu.memory_space<hbm>>
    %dma_wait3A_3031 = tpu.memref_squeeze %dma_wait3A_3030 : memref<1x8x128xf32, #tpu.memory_space<hbm>> -> memref<8x128xf32, #tpu.memory_space<hbm>>
    tpu.wait_dma2 semaphore(%arg8 : memref<!tpu.dma_semaphore, #tpu.memory_space<semaphore_mem>>) src(%dma_wait3A_3031 : memref<8x128xf32, #tpu.memory_space<hbm>>) dst(%dma_wait3A_3028 : memref<8x128xf32, #tpu.memory_space<vmem>>)
    %dma_wait3A_3032 = arith.constant 6 : i32
    %dma_wait3A_3033 = arith.constant 0 : i32
    %dma_wait3A_3034 = arith.constant 0 : i32
    %dma_wait3A_3035 = tpu.memref_slice %arg6[%dma_wait3A_3032, %dma_wait3A_3033, %dma_wait3A_3034] : memref<64x8x128xf32, #tpu.memory_space<vmem>> -> memref<1x8x128xf32, #tpu.memory_space<vmem>>
    %dma_wait3A_3036 = tpu.memref_squeeze %dma_wait3A_3035 : memref<1x8x128xf32, #tpu.memory_space<vmem>> -> memref<8x128xf32, #tpu.memory_space<vmem>>
    %dma_wait3A_3037 = arith.constant 0 : i32
    %dma_wait3A_3038 = tpu.memref_slice %arg2[%add3A_294, %dma_wait3A_3037, %multiple_of3A_299] : memref<128x8x100000xf32, #tpu.memory_space<hbm>> -> memref<1x8x128xf32, #tpu.memory_space<hbm>>
    %dma_wait3A_3039 = tpu.memref_squeeze %dma_wait3A_3038 : memref<1x8x128xf32, #tpu.memory_space<hbm>> -> memref<8x128xf32, #tpu.memory_space<hbm>>
    %dma_wait3A_3040 = arith.constant 0 : i32
    %dma_wait3A_3041 = arith.constant 0 : i32
    %dma_wait3A_3042 = tpu.memref_slice %arg6[%dma_wait3A_3032, %dma_wait3A_3040, %dma_wait3A_3041] : memref<64x8x128xf32, #tpu.memory_space<vmem>> -> memref<1x8x128xf32, #tpu.memory_space<vmem>>
    %dma_wait3A_3043 = tpu.memref_squeeze %dma_wait3A_3042 : memref<1x8x128xf32, #tpu.memory_space<vmem>> -> memref<8x128xf32, #tpu.memory_space<vmem>>
    %dma_wait3A_3044 = arith.constant 0 : i32
    %dma_wait3A_3045 = tpu.memref_slice %arg2[%add3A_294, %dma_wait3A_3044, %multiple_of3A_299] : memref<128x8x100000xf32, #tpu.memory_space<hbm>> -> memref<1x8x128xf32, #tpu.memory_space<hbm>>
    %dma_wait3A_3046 = tpu.memref_squeeze %dma_wait3A_3045 : memref<1x8x128xf32, #tpu.memory_space<hbm>> -> memref<8x128xf32, #tpu.memory_space<hbm>>
    tpu.wait_dma2 semaphore(%arg8 : memref<!tpu.dma_semaphore, #tpu.memory_space<semaphore_mem>>) src(%dma_wait3A_3046 : memref<8x128xf32, #tpu.memory_space<hbm>>) dst(%dma_wait3A_3043 : memref<8x128xf32, #tpu.memory_space<vmem>>)
    %dma_wait3A_3047 = arith.constant 7 : i32
    %dma_wait3A_3048 = arith.constant 0 : i32
    %dma_wait3A_3049 = arith.constant 0 : i32
    %dma_wait3A_3050 = tpu.memref_slice %arg6[%dma_wait3A_3047, %dma_wait3A_3048, %dma_wait3A_3049] : memref<64x8x128xf32, #tpu.memory_space<vmem>> -> memref<1x8x128xf32, #tpu.memory_space<vmem>>
    %dma_wait3A_3051 = tpu.memref_squeeze %dma_wait3A_3050 : memref<1x8x128xf32, #tpu.memory_space<vmem>> -> memref<8x128xf32, #tpu.memory_space<vmem>>
    %dma_wait3A_3052 = arith.constant 0 : i32
    %dma_wait3A_3053 = tpu.memref_slice %arg2[%add3A_340, %dma_wait3A_3052, %multiple_of3A_345] : memref<128x8x100000xf32, #tpu.memory_space<hbm>> -> memref<1x8x128xf32, #tpu.memory_space<hbm>>
    %dma_wait3A_3054 = tpu.memref_squeeze %dma_wait3A_3053 : memref<1x8x128xf32, #tpu.memory_space<hbm>> -> memref<8x128xf32, #tpu.memory_space<hbm>>
    %dma_wait3A_3055 = arith.constant 0 : i32
    %dma_wait3A_3056 = arith.constant 0 : i32
    %dma_wait3A_3057 = tpu.memref_slice %arg6[%dma_wait3A_3047, %dma_wait3A_3055, %dma_wait3A_3056] : memref<64x8x128xf32, #tpu.memory_space<vmem>> -> memref<1x8x128xf32, #tpu.memory_space<vmem>>
    %dma_wait3A_3058 = tpu.memref_squeeze %dma_wait3A_3057 : memref<1x8x128xf32, #tpu.memory_space<vmem>> -> memref<8x128xf32, #tpu.memory_space<vmem>>
    %dma_wait3A_3059 = arith.constant 0 : i32
    %dma_wait3A_3060 = tpu.memref_slice %arg2[%add3A_340, %dma_wait3A_3059, %multiple_of3A_345] : memref<128x8x100000xf32, #tpu.memory_space<hbm>> -> memref<1x8x128xf32, #tpu.memory_space<hbm>>
    %dma_wait3A_3061 = tpu.memref_squeeze %dma_wait3A_3060 : memref<1x8x128xf32, #tpu.memory_space<hbm>> -> memref<8x128xf32, #tpu.memory_space<hbm>>
    tpu.wait_dma2 semaphore(%arg8 : memref<!tpu.dma_semaphore, #tpu.memory_space<semaphore_mem>>) src(%dma_wait3A_3061 : memref<8x128xf32, #tpu.memory_space<hbm>>) dst(%dma_wait3A_3058 : memref<8x128xf32, #tpu.memory_space<vmem>>)
    %dma_wait3A_3062 = arith.constant 8 : i32
    %dma_wait3A_3063 = arith.constant 0 : i32
    %dma_wait3A_3064 = arith.constant 0 : i32
    %dma_wait3A_3065 = tpu.memref_slice %arg6[%dma_wait3A_3062, %dma_wait3A_3063, %dma_wait3A_3064] : memref<64x8x128xf32, #tpu.memory_space<vmem>> -> memref<1x8x128xf32, #tpu.memory_space<vmem>>
    %dma_wait3A_3066 = tpu.memref_squeeze %dma_wait3A_3065 : memref<1x8x128xf32, #tpu.memory_space<vmem>> -> memref<8x128xf32, #tpu.memory_space<vmem>>
    %dma_wait3A_3067 = arith.constant 0 : i32
    %dma_wait3A_3068 = tpu.memref_slice %arg2[%add3A_386, %dma_wait3A_3067, %multiple_of3A_391] : memref<128x8x100000xf32, #tpu.memory_space<hbm>> -> memref<1x8x128xf32, #tpu.memory_space<hbm>>
    %dma_wait3A_3069 = tpu.memref_squeeze %dma_wait3A_3068 : memref<1x8x128xf32, #tpu.memory_space<hbm>> -> memref<8x128xf32, #tpu.memory_space<hbm>>
    %dma_wait3A_3070 = arith.constant 0 : i32
    %dma_wait3A_3071 = arith.constant 0 : i32
    %dma_wait3A_3072 = tpu.memref_slice %arg6[%dma_wait3A_3062, %dma_wait3A_3070, %dma_wait3A_3071] : memref<64x8x128xf32, #tpu.memory_space<vmem>> -> memref<1x8x128xf32, #tpu.memory_space<vmem>>
    %dma_wait3A_3073 = tpu.memref_squeeze %dma_wait3A_3072 : memref<1x8x128xf32, #tpu.memory_space<vmem>> -> memref<8x128xf32, #tpu.memory_space<vmem>>
    %dma_wait3A_3074 = arith.constant 0 : i32
    %dma_wait3A_3075 = tpu.memref_slice %arg2[%add3A_386, %dma_wait3A_3074, %multiple_of3A_391] : memref<128x8x100000xf32, #tpu.memory_space<hbm>> -> memref<1x8x128xf32, #tpu.memory_space<hbm>>
    %dma_wait3A_3076 = tpu.memref_squeeze %dma_wait3A_3075 : memref<1x8x128xf32, #tpu.memory_space<hbm>> -> memref<8x128xf32, #tpu.memory_space<hbm>>
    tpu.wait_dma2 semaphore(%arg8 : memref<!tpu.dma_semaphore, #tpu.memory_space<semaphore_mem>>) src(%dma_wait3A_3076 : memref<8x128xf32, #tpu.memory_space<hbm>>) dst(%dma_wait3A_3073 : memref<8x128xf32, #tpu.memory_space<vmem>>)
    %dma_wait3A_3077 = arith.constant 9 : i32
    %dma_wait3A_3078 = arith.constant 0 : i32
    %dma_wait3A_3079 = arith.constant 0 : i32
    %dma_wait3A_3080 = tpu.memref_slice %arg6[%dma_wait3A_3077, %dma_wait3A_3078, %dma_wait3A_3079] : memref<64x8x128xf32, #tpu.memory_space<vmem>> -> memref<1x8x128xf32, #tpu.memory_space<vmem>>
    %dma_wait3A_3081 = tpu.memref_squeeze %dma_wait3A_3080 : memref<1x8x128xf32, #tpu.memory_space<vmem>> -> memref<8x128xf32, #tpu.memory_space<vmem>>
    %dma_wait3A_3082 = arith.constant 0 : i32
    %dma_wait3A_3083 = tpu.memref_slice %arg2[%add3A_432, %dma_wait3A_3082, %multiple_of3A_437] : memref<128x8x100000xf32, #tpu.memory_space<hbm>> -> memref<1x8x128xf32, #tpu.memory_space<hbm>>
    %dma_wait3A_3084 = tpu.memref_squeeze %dma_wait3A_3083 : memref<1x8x128xf32, #tpu.memory_space<hbm>> -> memref<8x128xf32, #tpu.memory_space<hbm>>
    %dma_wait3A_3085 = arith.constant 0 : i32
    %dma_wait3A_3086 = arith.constant 0 : i32
    %dma_wait3A_3087 = tpu.memref_slice %arg6[%dma_wait3A_3077, %dma_wait3A_3085, %dma_wait3A_3086] : memref<64x8x128xf32, #tpu.memory_space<vmem>> -> memref<1x8x128xf32, #tpu.memory_space<vmem>>
    %dma_wait3A_3088 = tpu.memref_squeeze %dma_wait3A_3087 : memref<1x8x128xf32, #tpu.memory_space<vmem>> -> memref<8x128xf32, #tpu.memory_space<vmem>>
    %dma_wait3A_3089 = arith.constant 0 : i32
    %dma_wait3A_3090 = tpu.memref_slice %arg2[%add3A_432, %dma_wait3A_3089, %multiple_of3A_437] : memref<128x8x100000xf32, #tpu.memory_space<hbm>> -> memref<1x8x128xf32, #tpu.memory_space<hbm>>
    %dma_wait3A_3091 = tpu.memref_squeeze %dma_wait3A_3090 : memref<1x8x128xf32, #tpu.memory_space<hbm>> -> memref<8x128xf32, #tpu.memory_space<hbm>>
    tpu.wait_dma2 semaphore(%arg8 : memref<!tpu.dma_semaphore, #tpu.memory_space<semaphore_mem>>) src(%dma_wait3A_3091 : memref<8x128xf32, #tpu.memory_space<hbm>>) dst(%dma_wait3A_3088 : memref<8x128xf32, #tpu.memory_space<vmem>>)
    %dma_wait3A_3092 = arith.constant 10 : i32
    %dma_wait3A_3093 = arith.constant 0 : i32
    %dma_wait3A_3094 = arith.constant 0 : i32
    %dma_wait3A_3095 = tpu.memref_slice %arg6[%dma_wait3A_3092, %dma_wait3A_3093, %dma_wait3A_3094] : memref<64x8x128xf32, #tpu.memory_space<vmem>> -> memref<1x8x128xf32, #tpu.memory_space<vmem>>
    %dma_wait3A_3096 = tpu.memref_squeeze %dma_wait3A_3095 : memref<1x8x128xf32, #tpu.memory_space<vmem>> -> memref<8x128xf32, #tpu.memory_space<vmem>>
    %dma_wait3A_3097 = arith.constant 0 : i32
    %dma_wait3A_3098 = tpu.memref_slice %arg2[%add3A_478, %dma_wait3A_3097, %multiple_of3A_483] : memref<128x8x100000xf32, #tpu.memory_space<hbm>> -> memref<1x8x128xf32, #tpu.memory_space<hbm>>
    %dma_wait3A_3099 = tpu.memref_squeeze %dma_wait3A_3098 : memref<1x8x128xf32, #tpu.memory_space<hbm>> -> memref<8x128xf32, #tpu.memory_space<hbm>>
    %dma_wait3A_3100 = arith.constant 0 : i32
    %dma_wait3A_3101 = arith.constant 0 : i32
    %dma_wait3A_3102 = tpu.memref_slice %arg6[%dma_wait3A_3092, %dma_wait3A_3100, %dma_wait3A_3101] : memref<64x8x128xf32, #tpu.memory_space<vmem>> -> memref<1x8x128xf32, #tpu.memory_space<vmem>>
    %dma_wait3A_3103 = tpu.memref_squeeze %dma_wait3A_3102 : memref<1x8x128xf32, #tpu.memory_space<vmem>> -> memref<8x128xf32, #tpu.memory_space<vmem>>
    %dma_wait3A_3104 = arith.constant 0 : i32
    %dma_wait3A_3105 = tpu.memref_slice %arg2[%add3A_478, %dma_wait3A_3104, %multiple_of3A_483] : memref<128x8x100000xf32, #tpu.memory_space<hbm>> -> memref<1x8x128xf32, #tpu.memory_space<hbm>>
    %dma_wait3A_3106 = tpu.memref_squeeze %dma_wait3A_3105 : memref<1x8x128xf32, #tpu.memory_space<hbm>> -> memref<8x128xf32, #tpu.memory_space<hbm>>
    tpu.wait_dma2 semaphore(%arg8 : memref<!tpu.dma_semaphore, #tpu.memory_space<semaphore_mem>>) src(%dma_wait3A_3106 : memref<8x128xf32, #tpu.memory_space<hbm>>) dst(%dma_wait3A_3103 : memref<8x128xf32, #tpu.memory_space<vmem>>)
    %dma_wait3A_3107 = arith.constant 11 : i32
    %dma_wait3A_3108 = arith.constant 0 : i32
    %dma_wait3A_3109 = arith.constant 0 : i32
    %dma_wait3A_3110 = tpu.memref_slice %arg6[%dma_wait3A_3107, %dma_wait3A_3108, %dma_wait3A_3109] : memref<64x8x128xf32, #tpu.memory_space<vmem>> -> memref<1x8x128xf32, #tpu.memory_space<vmem>>
    %dma_wait3A_3111 = tpu.memref_squeeze %dma_wait3A_3110 : memref<1x8x128xf32, #tpu.memory_space<vmem>> -> memref<8x128xf32, #tpu.memory_space<vmem>>
    %dma_wait3A_3112 = arith.constant 0 : i32
    %dma_wait3A_3113 = tpu.memref_slice %arg2[%add3A_524, %dma_wait3A_3112, %multiple_of3A_529] : memref<128x8x100000xf32, #tpu.memory_space<hbm>> -> memref<1x8x128xf32, #tpu.memory_space<hbm>>
    %dma_wait3A_3114 = tpu.memref_squeeze %dma_wait3A_3113 : memref<1x8x128xf32, #tpu.memory_space<hbm>> -> memref<8x128xf32, #tpu.memory_space<hbm>>
    %dma_wait3A_3115 = arith.constant 0 : i32
    %dma_wait3A_3116 = arith.constant 0 : i32
    %dma_wait3A_3117 = tpu.memref_slice %arg6[%dma_wait3A_3107, %dma_wait3A_3115, %dma_wait3A_3116] : memref<64x8x128xf32, #tpu.memory_space<vmem>> -> memref<1x8x128xf32, #tpu.memory_space<vmem>>
    %dma_wait3A_3118 = tpu.memref_squeeze %dma_wait3A_3117 : memref<1x8x128xf32, #tpu.memory_space<vmem>> -> memref<8x128xf32, #tpu.memory_space<vmem>>
    %dma_wait3A_3119 = arith.constant 0 : i32
    %dma_wait3A_3120 = tpu.memref_slice %arg2[%add3A_524, %dma_wait3A_3119, %multiple_of3A_529] : memref<128x8x100000xf32, #tpu.memory_space<hbm>> -> memref<1x8x128xf32, #tpu.memory_space<hbm>>
    %dma_wait3A_3121 = tpu.memref_squeeze %dma_wait3A_3120 : memref<1x8x128xf32, #tpu.memory_space<hbm>> -> memref<8x128xf32, #tpu.memory_space<hbm>>
    tpu.wait_dma2 semaphore(%arg8 : memref<!tpu.dma_semaphore, #tpu.memory_space<semaphore_mem>>) src(%dma_wait3A_3121 : memref<8x128xf32, #tpu.memory_space<hbm>>) dst(%dma_wait3A_3118 : memref<8x128xf32, #tpu.memory_space<vmem>>)
    %dma_wait3A_3122 = arith.constant 12 : i32
    %dma_wait3A_3123 = arith.constant 0 : i32
    %dma_wait3A_3124 = arith.constant 0 : i32
    %dma_wait3A_3125 = tpu.memref_slice %arg6[%dma_wait3A_3122, %dma_wait3A_3123, %dma_wait3A_3124] : memref<64x8x128xf32, #tpu.memory_space<vmem>> -> memref<1x8x128xf32, #tpu.memory_space<vmem>>
    %dma_wait3A_3126 = tpu.memref_squeeze %dma_wait3A_3125 : memref<1x8x128xf32, #tpu.memory_space<vmem>> -> memref<8x128xf32, #tpu.memory_space<vmem>>
    %dma_wait3A_3127 = arith.constant 0 : i32
    %dma_wait3A_3128 = tpu.memref_slice %arg2[%add3A_570, %dma_wait3A_3127, %multiple_of3A_575] : memref<128x8x100000xf32, #tpu.memory_space<hbm>> -> memref<1x8x128xf32, #tpu.memory_space<hbm>>
    %dma_wait3A_3129 = tpu.memref_squeeze %dma_wait3A_3128 : memref<1x8x128xf32, #tpu.memory_space<hbm>> -> memref<8x128xf32, #tpu.memory_space<hbm>>
    %dma_wait3A_3130 = arith.constant 0 : i32
    %dma_wait3A_3131 = arith.constant 0 : i32
    %dma_wait3A_3132 = tpu.memref_slice %arg6[%dma_wait3A_3122, %dma_wait3A_3130, %dma_wait3A_3131] : memref<64x8x128xf32, #tpu.memory_space<vmem>> -> memref<1x8x128xf32, #tpu.memory_space<vmem>>
    %dma_wait3A_3133 = tpu.memref_squeeze %dma_wait3A_3132 : memref<1x8x128xf32, #tpu.memory_space<vmem>> -> memref<8x128xf32, #tpu.memory_space<vmem>>
    %dma_wait3A_3134 = arith.constant 0 : i32
    %dma_wait3A_3135 = tpu.memref_slice %arg2[%add3A_570, %dma_wait3A_3134, %multiple_of3A_575] : memref<128x8x100000xf32, #tpu.memory_space<hbm>> -> memref<1x8x128xf32, #tpu.memory_space<hbm>>
    %dma_wait3A_3136 = tpu.memref_squeeze %dma_wait3A_3135 : memref<1x8x128xf32, #tpu.memory_space<hbm>> -> memref<8x128xf32, #tpu.memory_space<hbm>>
    tpu.wait_dma2 semaphore(%arg8 : memref<!tpu.dma_semaphore, #tpu.memory_space<semaphore_mem>>) src(%dma_wait3A_3136 : memref<8x128xf32, #tpu.memory_space<hbm>>) dst(%dma_wait3A_3133 : memref<8x128xf32, #tpu.memory_space<vmem>>)
    %dma_wait3A_3137 = arith.constant 13 : i32
    %dma_wait3A_3138 = arith.constant 0 : i32
    %dma_wait3A_3139 = arith.constant 0 : i32
    %dma_wait3A_3140 = tpu.memref_slice %arg6[%dma_wait3A_3137, %dma_wait3A_3138, %dma_wait3A_3139] : memref<64x8x128xf32, #tpu.memory_space<vmem>> -> memref<1x8x128xf32, #tpu.memory_space<vmem>>
    %dma_wait3A_3141 = tpu.memref_squeeze %dma_wait3A_3140 : memref<1x8x128xf32, #tpu.memory_space<vmem>> -> memref<8x128xf32, #tpu.memory_space<vmem>>
    %dma_wait3A_3142 = arith.constant 0 : i32
    %dma_wait3A_3143 = tpu.memref_slice %arg2[%add3A_616, %dma_wait3A_3142, %multiple_of3A_621] : memref<128x8x100000xf32, #tpu.memory_space<hbm>> -> memref<1x8x128xf32, #tpu.memory_space<hbm>>
    %dma_wait3A_3144 = tpu.memref_squeeze %dma_wait3A_3143 : memref<1x8x128xf32, #tpu.memory_space<hbm>> -> memref<8x128xf32, #tpu.memory_space<hbm>>
    %dma_wait3A_3145 = arith.constant 0 : i32
    %dma_wait3A_3146 = arith.constant 0 : i32
    %dma_wait3A_3147 = tpu.memref_slice %arg6[%dma_wait3A_3137, %dma_wait3A_3145, %dma_wait3A_3146] : memref<64x8x128xf32, #tpu.memory_space<vmem>> -> memref<1x8x128xf32, #tpu.memory_space<vmem>>
    %dma_wait3A_3148 = tpu.memref_squeeze %dma_wait3A_3147 : memref<1x8x128xf32, #tpu.memory_space<vmem>> -> memref<8x128xf32, #tpu.memory_space<vmem>>
    %dma_wait3A_3149 = arith.constant 0 : i32
    %dma_wait3A_3150 = tpu.memref_slice %arg2[%add3A_616, %dma_wait3A_3149, %multiple_of3A_621] : memref<128x8x100000xf32, #tpu.memory_space<hbm>> -> memref<1x8x128xf32, #tpu.memory_space<hbm>>
    %dma_wait3A_3151 = tpu.memref_squeeze %dma_wait3A_3150 : memref<1x8x128xf32, #tpu.memory_space<hbm>> -> memref<8x128xf32, #tpu.memory_space<hbm>>
    tpu.wait_dma2 semaphore(%arg8 : memref<!tpu.dma_semaphore, #tpu.memory_space<semaphore_mem>>) src(%dma_wait3A_3151 : memref<8x128xf32, #tpu.memory_space<hbm>>) dst(%dma_wait3A_3148 : memref<8x128xf32, #tpu.memory_space<vmem>>)
    %dma_wait3A_3152 = arith.constant 14 : i32
    %dma_wait3A_3153 = arith.constant 0 : i32
    %dma_wait3A_3154 = arith.constant 0 : i32
    %dma_wait3A_3155 = tpu.memref_slice %arg6[%dma_wait3A_3152, %dma_wait3A_3153, %dma_wait3A_3154] : memref<64x8x128xf32, #tpu.memory_space<vmem>> -> memref<1x8x128xf32, #tpu.memory_space<vmem>>
    %dma_wait3A_3156 = tpu.memref_squeeze %dma_wait3A_3155 : memref<1x8x128xf32, #tpu.memory_space<vmem>> -> memref<8x128xf32, #tpu.memory_space<vmem>>
    %dma_wait3A_3157 = arith.constant 0 : i32
    %dma_wait3A_3158 = tpu.memref_slice %arg2[%add3A_662, %dma_wait3A_3157, %multiple_of3A_667] : memref<128x8x100000xf32, #tpu.memory_space<hbm>> -> memref<1x8x128xf32, #tpu.memory_space<hbm>>
    %dma_wait3A_3159 = tpu.memref_squeeze %dma_wait3A_3158 : memref<1x8x128xf32, #tpu.memory_space<hbm>> -> memref<8x128xf32, #tpu.memory_space<hbm>>
    %dma_wait3A_3160 = arith.constant 0 : i32
    %dma_wait3A_3161 = arith.constant 0 : i32
    %dma_wait3A_3162 = tpu.memref_slice %arg6[%dma_wait3A_3152, %dma_wait3A_3160, %dma_wait3A_3161] : memref<64x8x128xf32, #tpu.memory_space<vmem>> -> memref<1x8x128xf32, #tpu.memory_space<vmem>>
    %dma_wait3A_3163 = tpu.memref_squeeze %dma_wait3A_3162 : memref<1x8x128xf32, #tpu.memory_space<vmem>> -> memref<8x128xf32, #tpu.memory_space<vmem>>
    %dma_wait3A_3164 = arith.constant 0 : i32
    %dma_wait3A_3165 = tpu.memref_slice %arg2[%add3A_662, %dma_wait3A_3164, %multiple_of3A_667] : memref<128x8x100000xf32, #tpu.memory_space<hbm>> -> memref<1x8x128xf32, #tpu.memory_space<hbm>>
    %dma_wait3A_3166 = tpu.memref_squeeze %dma_wait3A_3165 : memref<1x8x128xf32, #tpu.memory_space<hbm>> -> memref<8x128xf32, #tpu.memory_space<hbm>>
    tpu.wait_dma2 semaphore(%arg8 : memref<!tpu.dma_semaphore, #tpu.memory_space<semaphore_mem>>) src(%dma_wait3A_3166 : memref<8x128xf32, #tpu.memory_space<hbm>>) dst(%dma_wait3A_3163 : memref<8x128xf32, #tpu.memory_space<vmem>>)
    %dma_wait3A_3167 = arith.constant 15 : i32
    %dma_wait3A_3168 = arith.constant 0 : i32
    %dma_wait3A_3169 = arith.constant 0 : i32
    %dma_wait3A_3170 = tpu.memref_slice %arg6[%dma_wait3A_3167, %dma_wait3A_3168, %dma_wait3A_3169] : memref<64x8x128xf32, #tpu.memory_space<vmem>> -> memref<1x8x128xf32, #tpu.memory_space<vmem>>
    %dma_wait3A_3171 = tpu.memref_squeeze %dma_wait3A_3170 : memref<1x8x128xf32, #tpu.memory_space<vmem>> -> memref<8x128xf32, #tpu.memory_space<vmem>>
    %dma_wait3A_3172 = arith.constant 0 : i32
    %dma_wait3A_3173 = tpu.memref_slice %arg2[%add3A_708, %dma_wait3A_3172, %multiple_of3A_713] : memref<128x8x100000xf32, #tpu.memory_space<hbm>> -> memref<1x8x128xf32, #tpu.memory_space<hbm>>
    %dma_wait3A_3174 = tpu.memref_squeeze %dma_wait3A_3173 : memref<1x8x128xf32, #tpu.memory_space<hbm>> -> memref<8x128xf32, #tpu.memory_space<hbm>>
    %dma_wait3A_3175 = arith.constant 0 : i32
    %dma_wait3A_3176 = arith.constant 0 : i32
    %dma_wait3A_3177 = tpu.memref_slice %arg6[%dma_wait3A_3167, %dma_wait3A_3175, %dma_wait3A_3176] : memref<64x8x128xf32, #tpu.memory_space<vmem>> -> memref<1x8x128xf32, #tpu.memory_space<vmem>>
    %dma_wait3A_3178 = tpu.memref_squeeze %dma_wait3A_3177 : memref<1x8x128xf32, #tpu.memory_space<vmem>> -> memref<8x128xf32, #tpu.memory_space<vmem>>
    %dma_wait3A_3179 = arith.constant 0 : i32
    %dma_wait3A_3180 = tpu.memref_slice %arg2[%add3A_708, %dma_wait3A_3179, %multiple_of3A_713] : memref<128x8x100000xf32, #tpu.memory_space<hbm>> -> memref<1x8x128xf32, #tpu.memory_space<hbm>>
    %dma_wait3A_3181 = tpu.memref_squeeze %dma_wait3A_3180 : memref<1x8x128xf32, #tpu.memory_space<hbm>> -> memref<8x128xf32, #tpu.memory_space<hbm>>
    tpu.wait_dma2 semaphore(%arg8 : memref<!tpu.dma_semaphore, #tpu.memory_space<semaphore_mem>>) src(%dma_wait3A_3181 : memref<8x128xf32, #tpu.memory_space<hbm>>) dst(%dma_wait3A_3178 : memref<8x128xf32, #tpu.memory_space<vmem>>)
    %dma_wait3A_3182 = arith.constant 16 : i32
    %dma_wait3A_3183 = arith.constant 0 : i32
    %dma_wait3A_3184 = arith.constant 0 : i32
    %dma_wait3A_3185 = tpu.memref_slice %arg6[%dma_wait3A_3182, %dma_wait3A_3183, %dma_wait3A_3184] : memref<64x8x128xf32, #tpu.memory_space<vmem>> -> memref<1x8x128xf32, #tpu.memory_space<vmem>>
    %dma_wait3A_3186 = tpu.memref_squeeze %dma_wait3A_3185 : memref<1x8x128xf32, #tpu.memory_space<vmem>> -> memref<8x128xf32, #tpu.memory_space<vmem>>
    %dma_wait3A_3187 = arith.constant 0 : i32
    %dma_wait3A_3188 = tpu.memref_slice %arg2[%add3A_756, %dma_wait3A_3187, %multiple_of3A_761] : memref<128x8x100000xf32, #tpu.memory_space<hbm>> -> memref<1x8x128xf32, #tpu.memory_space<hbm>>
    %dma_wait3A_3189 = tpu.memref_squeeze %dma_wait3A_3188 : memref<1x8x128xf32, #tpu.memory_space<hbm>> -> memref<8x128xf32, #tpu.memory_space<hbm>>
    %dma_wait3A_3190 = arith.constant 0 : i32
    %dma_wait3A_3191 = arith.constant 0 : i32
    %dma_wait3A_3192 = tpu.memref_slice %arg6[%dma_wait3A_3182, %dma_wait3A_3190, %dma_wait3A_3191] : memref<64x8x128xf32, #tpu.memory_space<vmem>> -> memref<1x8x128xf32, #tpu.memory_space<vmem>>
    %dma_wait3A_3193 = tpu.memref_squeeze %dma_wait3A_3192 : memref<1x8x128xf32, #tpu.memory_space<vmem>> -> memref<8x128xf32, #tpu.memory_space<vmem>>
    %dma_wait3A_3194 = arith.constant 0 : i32
    %dma_wait3A_3195 = tpu.memref_slice %arg2[%add3A_756, %dma_wait3A_3194, %multiple_of3A_761] : memref<128x8x100000xf32, #tpu.memory_space<hbm>> -> memref<1x8x128xf32, #tpu.memory_space<hbm>>
    %dma_wait3A_3196 = tpu.memref_squeeze %dma_wait3A_3195 : memref<1x8x128xf32, #tpu.memory_space<hbm>> -> memref<8x128xf32, #tpu.memory_space<hbm>>
    tpu.wait_dma2 semaphore(%arg8 : memref<!tpu.dma_semaphore, #tpu.memory_space<semaphore_mem>>) src(%dma_wait3A_3196 : memref<8x128xf32, #tpu.memory_space<hbm>>) dst(%dma_wait3A_3193 : memref<8x128xf32, #tpu.memory_space<vmem>>)
    %dma_wait3A_3197 = arith.constant 17 : i32
    %dma_wait3A_3198 = arith.constant 0 : i32
    %dma_wait3A_3199 = arith.constant 0 : i32
    %dma_wait3A_3200 = tpu.memref_slice %arg6[%dma_wait3A_3197, %dma_wait3A_3198, %dma_wait3A_3199] : memref<64x8x128xf32, #tpu.memory_space<vmem>> -> memref<1x8x128xf32, #tpu.memory_space<vmem>>
    %dma_wait3A_3201 = tpu.memref_squeeze %dma_wait3A_3200 : memref<1x8x128xf32, #tpu.memory_space<vmem>> -> memref<8x128xf32, #tpu.memory_space<vmem>>
    %dma_wait3A_3202 = arith.constant 0 : i32
    %dma_wait3A_3203 = tpu.memref_slice %arg2[%add3A_802, %dma_wait3A_3202, %multiple_of3A_807] : memref<128x8x100000xf32, #tpu.memory_space<hbm>> -> memref<1x8x128xf32, #tpu.memory_space<hbm>>
    %dma_wait3A_3204 = tpu.memref_squeeze %dma_wait3A_3203 : memref<1x8x128xf32, #tpu.memory_space<hbm>> -> memref<8x128xf32, #tpu.memory_space<hbm>>
    %dma_wait3A_3205 = arith.constant 0 : i32
    %dma_wait3A_3206 = arith.constant 0 : i32
    %dma_wait3A_3207 = tpu.memref_slice %arg6[%dma_wait3A_3197, %dma_wait3A_3205, %dma_wait3A_3206] : memref<64x8x128xf32, #tpu.memory_space<vmem>> -> memref<1x8x128xf32, #tpu.memory_space<vmem>>
    %dma_wait3A_3208 = tpu.memref_squeeze %dma_wait3A_3207 : memref<1x8x128xf32, #tpu.memory_space<vmem>> -> memref<8x128xf32, #tpu.memory_space<vmem>>
    %dma_wait3A_3209 = arith.constant 0 : i32
    %dma_wait3A_3210 = tpu.memref_slice %arg2[%add3A_802, %dma_wait3A_3209, %multiple_of3A_807] : memref<128x8x100000xf32, #tpu.memory_space<hbm>> -> memref<1x8x128xf32, #tpu.memory_space<hbm>>
    %dma_wait3A_3211 = tpu.memref_squeeze %dma_wait3A_3210 : memref<1x8x128xf32, #tpu.memory_space<hbm>> -> memref<8x128xf32, #tpu.memory_space<hbm>>
    tpu.wait_dma2 semaphore(%arg8 : memref<!tpu.dma_semaphore, #tpu.memory_space<semaphore_mem>>) src(%dma_wait3A_3211 : memref<8x128xf32, #tpu.memory_space<hbm>>) dst(%dma_wait3A_3208 : memref<8x128xf32, #tpu.memory_space<vmem>>)
    %dma_wait3A_3212 = arith.constant 18 : i32
    %dma_wait3A_3213 = arith.constant 0 : i32
    %dma_wait3A_3214 = arith.constant 0 : i32
    %dma_wait3A_3215 = tpu.memref_slice %arg6[%dma_wait3A_3212, %dma_wait3A_3213, %dma_wait3A_3214] : memref<64x8x128xf32, #tpu.memory_space<vmem>> -> memref<1x8x128xf32, #tpu.memory_space<vmem>>
    %dma_wait3A_3216 = tpu.memref_squeeze %dma_wait3A_3215 : memref<1x8x128xf32, #tpu.memory_space<vmem>> -> memref<8x128xf32, #tpu.memory_space<vmem>>
    %dma_wait3A_3217 = arith.constant 0 : i32
    %dma_wait3A_3218 = tpu.memref_slice %arg2[%add3A_848, %dma_wait3A_3217, %multiple_of3A_853] : memref<128x8x100000xf32, #tpu.memory_space<hbm>> -> memref<1x8x128xf32, #tpu.memory_space<hbm>>
    %dma_wait3A_3219 = tpu.memref_squeeze %dma_wait3A_3218 : memref<1x8x128xf32, #tpu.memory_space<hbm>> -> memref<8x128xf32, #tpu.memory_space<hbm>>
    %dma_wait3A_3220 = arith.constant 0 : i32
    %dma_wait3A_3221 = arith.constant 0 : i32
    %dma_wait3A_3222 = tpu.memref_slice %arg6[%dma_wait3A_3212, %dma_wait3A_3220, %dma_wait3A_3221] : memref<64x8x128xf32, #tpu.memory_space<vmem>> -> memref<1x8x128xf32, #tpu.memory_space<vmem>>
    %dma_wait3A_3223 = tpu.memref_squeeze %dma_wait3A_3222 : memref<1x8x128xf32, #tpu.memory_space<vmem>> -> memref<8x128xf32, #tpu.memory_space<vmem>>
    %dma_wait3A_3224 = arith.constant 0 : i32
    %dma_wait3A_3225 = tpu.memref_slice %arg2[%add3A_848, %dma_wait3A_3224, %multiple_of3A_853] : memref<128x8x100000xf32, #tpu.memory_space<hbm>> -> memref<1x8x128xf32, #tpu.memory_space<hbm>>
    %dma_wait3A_3226 = tpu.memref_squeeze %dma_wait3A_3225 : memref<1x8x128xf32, #tpu.memory_space<hbm>> -> memref<8x128xf32, #tpu.memory_space<hbm>>
    tpu.wait_dma2 semaphore(%arg8 : memref<!tpu.dma_semaphore, #tpu.memory_space<semaphore_mem>>) src(%dma_wait3A_3226 : memref<8x128xf32, #tpu.memory_space<hbm>>) dst(%dma_wait3A_3223 : memref<8x128xf32, #tpu.memory_space<vmem>>)
    %dma_wait3A_3227 = arith.constant 19 : i32
    %dma_wait3A_3228 = arith.constant 0 : i32
    %dma_wait3A_3229 = arith.constant 0 : i32
    %dma_wait3A_3230 = tpu.memref_slice %arg6[%dma_wait3A_3227, %dma_wait3A_3228, %dma_wait3A_3229] : memref<64x8x128xf32, #tpu.memory_space<vmem>> -> memref<1x8x128xf32, #tpu.memory_space<vmem>>
    %dma_wait3A_3231 = tpu.memref_squeeze %dma_wait3A_3230 : memref<1x8x128xf32, #tpu.memory_space<vmem>> -> memref<8x128xf32, #tpu.memory_space<vmem>>
    %dma_wait3A_3232 = arith.constant 0 : i32
    %dma_wait3A_3233 = tpu.memref_slice %arg2[%add3A_894, %dma_wait3A_3232, %multiple_of3A_899] : memref<128x8x100000xf32, #tpu.memory_space<hbm>> -> memref<1x8x128xf32, #tpu.memory_space<hbm>>
    %dma_wait3A_3234 = tpu.memref_squeeze %dma_wait3A_3233 : memref<1x8x128xf32, #tpu.memory_space<hbm>> -> memref<8x128xf32, #tpu.memory_space<hbm>>
    %dma_wait3A_3235 = arith.constant 0 : i32
    %dma_wait3A_3236 = arith.constant 0 : i32
    %dma_wait3A_3237 = tpu.memref_slice %arg6[%dma_wait3A_3227, %dma_wait3A_3235, %dma_wait3A_3236] : memref<64x8x128xf32, #tpu.memory_space<vmem>> -> memref<1x8x128xf32, #tpu.memory_space<vmem>>
    %dma_wait3A_3238 = tpu.memref_squeeze %dma_wait3A_3237 : memref<1x8x128xf32, #tpu.memory_space<vmem>> -> memref<8x128xf32, #tpu.memory_space<vmem>>
    %dma_wait3A_3239 = arith.constant 0 : i32
    %dma_wait3A_3240 = tpu.memref_slice %arg2[%add3A_894, %dma_wait3A_3239, %multiple_of3A_899] : memref<128x8x100000xf32, #tpu.memory_space<hbm>> -> memref<1x8x128xf32, #tpu.memory_space<hbm>>
    %dma_wait3A_3241 = tpu.memref_squeeze %dma_wait3A_3240 : memref<1x8x128xf32, #tpu.memory_space<hbm>> -> memref<8x128xf32, #tpu.memory_space<hbm>>
    tpu.wait_dma2 semaphore(%arg8 : memref<!tpu.dma_semaphore, #tpu.memory_space<semaphore_mem>>) src(%dma_wait3A_3241 : memref<8x128xf32, #tpu.memory_space<hbm>>) dst(%dma_wait3A_3238 : memref<8x128xf32, #tpu.memory_space<vmem>>)
    %dma_wait3A_3242 = arith.constant 20 : i32
    %dma_wait3A_3243 = arith.constant 0 : i32
    %dma_wait3A_3244 = arith.constant 0 : i32
    %dma_wait3A_3245 = tpu.memref_slice %arg6[%dma_wait3A_3242, %dma_wait3A_3243, %dma_wait3A_3244] : memref<64x8x128xf32, #tpu.memory_space<vmem>> -> memref<1x8x128xf32, #tpu.memory_space<vmem>>
    %dma_wait3A_3246 = tpu.memref_squeeze %dma_wait3A_3245 : memref<1x8x128xf32, #tpu.memory_space<vmem>> -> memref<8x128xf32, #tpu.memory_space<vmem>>
    %dma_wait3A_3247 = arith.constant 0 : i32
    %dma_wait3A_3248 = tpu.memref_slice %arg2[%add3A_940, %dma_wait3A_3247, %multiple_of3A_945] : memref<128x8x100000xf32, #tpu.memory_space<hbm>> -> memref<1x8x128xf32, #tpu.memory_space<hbm>>
    %dma_wait3A_3249 = tpu.memref_squeeze %dma_wait3A_3248 : memref<1x8x128xf32, #tpu.memory_space<hbm>> -> memref<8x128xf32, #tpu.memory_space<hbm>>
    %dma_wait3A_3250 = arith.constant 0 : i32
    %dma_wait3A_3251 = arith.constant 0 : i32
    %dma_wait3A_3252 = tpu.memref_slice %arg6[%dma_wait3A_3242, %dma_wait3A_3250, %dma_wait3A_3251] : memref<64x8x128xf32, #tpu.memory_space<vmem>> -> memref<1x8x128xf32, #tpu.memory_space<vmem>>
    %dma_wait3A_3253 = tpu.memref_squeeze %dma_wait3A_3252 : memref<1x8x128xf32, #tpu.memory_space<vmem>> -> memref<8x128xf32, #tpu.memory_space<vmem>>
    %dma_wait3A_3254 = arith.constant 0 : i32
    %dma_wait3A_3255 = tpu.memref_slice %arg2[%add3A_940, %dma_wait3A_3254, %multiple_of3A_945] : memref<128x8x100000xf32, #tpu.memory_space<hbm>> -> memref<1x8x128xf32, #tpu.memory_space<hbm>>
    %dma_wait3A_3256 = tpu.memref_squeeze %dma_wait3A_3255 : memref<1x8x128xf32, #tpu.memory_space<hbm>> -> memref<8x128xf32, #tpu.memory_space<hbm>>
    tpu.wait_dma2 semaphore(%arg8 : memref<!tpu.dma_semaphore, #tpu.memory_space<semaphore_mem>>) src(%dma_wait3A_3256 : memref<8x128xf32, #tpu.memory_space<hbm>>) dst(%dma_wait3A_3253 : memref<8x128xf32, #tpu.memory_space<vmem>>)
    %dma_wait3A_3257 = arith.constant 21 : i32
    %dma_wait3A_3258 = arith.constant 0 : i32
    %dma_wait3A_3259 = arith.constant 0 : i32
    %dma_wait3A_3260 = tpu.memref_slice %arg6[%dma_wait3A_3257, %dma_wait3A_3258, %dma_wait3A_3259] : memref<64x8x128xf32, #tpu.memory_space<vmem>> -> memref<1x8x128xf32, #tpu.memory_space<vmem>>
    %dma_wait3A_3261 = tpu.memref_squeeze %dma_wait3A_3260 : memref<1x8x128xf32, #tpu.memory_space<vmem>> -> memref<8x128xf32, #tpu.memory_space<vmem>>
    %dma_wait3A_3262 = arith.constant 0 : i32
    %dma_wait3A_3263 = tpu.memref_slice %arg2[%add3A_986, %dma_wait3A_3262, %multiple_of3A_991] : memref<128x8x100000xf32, #tpu.memory_space<hbm>> -> memref<1x8x128xf32, #tpu.memory_space<hbm>>
    %dma_wait3A_3264 = tpu.memref_squeeze %dma_wait3A_3263 : memref<1x8x128xf32, #tpu.memory_space<hbm>> -> memref<8x128xf32, #tpu.memory_space<hbm>>
    %dma_wait3A_3265 = arith.constant 0 : i32
    %dma_wait3A_3266 = arith.constant 0 : i32
    %dma_wait3A_3267 = tpu.memref_slice %arg6[%dma_wait3A_3257, %dma_wait3A_3265, %dma_wait3A_3266] : memref<64x8x128xf32, #tpu.memory_space<vmem>> -> memref<1x8x128xf32, #tpu.memory_space<vmem>>
    %dma_wait3A_3268 = tpu.memref_squeeze %dma_wait3A_3267 : memref<1x8x128xf32, #tpu.memory_space<vmem>> -> memref<8x128xf32, #tpu.memory_space<vmem>>
    %dma_wait3A_3269 = arith.constant 0 : i32
    %dma_wait3A_3270 = tpu.memref_slice %arg2[%add3A_986, %dma_wait3A_3269, %multiple_of3A_991] : memref<128x8x100000xf32, #tpu.memory_space<hbm>> -> memref<1x8x128xf32, #tpu.memory_space<hbm>>
    %dma_wait3A_3271 = tpu.memref_squeeze %dma_wait3A_3270 : memref<1x8x128xf32, #tpu.memory_space<hbm>> -> memref<8x128xf32, #tpu.memory_space<hbm>>
    tpu.wait_dma2 semaphore(%arg8 : memref<!tpu.dma_semaphore, #tpu.memory_space<semaphore_mem>>) src(%dma_wait3A_3271 : memref<8x128xf32, #tpu.memory_space<hbm>>) dst(%dma_wait3A_3268 : memref<8x128xf32, #tpu.memory_space<vmem>>)
    %dma_wait3A_3272 = arith.constant 22 : i32
    %dma_wait3A_3273 = arith.constant 0 : i32
    %dma_wait3A_3274 = arith.constant 0 : i32
    %dma_wait3A_3275 = tpu.memref_slice %arg6[%dma_wait3A_3272, %dma_wait3A_3273, %dma_wait3A_3274] : memref<64x8x128xf32, #tpu.memory_space<vmem>> -> memref<1x8x128xf32, #tpu.memory_space<vmem>>
    %dma_wait3A_3276 = tpu.memref_squeeze %dma_wait3A_3275 : memref<1x8x128xf32, #tpu.memory_space<vmem>> -> memref<8x128xf32, #tpu.memory_space<vmem>>
    %dma_wait3A_3277 = arith.constant 0 : i32
    %dma_wait3A_3278 = tpu.memref_slice %arg2[%add3A_1032, %dma_wait3A_3277, %multiple_of3A_1037] : memref<128x8x100000xf32, #tpu.memory_space<hbm>> -> memref<1x8x128xf32, #tpu.memory_space<hbm>>
    %dma_wait3A_3279 = tpu.memref_squeeze %dma_wait3A_3278 : memref<1x8x128xf32, #tpu.memory_space<hbm>> -> memref<8x128xf32, #tpu.memory_space<hbm>>
    %dma_wait3A_3280 = arith.constant 0 : i32
    %dma_wait3A_3281 = arith.constant 0 : i32
    %dma_wait3A_3282 = tpu.memref_slice %arg6[%dma_wait3A_3272, %dma_wait3A_3280, %dma_wait3A_3281] : memref<64x8x128xf32, #tpu.memory_space<vmem>> -> memref<1x8x128xf32, #tpu.memory_space<vmem>>
    %dma_wait3A_3283 = tpu.memref_squeeze %dma_wait3A_3282 : memref<1x8x128xf32, #tpu.memory_space<vmem>> -> memref<8x128xf32, #tpu.memory_space<vmem>>
    %dma_wait3A_3284 = arith.constant 0 : i32
    %dma_wait3A_3285 = tpu.memref_slice %arg2[%add3A_1032, %dma_wait3A_3284, %multiple_of3A_1037] : memref<128x8x100000xf32, #tpu.memory_space<hbm>> -> memref<1x8x128xf32, #tpu.memory_space<hbm>>
    %dma_wait3A_3286 = tpu.memref_squeeze %dma_wait3A_3285 : memref<1x8x128xf32, #tpu.memory_space<hbm>> -> memref<8x128xf32, #tpu.memory_space<hbm>>
    tpu.wait_dma2 semaphore(%arg8 : memref<!tpu.dma_semaphore, #tpu.memory_space<semaphore_mem>>) src(%dma_wait3A_3286 : memref<8x128xf32, #tpu.memory_space<hbm>>) dst(%dma_wait3A_3283 : memref<8x128xf32, #tpu.memory_space<vmem>>)
    %dma_wait3A_3287 = arith.constant 23 : i32
    %dma_wait3A_3288 = arith.constant 0 : i32
    %dma_wait3A_3289 = arith.constant 0 : i32
    %dma_wait3A_3290 = tpu.memref_slice %arg6[%dma_wait3A_3287, %dma_wait3A_3288, %dma_wait3A_3289] : memref<64x8x128xf32, #tpu.memory_space<vmem>> -> memref<1x8x128xf32, #tpu.memory_space<vmem>>
    %dma_wait3A_3291 = tpu.memref_squeeze %dma_wait3A_3290 : memref<1x8x128xf32, #tpu.memory_space<vmem>> -> memref<8x128xf32, #tpu.memory_space<vmem>>
    %dma_wait3A_3292 = arith.constant 0 : i32
    %dma_wait3A_3293 = tpu.memref_slice %arg2[%add3A_1078, %dma_wait3A_3292, %multiple_of3A_1083] : memref<128x8x100000xf32, #tpu.memory_space<hbm>> -> memref<1x8x128xf32, #tpu.memory_space<hbm>>
    %dma_wait3A_3294 = tpu.memref_squeeze %dma_wait3A_3293 : memref<1x8x128xf32, #tpu.memory_space<hbm>> -> memref<8x128xf32, #tpu.memory_space<hbm>>
    %dma_wait3A_3295 = arith.constant 0 : i32
    %dma_wait3A_3296 = arith.constant 0 : i32
    %dma_wait3A_3297 = tpu.memref_slice %arg6[%dma_wait3A_3287, %dma_wait3A_3295, %dma_wait3A_3296] : memref<64x8x128xf32, #tpu.memory_space<vmem>> -> memref<1x8x128xf32, #tpu.memory_space<vmem>>
    %dma_wait3A_3298 = tpu.memref_squeeze %dma_wait3A_3297 : memref<1x8x128xf32, #tpu.memory_space<vmem>> -> memref<8x128xf32, #tpu.memory_space<vmem>>
    %dma_wait3A_3299 = arith.constant 0 : i32
    %dma_wait3A_3300 = tpu.memref_slice %arg2[%add3A_1078, %dma_wait3A_3299, %multiple_of3A_1083] : memref<128x8x100000xf32, #tpu.memory_space<hbm>> -> memref<1x8x128xf32, #tpu.memory_space<hbm>>
    %dma_wait3A_3301 = tpu.memref_squeeze %dma_wait3A_3300 : memref<1x8x128xf32, #tpu.memory_space<hbm>> -> memref<8x128xf32, #tpu.memory_space<hbm>>
    tpu.wait_dma2 semaphore(%arg8 : memref<!tpu.dma_semaphore, #tpu.memory_space<semaphore_mem>>) src(%dma_wait3A_3301 : memref<8x128xf32, #tpu.memory_space<hbm>>) dst(%dma_wait3A_3298 : memref<8x128xf32, #tpu.memory_space<vmem>>)
    %dma_wait3A_3302 = arith.constant 24 : i32
    %dma_wait3A_3303 = arith.constant 0 : i32
    %dma_wait3A_3304 = arith.constant 0 : i32
    %dma_wait3A_3305 = tpu.memref_slice %arg6[%dma_wait3A_3302, %dma_wait3A_3303, %dma_wait3A_3304] : memref<64x8x128xf32, #tpu.memory_space<vmem>> -> memref<1x8x128xf32, #tpu.memory_space<vmem>>
    %dma_wait3A_3306 = tpu.memref_squeeze %dma_wait3A_3305 : memref<1x8x128xf32, #tpu.memory_space<vmem>> -> memref<8x128xf32, #tpu.memory_space<vmem>>
    %dma_wait3A_3307 = arith.constant 0 : i32
    %dma_wait3A_3308 = tpu.memref_slice %arg2[%add3A_1124, %dma_wait3A_3307, %multiple_of3A_1129] : memref<128x8x100000xf32, #tpu.memory_space<hbm>> -> memref<1x8x128xf32, #tpu.memory_space<hbm>>
    %dma_wait3A_3309 = tpu.memref_squeeze %dma_wait3A_3308 : memref<1x8x128xf32, #tpu.memory_space<hbm>> -> memref<8x128xf32, #tpu.memory_space<hbm>>
    %dma_wait3A_3310 = arith.constant 0 : i32
    %dma_wait3A_3311 = arith.constant 0 : i32
    %dma_wait3A_3312 = tpu.memref_slice %arg6[%dma_wait3A_3302, %dma_wait3A_3310, %dma_wait3A_3311] : memref<64x8x128xf32, #tpu.memory_space<vmem>> -> memref<1x8x128xf32, #tpu.memory_space<vmem>>
    %dma_wait3A_3313 = tpu.memref_squeeze %dma_wait3A_3312 : memref<1x8x128xf32, #tpu.memory_space<vmem>> -> memref<8x128xf32, #tpu.memory_space<vmem>>
    %dma_wait3A_3314 = arith.constant 0 : i32
    %dma_wait3A_3315 = tpu.memref_slice %arg2[%add3A_1124, %dma_wait3A_3314, %multiple_of3A_1129] : memref<128x8x100000xf32, #tpu.memory_space<hbm>> -> memref<1x8x128xf32, #tpu.memory_space<hbm>>
    %dma_wait3A_3316 = tpu.memref_squeeze %dma_wait3A_3315 : memref<1x8x128xf32, #tpu.memory_space<hbm>> -> memref<8x128xf32, #tpu.memory_space<hbm>>
    tpu.wait_dma2 semaphore(%arg8 : memref<!tpu.dma_semaphore, #tpu.memory_space<semaphore_mem>>) src(%dma_wait3A_3316 : memref<8x128xf32, #tpu.memory_space<hbm>>) dst(%dma_wait3A_3313 : memref<8x128xf32, #tpu.memory_space<vmem>>)
    %dma_wait3A_3317 = arith.constant 25 : i32
    %dma_wait3A_3318 = arith.constant 0 : i32
    %dma_wait3A_3319 = arith.constant 0 : i32
    %dma_wait3A_3320 = tpu.memref_slice %arg6[%dma_wait3A_3317, %dma_wait3A_3318, %dma_wait3A_3319] : memref<64x8x128xf32, #tpu.memory_space<vmem>> -> memref<1x8x128xf32, #tpu.memory_space<vmem>>
    %dma_wait3A_3321 = tpu.memref_squeeze %dma_wait3A_3320 : memref<1x8x128xf32, #tpu.memory_space<vmem>> -> memref<8x128xf32, #tpu.memory_space<vmem>>
    %dma_wait3A_3322 = arith.constant 0 : i32
    %dma_wait3A_3323 = tpu.memref_slice %arg2[%add3A_1170, %dma_wait3A_3322, %multiple_of3A_1175] : memref<128x8x100000xf32, #tpu.memory_space<hbm>> -> memref<1x8x128xf32, #tpu.memory_space<hbm>>
    %dma_wait3A_3324 = tpu.memref_squeeze %dma_wait3A_3323 : memref<1x8x128xf32, #tpu.memory_space<hbm>> -> memref<8x128xf32, #tpu.memory_space<hbm>>
    %dma_wait3A_3325 = arith.constant 0 : i32
    %dma_wait3A_3326 = arith.constant 0 : i32
    %dma_wait3A_3327 = tpu.memref_slice %arg6[%dma_wait3A_3317, %dma_wait3A_3325, %dma_wait3A_3326] : memref<64x8x128xf32, #tpu.memory_space<vmem>> -> memref<1x8x128xf32, #tpu.memory_space<vmem>>
    %dma_wait3A_3328 = tpu.memref_squeeze %dma_wait3A_3327 : memref<1x8x128xf32, #tpu.memory_space<vmem>> -> memref<8x128xf32, #tpu.memory_space<vmem>>
    %dma_wait3A_3329 = arith.constant 0 : i32
    %dma_wait3A_3330 = tpu.memref_slice %arg2[%add3A_1170, %dma_wait3A_3329, %multiple_of3A_1175] : memref<128x8x100000xf32, #tpu.memory_space<hbm>> -> memref<1x8x128xf32, #tpu.memory_space<hbm>>
    %dma_wait3A_3331 = tpu.memref_squeeze %dma_wait3A_3330 : memref<1x8x128xf32, #tpu.memory_space<hbm>> -> memref<8x128xf32, #tpu.memory_space<hbm>>
    tpu.wait_dma2 semaphore(%arg8 : memref<!tpu.dma_semaphore, #tpu.memory_space<semaphore_mem>>) src(%dma_wait3A_3331 : memref<8x128xf32, #tpu.memory_space<hbm>>) dst(%dma_wait3A_3328 : memref<8x128xf32, #tpu.memory_space<vmem>>)
    %dma_wait3A_3332 = arith.constant 26 : i32
    %dma_wait3A_3333 = arith.constant 0 : i32
    %dma_wait3A_3334 = arith.constant 0 : i32
    %dma_wait3A_3335 = tpu.memref_slice %arg6[%dma_wait3A_3332, %dma_wait3A_3333, %dma_wait3A_3334] : memref<64x8x128xf32, #tpu.memory_space<vmem>> -> memref<1x8x128xf32, #tpu.memory_space<vmem>>
    %dma_wait3A_3336 = tpu.memref_squeeze %dma_wait3A_3335 : memref<1x8x128xf32, #tpu.memory_space<vmem>> -> memref<8x128xf32, #tpu.memory_space<vmem>>
    %dma_wait3A_3337 = arith.constant 0 : i32
    %dma_wait3A_3338 = tpu.memref_slice %arg2[%add3A_1216, %dma_wait3A_3337, %multiple_of3A_1221] : memref<128x8x100000xf32, #tpu.memory_space<hbm>> -> memref<1x8x128xf32, #tpu.memory_space<hbm>>
    %dma_wait3A_3339 = tpu.memref_squeeze %dma_wait3A_3338 : memref<1x8x128xf32, #tpu.memory_space<hbm>> -> memref<8x128xf32, #tpu.memory_space<hbm>>
    %dma_wait3A_3340 = arith.constant 0 : i32
    %dma_wait3A_3341 = arith.constant 0 : i32
    %dma_wait3A_3342 = tpu.memref_slice %arg6[%dma_wait3A_3332, %dma_wait3A_3340, %dma_wait3A_3341] : memref<64x8x128xf32, #tpu.memory_space<vmem>> -> memref<1x8x128xf32, #tpu.memory_space<vmem>>
    %dma_wait3A_3343 = tpu.memref_squeeze %dma_wait3A_3342 : memref<1x8x128xf32, #tpu.memory_space<vmem>> -> memref<8x128xf32, #tpu.memory_space<vmem>>
    %dma_wait3A_3344 = arith.constant 0 : i32
    %dma_wait3A_3345 = tpu.memref_slice %arg2[%add3A_1216, %dma_wait3A_3344, %multiple_of3A_1221] : memref<128x8x100000xf32, #tpu.memory_space<hbm>> -> memref<1x8x128xf32, #tpu.memory_space<hbm>>
    %dma_wait3A_3346 = tpu.memref_squeeze %dma_wait3A_3345 : memref<1x8x128xf32, #tpu.memory_space<hbm>> -> memref<8x128xf32, #tpu.memory_space<hbm>>
    tpu.wait_dma2 semaphore(%arg8 : memref<!tpu.dma_semaphore, #tpu.memory_space<semaphore_mem>>) src(%dma_wait3A_3346 : memref<8x128xf32, #tpu.memory_space<hbm>>) dst(%dma_wait3A_3343 : memref<8x128xf32, #tpu.memory_space<vmem>>)
    %dma_wait3A_3347 = arith.constant 27 : i32
    %dma_wait3A_3348 = arith.constant 0 : i32
    %dma_wait3A_3349 = arith.constant 0 : i32
    %dma_wait3A_3350 = tpu.memref_slice %arg6[%dma_wait3A_3347, %dma_wait3A_3348, %dma_wait3A_3349] : memref<64x8x128xf32, #tpu.memory_space<vmem>> -> memref<1x8x128xf32, #tpu.memory_space<vmem>>
    %dma_wait3A_3351 = tpu.memref_squeeze %dma_wait3A_3350 : memref<1x8x128xf32, #tpu.memory_space<vmem>> -> memref<8x128xf32, #tpu.memory_space<vmem>>
    %dma_wait3A_3352 = arith.constant 0 : i32
    %dma_wait3A_3353 = tpu.memref_slice %arg2[%add3A_1262, %dma_wait3A_3352, %multiple_of3A_1267] : memref<128x8x100000xf32, #tpu.memory_space<hbm>> -> memref<1x8x128xf32, #tpu.memory_space<hbm>>
    %dma_wait3A_3354 = tpu.memref_squeeze %dma_wait3A_3353 : memref<1x8x128xf32, #tpu.memory_space<hbm>> -> memref<8x128xf32, #tpu.memory_space<hbm>>
    %dma_wait3A_3355 = arith.constant 0 : i32
    %dma_wait3A_3356 = arith.constant 0 : i32
    %dma_wait3A_3357 = tpu.memref_slice %arg6[%dma_wait3A_3347, %dma_wait3A_3355, %dma_wait3A_3356] : memref<64x8x128xf32, #tpu.memory_space<vmem>> -> memref<1x8x128xf32, #tpu.memory_space<vmem>>
    %dma_wait3A_3358 = tpu.memref_squeeze %dma_wait3A_3357 : memref<1x8x128xf32, #tpu.memory_space<vmem>> -> memref<8x128xf32, #tpu.memory_space<vmem>>
    %dma_wait3A_3359 = arith.constant 0 : i32
    %dma_wait3A_3360 = tpu.memref_slice %arg2[%add3A_1262, %dma_wait3A_3359, %multiple_of3A_1267] : memref<128x8x100000xf32, #tpu.memory_space<hbm>> -> memref<1x8x128xf32, #tpu.memory_space<hbm>>
    %dma_wait3A_3361 = tpu.memref_squeeze %dma_wait3A_3360 : memref<1x8x128xf32, #tpu.memory_space<hbm>> -> memref<8x128xf32, #tpu.memory_space<hbm>>
    tpu.wait_dma2 semaphore(%arg8 : memref<!tpu.dma_semaphore, #tpu.memory_space<semaphore_mem>>) src(%dma_wait3A_3361 : memref<8x128xf32, #tpu.memory_space<hbm>>) dst(%dma_wait3A_3358 : memref<8x128xf32, #tpu.memory_space<vmem>>)
    %dma_wait3A_3362 = arith.constant 28 : i32
    %dma_wait3A_3363 = arith.constant 0 : i32
    %dma_wait3A_3364 = arith.constant 0 : i32
    %dma_wait3A_3365 = tpu.memref_slice %arg6[%dma_wait3A_3362, %dma_wait3A_3363, %dma_wait3A_3364] : memref<64x8x128xf32, #tpu.memory_space<vmem>> -> memref<1x8x128xf32, #tpu.memory_space<vmem>>
    %dma_wait3A_3366 = tpu.memref_squeeze %dma_wait3A_3365 : memref<1x8x128xf32, #tpu.memory_space<vmem>> -> memref<8x128xf32, #tpu.memory_space<vmem>>
    %dma_wait3A_3367 = arith.constant 0 : i32
    %dma_wait3A_3368 = tpu.memref_slice %arg2[%add3A_1308, %dma_wait3A_3367, %multiple_of3A_1313] : memref<128x8x100000xf32, #tpu.memory_space<hbm>> -> memref<1x8x128xf32, #tpu.memory_space<hbm>>
    %dma_wait3A_3369 = tpu.memref_squeeze %dma_wait3A_3368 : memref<1x8x128xf32, #tpu.memory_space<hbm>> -> memref<8x128xf32, #tpu.memory_space<hbm>>
    %dma_wait3A_3370 = arith.constant 0 : i32
    %dma_wait3A_3371 = arith.constant 0 : i32
    %dma_wait3A_3372 = tpu.memref_slice %arg6[%dma_wait3A_3362, %dma_wait3A_3370, %dma_wait3A_3371] : memref<64x8x128xf32, #tpu.memory_space<vmem>> -> memref<1x8x128xf32, #tpu.memory_space<vmem>>
    %dma_wait3A_3373 = tpu.memref_squeeze %dma_wait3A_3372 : memref<1x8x128xf32, #tpu.memory_space<vmem>> -> memref<8x128xf32, #tpu.memory_space<vmem>>
    %dma_wait3A_3374 = arith.constant 0 : i32
    %dma_wait3A_3375 = tpu.memref_slice %arg2[%add3A_1308, %dma_wait3A_3374, %multiple_of3A_1313] : memref<128x8x100000xf32, #tpu.memory_space<hbm>> -> memref<1x8x128xf32, #tpu.memory_space<hbm>>
    %dma_wait3A_3376 = tpu.memref_squeeze %dma_wait3A_3375 : memref<1x8x128xf32, #tpu.memory_space<hbm>> -> memref<8x128xf32, #tpu.memory_space<hbm>>
    tpu.wait_dma2 semaphore(%arg8 : memref<!tpu.dma_semaphore, #tpu.memory_space<semaphore_mem>>) src(%dma_wait3A_3376 : memref<8x128xf32, #tpu.memory_space<hbm>>) dst(%dma_wait3A_3373 : memref<8x128xf32, #tpu.memory_space<vmem>>)
    %dma_wait3A_3377 = arith.constant 29 : i32
    %dma_wait3A_3378 = arith.constant 0 : i32
    %dma_wait3A_3379 = arith.constant 0 : i32
    %dma_wait3A_3380 = tpu.memref_slice %arg6[%dma_wait3A_3377, %dma_wait3A_3378, %dma_wait3A_3379] : memref<64x8x128xf32, #tpu.memory_space<vmem>> -> memref<1x8x128xf32, #tpu.memory_space<vmem>>
    %dma_wait3A_3381 = tpu.memref_squeeze %dma_wait3A_3380 : memref<1x8x128xf32, #tpu.memory_space<vmem>> -> memref<8x128xf32, #tpu.memory_space<vmem>>
    %dma_wait3A_3382 = arith.constant 0 : i32
    %dma_wait3A_3383 = tpu.memref_slice %arg2[%add3A_1354, %dma_wait3A_3382, %multiple_of3A_1359] : memref<128x8x100000xf32, #tpu.memory_space<hbm>> -> memref<1x8x128xf32, #tpu.memory_space<hbm>>
    %dma_wait3A_3384 = tpu.memref_squeeze %dma_wait3A_3383 : memref<1x8x128xf32, #tpu.memory_space<hbm>> -> memref<8x128xf32, #tpu.memory_space<hbm>>
    %dma_wait3A_3385 = arith.constant 0 : i32
    %dma_wait3A_3386 = arith.constant 0 : i32
    %dma_wait3A_3387 = tpu.memref_slice %arg6[%dma_wait3A_3377, %dma_wait3A_3385, %dma_wait3A_3386] : memref<64x8x128xf32, #tpu.memory_space<vmem>> -> memref<1x8x128xf32, #tpu.memory_space<vmem>>
    %dma_wait3A_3388 = tpu.memref_squeeze %dma_wait3A_3387 : memref<1x8x128xf32, #tpu.memory_space<vmem>> -> memref<8x128xf32, #tpu.memory_space<vmem>>
    %dma_wait3A_3389 = arith.constant 0 : i32
    %dma_wait3A_3390 = tpu.memref_slice %arg2[%add3A_1354, %dma_wait3A_3389, %multiple_of3A_1359] : memref<128x8x100000xf32, #tpu.memory_space<hbm>> -> memref<1x8x128xf32, #tpu.memory_space<hbm>>
    %dma_wait3A_3391 = tpu.memref_squeeze %dma_wait3A_3390 : memref<1x8x128xf32, #tpu.memory_space<hbm>> -> memref<8x128xf32, #tpu.memory_space<hbm>>
    tpu.wait_dma2 semaphore(%arg8 : memref<!tpu.dma_semaphore, #tpu.memory_space<semaphore_mem>>) src(%dma_wait3A_3391 : memref<8x128xf32, #tpu.memory_space<hbm>>) dst(%dma_wait3A_3388 : memref<8x128xf32, #tpu.memory_space<vmem>>)
    %dma_wait3A_3392 = arith.constant 30 : i32
    %dma_wait3A_3393 = arith.constant 0 : i32
    %dma_wait3A_3394 = arith.constant 0 : i32
    %dma_wait3A_3395 = tpu.memref_slice %arg6[%dma_wait3A_3392, %dma_wait3A_3393, %dma_wait3A_3394] : memref<64x8x128xf32, #tpu.memory_space<vmem>> -> memref<1x8x128xf32, #tpu.memory_space<vmem>>
    %dma_wait3A_3396 = tpu.memref_squeeze %dma_wait3A_3395 : memref<1x8x128xf32, #tpu.memory_space<vmem>> -> memref<8x128xf32, #tpu.memory_space<vmem>>
    %dma_wait3A_3397 = arith.constant 0 : i32
    %dma_wait3A_3398 = tpu.memref_slice %arg2[%add3A_1400, %dma_wait3A_3397, %multiple_of3A_1405] : memref<128x8x100000xf32, #tpu.memory_space<hbm>> -> memref<1x8x128xf32, #tpu.memory_space<hbm>>
    %dma_wait3A_3399 = tpu.memref_squeeze %dma_wait3A_3398 : memref<1x8x128xf32, #tpu.memory_space<hbm>> -> memref<8x128xf32, #tpu.memory_space<hbm>>
    %dma_wait3A_3400 = arith.constant 0 : i32
    %dma_wait3A_3401 = arith.constant 0 : i32
    %dma_wait3A_3402 = tpu.memref_slice %arg6[%dma_wait3A_3392, %dma_wait3A_3400, %dma_wait3A_3401] : memref<64x8x128xf32, #tpu.memory_space<vmem>> -> memref<1x8x128xf32, #tpu.memory_space<vmem>>
    %dma_wait3A_3403 = tpu.memref_squeeze %dma_wait3A_3402 : memref<1x8x128xf32, #tpu.memory_space<vmem>> -> memref<8x128xf32, #tpu.memory_space<vmem>>
    %dma_wait3A_3404 = arith.constant 0 : i32
    %dma_wait3A_3405 = tpu.memref_slice %arg2[%add3A_1400, %dma_wait3A_3404, %multiple_of3A_1405] : memref<128x8x100000xf32, #tpu.memory_space<hbm>> -> memref<1x8x128xf32, #tpu.memory_space<hbm>>
    %dma_wait3A_3406 = tpu.memref_squeeze %dma_wait3A_3405 : memref<1x8x128xf32, #tpu.memory_space<hbm>> -> memref<8x128xf32, #tpu.memory_space<hbm>>
    tpu.wait_dma2 semaphore(%arg8 : memref<!tpu.dma_semaphore, #tpu.memory_space<semaphore_mem>>) src(%dma_wait3A_3406 : memref<8x128xf32, #tpu.memory_space<hbm>>) dst(%dma_wait3A_3403 : memref<8x128xf32, #tpu.memory_space<vmem>>)
    %dma_wait3A_3407 = arith.constant 31 : i32
    %dma_wait3A_3408 = arith.constant 0 : i32
    %dma_wait3A_3409 = arith.constant 0 : i32
    %dma_wait3A_3410 = tpu.memref_slice %arg6[%dma_wait3A_3407, %dma_wait3A_3408, %dma_wait3A_3409] : memref<64x8x128xf32, #tpu.memory_space<vmem>> -> memref<1x8x128xf32, #tpu.memory_space<vmem>>
    %dma_wait3A_3411 = tpu.memref_squeeze %dma_wait3A_3410 : memref<1x8x128xf32, #tpu.memory_space<vmem>> -> memref<8x128xf32, #tpu.memory_space<vmem>>
    %dma_wait3A_3412 = arith.constant 0 : i32
    %dma_wait3A_3413 = tpu.memref_slice %arg2[%add3A_1446, %dma_wait3A_3412, %multiple_of3A_1451] : memref<128x8x100000xf32, #tpu.memory_space<hbm>> -> memref<1x8x128xf32, #tpu.memory_space<hbm>>
    %dma_wait3A_3414 = tpu.memref_squeeze %dma_wait3A_3413 : memref<1x8x128xf32, #tpu.memory_space<hbm>> -> memref<8x128xf32, #tpu.memory_space<hbm>>
    %dma_wait3A_3415 = arith.constant 0 : i32
    %dma_wait3A_3416 = arith.constant 0 : i32
    %dma_wait3A_3417 = tpu.memref_slice %arg6[%dma_wait3A_3407, %dma_wait3A_3415, %dma_wait3A_3416] : memref<64x8x128xf32, #tpu.memory_space<vmem>> -> memref<1x8x128xf32, #tpu.memory_space<vmem>>
    %dma_wait3A_3418 = tpu.memref_squeeze %dma_wait3A_3417 : memref<1x8x128xf32, #tpu.memory_space<vmem>> -> memref<8x128xf32, #tpu.memory_space<vmem>>
    %dma_wait3A_3419 = arith.constant 0 : i32
    %dma_wait3A_3420 = tpu.memref_slice %arg2[%add3A_1446, %dma_wait3A_3419, %multiple_of3A_1451] : memref<128x8x100000xf32, #tpu.memory_space<hbm>> -> memref<1x8x128xf32, #tpu.memory_space<hbm>>
    %dma_wait3A_3421 = tpu.memref_squeeze %dma_wait3A_3420 : memref<1x8x128xf32, #tpu.memory_space<hbm>> -> memref<8x128xf32, #tpu.memory_space<hbm>>
    tpu.wait_dma2 semaphore(%arg8 : memref<!tpu.dma_semaphore, #tpu.memory_space<semaphore_mem>>) src(%dma_wait3A_3421 : memref<8x128xf32, #tpu.memory_space<hbm>>) dst(%dma_wait3A_3418 : memref<8x128xf32, #tpu.memory_space<vmem>>)
    %dma_wait3A_3422 = arith.constant 32 : i32
    %dma_wait3A_3423 = arith.constant 0 : i32
    %dma_wait3A_3424 = arith.constant 0 : i32
    %dma_wait3A_3425 = tpu.memref_slice %arg6[%dma_wait3A_3422, %dma_wait3A_3423, %dma_wait3A_3424] : memref<64x8x128xf32, #tpu.memory_space<vmem>> -> memref<1x8x128xf32, #tpu.memory_space<vmem>>
    %dma_wait3A_3426 = tpu.memref_squeeze %dma_wait3A_3425 : memref<1x8x128xf32, #tpu.memory_space<vmem>> -> memref<8x128xf32, #tpu.memory_space<vmem>>
    %dma_wait3A_3427 = arith.constant 0 : i32
    %dma_wait3A_3428 = tpu.memref_slice %arg2[%add3A_1494, %dma_wait3A_3427, %multiple_of3A_1499] : memref<128x8x100000xf32, #tpu.memory_space<hbm>> -> memref<1x8x128xf32, #tpu.memory_space<hbm>>
    %dma_wait3A_3429 = tpu.memref_squeeze %dma_wait3A_3428 : memref<1x8x128xf32, #tpu.memory_space<hbm>> -> memref<8x128xf32, #tpu.memory_space<hbm>>
    %dma_wait3A_3430 = arith.constant 0 : i32
    %dma_wait3A_3431 = arith.constant 0 : i32
    %dma_wait3A_3432 = tpu.memref_slice %arg6[%dma_wait3A_3422, %dma_wait3A_3430, %dma_wait3A_3431] : memref<64x8x128xf32, #tpu.memory_space<vmem>> -> memref<1x8x128xf32, #tpu.memory_space<vmem>>
    %dma_wait3A_3433 = tpu.memref_squeeze %dma_wait3A_3432 : memref<1x8x128xf32, #tpu.memory_space<vmem>> -> memref<8x128xf32, #tpu.memory_space<vmem>>
    %dma_wait3A_3434 = arith.constant 0 : i32
    %dma_wait3A_3435 = tpu.memref_slice %arg2[%add3A_1494, %dma_wait3A_3434, %multiple_of3A_1499] : memref<128x8x100000xf32, #tpu.memory_space<hbm>> -> memref<1x8x128xf32, #tpu.memory_space<hbm>>
    %dma_wait3A_3436 = tpu.memref_squeeze %dma_wait3A_3435 : memref<1x8x128xf32, #tpu.memory_space<hbm>> -> memref<8x128xf32, #tpu.memory_space<hbm>>
    tpu.wait_dma2 semaphore(%arg8 : memref<!tpu.dma_semaphore, #tpu.memory_space<semaphore_mem>>) src(%dma_wait3A_3436 : memref<8x128xf32, #tpu.memory_space<hbm>>) dst(%dma_wait3A_3433 : memref<8x128xf32, #tpu.memory_space<vmem>>)
    %dma_wait3A_3437 = arith.constant 33 : i32
    %dma_wait3A_3438 = arith.constant 0 : i32
    %dma_wait3A_3439 = arith.constant 0 : i32
    %dma_wait3A_3440 = tpu.memref_slice %arg6[%dma_wait3A_3437, %dma_wait3A_3438, %dma_wait3A_3439] : memref<64x8x128xf32, #tpu.memory_space<vmem>> -> memref<1x8x128xf32, #tpu.memory_space<vmem>>
    %dma_wait3A_3441 = tpu.memref_squeeze %dma_wait3A_3440 : memref<1x8x128xf32, #tpu.memory_space<vmem>> -> memref<8x128xf32, #tpu.memory_space<vmem>>
    %dma_wait3A_3442 = arith.constant 0 : i32
    %dma_wait3A_3443 = tpu.memref_slice %arg2[%add3A_1540, %dma_wait3A_3442, %multiple_of3A_1545] : memref<128x8x100000xf32, #tpu.memory_space<hbm>> -> memref<1x8x128xf32, #tpu.memory_space<hbm>>
    %dma_wait3A_3444 = tpu.memref_squeeze %dma_wait3A_3443 : memref<1x8x128xf32, #tpu.memory_space<hbm>> -> memref<8x128xf32, #tpu.memory_space<hbm>>
    %dma_wait3A_3445 = arith.constant 0 : i32
    %dma_wait3A_3446 = arith.constant 0 : i32
    %dma_wait3A_3447 = tpu.memref_slice %arg6[%dma_wait3A_3437, %dma_wait3A_3445, %dma_wait3A_3446] : memref<64x8x128xf32, #tpu.memory_space<vmem>> -> memref<1x8x128xf32, #tpu.memory_space<vmem>>
    %dma_wait3A_3448 = tpu.memref_squeeze %dma_wait3A_3447 : memref<1x8x128xf32, #tpu.memory_space<vmem>> -> memref<8x128xf32, #tpu.memory_space<vmem>>
    %dma_wait3A_3449 = arith.constant 0 : i32
    %dma_wait3A_3450 = tpu.memref_slice %arg2[%add3A_1540, %dma_wait3A_3449, %multiple_of3A_1545] : memref<128x8x100000xf32, #tpu.memory_space<hbm>> -> memref<1x8x128xf32, #tpu.memory_space<hbm>>
    %dma_wait3A_3451 = tpu.memref_squeeze %dma_wait3A_3450 : memref<1x8x128xf32, #tpu.memory_space<hbm>> -> memref<8x128xf32, #tpu.memory_space<hbm>>
    tpu.wait_dma2 semaphore(%arg8 : memref<!tpu.dma_semaphore, #tpu.memory_space<semaphore_mem>>) src(%dma_wait3A_3451 : memref<8x128xf32, #tpu.memory_space<hbm>>) dst(%dma_wait3A_3448 : memref<8x128xf32, #tpu.memory_space<vmem>>)
    %dma_wait3A_3452 = arith.constant 34 : i32
    %dma_wait3A_3453 = arith.constant 0 : i32
    %dma_wait3A_3454 = arith.constant 0 : i32
    %dma_wait3A_3455 = tpu.memref_slice %arg6[%dma_wait3A_3452, %dma_wait3A_3453, %dma_wait3A_3454] : memref<64x8x128xf32, #tpu.memory_space<vmem>> -> memref<1x8x128xf32, #tpu.memory_space<vmem>>
    %dma_wait3A_3456 = tpu.memref_squeeze %dma_wait3A_3455 : memref<1x8x128xf32, #tpu.memory_space<vmem>> -> memref<8x128xf32, #tpu.memory_space<vmem>>
    %dma_wait3A_3457 = arith.constant 0 : i32
    %dma_wait3A_3458 = tpu.memref_slice %arg2[%add3A_1586, %dma_wait3A_3457, %multiple_of3A_1591] : memref<128x8x100000xf32, #tpu.memory_space<hbm>> -> memref<1x8x128xf32, #tpu.memory_space<hbm>>
    %dma_wait3A_3459 = tpu.memref_squeeze %dma_wait3A_3458 : memref<1x8x128xf32, #tpu.memory_space<hbm>> -> memref<8x128xf32, #tpu.memory_space<hbm>>
    %dma_wait3A_3460 = arith.constant 0 : i32
    %dma_wait3A_3461 = arith.constant 0 : i32
    %dma_wait3A_3462 = tpu.memref_slice %arg6[%dma_wait3A_3452, %dma_wait3A_3460, %dma_wait3A_3461] : memref<64x8x128xf32, #tpu.memory_space<vmem>> -> memref<1x8x128xf32, #tpu.memory_space<vmem>>
    %dma_wait3A_3463 = tpu.memref_squeeze %dma_wait3A_3462 : memref<1x8x128xf32, #tpu.memory_space<vmem>> -> memref<8x128xf32, #tpu.memory_space<vmem>>
    %dma_wait3A_3464 = arith.constant 0 : i32
    %dma_wait3A_3465 = tpu.memref_slice %arg2[%add3A_1586, %dma_wait3A_3464, %multiple_of3A_1591] : memref<128x8x100000xf32, #tpu.memory_space<hbm>> -> memref<1x8x128xf32, #tpu.memory_space<hbm>>
    %dma_wait3A_3466 = tpu.memref_squeeze %dma_wait3A_3465 : memref<1x8x128xf32, #tpu.memory_space<hbm>> -> memref<8x128xf32, #tpu.memory_space<hbm>>
    tpu.wait_dma2 semaphore(%arg8 : memref<!tpu.dma_semaphore, #tpu.memory_space<semaphore_mem>>) src(%dma_wait3A_3466 : memref<8x128xf32, #tpu.memory_space<hbm>>) dst(%dma_wait3A_3463 : memref<8x128xf32, #tpu.memory_space<vmem>>)
    %dma_wait3A_3467 = arith.constant 35 : i32
    %dma_wait3A_3468 = arith.constant 0 : i32
    %dma_wait3A_3469 = arith.constant 0 : i32
    %dma_wait3A_3470 = tpu.memref_slice %arg6[%dma_wait3A_3467, %dma_wait3A_3468, %dma_wait3A_3469] : memref<64x8x128xf32, #tpu.memory_space<vmem>> -> memref<1x8x128xf32, #tpu.memory_space<vmem>>
    %dma_wait3A_3471 = tpu.memref_squeeze %dma_wait3A_3470 : memref<1x8x128xf32, #tpu.memory_space<vmem>> -> memref<8x128xf32, #tpu.memory_space<vmem>>
    %dma_wait3A_3472 = arith.constant 0 : i32
    %dma_wait3A_3473 = tpu.memref_slice %arg2[%add3A_1632, %dma_wait3A_3472, %multiple_of3A_1637] : memref<128x8x100000xf32, #tpu.memory_space<hbm>> -> memref<1x8x128xf32, #tpu.memory_space<hbm>>
    %dma_wait3A_3474 = tpu.memref_squeeze %dma_wait3A_3473 : memref<1x8x128xf32, #tpu.memory_space<hbm>> -> memref<8x128xf32, #tpu.memory_space<hbm>>
    %dma_wait3A_3475 = arith.constant 0 : i32
    %dma_wait3A_3476 = arith.constant 0 : i32
    %dma_wait3A_3477 = tpu.memref_slice %arg6[%dma_wait3A_3467, %dma_wait3A_3475, %dma_wait3A_3476] : memref<64x8x128xf32, #tpu.memory_space<vmem>> -> memref<1x8x128xf32, #tpu.memory_space<vmem>>
    %dma_wait3A_3478 = tpu.memref_squeeze %dma_wait3A_3477 : memref<1x8x128xf32, #tpu.memory_space<vmem>> -> memref<8x128xf32, #tpu.memory_space<vmem>>
    %dma_wait3A_3479 = arith.constant 0 : i32
    %dma_wait3A_3480 = tpu.memref_slice %arg2[%add3A_1632, %dma_wait3A_3479, %multiple_of3A_1637] : memref<128x8x100000xf32, #tpu.memory_space<hbm>> -> memref<1x8x128xf32, #tpu.memory_space<hbm>>
    %dma_wait3A_3481 = tpu.memref_squeeze %dma_wait3A_3480 : memref<1x8x128xf32, #tpu.memory_space<hbm>> -> memref<8x128xf32, #tpu.memory_space<hbm>>
    tpu.wait_dma2 semaphore(%arg8 : memref<!tpu.dma_semaphore, #tpu.memory_space<semaphore_mem>>) src(%dma_wait3A_3481 : memref<8x128xf32, #tpu.memory_space<hbm>>) dst(%dma_wait3A_3478 : memref<8x128xf32, #tpu.memory_space<vmem>>)
    %dma_wait3A_3482 = arith.constant 36 : i32
    %dma_wait3A_3483 = arith.constant 0 : i32
    %dma_wait3A_3484 = arith.constant 0 : i32
    %dma_wait3A_3485 = tpu.memref_slice %arg6[%dma_wait3A_3482, %dma_wait3A_3483, %dma_wait3A_3484] : memref<64x8x128xf32, #tpu.memory_space<vmem>> -> memref<1x8x128xf32, #tpu.memory_space<vmem>>
    %dma_wait3A_3486 = tpu.memref_squeeze %dma_wait3A_3485 : memref<1x8x128xf32, #tpu.memory_space<vmem>> -> memref<8x128xf32, #tpu.memory_space<vmem>>
    %dma_wait3A_3487 = arith.constant 0 : i32
    %dma_wait3A_3488 = tpu.memref_slice %arg2[%add3A_1678, %dma_wait3A_3487, %multiple_of3A_1683] : memref<128x8x100000xf32, #tpu.memory_space<hbm>> -> memref<1x8x128xf32, #tpu.memory_space<hbm>>
    %dma_wait3A_3489 = tpu.memref_squeeze %dma_wait3A_3488 : memref<1x8x128xf32, #tpu.memory_space<hbm>> -> memref<8x128xf32, #tpu.memory_space<hbm>>
    %dma_wait3A_3490 = arith.constant 0 : i32
    %dma_wait3A_3491 = arith.constant 0 : i32
    %dma_wait3A_3492 = tpu.memref_slice %arg6[%dma_wait3A_3482, %dma_wait3A_3490, %dma_wait3A_3491] : memref<64x8x128xf32, #tpu.memory_space<vmem>> -> memref<1x8x128xf32, #tpu.memory_space<vmem>>
    %dma_wait3A_3493 = tpu.memref_squeeze %dma_wait3A_3492 : memref<1x8x128xf32, #tpu.memory_space<vmem>> -> memref<8x128xf32, #tpu.memory_space<vmem>>
    %dma_wait3A_3494 = arith.constant 0 : i32
    %dma_wait3A_3495 = tpu.memref_slice %arg2[%add3A_1678, %dma_wait3A_3494, %multiple_of3A_1683] : memref<128x8x100000xf32, #tpu.memory_space<hbm>> -> memref<1x8x128xf32, #tpu.memory_space<hbm>>
    %dma_wait3A_3496 = tpu.memref_squeeze %dma_wait3A_3495 : memref<1x8x128xf32, #tpu.memory_space<hbm>> -> memref<8x128xf32, #tpu.memory_space<hbm>>
    tpu.wait_dma2 semaphore(%arg8 : memref<!tpu.dma_semaphore, #tpu.memory_space<semaphore_mem>>) src(%dma_wait3A_3496 : memref<8x128xf32, #tpu.memory_space<hbm>>) dst(%dma_wait3A_3493 : memref<8x128xf32, #tpu.memory_space<vmem>>)
    %dma_wait3A_3497 = arith.constant 37 : i32
    %dma_wait3A_3498 = arith.constant 0 : i32
    %dma_wait3A_3499 = arith.constant 0 : i32
    %dma_wait3A_3500 = tpu.memref_slice %arg6[%dma_wait3A_3497, %dma_wait3A_3498, %dma_wait3A_3499] : memref<64x8x128xf32, #tpu.memory_space<vmem>> -> memref<1x8x128xf32, #tpu.memory_space<vmem>>
    %dma_wait3A_3501 = tpu.memref_squeeze %dma_wait3A_3500 : memref<1x8x128xf32, #tpu.memory_space<vmem>> -> memref<8x128xf32, #tpu.memory_space<vmem>>
    %dma_wait3A_3502 = arith.constant 0 : i32
    %dma_wait3A_3503 = tpu.memref_slice %arg2[%add3A_1724, %dma_wait3A_3502, %multiple_of3A_1729] : memref<128x8x100000xf32, #tpu.memory_space<hbm>> -> memref<1x8x128xf32, #tpu.memory_space<hbm>>
    %dma_wait3A_3504 = tpu.memref_squeeze %dma_wait3A_3503 : memref<1x8x128xf32, #tpu.memory_space<hbm>> -> memref<8x128xf32, #tpu.memory_space<hbm>>
    %dma_wait3A_3505 = arith.constant 0 : i32
    %dma_wait3A_3506 = arith.constant 0 : i32
    %dma_wait3A_3507 = tpu.memref_slice %arg6[%dma_wait3A_3497, %dma_wait3A_3505, %dma_wait3A_3506] : memref<64x8x128xf32, #tpu.memory_space<vmem>> -> memref<1x8x128xf32, #tpu.memory_space<vmem>>
    %dma_wait3A_3508 = tpu.memref_squeeze %dma_wait3A_3507 : memref<1x8x128xf32, #tpu.memory_space<vmem>> -> memref<8x128xf32, #tpu.memory_space<vmem>>
    %dma_wait3A_3509 = arith.constant 0 : i32
    %dma_wait3A_3510 = tpu.memref_slice %arg2[%add3A_1724, %dma_wait3A_3509, %multiple_of3A_1729] : memref<128x8x100000xf32, #tpu.memory_space<hbm>> -> memref<1x8x128xf32, #tpu.memory_space<hbm>>
    %dma_wait3A_3511 = tpu.memref_squeeze %dma_wait3A_3510 : memref<1x8x128xf32, #tpu.memory_space<hbm>> -> memref<8x128xf32, #tpu.memory_space<hbm>>
    tpu.wait_dma2 semaphore(%arg8 : memref<!tpu.dma_semaphore, #tpu.memory_space<semaphore_mem>>) src(%dma_wait3A_3511 : memref<8x128xf32, #tpu.memory_space<hbm>>) dst(%dma_wait3A_3508 : memref<8x128xf32, #tpu.memory_space<vmem>>)
    %dma_wait3A_3512 = arith.constant 38 : i32
    %dma_wait3A_3513 = arith.constant 0 : i32
    %dma_wait3A_3514 = arith.constant 0 : i32
    %dma_wait3A_3515 = tpu.memref_slice %arg6[%dma_wait3A_3512, %dma_wait3A_3513, %dma_wait3A_3514] : memref<64x8x128xf32, #tpu.memory_space<vmem>> -> memref<1x8x128xf32, #tpu.memory_space<vmem>>
    %dma_wait3A_3516 = tpu.memref_squeeze %dma_wait3A_3515 : memref<1x8x128xf32, #tpu.memory_space<vmem>> -> memref<8x128xf32, #tpu.memory_space<vmem>>
    %dma_wait3A_3517 = arith.constant 0 : i32
    %dma_wait3A_3518 = tpu.memref_slice %arg2[%add3A_1770, %dma_wait3A_3517, %multiple_of3A_1775] : memref<128x8x100000xf32, #tpu.memory_space<hbm>> -> memref<1x8x128xf32, #tpu.memory_space<hbm>>
    %dma_wait3A_3519 = tpu.memref_squeeze %dma_wait3A_3518 : memref<1x8x128xf32, #tpu.memory_space<hbm>> -> memref<8x128xf32, #tpu.memory_space<hbm>>
    %dma_wait3A_3520 = arith.constant 0 : i32
    %dma_wait3A_3521 = arith.constant 0 : i32
    %dma_wait3A_3522 = tpu.memref_slice %arg6[%dma_wait3A_3512, %dma_wait3A_3520, %dma_wait3A_3521] : memref<64x8x128xf32, #tpu.memory_space<vmem>> -> memref<1x8x128xf32, #tpu.memory_space<vmem>>
    %dma_wait3A_3523 = tpu.memref_squeeze %dma_wait3A_3522 : memref<1x8x128xf32, #tpu.memory_space<vmem>> -> memref<8x128xf32, #tpu.memory_space<vmem>>
    %dma_wait3A_3524 = arith.constant 0 : i32
    %dma_wait3A_3525 = tpu.memref_slice %arg2[%add3A_1770, %dma_wait3A_3524, %multiple_of3A_1775] : memref<128x8x100000xf32, #tpu.memory_space<hbm>> -> memref<1x8x128xf32, #tpu.memory_space<hbm>>
    %dma_wait3A_3526 = tpu.memref_squeeze %dma_wait3A_3525 : memref<1x8x128xf32, #tpu.memory_space<hbm>> -> memref<8x128xf32, #tpu.memory_space<hbm>>
    tpu.wait_dma2 semaphore(%arg8 : memref<!tpu.dma_semaphore, #tpu.memory_space<semaphore_mem>>) src(%dma_wait3A_3526 : memref<8x128xf32, #tpu.memory_space<hbm>>) dst(%dma_wait3A_3523 : memref<8x128xf32, #tpu.memory_space<vmem>>)
    %dma_wait3A_3527 = arith.constant 39 : i32
    %dma_wait3A_3528 = arith.constant 0 : i32
    %dma_wait3A_3529 = arith.constant 0 : i32
    %dma_wait3A_3530 = tpu.memref_slice %arg6[%dma_wait3A_3527, %dma_wait3A_3528, %dma_wait3A_3529] : memref<64x8x128xf32, #tpu.memory_space<vmem>> -> memref<1x8x128xf32, #tpu.memory_space<vmem>>
    %dma_wait3A_3531 = tpu.memref_squeeze %dma_wait3A_3530 : memref<1x8x128xf32, #tpu.memory_space<vmem>> -> memref<8x128xf32, #tpu.memory_space<vmem>>
    %dma_wait3A_3532 = arith.constant 0 : i32
    %dma_wait3A_3533 = tpu.memref_slice %arg2[%add3A_1816, %dma_wait3A_3532, %multiple_of3A_1821] : memref<128x8x100000xf32, #tpu.memory_space<hbm>> -> memref<1x8x128xf32, #tpu.memory_space<hbm>>
    %dma_wait3A_3534 = tpu.memref_squeeze %dma_wait3A_3533 : memref<1x8x128xf32, #tpu.memory_space<hbm>> -> memref<8x128xf32, #tpu.memory_space<hbm>>
    %dma_wait3A_3535 = arith.constant 0 : i32
    %dma_wait3A_3536 = arith.constant 0 : i32
    %dma_wait3A_3537 = tpu.memref_slice %arg6[%dma_wait3A_3527, %dma_wait3A_3535, %dma_wait3A_3536] : memref<64x8x128xf32, #tpu.memory_space<vmem>> -> memref<1x8x128xf32, #tpu.memory_space<vmem>>
    %dma_wait3A_3538 = tpu.memref_squeeze %dma_wait3A_3537 : memref<1x8x128xf32, #tpu.memory_space<vmem>> -> memref<8x128xf32, #tpu.memory_space<vmem>>
    %dma_wait3A_3539 = arith.constant 0 : i32
    %dma_wait3A_3540 = tpu.memref_slice %arg2[%add3A_1816, %dma_wait3A_3539, %multiple_of3A_1821] : memref<128x8x100000xf32, #tpu.memory_space<hbm>> -> memref<1x8x128xf32, #tpu.memory_space<hbm>>
    %dma_wait3A_3541 = tpu.memref_squeeze %dma_wait3A_3540 : memref<1x8x128xf32, #tpu.memory_space<hbm>> -> memref<8x128xf32, #tpu.memory_space<hbm>>
    tpu.wait_dma2 semaphore(%arg8 : memref<!tpu.dma_semaphore, #tpu.memory_space<semaphore_mem>>) src(%dma_wait3A_3541 : memref<8x128xf32, #tpu.memory_space<hbm>>) dst(%dma_wait3A_3538 : memref<8x128xf32, #tpu.memory_space<vmem>>)
    %dma_wait3A_3542 = arith.constant 40 : i32
    %dma_wait3A_3543 = arith.constant 0 : i32
    %dma_wait3A_3544 = arith.constant 0 : i32
    %dma_wait3A_3545 = tpu.memref_slice %arg6[%dma_wait3A_3542, %dma_wait3A_3543, %dma_wait3A_3544] : memref<64x8x128xf32, #tpu.memory_space<vmem>> -> memref<1x8x128xf32, #tpu.memory_space<vmem>>
    %dma_wait3A_3546 = tpu.memref_squeeze %dma_wait3A_3545 : memref<1x8x128xf32, #tpu.memory_space<vmem>> -> memref<8x128xf32, #tpu.memory_space<vmem>>
    %dma_wait3A_3547 = arith.constant 0 : i32
    %dma_wait3A_3548 = tpu.memref_slice %arg2[%add3A_1862, %dma_wait3A_3547, %multiple_of3A_1867] : memref<128x8x100000xf32, #tpu.memory_space<hbm>> -> memref<1x8x128xf32, #tpu.memory_space<hbm>>
    %dma_wait3A_3549 = tpu.memref_squeeze %dma_wait3A_3548 : memref<1x8x128xf32, #tpu.memory_space<hbm>> -> memref<8x128xf32, #tpu.memory_space<hbm>>
    %dma_wait3A_3550 = arith.constant 0 : i32
    %dma_wait3A_3551 = arith.constant 0 : i32
    %dma_wait3A_3552 = tpu.memref_slice %arg6[%dma_wait3A_3542, %dma_wait3A_3550, %dma_wait3A_3551] : memref<64x8x128xf32, #tpu.memory_space<vmem>> -> memref<1x8x128xf32, #tpu.memory_space<vmem>>
    %dma_wait3A_3553 = tpu.memref_squeeze %dma_wait3A_3552 : memref<1x8x128xf32, #tpu.memory_space<vmem>> -> memref<8x128xf32, #tpu.memory_space<vmem>>
    %dma_wait3A_3554 = arith.constant 0 : i32
    %dma_wait3A_3555 = tpu.memref_slice %arg2[%add3A_1862, %dma_wait3A_3554, %multiple_of3A_1867] : memref<128x8x100000xf32, #tpu.memory_space<hbm>> -> memref<1x8x128xf32, #tpu.memory_space<hbm>>
    %dma_wait3A_3556 = tpu.memref_squeeze %dma_wait3A_3555 : memref<1x8x128xf32, #tpu.memory_space<hbm>> -> memref<8x128xf32, #tpu.memory_space<hbm>>
    tpu.wait_dma2 semaphore(%arg8 : memref<!tpu.dma_semaphore, #tpu.memory_space<semaphore_mem>>) src(%dma_wait3A_3556 : memref<8x128xf32, #tpu.memory_space<hbm>>) dst(%dma_wait3A_3553 : memref<8x128xf32, #tpu.memory_space<vmem>>)
    %dma_wait3A_3557 = arith.constant 41 : i32
    %dma_wait3A_3558 = arith.constant 0 : i32
    %dma_wait3A_3559 = arith.constant 0 : i32
    %dma_wait3A_3560 = tpu.memref_slice %arg6[%dma_wait3A_3557, %dma_wait3A_3558, %dma_wait3A_3559] : memref<64x8x128xf32, #tpu.memory_space<vmem>> -> memref<1x8x128xf32, #tpu.memory_space<vmem>>
    %dma_wait3A_3561 = tpu.memref_squeeze %dma_wait3A_3560 : memref<1x8x128xf32, #tpu.memory_space<vmem>> -> memref<8x128xf32, #tpu.memory_space<vmem>>
    %dma_wait3A_3562 = arith.constant 0 : i32
    %dma_wait3A_3563 = tpu.memref_slice %arg2[%add3A_1908, %dma_wait3A_3562, %multiple_of3A_1913] : memref<128x8x100000xf32, #tpu.memory_space<hbm>> -> memref<1x8x128xf32, #tpu.memory_space<hbm>>
    %dma_wait3A_3564 = tpu.memref_squeeze %dma_wait3A_3563 : memref<1x8x128xf32, #tpu.memory_space<hbm>> -> memref<8x128xf32, #tpu.memory_space<hbm>>
    %dma_wait3A_3565 = arith.constant 0 : i32
    %dma_wait3A_3566 = arith.constant 0 : i32
    %dma_wait3A_3567 = tpu.memref_slice %arg6[%dma_wait3A_3557, %dma_wait3A_3565, %dma_wait3A_3566] : memref<64x8x128xf32, #tpu.memory_space<vmem>> -> memref<1x8x128xf32, #tpu.memory_space<vmem>>
    %dma_wait3A_3568 = tpu.memref_squeeze %dma_wait3A_3567 : memref<1x8x128xf32, #tpu.memory_space<vmem>> -> memref<8x128xf32, #tpu.memory_space<vmem>>
    %dma_wait3A_3569 = arith.constant 0 : i32
    %dma_wait3A_3570 = tpu.memref_slice %arg2[%add3A_1908, %dma_wait3A_3569, %multiple_of3A_1913] : memref<128x8x100000xf32, #tpu.memory_space<hbm>> -> memref<1x8x128xf32, #tpu.memory_space<hbm>>
    %dma_wait3A_3571 = tpu.memref_squeeze %dma_wait3A_3570 : memref<1x8x128xf32, #tpu.memory_space<hbm>> -> memref<8x128xf32, #tpu.memory_space<hbm>>
    tpu.wait_dma2 semaphore(%arg8 : memref<!tpu.dma_semaphore, #tpu.memory_space<semaphore_mem>>) src(%dma_wait3A_3571 : memref<8x128xf32, #tpu.memory_space<hbm>>) dst(%dma_wait3A_3568 : memref<8x128xf32, #tpu.memory_space<vmem>>)
    %dma_wait3A_3572 = arith.constant 42 : i32
    %dma_wait3A_3573 = arith.constant 0 : i32
    %dma_wait3A_3574 = arith.constant 0 : i32
    %dma_wait3A_3575 = tpu.memref_slice %arg6[%dma_wait3A_3572, %dma_wait3A_3573, %dma_wait3A_3574] : memref<64x8x128xf32, #tpu.memory_space<vmem>> -> memref<1x8x128xf32, #tpu.memory_space<vmem>>
    %dma_wait3A_3576 = tpu.memref_squeeze %dma_wait3A_3575 : memref<1x8x128xf32, #tpu.memory_space<vmem>> -> memref<8x128xf32, #tpu.memory_space<vmem>>
    %dma_wait3A_3577 = arith.constant 0 : i32
    %dma_wait3A_3578 = tpu.memref_slice %arg2[%add3A_1954, %dma_wait3A_3577, %multiple_of3A_1959] : memref<128x8x100000xf32, #tpu.memory_space<hbm>> -> memref<1x8x128xf32, #tpu.memory_space<hbm>>
    %dma_wait3A_3579 = tpu.memref_squeeze %dma_wait3A_3578 : memref<1x8x128xf32, #tpu.memory_space<hbm>> -> memref<8x128xf32, #tpu.memory_space<hbm>>
    %dma_wait3A_3580 = arith.constant 0 : i32
    %dma_wait3A_3581 = arith.constant 0 : i32
    %dma_wait3A_3582 = tpu.memref_slice %arg6[%dma_wait3A_3572, %dma_wait3A_3580, %dma_wait3A_3581] : memref<64x8x128xf32, #tpu.memory_space<vmem>> -> memref<1x8x128xf32, #tpu.memory_space<vmem>>
    %dma_wait3A_3583 = tpu.memref_squeeze %dma_wait3A_3582 : memref<1x8x128xf32, #tpu.memory_space<vmem>> -> memref<8x128xf32, #tpu.memory_space<vmem>>
    %dma_wait3A_3584 = arith.constant 0 : i32
    %dma_wait3A_3585 = tpu.memref_slice %arg2[%add3A_1954, %dma_wait3A_3584, %multiple_of3A_1959] : memref<128x8x100000xf32, #tpu.memory_space<hbm>> -> memref<1x8x128xf32, #tpu.memory_space<hbm>>
    %dma_wait3A_3586 = tpu.memref_squeeze %dma_wait3A_3585 : memref<1x8x128xf32, #tpu.memory_space<hbm>> -> memref<8x128xf32, #tpu.memory_space<hbm>>
    tpu.wait_dma2 semaphore(%arg8 : memref<!tpu.dma_semaphore, #tpu.memory_space<semaphore_mem>>) src(%dma_wait3A_3586 : memref<8x128xf32, #tpu.memory_space<hbm>>) dst(%dma_wait3A_3583 : memref<8x128xf32, #tpu.memory_space<vmem>>)
    %dma_wait3A_3587 = arith.constant 43 : i32
    %dma_wait3A_3588 = arith.constant 0 : i32
    %dma_wait3A_3589 = arith.constant 0 : i32
    %dma_wait3A_3590 = tpu.memref_slice %arg6[%dma_wait3A_3587, %dma_wait3A_3588, %dma_wait3A_3589] : memref<64x8x128xf32, #tpu.memory_space<vmem>> -> memref<1x8x128xf32, #tpu.memory_space<vmem>>
    %dma_wait3A_3591 = tpu.memref_squeeze %dma_wait3A_3590 : memref<1x8x128xf32, #tpu.memory_space<vmem>> -> memref<8x128xf32, #tpu.memory_space<vmem>>
    %dma_wait3A_3592 = arith.constant 0 : i32
    %dma_wait3A_3593 = tpu.memref_slice %arg2[%add3A_2000, %dma_wait3A_3592, %multiple_of3A_2005] : memref<128x8x100000xf32, #tpu.memory_space<hbm>> -> memref<1x8x128xf32, #tpu.memory_space<hbm>>
    %dma_wait3A_3594 = tpu.memref_squeeze %dma_wait3A_3593 : memref<1x8x128xf32, #tpu.memory_space<hbm>> -> memref<8x128xf32, #tpu.memory_space<hbm>>
    %dma_wait3A_3595 = arith.constant 0 : i32
    %dma_wait3A_3596 = arith.constant 0 : i32
    %dma_wait3A_3597 = tpu.memref_slice %arg6[%dma_wait3A_3587, %dma_wait3A_3595, %dma_wait3A_3596] : memref<64x8x128xf32, #tpu.memory_space<vmem>> -> memref<1x8x128xf32, #tpu.memory_space<vmem>>
    %dma_wait3A_3598 = tpu.memref_squeeze %dma_wait3A_3597 : memref<1x8x128xf32, #tpu.memory_space<vmem>> -> memref<8x128xf32, #tpu.memory_space<vmem>>
    %dma_wait3A_3599 = arith.constant 0 : i32
    %dma_wait3A_3600 = tpu.memref_slice %arg2[%add3A_2000, %dma_wait3A_3599, %multiple_of3A_2005] : memref<128x8x100000xf32, #tpu.memory_space<hbm>> -> memref<1x8x128xf32, #tpu.memory_space<hbm>>
    %dma_wait3A_3601 = tpu.memref_squeeze %dma_wait3A_3600 : memref<1x8x128xf32, #tpu.memory_space<hbm>> -> memref<8x128xf32, #tpu.memory_space<hbm>>
    tpu.wait_dma2 semaphore(%arg8 : memref<!tpu.dma_semaphore, #tpu.memory_space<semaphore_mem>>) src(%dma_wait3A_3601 : memref<8x128xf32, #tpu.memory_space<hbm>>) dst(%dma_wait3A_3598 : memref<8x128xf32, #tpu.memory_space<vmem>>)
    %dma_wait3A_3602 = arith.constant 44 : i32
    %dma_wait3A_3603 = arith.constant 0 : i32
    %dma_wait3A_3604 = arith.constant 0 : i32
    %dma_wait3A_3605 = tpu.memref_slice %arg6[%dma_wait3A_3602, %dma_wait3A_3603, %dma_wait3A_3604] : memref<64x8x128xf32, #tpu.memory_space<vmem>> -> memref<1x8x128xf32, #tpu.memory_space<vmem>>
    %dma_wait3A_3606 = tpu.memref_squeeze %dma_wait3A_3605 : memref<1x8x128xf32, #tpu.memory_space<vmem>> -> memref<8x128xf32, #tpu.memory_space<vmem>>
    %dma_wait3A_3607 = arith.constant 0 : i32
    %dma_wait3A_3608 = tpu.memref_slice %arg2[%add3A_2046, %dma_wait3A_3607, %multiple_of3A_2051] : memref<128x8x100000xf32, #tpu.memory_space<hbm>> -> memref<1x8x128xf32, #tpu.memory_space<hbm>>
    %dma_wait3A_3609 = tpu.memref_squeeze %dma_wait3A_3608 : memref<1x8x128xf32, #tpu.memory_space<hbm>> -> memref<8x128xf32, #tpu.memory_space<hbm>>
    %dma_wait3A_3610 = arith.constant 0 : i32
    %dma_wait3A_3611 = arith.constant 0 : i32
    %dma_wait3A_3612 = tpu.memref_slice %arg6[%dma_wait3A_3602, %dma_wait3A_3610, %dma_wait3A_3611] : memref<64x8x128xf32, #tpu.memory_space<vmem>> -> memref<1x8x128xf32, #tpu.memory_space<vmem>>
    %dma_wait3A_3613 = tpu.memref_squeeze %dma_wait3A_3612 : memref<1x8x128xf32, #tpu.memory_space<vmem>> -> memref<8x128xf32, #tpu.memory_space<vmem>>
    %dma_wait3A_3614 = arith.constant 0 : i32
    %dma_wait3A_3615 = tpu.memref_slice %arg2[%add3A_2046, %dma_wait3A_3614, %multiple_of3A_2051] : memref<128x8x100000xf32, #tpu.memory_space<hbm>> -> memref<1x8x128xf32, #tpu.memory_space<hbm>>
    %dma_wait3A_3616 = tpu.memref_squeeze %dma_wait3A_3615 : memref<1x8x128xf32, #tpu.memory_space<hbm>> -> memref<8x128xf32, #tpu.memory_space<hbm>>
    tpu.wait_dma2 semaphore(%arg8 : memref<!tpu.dma_semaphore, #tpu.memory_space<semaphore_mem>>) src(%dma_wait3A_3616 : memref<8x128xf32, #tpu.memory_space<hbm>>) dst(%dma_wait3A_3613 : memref<8x128xf32, #tpu.memory_space<vmem>>)
    %dma_wait3A_3617 = arith.constant 45 : i32
    %dma_wait3A_3618 = arith.constant 0 : i32
    %dma_wait3A_3619 = arith.constant 0 : i32
    %dma_wait3A_3620 = tpu.memref_slice %arg6[%dma_wait3A_3617, %dma_wait3A_3618, %dma_wait3A_3619] : memref<64x8x128xf32, #tpu.memory_space<vmem>> -> memref<1x8x128xf32, #tpu.memory_space<vmem>>
    %dma_wait3A_3621 = tpu.memref_squeeze %dma_wait3A_3620 : memref<1x8x128xf32, #tpu.memory_space<vmem>> -> memref<8x128xf32, #tpu.memory_space<vmem>>
    %dma_wait3A_3622 = arith.constant 0 : i32
    %dma_wait3A_3623 = tpu.memref_slice %arg2[%add3A_2092, %dma_wait3A_3622, %multiple_of3A_2097] : memref<128x8x100000xf32, #tpu.memory_space<hbm>> -> memref<1x8x128xf32, #tpu.memory_space<hbm>>
    %dma_wait3A_3624 = tpu.memref_squeeze %dma_wait3A_3623 : memref<1x8x128xf32, #tpu.memory_space<hbm>> -> memref<8x128xf32, #tpu.memory_space<hbm>>
    %dma_wait3A_3625 = arith.constant 0 : i32
    %dma_wait3A_3626 = arith.constant 0 : i32
    %dma_wait3A_3627 = tpu.memref_slice %arg6[%dma_wait3A_3617, %dma_wait3A_3625, %dma_wait3A_3626] : memref<64x8x128xf32, #tpu.memory_space<vmem>> -> memref<1x8x128xf32, #tpu.memory_space<vmem>>
    %dma_wait3A_3628 = tpu.memref_squeeze %dma_wait3A_3627 : memref<1x8x128xf32, #tpu.memory_space<vmem>> -> memref<8x128xf32, #tpu.memory_space<vmem>>
    %dma_wait3A_3629 = arith.constant 0 : i32
    %dma_wait3A_3630 = tpu.memref_slice %arg2[%add3A_2092, %dma_wait3A_3629, %multiple_of3A_2097] : memref<128x8x100000xf32, #tpu.memory_space<hbm>> -> memref<1x8x128xf32, #tpu.memory_space<hbm>>
    %dma_wait3A_3631 = tpu.memref_squeeze %dma_wait3A_3630 : memref<1x8x128xf32, #tpu.memory_space<hbm>> -> memref<8x128xf32, #tpu.memory_space<hbm>>
    tpu.wait_dma2 semaphore(%arg8 : memref<!tpu.dma_semaphore, #tpu.memory_space<semaphore_mem>>) src(%dma_wait3A_3631 : memref<8x128xf32, #tpu.memory_space<hbm>>) dst(%dma_wait3A_3628 : memref<8x128xf32, #tpu.memory_space<vmem>>)
    %dma_wait3A_3632 = arith.constant 46 : i32
    %dma_wait3A_3633 = arith.constant 0 : i32
    %dma_wait3A_3634 = arith.constant 0 : i32
    %dma_wait3A_3635 = tpu.memref_slice %arg6[%dma_wait3A_3632, %dma_wait3A_3633, %dma_wait3A_3634] : memref<64x8x128xf32, #tpu.memory_space<vmem>> -> memref<1x8x128xf32, #tpu.memory_space<vmem>>
    %dma_wait3A_3636 = tpu.memref_squeeze %dma_wait3A_3635 : memref<1x8x128xf32, #tpu.memory_space<vmem>> -> memref<8x128xf32, #tpu.memory_space<vmem>>
    %dma_wait3A_3637 = arith.constant 0 : i32
    %dma_wait3A_3638 = tpu.memref_slice %arg2[%add3A_2138, %dma_wait3A_3637, %multiple_of3A_2143] : memref<128x8x100000xf32, #tpu.memory_space<hbm>> -> memref<1x8x128xf32, #tpu.memory_space<hbm>>
    %dma_wait3A_3639 = tpu.memref_squeeze %dma_wait3A_3638 : memref<1x8x128xf32, #tpu.memory_space<hbm>> -> memref<8x128xf32, #tpu.memory_space<hbm>>
    %dma_wait3A_3640 = arith.constant 0 : i32
    %dma_wait3A_3641 = arith.constant 0 : i32
    %dma_wait3A_3642 = tpu.memref_slice %arg6[%dma_wait3A_3632, %dma_wait3A_3640, %dma_wait3A_3641] : memref<64x8x128xf32, #tpu.memory_space<vmem>> -> memref<1x8x128xf32, #tpu.memory_space<vmem>>
    %dma_wait3A_3643 = tpu.memref_squeeze %dma_wait3A_3642 : memref<1x8x128xf32, #tpu.memory_space<vmem>> -> memref<8x128xf32, #tpu.memory_space<vmem>>
    %dma_wait3A_3644 = arith.constant 0 : i32
    %dma_wait3A_3645 = tpu.memref_slice %arg2[%add3A_2138, %dma_wait3A_3644, %multiple_of3A_2143] : memref<128x8x100000xf32, #tpu.memory_space<hbm>> -> memref<1x8x128xf32, #tpu.memory_space<hbm>>
    %dma_wait3A_3646 = tpu.memref_squeeze %dma_wait3A_3645 : memref<1x8x128xf32, #tpu.memory_space<hbm>> -> memref<8x128xf32, #tpu.memory_space<hbm>>
    tpu.wait_dma2 semaphore(%arg8 : memref<!tpu.dma_semaphore, #tpu.memory_space<semaphore_mem>>) src(%dma_wait3A_3646 : memref<8x128xf32, #tpu.memory_space<hbm>>) dst(%dma_wait3A_3643 : memref<8x128xf32, #tpu.memory_space<vmem>>)
    %dma_wait3A_3647 = arith.constant 47 : i32
    %dma_wait3A_3648 = arith.constant 0 : i32
    %dma_wait3A_3649 = arith.constant 0 : i32
    %dma_wait3A_3650 = tpu.memref_slice %arg6[%dma_wait3A_3647, %dma_wait3A_3648, %dma_wait3A_3649] : memref<64x8x128xf32, #tpu.memory_space<vmem>> -> memref<1x8x128xf32, #tpu.memory_space<vmem>>
    %dma_wait3A_3651 = tpu.memref_squeeze %dma_wait3A_3650 : memref<1x8x128xf32, #tpu.memory_space<vmem>> -> memref<8x128xf32, #tpu.memory_space<vmem>>
    %dma_wait3A_3652 = arith.constant 0 : i32
    %dma_wait3A_3653 = tpu.memref_slice %arg2[%add3A_2184, %dma_wait3A_3652, %multiple_of3A_2189] : memref<128x8x100000xf32, #tpu.memory_space<hbm>> -> memref<1x8x128xf32, #tpu.memory_space<hbm>>
    %dma_wait3A_3654 = tpu.memref_squeeze %dma_wait3A_3653 : memref<1x8x128xf32, #tpu.memory_space<hbm>> -> memref<8x128xf32, #tpu.memory_space<hbm>>
    %dma_wait3A_3655 = arith.constant 0 : i32
    %dma_wait3A_3656 = arith.constant 0 : i32
    %dma_wait3A_3657 = tpu.memref_slice %arg6[%dma_wait3A_3647, %dma_wait3A_3655, %dma_wait3A_3656] : memref<64x8x128xf32, #tpu.memory_space<vmem>> -> memref<1x8x128xf32, #tpu.memory_space<vmem>>
    %dma_wait3A_3658 = tpu.memref_squeeze %dma_wait3A_3657 : memref<1x8x128xf32, #tpu.memory_space<vmem>> -> memref<8x128xf32, #tpu.memory_space<vmem>>
    %dma_wait3A_3659 = arith.constant 0 : i32
    %dma_wait3A_3660 = tpu.memref_slice %arg2[%add3A_2184, %dma_wait3A_3659, %multiple_of3A_2189] : memref<128x8x100000xf32, #tpu.memory_space<hbm>> -> memref<1x8x128xf32, #tpu.memory_space<hbm>>
    %dma_wait3A_3661 = tpu.memref_squeeze %dma_wait3A_3660 : memref<1x8x128xf32, #tpu.memory_space<hbm>> -> memref<8x128xf32, #tpu.memory_space<hbm>>
    tpu.wait_dma2 semaphore(%arg8 : memref<!tpu.dma_semaphore, #tpu.memory_space<semaphore_mem>>) src(%dma_wait3A_3661 : memref<8x128xf32, #tpu.memory_space<hbm>>) dst(%dma_wait3A_3658 : memref<8x128xf32, #tpu.memory_space<vmem>>)
    %dma_wait3A_3662 = arith.constant 48 : i32
    %dma_wait3A_3663 = arith.constant 0 : i32
    %dma_wait3A_3664 = arith.constant 0 : i32
    %dma_wait3A_3665 = tpu.memref_slice %arg6[%dma_wait3A_3662, %dma_wait3A_3663, %dma_wait3A_3664] : memref<64x8x128xf32, #tpu.memory_space<vmem>> -> memref<1x8x128xf32, #tpu.memory_space<vmem>>
    %dma_wait3A_3666 = tpu.memref_squeeze %dma_wait3A_3665 : memref<1x8x128xf32, #tpu.memory_space<vmem>> -> memref<8x128xf32, #tpu.memory_space<vmem>>
    %dma_wait3A_3667 = arith.constant 0 : i32
    %dma_wait3A_3668 = tpu.memref_slice %arg2[%add3A_2232, %dma_wait3A_3667, %multiple_of3A_2237] : memref<128x8x100000xf32, #tpu.memory_space<hbm>> -> memref<1x8x128xf32, #tpu.memory_space<hbm>>
    %dma_wait3A_3669 = tpu.memref_squeeze %dma_wait3A_3668 : memref<1x8x128xf32, #tpu.memory_space<hbm>> -> memref<8x128xf32, #tpu.memory_space<hbm>>
    %dma_wait3A_3670 = arith.constant 0 : i32
    %dma_wait3A_3671 = arith.constant 0 : i32
    %dma_wait3A_3672 = tpu.memref_slice %arg6[%dma_wait3A_3662, %dma_wait3A_3670, %dma_wait3A_3671] : memref<64x8x128xf32, #tpu.memory_space<vmem>> -> memref<1x8x128xf32, #tpu.memory_space<vmem>>
    %dma_wait3A_3673 = tpu.memref_squeeze %dma_wait3A_3672 : memref<1x8x128xf32, #tpu.memory_space<vmem>> -> memref<8x128xf32, #tpu.memory_space<vmem>>
    %dma_wait3A_3674 = arith.constant 0 : i32
    %dma_wait3A_3675 = tpu.memref_slice %arg2[%add3A_2232, %dma_wait3A_3674, %multiple_of3A_2237] : memref<128x8x100000xf32, #tpu.memory_space<hbm>> -> memref<1x8x128xf32, #tpu.memory_space<hbm>>
    %dma_wait3A_3676 = tpu.memref_squeeze %dma_wait3A_3675 : memref<1x8x128xf32, #tpu.memory_space<hbm>> -> memref<8x128xf32, #tpu.memory_space<hbm>>
    tpu.wait_dma2 semaphore(%arg8 : memref<!tpu.dma_semaphore, #tpu.memory_space<semaphore_mem>>) src(%dma_wait3A_3676 : memref<8x128xf32, #tpu.memory_space<hbm>>) dst(%dma_wait3A_3673 : memref<8x128xf32, #tpu.memory_space<vmem>>)
    %dma_wait3A_3677 = arith.constant 49 : i32
    %dma_wait3A_3678 = arith.constant 0 : i32
    %dma_wait3A_3679 = arith.constant 0 : i32
    %dma_wait3A_3680 = tpu.memref_slice %arg6[%dma_wait3A_3677, %dma_wait3A_3678, %dma_wait3A_3679] : memref<64x8x128xf32, #tpu.memory_space<vmem>> -> memref<1x8x128xf32, #tpu.memory_space<vmem>>
    %dma_wait3A_3681 = tpu.memref_squeeze %dma_wait3A_3680 : memref<1x8x128xf32, #tpu.memory_space<vmem>> -> memref<8x128xf32, #tpu.memory_space<vmem>>
    %dma_wait3A_3682 = arith.constant 0 : i32
    %dma_wait3A_3683 = tpu.memref_slice %arg2[%add3A_2278, %dma_wait3A_3682, %multiple_of3A_2283] : memref<128x8x100000xf32, #tpu.memory_space<hbm>> -> memref<1x8x128xf32, #tpu.memory_space<hbm>>
    %dma_wait3A_3684 = tpu.memref_squeeze %dma_wait3A_3683 : memref<1x8x128xf32, #tpu.memory_space<hbm>> -> memref<8x128xf32, #tpu.memory_space<hbm>>
    %dma_wait3A_3685 = arith.constant 0 : i32
    %dma_wait3A_3686 = arith.constant 0 : i32
    %dma_wait3A_3687 = tpu.memref_slice %arg6[%dma_wait3A_3677, %dma_wait3A_3685, %dma_wait3A_3686] : memref<64x8x128xf32, #tpu.memory_space<vmem>> -> memref<1x8x128xf32, #tpu.memory_space<vmem>>
    %dma_wait3A_3688 = tpu.memref_squeeze %dma_wait3A_3687 : memref<1x8x128xf32, #tpu.memory_space<vmem>> -> memref<8x128xf32, #tpu.memory_space<vmem>>
    %dma_wait3A_3689 = arith.constant 0 : i32
    %dma_wait3A_3690 = tpu.memref_slice %arg2[%add3A_2278, %dma_wait3A_3689, %multiple_of3A_2283] : memref<128x8x100000xf32, #tpu.memory_space<hbm>> -> memref<1x8x128xf32, #tpu.memory_space<hbm>>
    %dma_wait3A_3691 = tpu.memref_squeeze %dma_wait3A_3690 : memref<1x8x128xf32, #tpu.memory_space<hbm>> -> memref<8x128xf32, #tpu.memory_space<hbm>>
    tpu.wait_dma2 semaphore(%arg8 : memref<!tpu.dma_semaphore, #tpu.memory_space<semaphore_mem>>) src(%dma_wait3A_3691 : memref<8x128xf32, #tpu.memory_space<hbm>>) dst(%dma_wait3A_3688 : memref<8x128xf32, #tpu.memory_space<vmem>>)
    %dma_wait3A_3692 = arith.constant 50 : i32
    %dma_wait3A_3693 = arith.constant 0 : i32
    %dma_wait3A_3694 = arith.constant 0 : i32
    %dma_wait3A_3695 = tpu.memref_slice %arg6[%dma_wait3A_3692, %dma_wait3A_3693, %dma_wait3A_3694] : memref<64x8x128xf32, #tpu.memory_space<vmem>> -> memref<1x8x128xf32, #tpu.memory_space<vmem>>
    %dma_wait3A_3696 = tpu.memref_squeeze %dma_wait3A_3695 : memref<1x8x128xf32, #tpu.memory_space<vmem>> -> memref<8x128xf32, #tpu.memory_space<vmem>>
    %dma_wait3A_3697 = arith.constant 0 : i32
    %dma_wait3A_3698 = tpu.memref_slice %arg2[%add3A_2324, %dma_wait3A_3697, %multiple_of3A_2329] : memref<128x8x100000xf32, #tpu.memory_space<hbm>> -> memref<1x8x128xf32, #tpu.memory_space<hbm>>
    %dma_wait3A_3699 = tpu.memref_squeeze %dma_wait3A_3698 : memref<1x8x128xf32, #tpu.memory_space<hbm>> -> memref<8x128xf32, #tpu.memory_space<hbm>>
    %dma_wait3A_3700 = arith.constant 0 : i32
    %dma_wait3A_3701 = arith.constant 0 : i32
    %dma_wait3A_3702 = tpu.memref_slice %arg6[%dma_wait3A_3692, %dma_wait3A_3700, %dma_wait3A_3701] : memref<64x8x128xf32, #tpu.memory_space<vmem>> -> memref<1x8x128xf32, #tpu.memory_space<vmem>>
    %dma_wait3A_3703 = tpu.memref_squeeze %dma_wait3A_3702 : memref<1x8x128xf32, #tpu.memory_space<vmem>> -> memref<8x128xf32, #tpu.memory_space<vmem>>
    %dma_wait3A_3704 = arith.constant 0 : i32
    %dma_wait3A_3705 = tpu.memref_slice %arg2[%add3A_2324, %dma_wait3A_3704, %multiple_of3A_2329] : memref<128x8x100000xf32, #tpu.memory_space<hbm>> -> memref<1x8x128xf32, #tpu.memory_space<hbm>>
    %dma_wait3A_3706 = tpu.memref_squeeze %dma_wait3A_3705 : memref<1x8x128xf32, #tpu.memory_space<hbm>> -> memref<8x128xf32, #tpu.memory_space<hbm>>
    tpu.wait_dma2 semaphore(%arg8 : memref<!tpu.dma_semaphore, #tpu.memory_space<semaphore_mem>>) src(%dma_wait3A_3706 : memref<8x128xf32, #tpu.memory_space<hbm>>) dst(%dma_wait3A_3703 : memref<8x128xf32, #tpu.memory_space<vmem>>)
    %dma_wait3A_3707 = arith.constant 51 : i32
    %dma_wait3A_3708 = arith.constant 0 : i32
    %dma_wait3A_3709 = arith.constant 0 : i32
    %dma_wait3A_3710 = tpu.memref_slice %arg6[%dma_wait3A_3707, %dma_wait3A_3708, %dma_wait3A_3709] : memref<64x8x128xf32, #tpu.memory_space<vmem>> -> memref<1x8x128xf32, #tpu.memory_space<vmem>>
    %dma_wait3A_3711 = tpu.memref_squeeze %dma_wait3A_3710 : memref<1x8x128xf32, #tpu.memory_space<vmem>> -> memref<8x128xf32, #tpu.memory_space<vmem>>
    %dma_wait3A_3712 = arith.constant 0 : i32
    %dma_wait3A_3713 = tpu.memref_slice %arg2[%add3A_2370, %dma_wait3A_3712, %multiple_of3A_2375] : memref<128x8x100000xf32, #tpu.memory_space<hbm>> -> memref<1x8x128xf32, #tpu.memory_space<hbm>>
    %dma_wait3A_3714 = tpu.memref_squeeze %dma_wait3A_3713 : memref<1x8x128xf32, #tpu.memory_space<hbm>> -> memref<8x128xf32, #tpu.memory_space<hbm>>
    %dma_wait3A_3715 = arith.constant 0 : i32
    %dma_wait3A_3716 = arith.constant 0 : i32
    %dma_wait3A_3717 = tpu.memref_slice %arg6[%dma_wait3A_3707, %dma_wait3A_3715, %dma_wait3A_3716] : memref<64x8x128xf32, #tpu.memory_space<vmem>> -> memref<1x8x128xf32, #tpu.memory_space<vmem>>
    %dma_wait3A_3718 = tpu.memref_squeeze %dma_wait3A_3717 : memref<1x8x128xf32, #tpu.memory_space<vmem>> -> memref<8x128xf32, #tpu.memory_space<vmem>>
    %dma_wait3A_3719 = arith.constant 0 : i32
    %dma_wait3A_3720 = tpu.memref_slice %arg2[%add3A_2370, %dma_wait3A_3719, %multiple_of3A_2375] : memref<128x8x100000xf32, #tpu.memory_space<hbm>> -> memref<1x8x128xf32, #tpu.memory_space<hbm>>
    %dma_wait3A_3721 = tpu.memref_squeeze %dma_wait3A_3720 : memref<1x8x128xf32, #tpu.memory_space<hbm>> -> memref<8x128xf32, #tpu.memory_space<hbm>>
    tpu.wait_dma2 semaphore(%arg8 : memref<!tpu.dma_semaphore, #tpu.memory_space<semaphore_mem>>) src(%dma_wait3A_3721 : memref<8x128xf32, #tpu.memory_space<hbm>>) dst(%dma_wait3A_3718 : memref<8x128xf32, #tpu.memory_space<vmem>>)
    %dma_wait3A_3722 = arith.constant 52 : i32
    %dma_wait3A_3723 = arith.constant 0 : i32
    %dma_wait3A_3724 = arith.constant 0 : i32
    %dma_wait3A_3725 = tpu.memref_slice %arg6[%dma_wait3A_3722, %dma_wait3A_3723, %dma_wait3A_3724] : memref<64x8x128xf32, #tpu.memory_space<vmem>> -> memref<1x8x128xf32, #tpu.memory_space<vmem>>
    %dma_wait3A_3726 = tpu.memref_squeeze %dma_wait3A_3725 : memref<1x8x128xf32, #tpu.memory_space<vmem>> -> memref<8x128xf32, #tpu.memory_space<vmem>>
    %dma_wait3A_3727 = arith.constant 0 : i32
    %dma_wait3A_3728 = tpu.memref_slice %arg2[%add3A_2416, %dma_wait3A_3727, %multiple_of3A_2421] : memref<128x8x100000xf32, #tpu.memory_space<hbm>> -> memref<1x8x128xf32, #tpu.memory_space<hbm>>
    %dma_wait3A_3729 = tpu.memref_squeeze %dma_wait3A_3728 : memref<1x8x128xf32, #tpu.memory_space<hbm>> -> memref<8x128xf32, #tpu.memory_space<hbm>>
    %dma_wait3A_3730 = arith.constant 0 : i32
    %dma_wait3A_3731 = arith.constant 0 : i32
    %dma_wait3A_3732 = tpu.memref_slice %arg6[%dma_wait3A_3722, %dma_wait3A_3730, %dma_wait3A_3731] : memref<64x8x128xf32, #tpu.memory_space<vmem>> -> memref<1x8x128xf32, #tpu.memory_space<vmem>>
    %dma_wait3A_3733 = tpu.memref_squeeze %dma_wait3A_3732 : memref<1x8x128xf32, #tpu.memory_space<vmem>> -> memref<8x128xf32, #tpu.memory_space<vmem>>
    %dma_wait3A_3734 = arith.constant 0 : i32
    %dma_wait3A_3735 = tpu.memref_slice %arg2[%add3A_2416, %dma_wait3A_3734, %multiple_of3A_2421] : memref<128x8x100000xf32, #tpu.memory_space<hbm>> -> memref<1x8x128xf32, #tpu.memory_space<hbm>>
    %dma_wait3A_3736 = tpu.memref_squeeze %dma_wait3A_3735 : memref<1x8x128xf32, #tpu.memory_space<hbm>> -> memref<8x128xf32, #tpu.memory_space<hbm>>
    tpu.wait_dma2 semaphore(%arg8 : memref<!tpu.dma_semaphore, #tpu.memory_space<semaphore_mem>>) src(%dma_wait3A_3736 : memref<8x128xf32, #tpu.memory_space<hbm>>) dst(%dma_wait3A_3733 : memref<8x128xf32, #tpu.memory_space<vmem>>)
    %dma_wait3A_3737 = arith.constant 53 : i32
    %dma_wait3A_3738 = arith.constant 0 : i32
    %dma_wait3A_3739 = arith.constant 0 : i32
    %dma_wait3A_3740 = tpu.memref_slice %arg6[%dma_wait3A_3737, %dma_wait3A_3738, %dma_wait3A_3739] : memref<64x8x128xf32, #tpu.memory_space<vmem>> -> memref<1x8x128xf32, #tpu.memory_space<vmem>>
    %dma_wait3A_3741 = tpu.memref_squeeze %dma_wait3A_3740 : memref<1x8x128xf32, #tpu.memory_space<vmem>> -> memref<8x128xf32, #tpu.memory_space<vmem>>
    %dma_wait3A_3742 = arith.constant 0 : i32
    %dma_wait3A_3743 = tpu.memref_slice %arg2[%add3A_2462, %dma_wait3A_3742, %multiple_of3A_2467] : memref<128x8x100000xf32, #tpu.memory_space<hbm>> -> memref<1x8x128xf32, #tpu.memory_space<hbm>>
    %dma_wait3A_3744 = tpu.memref_squeeze %dma_wait3A_3743 : memref<1x8x128xf32, #tpu.memory_space<hbm>> -> memref<8x128xf32, #tpu.memory_space<hbm>>
    %dma_wait3A_3745 = arith.constant 0 : i32
    %dma_wait3A_3746 = arith.constant 0 : i32
    %dma_wait3A_3747 = tpu.memref_slice %arg6[%dma_wait3A_3737, %dma_wait3A_3745, %dma_wait3A_3746] : memref<64x8x128xf32, #tpu.memory_space<vmem>> -> memref<1x8x128xf32, #tpu.memory_space<vmem>>
    %dma_wait3A_3748 = tpu.memref_squeeze %dma_wait3A_3747 : memref<1x8x128xf32, #tpu.memory_space<vmem>> -> memref<8x128xf32, #tpu.memory_space<vmem>>
    %dma_wait3A_3749 = arith.constant 0 : i32
    %dma_wait3A_3750 = tpu.memref_slice %arg2[%add3A_2462, %dma_wait3A_3749, %multiple_of3A_2467] : memref<128x8x100000xf32, #tpu.memory_space<hbm>> -> memref<1x8x128xf32, #tpu.memory_space<hbm>>
    %dma_wait3A_3751 = tpu.memref_squeeze %dma_wait3A_3750 : memref<1x8x128xf32, #tpu.memory_space<hbm>> -> memref<8x128xf32, #tpu.memory_space<hbm>>
    tpu.wait_dma2 semaphore(%arg8 : memref<!tpu.dma_semaphore, #tpu.memory_space<semaphore_mem>>) src(%dma_wait3A_3751 : memref<8x128xf32, #tpu.memory_space<hbm>>) dst(%dma_wait3A_3748 : memref<8x128xf32, #tpu.memory_space<vmem>>)
    %dma_wait3A_3752 = arith.constant 54 : i32
    %dma_wait3A_3753 = arith.constant 0 : i32
    %dma_wait3A_3754 = arith.constant 0 : i32
    %dma_wait3A_3755 = tpu.memref_slice %arg6[%dma_wait3A_3752, %dma_wait3A_3753, %dma_wait3A_3754] : memref<64x8x128xf32, #tpu.memory_space<vmem>> -> memref<1x8x128xf32, #tpu.memory_space<vmem>>
    %dma_wait3A_3756 = tpu.memref_squeeze %dma_wait3A_3755 : memref<1x8x128xf32, #tpu.memory_space<vmem>> -> memref<8x128xf32, #tpu.memory_space<vmem>>
    %dma_wait3A_3757 = arith.constant 0 : i32
    %dma_wait3A_3758 = tpu.memref_slice %arg2[%add3A_2508, %dma_wait3A_3757, %multiple_of3A_2513] : memref<128x8x100000xf32, #tpu.memory_space<hbm>> -> memref<1x8x128xf32, #tpu.memory_space<hbm>>
    %dma_wait3A_3759 = tpu.memref_squeeze %dma_wait3A_3758 : memref<1x8x128xf32, #tpu.memory_space<hbm>> -> memref<8x128xf32, #tpu.memory_space<hbm>>
    %dma_wait3A_3760 = arith.constant 0 : i32
    %dma_wait3A_3761 = arith.constant 0 : i32
    %dma_wait3A_3762 = tpu.memref_slice %arg6[%dma_wait3A_3752, %dma_wait3A_3760, %dma_wait3A_3761] : memref<64x8x128xf32, #tpu.memory_space<vmem>> -> memref<1x8x128xf32, #tpu.memory_space<vmem>>
    %dma_wait3A_3763 = tpu.memref_squeeze %dma_wait3A_3762 : memref<1x8x128xf32, #tpu.memory_space<vmem>> -> memref<8x128xf32, #tpu.memory_space<vmem>>
    %dma_wait3A_3764 = arith.constant 0 : i32
    %dma_wait3A_3765 = tpu.memref_slice %arg2[%add3A_2508, %dma_wait3A_3764, %multiple_of3A_2513] : memref<128x8x100000xf32, #tpu.memory_space<hbm>> -> memref<1x8x128xf32, #tpu.memory_space<hbm>>
    %dma_wait3A_3766 = tpu.memref_squeeze %dma_wait3A_3765 : memref<1x8x128xf32, #tpu.memory_space<hbm>> -> memref<8x128xf32, #tpu.memory_space<hbm>>
    tpu.wait_dma2 semaphore(%arg8 : memref<!tpu.dma_semaphore, #tpu.memory_space<semaphore_mem>>) src(%dma_wait3A_3766 : memref<8x128xf32, #tpu.memory_space<hbm>>) dst(%dma_wait3A_3763 : memref<8x128xf32, #tpu.memory_space<vmem>>)
    %dma_wait3A_3767 = arith.constant 55 : i32
    %dma_wait3A_3768 = arith.constant 0 : i32
    %dma_wait3A_3769 = arith.constant 0 : i32
    %dma_wait3A_3770 = tpu.memref_slice %arg6[%dma_wait3A_3767, %dma_wait3A_3768, %dma_wait3A_3769] : memref<64x8x128xf32, #tpu.memory_space<vmem>> -> memref<1x8x128xf32, #tpu.memory_space<vmem>>
    %dma_wait3A_3771 = tpu.memref_squeeze %dma_wait3A_3770 : memref<1x8x128xf32, #tpu.memory_space<vmem>> -> memref<8x128xf32, #tpu.memory_space<vmem>>
    %dma_wait3A_3772 = arith.constant 0 : i32
    %dma_wait3A_3773 = tpu.memref_slice %arg2[%add3A_2554, %dma_wait3A_3772, %multiple_of3A_2559] : memref<128x8x100000xf32, #tpu.memory_space<hbm>> -> memref<1x8x128xf32, #tpu.memory_space<hbm>>
    %dma_wait3A_3774 = tpu.memref_squeeze %dma_wait3A_3773 : memref<1x8x128xf32, #tpu.memory_space<hbm>> -> memref<8x128xf32, #tpu.memory_space<hbm>>
    %dma_wait3A_3775 = arith.constant 0 : i32
    %dma_wait3A_3776 = arith.constant 0 : i32
    %dma_wait3A_3777 = tpu.memref_slice %arg6[%dma_wait3A_3767, %dma_wait3A_3775, %dma_wait3A_3776] : memref<64x8x128xf32, #tpu.memory_space<vmem>> -> memref<1x8x128xf32, #tpu.memory_space<vmem>>
    %dma_wait3A_3778 = tpu.memref_squeeze %dma_wait3A_3777 : memref<1x8x128xf32, #tpu.memory_space<vmem>> -> memref<8x128xf32, #tpu.memory_space<vmem>>
    %dma_wait3A_3779 = arith.constant 0 : i32
    %dma_wait3A_3780 = tpu.memref_slice %arg2[%add3A_2554, %dma_wait3A_3779, %multiple_of3A_2559] : memref<128x8x100000xf32, #tpu.memory_space<hbm>> -> memref<1x8x128xf32, #tpu.memory_space<hbm>>
    %dma_wait3A_3781 = tpu.memref_squeeze %dma_wait3A_3780 : memref<1x8x128xf32, #tpu.memory_space<hbm>> -> memref<8x128xf32, #tpu.memory_space<hbm>>
    tpu.wait_dma2 semaphore(%arg8 : memref<!tpu.dma_semaphore, #tpu.memory_space<semaphore_mem>>) src(%dma_wait3A_3781 : memref<8x128xf32, #tpu.memory_space<hbm>>) dst(%dma_wait3A_3778 : memref<8x128xf32, #tpu.memory_space<vmem>>)
    %dma_wait3A_3782 = arith.constant 56 : i32
    %dma_wait3A_3783 = arith.constant 0 : i32
    %dma_wait3A_3784 = arith.constant 0 : i32
    %dma_wait3A_3785 = tpu.memref_slice %arg6[%dma_wait3A_3782, %dma_wait3A_3783, %dma_wait3A_3784] : memref<64x8x128xf32, #tpu.memory_space<vmem>> -> memref<1x8x128xf32, #tpu.memory_space<vmem>>
    %dma_wait3A_3786 = tpu.memref_squeeze %dma_wait3A_3785 : memref<1x8x128xf32, #tpu.memory_space<vmem>> -> memref<8x128xf32, #tpu.memory_space<vmem>>
    %dma_wait3A_3787 = arith.constant 0 : i32
    %dma_wait3A_3788 = tpu.memref_slice %arg2[%add3A_2600, %dma_wait3A_3787, %multiple_of3A_2605] : memref<128x8x100000xf32, #tpu.memory_space<hbm>> -> memref<1x8x128xf32, #tpu.memory_space<hbm>>
    %dma_wait3A_3789 = tpu.memref_squeeze %dma_wait3A_3788 : memref<1x8x128xf32, #tpu.memory_space<hbm>> -> memref<8x128xf32, #tpu.memory_space<hbm>>
    %dma_wait3A_3790 = arith.constant 0 : i32
    %dma_wait3A_3791 = arith.constant 0 : i32
    %dma_wait3A_3792 = tpu.memref_slice %arg6[%dma_wait3A_3782, %dma_wait3A_3790, %dma_wait3A_3791] : memref<64x8x128xf32, #tpu.memory_space<vmem>> -> memref<1x8x128xf32, #tpu.memory_space<vmem>>
    %dma_wait3A_3793 = tpu.memref_squeeze %dma_wait3A_3792 : memref<1x8x128xf32, #tpu.memory_space<vmem>> -> memref<8x128xf32, #tpu.memory_space<vmem>>
    %dma_wait3A_3794 = arith.constant 0 : i32
    %dma_wait3A_3795 = tpu.memref_slice %arg2[%add3A_2600, %dma_wait3A_3794, %multiple_of3A_2605] : memref<128x8x100000xf32, #tpu.memory_space<hbm>> -> memref<1x8x128xf32, #tpu.memory_space<hbm>>
    %dma_wait3A_3796 = tpu.memref_squeeze %dma_wait3A_3795 : memref<1x8x128xf32, #tpu.memory_space<hbm>> -> memref<8x128xf32, #tpu.memory_space<hbm>>
    tpu.wait_dma2 semaphore(%arg8 : memref<!tpu.dma_semaphore, #tpu.memory_space<semaphore_mem>>) src(%dma_wait3A_3796 : memref<8x128xf32, #tpu.memory_space<hbm>>) dst(%dma_wait3A_3793 : memref<8x128xf32, #tpu.memory_space<vmem>>)
    %dma_wait3A_3797 = arith.constant 57 : i32
    %dma_wait3A_3798 = arith.constant 0 : i32
    %dma_wait3A_3799 = arith.constant 0 : i32
    %dma_wait3A_3800 = tpu.memref_slice %arg6[%dma_wait3A_3797, %dma_wait3A_3798, %dma_wait3A_3799] : memref<64x8x128xf32, #tpu.memory_space<vmem>> -> memref<1x8x128xf32, #tpu.memory_space<vmem>>
    %dma_wait3A_3801 = tpu.memref_squeeze %dma_wait3A_3800 : memref<1x8x128xf32, #tpu.memory_space<vmem>> -> memref<8x128xf32, #tpu.memory_space<vmem>>
    %dma_wait3A_3802 = arith.constant 0 : i32
    %dma_wait3A_3803 = tpu.memref_slice %arg2[%add3A_2646, %dma_wait3A_3802, %multiple_of3A_2651] : memref<128x8x100000xf32, #tpu.memory_space<hbm>> -> memref<1x8x128xf32, #tpu.memory_space<hbm>>
    %dma_wait3A_3804 = tpu.memref_squeeze %dma_wait3A_3803 : memref<1x8x128xf32, #tpu.memory_space<hbm>> -> memref<8x128xf32, #tpu.memory_space<hbm>>
    %dma_wait3A_3805 = arith.constant 0 : i32
    %dma_wait3A_3806 = arith.constant 0 : i32
    %dma_wait3A_3807 = tpu.memref_slice %arg6[%dma_wait3A_3797, %dma_wait3A_3805, %dma_wait3A_3806] : memref<64x8x128xf32, #tpu.memory_space<vmem>> -> memref<1x8x128xf32, #tpu.memory_space<vmem>>
    %dma_wait3A_3808 = tpu.memref_squeeze %dma_wait3A_3807 : memref<1x8x128xf32, #tpu.memory_space<vmem>> -> memref<8x128xf32, #tpu.memory_space<vmem>>
    %dma_wait3A_3809 = arith.constant 0 : i32
    %dma_wait3A_3810 = tpu.memref_slice %arg2[%add3A_2646, %dma_wait3A_3809, %multiple_of3A_2651] : memref<128x8x100000xf32, #tpu.memory_space<hbm>> -> memref<1x8x128xf32, #tpu.memory_space<hbm>>
    %dma_wait3A_3811 = tpu.memref_squeeze %dma_wait3A_3810 : memref<1x8x128xf32, #tpu.memory_space<hbm>> -> memref<8x128xf32, #tpu.memory_space<hbm>>
    tpu.wait_dma2 semaphore(%arg8 : memref<!tpu.dma_semaphore, #tpu.memory_space<semaphore_mem>>) src(%dma_wait3A_3811 : memref<8x128xf32, #tpu.memory_space<hbm>>) dst(%dma_wait3A_3808 : memref<8x128xf32, #tpu.memory_space<vmem>>)
    %dma_wait3A_3812 = arith.constant 58 : i32
    %dma_wait3A_3813 = arith.constant 0 : i32
    %dma_wait3A_3814 = arith.constant 0 : i32
    %dma_wait3A_3815 = tpu.memref_slice %arg6[%dma_wait3A_3812, %dma_wait3A_3813, %dma_wait3A_3814] : memref<64x8x128xf32, #tpu.memory_space<vmem>> -> memref<1x8x128xf32, #tpu.memory_space<vmem>>
    %dma_wait3A_3816 = tpu.memref_squeeze %dma_wait3A_3815 : memref<1x8x128xf32, #tpu.memory_space<vmem>> -> memref<8x128xf32, #tpu.memory_space<vmem>>
    %dma_wait3A_3817 = arith.constant 0 : i32
    %dma_wait3A_3818 = tpu.memref_slice %arg2[%add3A_2692, %dma_wait3A_3817, %multiple_of3A_2697] : memref<128x8x100000xf32, #tpu.memory_space<hbm>> -> memref<1x8x128xf32, #tpu.memory_space<hbm>>
    %dma_wait3A_3819 = tpu.memref_squeeze %dma_wait3A_3818 : memref<1x8x128xf32, #tpu.memory_space<hbm>> -> memref<8x128xf32, #tpu.memory_space<hbm>>
    %dma_wait3A_3820 = arith.constant 0 : i32
    %dma_wait3A_3821 = arith.constant 0 : i32
    %dma_wait3A_3822 = tpu.memref_slice %arg6[%dma_wait3A_3812, %dma_wait3A_3820, %dma_wait3A_3821] : memref<64x8x128xf32, #tpu.memory_space<vmem>> -> memref<1x8x128xf32, #tpu.memory_space<vmem>>
    %dma_wait3A_3823 = tpu.memref_squeeze %dma_wait3A_3822 : memref<1x8x128xf32, #tpu.memory_space<vmem>> -> memref<8x128xf32, #tpu.memory_space<vmem>>
    %dma_wait3A_3824 = arith.constant 0 : i32
    %dma_wait3A_3825 = tpu.memref_slice %arg2[%add3A_2692, %dma_wait3A_3824, %multiple_of3A_2697] : memref<128x8x100000xf32, #tpu.memory_space<hbm>> -> memref<1x8x128xf32, #tpu.memory_space<hbm>>
    %dma_wait3A_3826 = tpu.memref_squeeze %dma_wait3A_3825 : memref<1x8x128xf32, #tpu.memory_space<hbm>> -> memref<8x128xf32, #tpu.memory_space<hbm>>
    tpu.wait_dma2 semaphore(%arg8 : memref<!tpu.dma_semaphore, #tpu.memory_space<semaphore_mem>>) src(%dma_wait3A_3826 : memref<8x128xf32, #tpu.memory_space<hbm>>) dst(%dma_wait3A_3823 : memref<8x128xf32, #tpu.memory_space<vmem>>)
    %dma_wait3A_3827 = arith.constant 59 : i32
    %dma_wait3A_3828 = arith.constant 0 : i32
    %dma_wait3A_3829 = arith.constant 0 : i32
    %dma_wait3A_3830 = tpu.memref_slice %arg6[%dma_wait3A_3827, %dma_wait3A_3828, %dma_wait3A_3829] : memref<64x8x128xf32, #tpu.memory_space<vmem>> -> memref<1x8x128xf32, #tpu.memory_space<vmem>>
    %dma_wait3A_3831 = tpu.memref_squeeze %dma_wait3A_3830 : memref<1x8x128xf32, #tpu.memory_space<vmem>> -> memref<8x128xf32, #tpu.memory_space<vmem>>
    %dma_wait3A_3832 = arith.constant 0 : i32
    %dma_wait3A_3833 = tpu.memref_slice %arg2[%add3A_2738, %dma_wait3A_3832, %multiple_of3A_2743] : memref<128x8x100000xf32, #tpu.memory_space<hbm>> -> memref<1x8x128xf32, #tpu.memory_space<hbm>>
    %dma_wait3A_3834 = tpu.memref_squeeze %dma_wait3A_3833 : memref<1x8x128xf32, #tpu.memory_space<hbm>> -> memref<8x128xf32, #tpu.memory_space<hbm>>
    %dma_wait3A_3835 = arith.constant 0 : i32
    %dma_wait3A_3836 = arith.constant 0 : i32
    %dma_wait3A_3837 = tpu.memref_slice %arg6[%dma_wait3A_3827, %dma_wait3A_3835, %dma_wait3A_3836] : memref<64x8x128xf32, #tpu.memory_space<vmem>> -> memref<1x8x128xf32, #tpu.memory_space<vmem>>
    %dma_wait3A_3838 = tpu.memref_squeeze %dma_wait3A_3837 : memref<1x8x128xf32, #tpu.memory_space<vmem>> -> memref<8x128xf32, #tpu.memory_space<vmem>>
    %dma_wait3A_3839 = arith.constant 0 : i32
    %dma_wait3A_3840 = tpu.memref_slice %arg2[%add3A_2738, %dma_wait3A_3839, %multiple_of3A_2743] : memref<128x8x100000xf32, #tpu.memory_space<hbm>> -> memref<1x8x128xf32, #tpu.memory_space<hbm>>
    %dma_wait3A_3841 = tpu.memref_squeeze %dma_wait3A_3840 : memref<1x8x128xf32, #tpu.memory_space<hbm>> -> memref<8x128xf32, #tpu.memory_space<hbm>>
    tpu.wait_dma2 semaphore(%arg8 : memref<!tpu.dma_semaphore, #tpu.memory_space<semaphore_mem>>) src(%dma_wait3A_3841 : memref<8x128xf32, #tpu.memory_space<hbm>>) dst(%dma_wait3A_3838 : memref<8x128xf32, #tpu.memory_space<vmem>>)
    %dma_wait3A_3842 = arith.constant 60 : i32
    %dma_wait3A_3843 = arith.constant 0 : i32
    %dma_wait3A_3844 = arith.constant 0 : i32
    %dma_wait3A_3845 = tpu.memref_slice %arg6[%dma_wait3A_3842, %dma_wait3A_3843, %dma_wait3A_3844] : memref<64x8x128xf32, #tpu.memory_space<vmem>> -> memref<1x8x128xf32, #tpu.memory_space<vmem>>
    %dma_wait3A_3846 = tpu.memref_squeeze %dma_wait3A_3845 : memref<1x8x128xf32, #tpu.memory_space<vmem>> -> memref<8x128xf32, #tpu.memory_space<vmem>>
    %dma_wait3A_3847 = arith.constant 0 : i32
    %dma_wait3A_3848 = tpu.memref_slice %arg2[%add3A_2784, %dma_wait3A_3847, %multiple_of3A_2789] : memref<128x8x100000xf32, #tpu.memory_space<hbm>> -> memref<1x8x128xf32, #tpu.memory_space<hbm>>
    %dma_wait3A_3849 = tpu.memref_squeeze %dma_wait3A_3848 : memref<1x8x128xf32, #tpu.memory_space<hbm>> -> memref<8x128xf32, #tpu.memory_space<hbm>>
    %dma_wait3A_3850 = arith.constant 0 : i32
    %dma_wait3A_3851 = arith.constant 0 : i32
    %dma_wait3A_3852 = tpu.memref_slice %arg6[%dma_wait3A_3842, %dma_wait3A_3850, %dma_wait3A_3851] : memref<64x8x128xf32, #tpu.memory_space<vmem>> -> memref<1x8x128xf32, #tpu.memory_space<vmem>>
    %dma_wait3A_3853 = tpu.memref_squeeze %dma_wait3A_3852 : memref<1x8x128xf32, #tpu.memory_space<vmem>> -> memref<8x128xf32, #tpu.memory_space<vmem>>
    %dma_wait3A_3854 = arith.constant 0 : i32
    %dma_wait3A_3855 = tpu.memref_slice %arg2[%add3A_2784, %dma_wait3A_3854, %multiple_of3A_2789] : memref<128x8x100000xf32, #tpu.memory_space<hbm>> -> memref<1x8x128xf32, #tpu.memory_space<hbm>>
    %dma_wait3A_3856 = tpu.memref_squeeze %dma_wait3A_3855 : memref<1x8x128xf32, #tpu.memory_space<hbm>> -> memref<8x128xf32, #tpu.memory_space<hbm>>
    tpu.wait_dma2 semaphore(%arg8 : memref<!tpu.dma_semaphore, #tpu.memory_space<semaphore_mem>>) src(%dma_wait3A_3856 : memref<8x128xf32, #tpu.memory_space<hbm>>) dst(%dma_wait3A_3853 : memref<8x128xf32, #tpu.memory_space<vmem>>)
    %dma_wait3A_3857 = arith.constant 61 : i32
    %dma_wait3A_3858 = arith.constant 0 : i32
    %dma_wait3A_3859 = arith.constant 0 : i32
    %dma_wait3A_3860 = tpu.memref_slice %arg6[%dma_wait3A_3857, %dma_wait3A_3858, %dma_wait3A_3859] : memref<64x8x128xf32, #tpu.memory_space<vmem>> -> memref<1x8x128xf32, #tpu.memory_space<vmem>>
    %dma_wait3A_3861 = tpu.memref_squeeze %dma_wait3A_3860 : memref<1x8x128xf32, #tpu.memory_space<vmem>> -> memref<8x128xf32, #tpu.memory_space<vmem>>
    %dma_wait3A_3862 = arith.constant 0 : i32
    %dma_wait3A_3863 = tpu.memref_slice %arg2[%add3A_2830, %dma_wait3A_3862, %multiple_of3A_2835] : memref<128x8x100000xf32, #tpu.memory_space<hbm>> -> memref<1x8x128xf32, #tpu.memory_space<hbm>>
    %dma_wait3A_3864 = tpu.memref_squeeze %dma_wait3A_3863 : memref<1x8x128xf32, #tpu.memory_space<hbm>> -> memref<8x128xf32, #tpu.memory_space<hbm>>
    %dma_wait3A_3865 = arith.constant 0 : i32
    %dma_wait3A_3866 = arith.constant 0 : i32
    %dma_wait3A_3867 = tpu.memref_slice %arg6[%dma_wait3A_3857, %dma_wait3A_3865, %dma_wait3A_3866] : memref<64x8x128xf32, #tpu.memory_space<vmem>> -> memref<1x8x128xf32, #tpu.memory_space<vmem>>
    %dma_wait3A_3868 = tpu.memref_squeeze %dma_wait3A_3867 : memref<1x8x128xf32, #tpu.memory_space<vmem>> -> memref<8x128xf32, #tpu.memory_space<vmem>>
    %dma_wait3A_3869 = arith.constant 0 : i32
    %dma_wait3A_3870 = tpu.memref_slice %arg2[%add3A_2830, %dma_wait3A_3869, %multiple_of3A_2835] : memref<128x8x100000xf32, #tpu.memory_space<hbm>> -> memref<1x8x128xf32, #tpu.memory_space<hbm>>
    %dma_wait3A_3871 = tpu.memref_squeeze %dma_wait3A_3870 : memref<1x8x128xf32, #tpu.memory_space<hbm>> -> memref<8x128xf32, #tpu.memory_space<hbm>>
    tpu.wait_dma2 semaphore(%arg8 : memref<!tpu.dma_semaphore, #tpu.memory_space<semaphore_mem>>) src(%dma_wait3A_3871 : memref<8x128xf32, #tpu.memory_space<hbm>>) dst(%dma_wait3A_3868 : memref<8x128xf32, #tpu.memory_space<vmem>>)
    %dma_wait3A_3872 = arith.constant 62 : i32
    %dma_wait3A_3873 = arith.constant 0 : i32
    %dma_wait3A_3874 = arith.constant 0 : i32
    %dma_wait3A_3875 = tpu.memref_slice %arg6[%dma_wait3A_3872, %dma_wait3A_3873, %dma_wait3A_3874] : memref<64x8x128xf32, #tpu.memory_space<vmem>> -> memref<1x8x128xf32, #tpu.memory_space<vmem>>
    %dma_wait3A_3876 = tpu.memref_squeeze %dma_wait3A_3875 : memref<1x8x128xf32, #tpu.memory_space<vmem>> -> memref<8x128xf32, #tpu.memory_space<vmem>>
    %dma_wait3A_3877 = arith.constant 0 : i32
    %dma_wait3A_3878 = tpu.memref_slice %arg2[%add3A_2876, %dma_wait3A_3877, %multiple_of3A_2881] : memref<128x8x100000xf32, #tpu.memory_space<hbm>> -> memref<1x8x128xf32, #tpu.memory_space<hbm>>
    %dma_wait3A_3879 = tpu.memref_squeeze %dma_wait3A_3878 : memref<1x8x128xf32, #tpu.memory_space<hbm>> -> memref<8x128xf32, #tpu.memory_space<hbm>>
    %dma_wait3A_3880 = arith.constant 0 : i32
    %dma_wait3A_3881 = arith.constant 0 : i32
    %dma_wait3A_3882 = tpu.memref_slice %arg6[%dma_wait3A_3872, %dma_wait3A_3880, %dma_wait3A_3881] : memref<64x8x128xf32, #tpu.memory_space<vmem>> -> memref<1x8x128xf32, #tpu.memory_space<vmem>>
    %dma_wait3A_3883 = tpu.memref_squeeze %dma_wait3A_3882 : memref<1x8x128xf32, #tpu.memory_space<vmem>> -> memref<8x128xf32, #tpu.memory_space<vmem>>
    %dma_wait3A_3884 = arith.constant 0 : i32
    %dma_wait3A_3885 = tpu.memref_slice %arg2[%add3A_2876, %dma_wait3A_3884, %multiple_of3A_2881] : memref<128x8x100000xf32, #tpu.memory_space<hbm>> -> memref<1x8x128xf32, #tpu.memory_space<hbm>>
    %dma_wait3A_3886 = tpu.memref_squeeze %dma_wait3A_3885 : memref<1x8x128xf32, #tpu.memory_space<hbm>> -> memref<8x128xf32, #tpu.memory_space<hbm>>
    tpu.wait_dma2 semaphore(%arg8 : memref<!tpu.dma_semaphore, #tpu.memory_space<semaphore_mem>>) src(%dma_wait3A_3886 : memref<8x128xf32, #tpu.memory_space<hbm>>) dst(%dma_wait3A_3883 : memref<8x128xf32, #tpu.memory_space<vmem>>)
    %dma_wait3A_3887 = arith.constant 63 : i32
    %dma_wait3A_3888 = arith.constant 0 : i32
    %dma_wait3A_3889 = arith.constant 0 : i32
    %dma_wait3A_3890 = tpu.memref_slice %arg6[%dma_wait3A_3887, %dma_wait3A_3888, %dma_wait3A_3889] : memref<64x8x128xf32, #tpu.memory_space<vmem>> -> memref<1x8x128xf32, #tpu.memory_space<vmem>>
    %dma_wait3A_3891 = tpu.memref_squeeze %dma_wait3A_3890 : memref<1x8x128xf32, #tpu.memory_space<vmem>> -> memref<8x128xf32, #tpu.memory_space<vmem>>
    %dma_wait3A_3892 = arith.constant 0 : i32
    %dma_wait3A_3893 = tpu.memref_slice %arg2[%add3A_2922, %dma_wait3A_3892, %multiple_of3A_2927] : memref<128x8x100000xf32, #tpu.memory_space<hbm>> -> memref<1x8x128xf32, #tpu.memory_space<hbm>>
    %dma_wait3A_3894 = tpu.memref_squeeze %dma_wait3A_3893 : memref<1x8x128xf32, #tpu.memory_space<hbm>> -> memref<8x128xf32, #tpu.memory_space<hbm>>
    %dma_wait3A_3895 = arith.constant 0 : i32
    %dma_wait3A_3896 = arith.constant 0 : i32
    %dma_wait3A_3897 = tpu.memref_slice %arg6[%dma_wait3A_3887, %dma_wait3A_3895, %dma_wait3A_3896] : memref<64x8x128xf32, #tpu.memory_space<vmem>> -> memref<1x8x128xf32, #tpu.memory_space<vmem>>
    %dma_wait3A_3898 = tpu.memref_squeeze %dma_wait3A_3897 : memref<1x8x128xf32, #tpu.memory_space<vmem>> -> memref<8x128xf32, #tpu.memory_space<vmem>>
    %dma_wait3A_3899 = arith.constant 0 : i32
    %dma_wait3A_3900 = tpu.memref_slice %arg2[%add3A_2922, %dma_wait3A_3899, %multiple_of3A_2927] : memref<128x8x100000xf32, #tpu.memory_space<hbm>> -> memref<1x8x128xf32, #tpu.memory_space<hbm>>
    %dma_wait3A_3901 = tpu.memref_squeeze %dma_wait3A_3900 : memref<1x8x128xf32, #tpu.memory_space<hbm>> -> memref<8x128xf32, #tpu.memory_space<hbm>>
    tpu.wait_dma2 semaphore(%arg8 : memref<!tpu.dma_semaphore, #tpu.memory_space<semaphore_mem>>) src(%dma_wait3A_3901 : memref<8x128xf32, #tpu.memory_space<hbm>>) dst(%dma_wait3A_3898 : memref<8x128xf32, #tpu.memory_space<vmem>>)
    %iota3A = tpu.iota {dimensions = array<i32: 0>} : vector<16xi32>
    %broadcast_in_dim3A = arith.constant 0.000000e+00 : f32
    %broadcast_in_dim3A_3902 = vector.broadcast %broadcast_in_dim3A : f32 to vector<16xf32>
    %get3A_3903 = arith.constant 0 : index
    %get3A_3904 = tpu.vector_load %arg5[%get3A_3903] {strides = array<i32>} : memref<64xi32, #tpu.memory_space<vmem>>, vector<16xi32>,
    %add3A_3905 = arith.constant 0 : i32
    %add3A_3906 = vector.broadcast %add3A_3905 : i32 to vector<16xi32>
    %add3A_3907 = arith.addi %add3A_3906, %iota3A : vector<16xi32>
    %and3A_3908 = arith.constant 7 : i32
    %and3A_3909 = vector.broadcast %and3A_3908 : i32 to vector<16xi32>
    %and3A_3910 = arith.andi %iota3A, %and3A_3909 : vector<16xi32>
    %and3A_3911 = arith.constant 127 : i32
    %and3A_3912 = vector.broadcast %and3A_3911 : i32 to vector<16xi32>
    %and3A_3913 = arith.andi %get3A_3904, %and3A_3912 : vector<16xi32>
    %gather3A = tpu.vector_load_idx %arg6[%add3A_3907, %and3A_3910, %and3A_3913] : memref<64x8x128xf32, #tpu.memory_space<vmem>>[vector<16xi32>, vector<16xi32>, vector<16xi32>], vector<16xf32>,
    %add3A_3914 = arith.addf %broadcast_in_dim3A_3902, %gather3A : vector<16xf32>
    %get3A_3915 = arith.constant 16 : index
    %get3A_3916 = tpu.vector_load %arg5[%get3A_3915] {strides = array<i32>} : memref<64xi32, #tpu.memory_space<vmem>>, vector<16xi32>,
    %add3A_3917 = arith.constant 16 : i32
    %add3A_3918 = vector.broadcast %add3A_3917 : i32 to vector<16xi32>
    %add3A_3919 = arith.addi %add3A_3918, %iota3A : vector<16xi32>
    %and3A_3920 = arith.constant 7 : i32
    %and3A_3921 = vector.broadcast %and3A_3920 : i32 to vector<16xi32>
    %and3A_3922 = arith.andi %iota3A, %and3A_3921 : vector<16xi32>
    %and3A_3923 = arith.constant 127 : i32
    %and3A_3924 = vector.broadcast %and3A_3923 : i32 to vector<16xi32>
    %and3A_3925 = arith.andi %get3A_3916, %and3A_3924 : vector<16xi32>
    %gather3A_3926 = tpu.vector_load_idx %arg6[%add3A_3919, %and3A_3922, %and3A_3925] : memref<64x8x128xf32, #tpu.memory_space<vmem>>[vector<16xi32>, vector<16xi32>, vector<16xi32>], vector<16xf32>,
    %add3A_3927 = arith.addf %add3A_3914, %gather3A_3926 : vector<16xf32>
    %get3A_3928 = arith.constant 32 : index
    %get3A_3929 = tpu.vector_load %arg5[%get3A_3928] {strides = array<i32>} : memref<64xi32, #tpu.memory_space<vmem>>, vector<16xi32>,
    %add3A_3930 = arith.constant 32 : i32
    %add3A_3931 = vector.broadcast %add3A_3930 : i32 to vector<16xi32>
    %add3A_3932 = arith.addi %add3A_3931, %iota3A : vector<16xi32>
    %and3A_3933 = arith.constant 7 : i32
    %and3A_3934 = vector.broadcast %and3A_3933 : i32 to vector<16xi32>
    %and3A_3935 = arith.andi %iota3A, %and3A_3934 : vector<16xi32>
    %and3A_3936 = arith.constant 127 : i32
    %and3A_3937 = vector.broadcast %and3A_3936 : i32 to vector<16xi32>
    %and3A_3938 = arith.andi %get3A_3929, %and3A_3937 : vector<16xi32>
    %gather3A_3939 = tpu.vector_load_idx %arg6[%add3A_3932, %and3A_3935, %and3A_3938] : memref<64x8x128xf32, #tpu.memory_space<vmem>>[vector<16xi32>, vector<16xi32>, vector<16xi32>], vector<16xf32>,
    %add3A_3940 = arith.addf %add3A_3927, %gather3A_3939 : vector<16xf32>
    %get3A_3941 = arith.constant 48 : index
    %get3A_3942 = tpu.vector_load %arg5[%get3A_3941] {strides = array<i32>} : memref<64xi32, #tpu.memory_space<vmem>>, vector<16xi32>,
    %add3A_3943 = arith.constant 48 : i32
    %add3A_3944 = vector.broadcast %add3A_3943 : i32 to vector<16xi32>
    %add3A_3945 = arith.addi %add3A_3944, %iota3A : vector<16xi32>
    %and3A_3946 = arith.constant 7 : i32
    %and3A_3947 = vector.broadcast %and3A_3946 : i32 to vector<16xi32>
    %and3A_3948 = arith.andi %iota3A, %and3A_3947 : vector<16xi32>
    %and3A_3949 = arith.constant 127 : i32
    %and3A_3950 = vector.broadcast %and3A_3949 : i32 to vector<16xi32>
    %and3A_3951 = arith.andi %get3A_3942, %and3A_3950 : vector<16xi32>
    %gather3A_3952 = tpu.vector_load_idx %arg6[%add3A_3945, %and3A_3948, %and3A_3951] : memref<64x8x128xf32, #tpu.memory_space<vmem>>[vector<16xi32>, vector<16xi32>, vector<16xi32>], vector<16xf32>,
    %add3A_3953 = arith.addf %add3A_3940, %gather3A_3952 : vector<16xf32>
    %swap3A = arith.constant 0 : index
    %swap3A_3954 = tpu.vector_load %arg7[%swap3A] {strides = array<i32>} : memref<16xf32, #tpu.memory_space<vmem>>, vector<16xf32>,
    tpu.vector_store %arg7[%swap3A], %add3A_3953 {strides = array<i32>} : memref<16xf32, #tpu.memory_space<vmem>>, vector<16xf32>,
    "tpu.region"() ({
      %run_scoped3A = tpu.sem_alloc : memref<!tpu.dma_semaphore, #tpu.memory_space<semaphore_mem>>
      %dma_start3A_3955 = arith.constant 0 : i32
      %dma_start3A_3956 = tpu.memref_slice %arg4[%add3A, %dma_start3A_3955] : memref<16x16xf32, #tpu.memory_space<hbm>> -> memref<1x16xf32, #tpu.memory_space<hbm>>
      %dma_start3A_3957 = tpu.memref_squeeze %dma_start3A_3956 : memref<1x16xf32, #tpu.memory_space<hbm>> -> memref<16xf32, #tpu.memory_space<hbm>>
      %dma_start3A_3958 = arith.constant 0 : i32
      %dma_start3A_3959 = tpu.memref_slice %arg4[%add3A, %dma_start3A_3958] : memref<16x16xf32, #tpu.memory_space<hbm>> -> memref<1x16xf32, #tpu.memory_space<hbm>>
      %dma_start3A_3960 = tpu.memref_squeeze %dma_start3A_3959 : memref<1x16xf32, #tpu.memory_space<hbm>> -> memref<16xf32, #tpu.memory_space<hbm>>
      tpu.enqueue_dma source(%arg7 : memref<16xf32, #tpu.memory_space<vmem>>) target(%dma_start3A_3960 : memref<16xf32, #tpu.memory_space<hbm>>) target_semaphore(%run_scoped3A : memref<!tpu.dma_semaphore, #tpu.memory_space<semaphore_mem>>)
      %dma_wait3A_3961 = arith.constant 0 : i32
      %dma_wait3A_3962 = tpu.memref_slice %arg4[%add3A, %dma_wait3A_3961] : memref<16x16xf32, #tpu.memory_space<hbm>> -> memref<1x16xf32, #tpu.memory_space<hbm>>
      %dma_wait3A_3963 = tpu.memref_squeeze %dma_wait3A_3962 : memref<1x16xf32, #tpu.memory_space<hbm>> -> memref<16xf32, #tpu.memory_space<hbm>>
      %dma_wait3A_3964 = arith.constant 0 : i32
      %dma_wait3A_3965 = tpu.memref_slice %arg4[%add3A, %dma_wait3A_3964] : memref<16x16xf32, #tpu.memory_space<hbm>> -> memref<1x16xf32, #tpu.memory_space<hbm>>
      %dma_wait3A_3966 = tpu.memref_squeeze %dma_wait3A_3965 : memref<1x16xf32, #tpu.memory_space<hbm>> -> memref<16xf32, #tpu.memory_space<hbm>>
      tpu.wait_dma2 semaphore(%run_scoped3A : memref<!tpu.dma_semaphore, #tpu.memory_space<semaphore_mem>>) src(%arg7 : memref<16xf32, #tpu.memory_space<vmem>>) dst(%dma_wait3A_3966 : memref<16xf32, #tpu.memory_space<hbm>>)
      tpu.yield
    }) : () -> ()
    return
  }
}

</mosaic_0001>

<sc_bundles>
// kernel: _relevant_sum.4.cloned.1.call-start
scs
__scs_entry_jumppad:
0x0: {  	(pc) =	sbr.rel $0x88, $3  }
0x1: {  	(tag) =	ssettag $0x0;
	lr =	simm.s32 $0x1  }
0x2: {  	[smem:$0x3F9F] =	sst lr;
	_ =	strace $0xD0000000  }
0x3: {  	_ = 	snop  }
0x4: {  	_ = 	snop  }
0x5: {  	_ = 	snop  }
0x6: {  	_ = 	snop  }
0x7: {  	_ = 	snop  }
__scs_overlays_trampoline_lowered:
0x8: {  	[smem:$0x3FAE] =	sst s0  }
0x9: {  	[smem:$0x3FAF] =	sst s1  }
0xa: {  	[smem:$0x3FB0] =	sst s2  }
0xb: {  	[smem:$0x3FB1] =	sst s3  }
0xc: {  	[smem:$0x3FB2] =	sst s4  }
0xd: {  	[smem:$0x3FB3] =	sst s5  }
0xe: {  	[smem:$0x3FB4] =	sst s6  }
0xf: {  	[smem:$0x3FB5] =	sst s7  }
0x10: {  	[smem:$0x3FB6] =	sst s8  }
0x11: {  	[smem:$0x3FB7] =	sst s9;
	s0 =	simm.s32 @!p0 $0x0  }
0x12: {  	s1 =	sld [smem:$0x3F9D];
	s0 =	simm.s32 @p0 $0x1  }
0x13: {  	[smem:$0x3FB8] =	sst s0;
	s0 =	simm.s32 @!p1 $0x0  }
0x14: {  	s2 =	sld [smem:$0x3F9C];
	s0 =	simm.s32 @p1 $0x1  }
0x15: {  	[smem:$0x3FB9] =	sst s0;
	s0 =	simm.s32 @!p2 $0x0  }
0x16: {  	s3 =	sld [smem:$0x3FDB];
	s0 =	simm.s32 @p2 $0x1  }
0x17: {  	s4 =	simm.s32 $0x1BF5;
	[smem:$0x3FBB] =	sst s0  }
0x18: {  	s0 =	sld [smem:$0x3F9E];
	_ =	swait.ge [sflag:s4], $0x0  }
0x19: {  	s7 =	sld [smem:$0x3F9F]  }
0x1a: {  	s8 =	sadd.s32 $0xFFFFE003, lr  }
0x1b: {  	s9 =	sadd.s32 $0xFFFFFEF7, lr;
	s5 =	simm.s32 $0xFFFFFFFF;
	p2 =	slt.u32 s8, $0xFFFFF086  }
0x1c: {  	p1 =	slt.u32 s9, $0xF7A;
	s5 =	simm.s32 @!p2 $0x0  }
0x1d: {  	s5 =	simm.s32 @p1 $0x1;
	p0 =	seq.s32 s7, s2  }
0x1e: {  	s7 =	smul.u32 @!p0 $0xF7A, s2;
	p2 =	seq.s32 @!p0 s5, $0x0  }
0x1f: {  	s9 =	smul.u32 $0xF7A, s1;
	s8 =	simm.s32 @!p0 $0x1BF5;
	p2 =	por !p2, p0  }
0x20: {  	[sflag:s8] =	ssyncset.s32 @!p0 $0xFFFFF086;
	s6 =	sadd.s32 @!p0 s3, s7;
	s7 =	simm.s32 @!p0 $0x108  }
0x21: {  	s3 =	sadd.s32 s3, s9;
	s6 =	sadd.s32 @!p0 $0x88, s6;
	s7 =	simm.s32 @p2 $0x1082  }
0x22: {  	[simem:s7], [sflag:s8] =	dma.local @!p0 [hbm:s6], $0xF7A  }
0x23: {  	s9 =	sor.u32 $0xD0000000, s2;
	s6 =	simm.s32 $0x108;
	_ =	swait.ge @!p0 [sflag:s8], $0x0  }
0x24: {  	s3 =	sadd.s32 $0x88, s3;
	s6 =	simm.s32 @!p1 $0x1082;
	[sflag:s4] =	ssyncset.s32 $0xFFFFF086  }
0x25: {  	[simem:s6], [sflag:s4] =	dma.local [hbm:s3], $0xF7A  }
0x26: {  	[smem:$0x3F9F] =	sst s1;
	(tag) =	ssettag s2;
	_ =	strace s9  }
0x27: {  	s1 =	sld [smem:$0x3FAF]  }
0x28: {  	s2 =	sld [smem:$0x3FB0]  }
0x29: {  	s4 =	sld [smem:$0x3FB2]  }
0x2a: {  	p0 =	seq.s32 s5, $0x0;
	s5 =	sld [smem:$0x3FB3]  }
0x2b: {  	s6 =	sld [smem:$0x3FB4]  }
0x2c: {  	s7 =	sld [smem:$0x3FB5]  }
0x2d: {  	s3 =	simm.s32 $0x108;
	s8 =	sld [smem:$0x3FB6]  }
0x2e: {  	s3 =	simm.s32 @!p0 $0x1082;
	s9 =	sld [smem:$0x3FB7]  }
0x2f: {  	lr =	sadd.s32 s0, s3;
	s0 =	sld [smem:$0x3FAE]  }
0x30: {  	s3 =	sld [smem:$0x3FB1]  }
0x31: {  	[smem:$0x3FBA] =	sst s10  }
0x32: {  	s10 =	sld [smem:$0x3FB8];
	_ =	sdelay $0x3  }
0x33: {  	p0 =	seq.s32 s10, $0x1;
	s10 =	sld [smem:$0x3FBA];
	_ =	sdelay $0x3  }
0x34: {  	[smem:$0x3FBA] =	sst s10  }
0x35: {  	s10 =	sld [smem:$0x3FB9];
	_ =	sdelay $0x3  }
0x36: {  	p1 =	seq.s32 s10, $0x1;
	s10 =	sld [smem:$0x3FBA];
	_ =	sdelay $0x3  }
0x37: {  	[smem:$0x3FBA] =	sst s10  }
0x38: {  	s10 =	sld [smem:$0x3FBB]  }
0x39: {  	_ = 	snop;
	(pc) =	sbr.ind lr, $3  }
0x3a: {  	_ = 	snop  }
0x3b: {  	_ = 	snop  }
0x3c: {  	p2 =	seq.s32 s10, $0x1;
	s10 =	sld [smem:$0x3FBA]  }
0x3d: {  	_ =	shalt  }
0x3e: {  	_ =	shalt  }
0x3f: {  	_ =	shalt  }
0x40: {  	_ =	shalt  }
0x41: {  	_ =	shalt  }
0x42: {  	_ =	shalt  }
0x43: {  	_ =	shalt  }
0x44: {  	_ =	shalt  }
0x45: {  	_ =	shalt  }
0x46: {  	_ =	shalt  }
0x47: {  	_ =	shalt  }
0x48: {  	_ =	shalt  }
0x49: {  	_ =	shalt  }
0x4a: {  	_ =	shalt  }
0x4b: {  	_ =	shalt  }
0x4c: {  	_ =	shalt  }
0x4d: {  	_ =	shalt  }
0x4e: {  	_ =	shalt  }
0x4f: {  	_ =	shalt  }
0x50: {  	_ =	shalt  }
0x51: {  	_ =	shalt  }
0x52: {  	_ =	shalt  }
0x53: {  	_ =	shalt  }
0x54: {  	_ =	shalt  }
0x55: {  	_ =	shalt  }
0x56: {  	_ =	shalt  }
0x57: {  	_ =	shalt  }
0x58: {  	_ =	shalt  }
0x59: {  	_ =	shalt  }
0x5a: {  	_ =	shalt  }
0x5b: {  	_ =	shalt  }
0x5c: {  	_ =	shalt  }
0x5d: {  	_ =	shalt  }
0x5e: {  	_ =	shalt  }
0x5f: {  	_ =	shalt  }
0x60: {  	_ =	shalt  }
0x61: {  	_ =	shalt  }
0x62: {  	_ =	shalt  }
0x63: {  	_ =	shalt  }
0x64: {  	_ =	shalt  }
0x65: {  	_ =	shalt  }
0x66: {  	_ =	shalt  }
0x67: {  	_ =	shalt  }
0x68: {  	_ =	shalt  }
0x69: {  	_ =	shalt  }
0x6a: {  	_ =	shalt  }
0x6b: {  	_ =	shalt  }
0x6c: {  	_ =	shalt  }
0x6d: {  	_ =	shalt  }
0x6e: {  	_ =	shalt  }
0x6f: {  	_ =	shalt  }
0x70: {  	_ =	shalt  }
0x71: {  	_ =	shalt  }
0x72: {  	_ =	shalt  }
0x73: {  	_ =	shalt  }
0x74: {  	_ =	shalt  }
0x75: {  	_ =	shalt  }
0x76: {  	_ =	shalt  }
0x77: {  	_ =	shalt  }
0x78: {  	_ =	shalt  }
0x79: {  	_ =	shalt  }
0x7a: {  	_ =	shalt  }
0x7b: {  	_ =	shalt  }
0x7c: {  	_ =	shalt  }
0x7d: {  	_ =	shalt  }
0x7e: {  	_ =	shalt  }
0x7f: {  	_ =	shalt  }
0x80: {  	_ =	shalt  }
0x81: {  	_ =	shalt  }
0x82: {  	_ =	shalt  }
0x83: {  	_ =	shalt  }
0x84: {  	_ =	shalt  }
0x85: {  	_ =	shalt  }
0x86: {  	_ =	shalt  }
0x87: {  	_ =	shalt  }
.Lfunc_end0:
.L_simem_size_0:
called_computation_lowered:
.L_overlay_start_0:
0x88: {  	s0 =	sld [smem:$0x3FD9]  }
0x89: {  	s1 =	sld [smem:$0x3FFE];
	_ =	sdelay $0x3  }
0x8a: {  	s0 =	sadd.s32 s1, s0  }
0x8b: {  	[smem:$0x3FC6] =	sst s0  }
0x8c: {  	_ = 	snop  }
0x8d: {  	s0 =	sld [smem:$0x3FC8];
	(tm) =	ssettm $0x1  }
0x8e: {  	s16 =	sld [smem:$0x3FFB];
	_ =	sdelay $0x3  }
0x8f: {  	_ =	strace s16  }
0x90: {  	s1 =	sld [smem:$0x3FFC];
	_ =	sdelay $0x3  }
0x91: {  	_ =	strace s1  }
0x92: {  	s1 =	sld [smem:$0x3FFD];
	_ =	sdelay $0x3  }
0x93: {  	_ =	strace s1  }
0x94: {  	_ =	strace $0x8FFFFFFF  }
0x95: {  	s17 =	sld [smem:$0x3FDB];
	_ =	sdelay $0x1  }
0x96: {  	s2 =	simm.s32 $_scs_section_size  }
0x97: {  	s3 =	simm.s32 $_size__tile_overlayer_lowered;
	s4 =	simm.s32 $_tile_overlayer_lowered  }
0x98: {  	s20 =	simm.s32 $0x1BFF;
	s19 =	sshll.u32 s4, $0x1;
	s1 =	sadd.s32 s2, s17  }
0x99: {  	s5 =	simm.s32 $0x0;
	s18 =	sshll.u32 s3, $0x1;
	s3 =	sadd.s32 s19, s1  }
0x9a: {  	[timem:s5], [sflag:s20] =	dma.local [hbm:s3], s18  }
0x9b: {  	_ =	swait.ge [sflag:s20], s18  }
0x9c: {  	s2 =	ssub.s32 $0x0, s18;
	[sflag:s20] =	ssyncset.done $0x0  }
0x9d: {  	[sflag:s20] =	ssyncadd.s32 s2;
	_ =	sdelay $0x1  }
0x9e: {  	s21 =	simm.s32 $0x1B8B  }
0x9f: {  	_ =	swait.ge [sflag:s21], $0x1  }
0xa0: {  	[sflag:s21] =	ssyncset.done $0x0  }
0xa1: {  	s23 =	simm.s32 $0x1B8E;
	s22 =	sld [smem:$0x3FFE];
	[sflag:s21] =	ssyncadd.s32 $0xFFFFFFFF  }
0xa2: {  	s24 =	simm.s32 $execute0_lowered;
	[smem:$0x3FD2] =	sst s23  }
0xa3: {  	s3 =	sshll.u32 s24, $0x1;
	_ =	strace $0x80000046;
	[dreg:$0x1] =	wrdreg $0xFFFFFFFF  }
0xa4: {  	s25 =	simm.s32 $_size_execute0_lowered;
	s1 =	sadd.s32 s1, s3;
	[dreg:$0x0] =	wrdreg $0x0  }
0xa5: {  	s3 =	sshll.u32 s25, $0x1;
	[dreg:$0x2] =	wrdreg s1  }
0xa6: {  	[dreg:$0x3] =	wrdreg s3  }
0xa7: {  	[dreg:$0x4] =	wrdreg $0xC0  }
0xa8: {  	_ =	task [dreg:s5], $0x5FFFF  }
0xa9: {  	[dreg:$0x1] =	wrdreg $0xFFFFFFFF  }
0xaa: {  	[dreg:$0x0] =	wrdreg $0x60  }
0xab: {  	[dreg:$0x2] =	wrdreg s22  }
0xac: {  	[dreg:$0x3] =	wrdreg s0  }
0xad: {  	[dreg:$0x4] =	wrdreg $0x9  }
0xae: {  	_ =	task.clear_ibuf [dreg:s5], $0x5FFFF;
	_ =	strace $0x90000046  }
0xaf: {  	s26 =	simm.s32 $0x9;
	_ =	strace $0x80000048  }
0xb0: {  	_ =	swait.ge [sflag:s26], $0x1  }
0xb1: {  	[sflag:s26] =	ssyncadd.s32 $0xFFFFFFFF  }
0xb2: {  	_ =	strace $0x90000048  }
0xb3: {  	_ =	sfence  }
0xb4: {  	s28 =	sld [smem:$0x0];
	_ =	sdelay $0x1  }
0xb5: {  	s29 =	srdreg.scid  }
0xb6: {  	s30 =	sshll.u32 s29, $0xD;
	s31 =	sshrl.u32 s29, $0x2  }
0xb7: {  	s2 =	sand.u32 $0x4000, s30;
	s1 =	sand.u32 $0x1, s29;
	s0 =	sadd.s32 s31, s28  }
0xb8: {  	s1 =	sor.u32 s2, s1;
	s0 =	sshll.u32 s0, $0x11  }
0xb9: {  	s0 =	sor.u32 s0, s1  }
0xba: {  	s0 =	sadd.s32 $0x8F2B, s0  }
0xbb: {  	[sflag:s0] =	ssyncadd.remote.s32 $0x1  }
0xbc: {  	_ =	sfence.sel $0xFFFF  }
0xbd: {  	[dreg:$0x0] =	wrdreg $0xFFFFFFFF;
	(pc) =	sbr.abs _section_cstart, $3  }
0xbe: {  	[dreg:$0x1] =	wrdreg $0xFFFFFFFF  }
0xbf: {  	_ =	task.clear_ibuf [dreg:s5], $0x2FFFF;
	_ =	strace $0x9FFFFFFF  }
0xc0: {  	(tm) =	ssettm $0x7FFFFFFF  }
0xc1: {  	_ =	shalt  }
tec
execute0_lowered:
.L_overlay_start_1:
0x0: {  	(tag) =	ssettag $0x1  }
0x1: {  	s3 =	rddreg [dreg:$0x0]  }
0x2: {  	s4 =	rddreg [dreg:$0x1];
	s2 =	simm.s32 $0x0;
	s1 =	stileid.u32  }
0x3: {  	[smem:$0x7FF] =	sst s2;
	s5 =	sshll.u32 s1, $0x3  }
0x4: {  	s0 =	rddreg [dreg:$0x2];
	_ =	strace $0x80000047;
	s4 =	sadd.s32 s4, s5  }
0x5: {  	[tilespmem:s2], [sflag:$0x2] =	stream.linear.gather [hbm4b:s4+s2], $0x40, $0x38;
	[tilespmem:$0x10100] =	vst v63  }
0x6: {  	s4 =	simm.s32 $0x2  }
0x7: {  	_ =	swait.ge [sflag:s4], $0x40  }
0x8: {  	[sflag:s4] =	ssyncset.done $0x0  }
0x9: {  	[sflag:s4] =	ssyncadd.s32 $0xFFFFFFC0  }
0xa: {  	v0 =	vld [tilespmem:$0x0];
	_ =	sdelay $0x4  }
0xb: {  	v0 =	vshll.u32 v0, $0x3  }
0xc: {  	(v2sf) =	vpush v0, $0x0;
	_ =	sdelay $0x3  }
0xd: {  	(v2sf) =	vpush v0, $0x1;
	_ =	sdelay $0x4  }
0xe: {  	(v2sf) =	vpush v0, $0x2;
	_ =	sdelay $0x5  }
0xf: {  	s7 =	smul.u32 $0x61C000, s1;
	s21 =	spop (v2sf)  }
0x10: {  	(v2sf) =	vpush v0, $0x3;
	s5 =	sand.u32 $0x7FFFFC00, s21  }
0x11: {  	s5 =	sadd.s32 s7, s5  }
0x12: {  	s6 =	sadd.s32 $0x800, s3;
	s5 =	sshrl.u32 s5, $0x3  }
0x13: {  	s22 =	spop (v2sf);
	s8 =	sadd.s32 s6, s5;
	s5 =	simm.s32 $0x80  }
0x14: {  	(v2sf) =	vpush v0, $0x4;
	[tilespmem:s5], [sflag:$0x1] =	stream.linear.gather [hbm4b:s8+s2], $0x400, $0x38;
	[tilespmem:$0x10100] =	vst v63  }
0x15: {  	s8 =	sand.u32 $0x7FFFFC00, s22  }
0x16: {  	s8 =	sadd.s32 s7, s8  }
0x17: {  	s8 =	sshrl.u32 s8, $0x3  }
0x18: {  	s9 =	simm.s32 $0x480;
	s23 =	spop (v2sf);
	s8 =	sadd.s32 s6, s8  }
0x19: {  	(v2sf) =	vpush v0, $0x5;
	[tilespmem:s9], [sflag:$0x1] =	stream.linear.gather [hbm4b:s8+s2], $0x400, $0x38;
	[tilespmem:$0x10100] =	vst v63  }
0x1a: {  	s8 =	sand.u32 $0x7FFFFC00, s23  }
0x1b: {  	s8 =	sadd.s32 s7, s8  }
0x1c: {  	s8 =	sshrl.u32 s8, $0x3  }
0x1d: {  	s24 =	simm.s32 $0x880;
	s8 =	sadd.s32 s6, s8  }
0x1e: {  	[tilespmem:s24], [sflag:$0x1] =	stream.linear.gather [hbm4b:s8+s2], $0x400, $0x38;
	[tilespmem:$0x10100] =	vst v63  }
0x1f: {  	s25 =	spop (v2sf)  }
0x20: {  	(v2sf) =	vpush v0, $0x6;
	s8 =	sand.u32 $0x7FFFFC00, s25  }
0x21: {  	s8 =	sadd.s32 s7, s8  }
0x22: {  	s8 =	sshrl.u32 s8, $0x3  }
0x23: {  	s26 =	simm.s32 $0xC80;
	s28 =	spop (v2sf);
	s8 =	sadd.s32 s6, s8  }
0x24: {  	(v2sf) =	vpush v0, $0x7;
	[tilespmem:s26], [sflag:$0x1] =	stream.linear.gather [hbm4b:s8+s2], $0x400, $0x38;
	[tilespmem:$0x10100] =	vst v63  }
0x25: {  	s8 =	sand.u32 $0x7FFFFC00, s28  }
0x26: {  	s8 =	sadd.s32 s7, s8  }
0x27: {  	s8 =	sshrl.u32 s8, $0x3  }
0x28: {  	s29 =	simm.s32 $0x1080;
	s30 =	spop (v2sf);
	s8 =	sadd.s32 s6, s8  }
0x29: {  	(v2sf) =	vpush v0, $0x8;
	[tilespmem:s29], [sflag:$0x1] =	stream.linear.gather [hbm4b:s8+s2], $0x400, $0x38;
	[tilespmem:$0x10100] =	vst v63  }
0x2a: {  	s8 =	sand.u32 $0x7FFFFC00, s30  }
0x2b: {  	s8 =	sadd.s32 s7, s8  }
0x2c: {  	s8 =	sshrl.u32 s8, $0x3  }
0x2d: {  	s31 =	simm.s32 $0x1480;
	s8 =	sadd.s32 s6, s8  }
0x2e: {  	[tilespmem:s31], [sflag:$0x1] =	stream.linear.gather [hbm4b:s8+s2], $0x400, $0x38;
	[tilespmem:$0x10100] =	vst v63  }
0x2f: {  	s9 =	spop (v2sf)  }
0x30: {  	(v2sf) =	vpush v0, $0x9;
	s8 =	sand.u32 $0x7FFFFC00, s9  }
0x31: {  	s8 =	sadd.s32 s7, s8  }
0x32: {  	s8 =	sshrl.u32 s8, $0x3  }
0x33: {  	s10 =	simm.s32 $0x1880;
	s11 =	spop (v2sf);
	s8 =	sadd.s32 s6, s8  }
0x34: {  	(v2sf) =	vpush v0, $0xA;
	[tilespmem:s10], [sflag:$0x1] =	stream.linear.gather [hbm4b:s8+s2], $0x400, $0x38;
	[tilespmem:$0x10100] =	vst v63  }
0x35: {  	s8 =	sand.u32 $0x7FFFFC00, s11  }
0x36: {  	s8 =	sadd.s32 s7, s8  }
0x37: {  	s8 =	sshrl.u32 s8, $0x3  }
0x38: {  	s12 =	simm.s32 $0x1C80;
	s13 =	spop (v2sf);
	s8 =	sadd.s32 s6, s8  }
0x39: {  	(v2sf) =	vpush v0, $0xB;
	[tilespmem:s12], [sflag:$0x1] =	stream.linear.gather [hbm4b:s8+s2], $0x400, $0x38;
	[tilespmem:$0x10100] =	vst v63  }
0x3a: {  	s14 =	sadd.s32 $0xC3800, s7;
	s8 =	sand.u32 $0x7FFFFC00, s13  }
0x3b: {  	s8 =	sadd.s32 s14, s8  }
0x3c: {  	s8 =	sshrl.u32 s8, $0x3  }
0x3d: {  	s10 =	simm.s32 $0x2080;
	s8 =	sadd.s32 s6, s8  }
0x3e: {  	[tilespmem:s10], [sflag:$0x1] =	stream.linear.gather [hbm4b:s8+s2], $0x400, $0x38;
	[tilespmem:$0x10100] =	vst v63  }
0x3f: {  	s15 =	spop (v2sf)  }
0x40: {  	(v2sf) =	vpush v0, $0xC;
	s8 =	sand.u32 $0x7FFFFC00, s15  }
0x41: {  	s8 =	sadd.s32 s14, s8  }
0x42: {  	s8 =	sshrl.u32 s8, $0x3  }
0x43: {  	s16 =	simm.s32 $0x2480;
	s17 =	spop (v2sf);
	s8 =	sadd.s32 s6, s8  }
0x44: {  	(v2sf) =	vpush v0, $0xD;
	[tilespmem:s16], [sflag:$0x1] =	stream.linear.gather [hbm4b:s8+s2], $0x400, $0x38;
	[tilespmem:$0x10100] =	vst v63  }
0x45: {  	s8 =	sand.u32 $0x7FFFFC00, s17  }
0x46: {  	s8 =	sadd.s32 s14, s8  }
0x47: {  	s8 =	sshrl.u32 s8, $0x3  }
0x48: {  	s18 =	simm.s32 $0x2880;
	s19 =	spop (v2sf);
	s8 =	sadd.s32 s6, s8  }
0x49: {  	(v2sf) =	vpush v0, $0xE;
	[tilespmem:s18], [sflag:$0x1] =	stream.linear.gather [hbm4b:s8+s2], $0x400, $0x38;
	[tilespmem:$0x10100] =	vst v63  }
0x4a: {  	s8 =	sand.u32 $0x7FFFFC00, s19  }
0x4b: {  	s8 =	sadd.s32 s14, s8  }
0x4c: {  	s8 =	sshrl.u32 s8, $0x3  }
0x4d: {  	s20 =	simm.s32 $0x2C80;
	s8 =	sadd.s32 s6, s8  }
0x4e: {  	[tilespmem:s20], [sflag:$0x1] =	stream.linear.gather [hbm4b:s8+s2], $0x400, $0x38;
	[tilespmem:$0x10100] =	vst v63  }
0x4f: {  	s21 =	spop (v2sf)  }
0x50: {  	(v2sf) =	vpush v0, $0xF;
	s8 =	sand.u32 $0x7FFFFC00, s21  }
0x51: {  	s8 =	sadd.s32 s14, s8  }
0x52: {  	s8 =	sshrl.u32 s8, $0x3  }
0x53: {  	s22 =	simm.s32 $0x3080;
	s23 =	spop (v2sf);
	s8 =	sadd.s32 s6, s8  }
0x54: {  	[tilespmem:s22], [sflag:$0x1] =	stream.linear.gather [hbm4b:s8+s2], $0x400, $0x38;
	[tilespmem:$0x10100] =	vst v63  }
0x55: {  	s8 =	sand.u32 $0x7FFFFC00, s23  }
0x56: {  	s8 =	sadd.s32 s14, s8  }
0x57: {  	s8 =	sshrl.u32 s8, $0x3  }
0x58: {  	s24 =	simm.s32 $0x3480;
	s25 =	spop (v2sf);
	s8 =	sadd.s32 s6, s8  }
0x59: {  	[tilespmem:s24], [sflag:$0x1] =	stream.linear.gather [hbm4b:s8+s2], $0x400, $0x38;
	[tilespmem:$0x10100] =	vst v63  }
0x5a: {  	s8 =	sand.u32 $0x7FFFFC00, s25  }
0x5b: {  	s8 =	sadd.s32 s14, s8  }
0x5c: {  	s8 =	sshrl.u32 s8, $0x3  }
0x5d: {  	s26 =	simm.s32 $0x3880;
	s8 =	sadd.s32 s6, s8  }
0x5e: {  	[tilespmem:s26], [sflag:$0x1] =	stream.linear.gather [hbm4b:s8+s2], $0x400, $0x38;
	[tilespmem:$0x10100] =	vst v63  }
0x5f: {  	s28 =	spop (v2sf)  }
0x60: {  	s8 =	sand.u32 $0x7FFFFC00, s28  }
0x61: {  	s8 =	sadd.s32 s14, s8  }
0x62: {  	s8 =	sshrl.u32 s8, $0x3  }
0x63: {  	s29 =	simm.s32 $0x3C80;
	s8 =	sadd.s32 s6, s8  }
0x64: {  	[tilespmem:s29], [sflag:$0x1] =	stream.linear.gather [hbm4b:s8+s2], $0x400, $0x38;
	[tilespmem:$0x10100] =	vst v63  }
0x65: {  	v55 =	vld [tilespmem:$0x10];
	_ =	sdelay $0x4  }
0x66: {  	v0 =	vshll.u32 v55, $0x3  }
0x67: {  	(v2sf) =	vpush v0, $0x0;
	_ =	sdelay $0x3  }
0x68: {  	(v2sf) =	vpush v0, $0x1;
	_ =	sdelay $0x4  }
0x69: {  	(v2sf) =	vpush v0, $0x2;
	_ =	sdelay $0x5  }
0x6a: {  	s30 =	spop (v2sf)  }
0x6b: {  	s31 =	sadd.s32 $0x187000, s7;
	(v2sf) =	vpush v0, $0x3;
	s8 =	sand.u32 $0x7FFFFC00, s30  }
0x6c: {  	s8 =	sadd.s32 s31, s8  }
0x6d: {  	s8 =	sshrl.u32 s8, $0x3  }
0x6e: {  	s11 =	simm.s32 $0x4080;
	s12 =	spop (v2sf);
	s8 =	sadd.s32 s6, s8  }
0x6f: {  	(v2sf) =	vpush v0, $0x4;
	[tilespmem:s11], [sflag:$0x1] =	stream.linear.gather [hbm4b:s8+s2], $0x400, $0x38;
	[tilespmem:$0x10100] =	vst v63  }
0x70: {  	s8 =	sand.u32 $0x7FFFFC00, s12  }
0x71: {  	s8 =	sadd.s32 s31, s8  }
0x72: {  	s8 =	sshrl.u32 s8, $0x3  }
0x73: {  	s13 =	simm.s32 $0x4480;
	s14 =	spop (v2sf);
	s8 =	sadd.s32 s6, s8  }
0x74: {  	(v2sf) =	vpush v0, $0x5;
	[tilespmem:s13], [sflag:$0x1] =	stream.linear.gather [hbm4b:s8+s2], $0x400, $0x38;
	[tilespmem:$0x10100] =	vst v63  }
0x75: {  	s8 =	sand.u32 $0x7FFFFC00, s14  }
0x76: {  	s8 =	sadd.s32 s31, s8  }
0x77: {  	s8 =	sshrl.u32 s8, $0x3  }
0x78: {  	s15 =	simm.s32 $0x4880;
	s8 =	sadd.s32 s6, s8  }
0x79: {  	[tilespmem:s15], [sflag:$0x1] =	stream.linear.gather [hbm4b:s8+s2], $0x400, $0x38;
	[tilespmem:$0x10100] =	vst v63  }
0x7a: {  	s16 =	spop (v2sf)  }
0x7b: {  	(v2sf) =	vpush v0, $0x6;
	s8 =	sand.u32 $0x7FFFFC00, s16  }
0x7c: {  	s8 =	sadd.s32 s31, s8  }
0x7d: {  	s8 =	sshrl.u32 s8, $0x3  }
0x7e: {  	s17 =	simm.s32 $0x4C80;
	s18 =	spop (v2sf);
	s8 =	sadd.s32 s6, s8  }
0x7f: {  	(v2sf) =	vpush v0, $0x7;
	[tilespmem:s17], [sflag:$0x1] =	stream.linear.gather [hbm4b:s8+s2], $0x400, $0x38;
	[tilespmem:$0x10100] =	vst v63  }
0x80: {  	s8 =	sand.u32 $0x7FFFFC00, s18  }
0x81: {  	s8 =	sadd.s32 s31, s8  }
0x82: {  	s8 =	sshrl.u32 s8, $0x3  }
0x83: {  	s19 =	simm.s32 $0x5080;
	s20 =	spop (v2sf);
	s8 =	sadd.s32 s6, s8  }
0x84: {  	(v2sf) =	vpush v0, $0x8;
	[tilespmem:s19], [sflag:$0x1] =	stream.linear.gather [hbm4b:s8+s2], $0x400, $0x38;
	[tilespmem:$0x10100] =	vst v63  }
0x85: {  	s8 =	sand.u32 $0x7FFFFC00, s20  }
0x86: {  	s8 =	sadd.s32 s31, s8  }
0x87: {  	s8 =	sshrl.u32 s8, $0x3  }
0x88: {  	s21 =	simm.s32 $0x5480;
	s8 =	sadd.s32 s6, s8  }
0x89: {  	[tilespmem:s21], [sflag:$0x1] =	stream.linear.gather [hbm4b:s8+s2], $0x400, $0x38;
	[tilespmem:$0x10100] =	vst v63  }
0x8a: {  	s22 =	spop (v2sf)  }
0x8b: {  	(v2sf) =	vpush v0, $0x9;
	s8 =	sand.u32 $0x7FFFFC00, s22  }
0x8c: {  	s8 =	sadd.s32 s31, s8  }
0x8d: {  	s8 =	sshrl.u32 s8, $0x3  }
0x8e: {  	s23 =	simm.s32 $0x5880;
	s24 =	spop (v2sf);
	s8 =	sadd.s32 s6, s8  }
0x8f: {  	(v2sf) =	vpush v0, $0xA;
	[tilespmem:s23], [sflag:$0x1] =	stream.linear.gather [hbm4b:s8+s2], $0x400, $0x38;
	[tilespmem:$0x10100] =	vst v63  }
0x90: {  	s8 =	sand.u32 $0x7FFFFC00, s24  }
0x91: {  	s8 =	sadd.s32 s31, s8  }
0x92: {  	s8 =	sshrl.u32 s8, $0x3  }
0x93: {  	s25 =	simm.s32 $0x5C80;
	s26 =	spop (v2sf);
	s8 =	sadd.s32 s6, s8  }
0x94: {  	(v2sf) =	vpush v0, $0xB;
	[tilespmem:s25], [sflag:$0x1] =	stream.linear.gather [hbm4b:s8+s2], $0x400, $0x38;
	[tilespmem:$0x10100] =	vst v63  }
0x95: {  	s28 =	sadd.s32 $0x24A800, s7;
	s8 =	sand.u32 $0x7FFFFC00, s26  }
0x96: {  	s8 =	sadd.s32 s28, s8  }
0x97: {  	s8 =	sshrl.u32 s8, $0x3  }
0x98: {  	s29 =	simm.s32 $0x6080;
	s8 =	sadd.s32 s6, s8  }
0x99: {  	[tilespmem:s29], [sflag:$0x1] =	stream.linear.gather [hbm4b:s8+s2], $0x400, $0x38;
	[tilespmem:$0x10100] =	vst v63  }
0x9a: {  	s30 =	spop (v2sf)  }
0x9b: {  	(v2sf) =	vpush v0, $0xC;
	s8 =	sand.u32 $0x7FFFFC00, s30  }
0x9c: {  	s8 =	sadd.s32 s28, s8  }
0x9d: {  	s8 =	sshrl.u32 s8, $0x3  }
0x9e: {  	s31 =	simm.s32 $0x6480;
	s10 =	spop (v2sf);
	s8 =	sadd.s32 s6, s8  }
0x9f: {  	(v2sf) =	vpush v0, $0xD;
	[tilespmem:s31], [sflag:$0x1] =	stream.linear.gather [hbm4b:s8+s2], $0x400, $0x38;
	[tilespmem:$0x10100] =	vst v63  }
0xa0: {  	s8 =	sand.u32 $0x7FFFFC00, s10  }
0xa1: {  	s8 =	sadd.s32 s28, s8  }
0xa2: {  	s8 =	sshrl.u32 s8, $0x3  }
0xa3: {  	s11 =	simm.s32 $0x6880;
	s12 =	spop (v2sf);
	s8 =	sadd.s32 s6, s8  }
0xa4: {  	(v2sf) =	vpush v0, $0xE;
	[tilespmem:s11], [sflag:$0x1] =	stream.linear.gather [hbm4b:s8+s2], $0x400, $0x38;
	[tilespmem:$0x10100] =	vst v63  }
0xa5: {  	s8 =	sand.u32 $0x7FFFFC00, s12  }
0xa6: {  	s8 =	sadd.s32 s28, s8  }
0xa7: {  	s8 =	sshrl.u32 s8, $0x3  }
0xa8: {  	s13 =	simm.s32 $0x6C80;
	s8 =	sadd.s32 s6, s8  }
0xa9: {  	[tilespmem:s13], [sflag:$0x1] =	stream.linear.gather [hbm4b:s8+s2], $0x400, $0x38;
	[tilespmem:$0x10100] =	vst v63  }
0xaa: {  	s14 =	spop (v2sf)  }
0xab: {  	(v2sf) =	vpush v0, $0xF;
	s8 =	sand.u32 $0x7FFFFC00, s14  }
0xac: {  	s8 =	sadd.s32 s28, s8  }
0xad: {  	s8 =	sshrl.u32 s8, $0x3  }
0xae: {  	s15 =	simm.s32 $0x7080;
	s16 =	spop (v2sf);
	s8 =	sadd.s32 s6, s8  }
0xaf: {  	[tilespmem:s15], [sflag:$0x1] =	stream.linear.gather [hbm4b:s8+s2], $0x400, $0x38;
	[tilespmem:$0x10100] =	vst v63  }
0xb0: {  	s8 =	sand.u32 $0x7FFFFC00, s16  }
0xb1: {  	s8 =	sadd.s32 s28, s8  }
0xb2: {  	s8 =	sshrl.u32 s8, $0x3  }
0xb3: {  	s17 =	simm.s32 $0x7480;
	s18 =	spop (v2sf);
	s8 =	sadd.s32 s6, s8  }
0xb4: {  	[tilespmem:s17], [sflag:$0x1] =	stream.linear.gather [hbm4b:s8+s2], $0x400, $0x38;
	[tilespmem:$0x10100] =	vst v63  }
0xb5: {  	s8 =	sand.u32 $0x7FFFFC00, s18  }
0xb6: {  	s8 =	sadd.s32 s28, s8  }
0xb7: {  	s8 =	sshrl.u32 s8, $0x3  }
0xb8: {  	s19 =	simm.s32 $0x7880;
	s8 =	sadd.s32 s6, s8  }
0xb9: {  	[tilespmem:s19], [sflag:$0x1] =	stream.linear.gather [hbm4b:s8+s2], $0x400, $0x38;
	[tilespmem:$0x10100] =	vst v63  }
0xba: {  	s20 =	spop (v2sf)  }
0xbb: {  	s8 =	sand.u32 $0x7FFFFC00, s20  }
0xbc: {  	s8 =	sadd.s32 s28, s8  }
0xbd: {  	s8 =	sshrl.u32 s8, $0x3  }
0xbe: {  	s21 =	simm.s32 $0x7C80;
	s8 =	sadd.s32 s6, s8  }
0xbf: {  	[tilespmem:s21], [sflag:$0x1] =	stream.linear.gather [hbm4b:s8+s2], $0x400, $0x38;
	[tilespmem:$0x10100] =	vst v63  }
0xc0: {  	v56 =	vld [tilespmem:$0x20];
	_ =	sdelay $0x4  }
0xc1: {  	v0 =	vshll.u32 v56, $0x3  }
0xc2: {  	(v2sf) =	vpush v0, $0x0;
	_ =	sdelay $0x3  }
0xc3: {  	(v2sf) =	vpush v0, $0x1;
	_ =	sdelay $0x4  }
0xc4: {  	(v2sf) =	vpush v0, $0x2;
	_ =	sdelay $0x5  }
0xc5: {  	s22 =	spop (v2sf)  }
0xc6: {  	s23 =	sadd.s32 $0x30E000, s7;
	(v2sf) =	vpush v0, $0x3;
	s8 =	sand.u32 $0x7FFFFC00, s22  }
0xc7: {  	s8 =	sadd.s32 s23, s8  }
0xc8: {  	s8 =	sshrl.u32 s8, $0x3  }
0xc9: {  	s24 =	simm.s32 $0x8080;
	s25 =	spop (v2sf);
	s8 =	sadd.s32 s6, s8  }
0xca: {  	(v2sf) =	vpush v0, $0x4;
	[tilespmem:s24], [sflag:$0x1] =	stream.linear.gather [hbm4b:s8+s2], $0x400, $0x38;
	[tilespmem:$0x10100] =	vst v63  }
0xcb: {  	s8 =	sand.u32 $0x7FFFFC00, s25  }
0xcc: {  	s8 =	sadd.s32 s23, s8  }
0xcd: {  	s8 =	sshrl.u32 s8, $0x3  }
0xce: {  	s26 =	simm.s32 $0x8480;
	s28 =	spop (v2sf);
	s8 =	sadd.s32 s6, s8  }
0xcf: {  	(v2sf) =	vpush v0, $0x5;
	[tilespmem:s26], [sflag:$0x1] =	stream.linear.gather [hbm4b:s8+s2], $0x400, $0x38;
	[tilespmem:$0x10100] =	vst v63  }
0xd0: {  	s8 =	sand.u32 $0x7FFFFC00, s28  }
0xd1: {  	s8 =	sadd.s32 s23, s8  }
0xd2: {  	s8 =	sshrl.u32 s8, $0x3  }
0xd3: {  	s29 =	simm.s32 $0x8880;
	s8 =	sadd.s32 s6, s8  }
0xd4: {  	[tilespmem:s29], [sflag:$0x1] =	stream.linear.gather [hbm4b:s8+s2], $0x400, $0x38;
	[tilespmem:$0x10100] =	vst v63  }
0xd5: {  	s30 =	spop (v2sf)  }
0xd6: {  	(v2sf) =	vpush v0, $0x6;
	s8 =	sand.u32 $0x7FFFFC00, s30  }
0xd7: {  	s8 =	sadd.s32 s23, s8  }
0xd8: {  	s8 =	sshrl.u32 s8, $0x3  }
0xd9: {  	s31 =	simm.s32 $0x8C80;
	s10 =	spop (v2sf);
	s8 =	sadd.s32 s6, s8  }
0xda: {  	(v2sf) =	vpush v0, $0x7;
	[tilespmem:s31], [sflag:$0x1] =	stream.linear.gather [hbm4b:s8+s2], $0x400, $0x38;
	[tilespmem:$0x10100] =	vst v63  }
0xdb: {  	s8 =	sand.u32 $0x7FFFFC00, s10  }
0xdc: {  	s8 =	sadd.s32 s23, s8  }
0xdd: {  	s8 =	sshrl.u32 s8, $0x3  }
0xde: {  	s11 =	simm.s32 $0x9080;
	s12 =	spop (v2sf);
	s8 =	sadd.s32 s6, s8  }
0xdf: {  	(v2sf) =	vpush v0, $0x8;
	[tilespmem:s11], [sflag:$0x1] =	stream.linear.gather [hbm4b:s8+s2], $0x400, $0x38;
	[tilespmem:$0x10100] =	vst v63  }
0xe0: {  	s8 =	sand.u32 $0x7FFFFC00, s12  }
0xe1: {  	s8 =	sadd.s32 s23, s8  }
0xe2: {  	s8 =	sshrl.u32 s8, $0x3  }
0xe3: {  	s13 =	simm.s32 $0x9480;
	s8 =	sadd.s32 s6, s8  }
0xe4: {  	[tilespmem:s13], [sflag:$0x1] =	stream.linear.gather [hbm4b:s8+s2], $0x400, $0x38;
	[tilespmem:$0x10100] =	vst v63  }
0xe5: {  	s14 =	spop (v2sf)  }
0xe6: {  	(v2sf) =	vpush v0, $0x9;
	s8 =	sand.u32 $0x7FFFFC00, s14  }
0xe7: {  	s8 =	sadd.s32 s23, s8  }
0xe8: {  	s8 =	sshrl.u32 s8, $0x3  }
0xe9: {  	s15 =	simm.s32 $0x9880;
	s16 =	spop (v2sf);
	s8 =	sadd.s32 s6, s8  }
0xea: {  	(v2sf) =	vpush v0, $0xA;
	[tilespmem:s15], [sflag:$0x1] =	stream.linear.gather [hbm4b:s8+s2], $0x400, $0x38;
	[tilespmem:$0x10100] =	vst v63  }
0xeb: {  	s8 =	sand.u32 $0x7FFFFC00, s16  }
0xec: {  	s8 =	sadd.s32 s23, s8  }
0xed: {  	s8 =	sshrl.u32 s8, $0x3  }
0xee: {  	s17 =	simm.s32 $0x9C80;
	s18 =	spop (v2sf);
	s8 =	sadd.s32 s6, s8  }
0xef: {  	(v2sf) =	vpush v0, $0xB;
	[tilespmem:s17], [sflag:$0x1] =	stream.linear.gather [hbm4b:s8+s2], $0x400, $0x38;
	[tilespmem:$0x10100] =	vst v63  }
0xf0: {  	s19 =	sadd.s32 $0x3D1800, s7;
	s8 =	sand.u32 $0x7FFFFC00, s18  }
0xf1: {  	s8 =	sadd.s32 s19, s8  }
0xf2: {  	s8 =	sshrl.u32 s8, $0x3  }
0xf3: {  	s20 =	simm.s32 $0xA080;
	s8 =	sadd.s32 s6, s8  }
0xf4: {  	[tilespmem:s20], [sflag:$0x1] =	stream.linear.gather [hbm4b:s8+s2], $0x400, $0x38;
	[tilespmem:$0x10100] =	vst v63  }
0xf5: {  	s21 =	spop (v2sf)  }
0xf6: {  	(v2sf) =	vpush v0, $0xC;
	s8 =	sand.u32 $0x7FFFFC00, s21  }
0xf7: {  	s8 =	sadd.s32 s19, s8  }
0xf8: {  	s8 =	sshrl.u32 s8, $0x3  }
0xf9: {  	s22 =	simm.s32 $0xA480;
	s23 =	spop (v2sf);
	s8 =	sadd.s32 s6, s8  }
0xfa: {  	(v2sf) =	vpush v0, $0xD;
	[tilespmem:s22], [sflag:$0x1] =	stream.linear.gather [hbm4b:s8+s2], $0x400, $0x38;
	[tilespmem:$0x10100] =	vst v63  }
0xfb: {  	s8 =	sand.u32 $0x7FFFFC00, s23  }
0xfc: {  	s8 =	sadd.s32 s19, s8  }
0xfd: {  	s8 =	sshrl.u32 s8, $0x3  }
0xfe: {  	s24 =	simm.s32 $0xA880;
	s25 =	spop (v2sf);
	s8 =	sadd.s32 s6, s8  }
0xff: {  	(v2sf) =	vpush v0, $0xE;
	[tilespmem:s24], [sflag:$0x1] =	stream.linear.gather [hbm4b:s8+s2], $0x400, $0x38;
	[tilespmem:$0x10100] =	vst v63  }
0x100: {  	s8 =	sand.u32 $0x7FFFFC00, s25  }
0x101: {  	s8 =	sadd.s32 s19, s8  }
0x102: {  	s8 =	sshrl.u32 s8, $0x3  }
0x103: {  	s26 =	simm.s32 $0xAC80;
	s8 =	sadd.s32 s6, s8  }
0x104: {  	[tilespmem:s26], [sflag:$0x1] =	stream.linear.gather [hbm4b:s8+s2], $0x400, $0x38;
	[tilespmem:$0x10100] =	vst v63  }
0x105: {  	s28 =	spop (v2sf)  }
0x106: {  	(v2sf) =	vpush v0, $0xF;
	s8 =	sand.u32 $0x7FFFFC00, s28  }
0x107: {  	s8 =	sadd.s32 s19, s8  }
0x108: {  	s8 =	sshrl.u32 s8, $0x3  }
0x109: {  	s29 =	simm.s32 $0xB080;
	s30 =	spop (v2sf);
	s8 =	sadd.s32 s6, s8  }
0x10a: {  	[tilespmem:s29], [sflag:$0x1] =	stream.linear.gather [hbm4b:s8+s2], $0x400, $0x38;
	[tilespmem:$0x10100] =	vst v63  }
0x10b: {  	s8 =	sand.u32 $0x7FFFFC00, s30  }
0x10c: {  	s8 =	sadd.s32 s19, s8  }
0x10d: {  	s8 =	sshrl.u32 s8, $0x3  }
0x10e: {  	s31 =	simm.s32 $0xB480;
	s10 =	spop (v2sf);
	s8 =	sadd.s32 s6, s8  }
0x10f: {  	[tilespmem:s31], [sflag:$0x1] =	stream.linear.gather [hbm4b:s8+s2], $0x400, $0x38;
	[tilespmem:$0x10100] =	vst v63  }
0x110: {  	s8 =	sand.u32 $0x7FFFFC00, s10  }
0x111: {  	s8 =	sadd.s32 s19, s8  }
0x112: {  	s8 =	sshrl.u32 s8, $0x3  }
0x113: {  	s11 =	simm.s32 $0xB880;
	s8 =	sadd.s32 s6, s8  }
0x114: {  	[tilespmem:s11], [sflag:$0x1] =	stream.linear.gather [hbm4b:s8+s2], $0x400, $0x38;
	[tilespmem:$0x10100] =	vst v63  }
0x115: {  	s12 =	spop (v2sf)  }
0x116: {  	s8 =	sand.u32 $0x7FFFFC00, s12  }
0x117: {  	s8 =	sadd.s32 s19, s8  }
0x118: {  	s8 =	sshrl.u32 s8, $0x3  }
0x119: {  	s13 =	simm.s32 $0xBC80;
	s8 =	sadd.s32 s6, s8  }
0x11a: {  	[tilespmem:s13], [sflag:$0x1] =	stream.linear.gather [hbm4b:s8+s2], $0x400, $0x38;
	[tilespmem:$0x10100] =	vst v63  }
0x11b: {  	v57 =	vld [tilespmem:$0x30];
	_ =	sdelay $0x4  }
0x11c: {  	v0 =	vshll.u32 v57, $0x3  }
0x11d: {  	(v2sf) =	vpush v0, $0x0;
	_ =	sdelay $0x3  }
0x11e: {  	(v2sf) =	vpush v0, $0x1;
	_ =	sdelay $0x3  }
0x11f: {  	(v2sf) =	vpush v0, $0x2;
	_ =	sdelay $0x6  }
0x120: {  	s14 =	spop (v2sf);
	(v2sf) =	vpush v0, $0x3;
	_ =	sdelay $0x1  }
0x121: {  	s15 =	sadd.s32 $0x495000, s7;
	s8 =	sand.u32 $0x7FFFFC00, s14  }
0x122: {  	s8 =	sadd.s32 s15, s8  }
0x123: {  	s17 =	spop (v2sf);
	(v2sf) =	vpush v0, $0x4;
	s8 =	sshrl.u32 s8, $0x3  }
0x124: {  	s16 =	simm.s32 $0xC080;
	s8 =	sadd.s32 s6, s8  }
0x125: {  	[tilespmem:s16], [sflag:$0x1] =	stream.linear.gather [hbm4b:s8+s2], $0x400, $0x38;
	[tilespmem:$0x10100] =	vst v63  }
0x126: {  	s8 =	sand.u32 $0x7FFFFC00, s17  }
0x127: {  	s19 =	spop (v2sf);
	(v2sf) =	vpush v0, $0x5;
	s8 =	sadd.s32 s15, s8  }
0x128: {  	s8 =	sshrl.u32 s8, $0x3  }
0x129: {  	s18 =	simm.s32 $0xC480;
	s8 =	sadd.s32 s6, s8  }
0x12a: {  	[tilespmem:s18], [sflag:$0x1] =	stream.linear.gather [hbm4b:s8+s2], $0x400, $0x38;
	[tilespmem:$0x10100] =	vst v63  }
0x12b: {  	s8 =	sand.u32 $0x7FFFFC00, s19  }
0x12c: {  	s8 =	sadd.s32 s15, s8  }
0x12d: {  	s8 =	sshrl.u32 s8, $0x3  }
0x12e: {  	s20 =	simm.s32 $0xC880;
	s8 =	sadd.s32 s6, s8;
	s21 =	spop (v2sf);
	(v2sf) =	vpush v0, $0x6  }
0x12f: {  	[tilespmem:s20], [sflag:$0x1] =	stream.linear.gather [hbm4b:s8+s2], $0x400, $0x38;
	[tilespmem:$0x10100] =	vst v63  }
0x130: {  	s8 =	sand.u32 $0x7FFFFC00, s21  }
0x131: {  	s8 =	sadd.s32 s15, s8  }
0x132: {  	s23 =	spop (v2sf);
	(v2sf) =	vpush v0, $0x7;
	s8 =	sshrl.u32 s8, $0x3  }
0x133: {  	s22 =	simm.s32 $0xCC80;
	s8 =	sadd.s32 s6, s8  }
0x134: {  	[tilespmem:s22], [sflag:$0x1] =	stream.linear.gather [hbm4b:s8+s2], $0x400, $0x38;
	[tilespmem:$0x10100] =	vst v63  }
0x135: {  	s8 =	sand.u32 $0x7FFFFC00, s23  }
0x136: {  	s25 =	spop (v2sf);
	(v2sf) =	vpush v0, $0x8;
	s8 =	sadd.s32 s15, s8  }
0x137: {  	s8 =	sshrl.u32 s8, $0x3  }
0x138: {  	s24 =	simm.s32 $0xD080;
	s8 =	sadd.s32 s6, s8  }
0x139: {  	[tilespmem:s24], [sflag:$0x1] =	stream.linear.gather [hbm4b:s8+s2], $0x400, $0x38;
	[tilespmem:$0x10100] =	vst v63  }
0x13a: {  	s8 =	sand.u32 $0x7FFFFC00, s25  }
0x13b: {  	s8 =	sadd.s32 s15, s8  }
0x13c: {  	s8 =	sshrl.u32 s8, $0x3  }
0x13d: {  	s26 =	simm.s32 $0xD480;
	s8 =	sadd.s32 s6, s8;
	s28 =	spop (v2sf);
	(v2sf) =	vpush v0, $0x9  }
0x13e: {  	[tilespmem:s26], [sflag:$0x1] =	stream.linear.gather [hbm4b:s8+s2], $0x400, $0x38;
	[tilespmem:$0x10100] =	vst v63  }
0x13f: {  	s8 =	sand.u32 $0x7FFFFC00, s28  }
0x140: {  	s8 =	sadd.s32 s15, s8  }
0x141: {  	s30 =	spop (v2sf);
	(v2sf) =	vpush v0, $0xA;
	s8 =	sshrl.u32 s8, $0x3  }
0x142: {  	s29 =	simm.s32 $0xD880;
	s8 =	sadd.s32 s6, s8  }
0x143: {  	[tilespmem:s29], [sflag:$0x1] =	stream.linear.gather [hbm4b:s8+s2], $0x400, $0x38;
	[tilespmem:$0x10100] =	vst v63  }
0x144: {  	s8 =	sand.u32 $0x7FFFFC00, s30  }
0x145: {  	s10 =	spop (v2sf);
	(v2sf) =	vpush v0, $0xB;
	s8 =	sadd.s32 s15, s8  }
0x146: {  	s8 =	sshrl.u32 s8, $0x3  }
0x147: {  	s31 =	simm.s32 $0xDC80;
	s8 =	sadd.s32 s6, s8  }
0x148: {  	[tilespmem:s31], [sflag:$0x1] =	stream.linear.gather [hbm4b:s8+s2], $0x400, $0x38;
	[tilespmem:$0x10100] =	vst v63  }
0x149: {  	s7 =	sadd.s32 $0x558800, s7;
	s8 =	sand.u32 $0x7FFFFC00, s10  }
0x14a: {  	s8 =	sadd.s32 s7, s8  }
0x14b: {  	s8 =	sshrl.u32 s8, $0x3  }
0x14c: {  	s11 =	simm.s32 $0xE080;
	s8 =	sadd.s32 s6, s8;
	s12 =	spop (v2sf);
	(v2sf) =	vpush v0, $0xC  }
0x14d: {  	[tilespmem:s11], [sflag:$0x1] =	stream.linear.gather [hbm4b:s8+s2], $0x400, $0x38;
	[tilespmem:$0x10100] =	vst v63  }
0x14e: {  	s8 =	sand.u32 $0x7FFFFC00, s12  }
0x14f: {  	s8 =	sadd.s32 s7, s8  }
0x150: {  	s14 =	spop (v2sf);
	(v2sf) =	vpush v0, $0xD;
	s8 =	sshrl.u32 s8, $0x3  }
0x151: {  	s13 =	simm.s32 $0xE480;
	s8 =	sadd.s32 s6, s8  }
0x152: {  	[tilespmem:s13], [sflag:$0x1] =	stream.linear.gather [hbm4b:s8+s2], $0x400, $0x38;
	[tilespmem:$0x10100] =	vst v63  }
0x153: {  	s8 =	sand.u32 $0x7FFFFC00, s14  }
0x154: {  	s16 =	spop (v2sf);
	(v2sf) =	vpush v0, $0xE;
	s8 =	sadd.s32 s7, s8  }
0x155: {  	s8 =	sshrl.u32 s8, $0x3  }
0x156: {  	s15 =	simm.s32 $0xE880;
	s8 =	sadd.s32 s6, s8  }
0x157: {  	[tilespmem:s15], [sflag:$0x1] =	stream.linear.gather [hbm4b:s8+s2], $0x400, $0x38;
	[tilespmem:$0x10100] =	vst v63  }
0x158: {  	s8 =	sand.u32 $0x7FFFFC00, s16  }
0x159: {  	s8 =	sadd.s32 s7, s8  }
0x15a: {  	s8 =	sshrl.u32 s8, $0x3  }
0x15b: {  	s17 =	simm.s32 $0xEC80;
	s8 =	sadd.s32 s6, s8;
	s18 =	spop (v2sf);
	(v2sf) =	vpush v0, $0xF  }
0x15c: {  	[tilespmem:s17], [sflag:$0x1] =	stream.linear.gather [hbm4b:s8+s2], $0x400, $0x38;
	[tilespmem:$0x10100] =	vst v63  }
0x15d: {  	s8 =	sand.u32 $0x7FFFFC00, s18  }
0x15e: {  	s8 =	sadd.s32 s7, s8  }
0x15f: {  	s19 =	spop (v2sf);
	s8 =	sshrl.u32 s8, $0x3  }
0x160: {  	s20 =	simm.s32 $0xF080;
	s21 =	sand.u32 $0x7FFFFC00, s19;
	s8 =	sadd.s32 s6, s8  }
0x161: {  	[tilespmem:s20], [sflag:$0x1] =	stream.linear.gather [hbm4b:s8+s2], $0x400, $0x38;
	[tilespmem:$0x10100] =	vst v63  }
0x162: {  	s8 =	sadd.s32 s7, s21  }
0x163: {  	s22 =	spop (v2sf);
	s8 =	sshrl.u32 s8, $0x3  }
0x164: {  	s23 =	simm.s32 $0xF480;
	s24 =	sand.u32 $0x7FFFFC00, s22;
	s8 =	sadd.s32 s6, s8  }
0x165: {  	[tilespmem:s23], [sflag:$0x1] =	stream.linear.gather [hbm4b:s8+s2], $0x400, $0x38;
	[tilespmem:$0x10100] =	vst v63  }
0x166: {  	s8 =	sadd.s32 s7, s24  }
0x167: {  	s8 =	sshrl.u32 s8, $0x3  }
0x168: {  	s25 =	simm.s32 $0xF880;
	s8 =	sadd.s32 s6, s8  }
0x169: {  	[tilespmem:s25], [sflag:$0x1] =	stream.linear.gather [hbm4b:s8+s2], $0x400, $0x38;
	[tilespmem:$0x10100] =	vst v63  }
0x16a: {  	s26 =	spop (v2sf)  }
0x16b: {  	s8 =	sand.u32 $0x7FFFFC00, s26  }
0x16c: {  	s7 =	sadd.s32 s7, s8  }
0x16d: {  	s7 =	sshrl.u32 s7, $0x3  }
0x16e: {  	s28 =	simm.s32 $0xFC80;
	s29 =	simm.s32 $0x1;
	s6 =	sadd.s32 s6, s7  }
0x16f: {  	[tilespmem:s28], [sflag:$0x1] =	stream.linear.gather [hbm4b:s6+s2], $0x400, $0x38;
	[tilespmem:$0x10100] =	vst v63  }
0x170: {  	_ =	swait.ge [sflag:s29], $0x400  }
0x171: {  	[sflag:s29] =	ssyncset.done $0x0  }
0x172: {  	[sflag:s29] =	ssyncadd.s32 $0xFFFFFC00  }
0x173: {  	_ =	swait.ge [sflag:s29], $0x400  }
0x174: {  	[sflag:s29] =	ssyncset.done $0x0  }
0x175: {  	[sflag:s29] =	ssyncadd.s32 $0xFFFFFC00  }
0x176: {  	_ =	swait.ge [sflag:s29], $0x400  }
0x177: {  	[sflag:s29] =	ssyncset.done $0x0  }
0x178: {  	[sflag:s29] =	ssyncadd.s32 $0xFFFFFC00  }
0x179: {  	_ =	swait.ge [sflag:s29], $0x400  }
0x17a: {  	[sflag:s29] =	ssyncset.done $0x0  }
0x17b: {  	[sflag:s29] =	ssyncadd.s32 $0xFFFFFC00  }
0x17c: {  	_ =	swait.ge [sflag:s29], $0x400  }
0x17d: {  	[sflag:s29] =	ssyncset.done $0x0  }
0x17e: {  	[sflag:s29] =	ssyncadd.s32 $0xFFFFFC00  }
0x17f: {  	_ =	swait.ge [sflag:s29], $0x400  }
0x180: {  	[sflag:s29] =	ssyncset.done $0x0  }
0x181: {  	[sflag:s29] =	ssyncadd.s32 $0xFFFFFC00  }
0x182: {  	_ =	swait.ge [sflag:s29], $0x400  }
0x183: {  	[sflag:s29] =	ssyncset.done $0x0  }
0x184: {  	[sflag:s29] =	ssyncadd.s32 $0xFFFFFC00  }
0x185: {  	_ =	swait.ge [sflag:s29], $0x400  }
0x186: {  	[sflag:s29] =	ssyncset.done $0x0  }
0x187: {  	[sflag:s29] =	ssyncadd.s32 $0xFFFFFC00  }
0x188: {  	_ =	swait.ge [sflag:s29], $0x400  }
0x189: {  	[sflag:s29] =	ssyncset.done $0x0  }
0x18a: {  	[sflag:s29] =	ssyncadd.s32 $0xFFFFFC00  }
0x18b: {  	_ =	swait.ge [sflag:s29], $0x400  }
0x18c: {  	[sflag:s29] =	ssyncset.done $0x0  }
0x18d: {  	[sflag:s29] =	ssyncadd.s32 $0xFFFFFC00  }
0x18e: {  	_ =	swait.ge [sflag:s29], $0x400  }
0x18f: {  	[sflag:s29] =	ssyncset.done $0x0  }
0x190: {  	[sflag:s29] =	ssyncadd.s32 $0xFFFFFC00  }
0x191: {  	_ =	swait.ge [sflag:s29], $0x400  }
0x192: {  	[sflag:s29] =	ssyncset.done $0x0  }
0x193: {  	[sflag:s29] =	ssyncadd.s32 $0xFFFFFC00  }
0x194: {  	_ =	swait.ge [sflag:s29], $0x400  }
0x195: {  	[sflag:s29] =	ssyncset.done $0x0  }
0x196: {  	[sflag:s29] =	ssyncadd.s32 $0xFFFFFC00  }
0x197: {  	_ =	swait.ge [sflag:s29], $0x400  }
0x198: {  	[sflag:s29] =	ssyncset.done $0x0  }
0x199: {  	[sflag:s29] =	ssyncadd.s32 $0xFFFFFC00  }
0x19a: {  	_ =	swait.ge [sflag:s29], $0x400  }
0x19b: {  	[sflag:s29] =	ssyncset.done $0x0  }
0x19c: {  	[sflag:s29] =	ssyncadd.s32 $0xFFFFFC00  }
0x19d: {  	_ =	swait.ge [sflag:s29], $0x400  }
0x19e: {  	[sflag:s29] =	ssyncset.done $0x0  }
0x19f: {  	[sflag:s29] =	ssyncadd.s32 $0xFFFFFC00  }
0x1a0: {  	_ =	swait.ge [sflag:s29], $0x400  }
0x1a1: {  	[sflag:s29] =	ssyncset.done $0x0  }
0x1a2: {  	[sflag:s29] =	ssyncadd.s32 $0xFFFFFC00  }
0x1a3: {  	_ =	swait.ge [sflag:s29], $0x400  }
0x1a4: {  	[sflag:s29] =	ssyncset.done $0x0  }
0x1a5: {  	[sflag:s29] =	ssyncadd.s32 $0xFFFFFC00  }
0x1a6: {  	_ =	swait.ge [sflag:s29], $0x400  }
0x1a7: {  	[sflag:s29] =	ssyncset.done $0x0  }
0x1a8: {  	[sflag:s29] =	ssyncadd.s32 $0xFFFFFC00  }
0x1a9: {  	_ =	swait.ge [sflag:s29], $0x400  }
0x1aa: {  	[sflag:s29] =	ssyncset.done $0x0  }
0x1ab: {  	[sflag:s29] =	ssyncadd.s32 $0xFFFFFC00  }
0x1ac: {  	_ =	swait.ge [sflag:s29], $0x400  }
0x1ad: {  	[sflag:s29] =	ssyncset.done $0x0  }
0x1ae: {  	[sflag:s29] =	ssyncadd.s32 $0xFFFFFC00  }
0x1af: {  	_ =	swait.ge [sflag:s29], $0x400  }
0x1b0: {  	[sflag:s29] =	ssyncset.done $0x0  }
0x1b1: {  	[sflag:s29] =	ssyncadd.s32 $0xFFFFFC00  }
0x1b2: {  	_ =	swait.ge [sflag:s29], $0x400  }
0x1b3: {  	[sflag:s29] =	ssyncset.done $0x0  }
0x1b4: {  	[sflag:s29] =	ssyncadd.s32 $0xFFFFFC00  }
0x1b5: {  	_ =	swait.ge [sflag:s29], $0x400  }
0x1b6: {  	[sflag:s29] =	ssyncset.done $0x0  }
0x1b7: {  	[sflag:s29] =	ssyncadd.s32 $0xFFFFFC00  }
0x1b8: {  	_ =	swait.ge [sflag:s29], $0x400  }
0x1b9: {  	[sflag:s29] =	ssyncset.done $0x0  }
0x1ba: {  	[sflag:s29] =	ssyncadd.s32 $0xFFFFFC00  }
0x1bb: {  	_ =	swait.ge [sflag:s29], $0x400  }
0x1bc: {  	[sflag:s29] =	ssyncset.done $0x0  }
0x1bd: {  	[sflag:s29] =	ssyncadd.s32 $0xFFFFFC00  }
0x1be: {  	_ =	swait.ge [sflag:s29], $0x400  }
0x1bf: {  	[sflag:s29] =	ssyncset.done $0x0  }
0x1c0: {  	[sflag:s29] =	ssyncadd.s32 $0xFFFFFC00  }
0x1c1: {  	_ =	swait.ge [sflag:s29], $0x400  }
0x1c2: {  	[sflag:s29] =	ssyncset.done $0x0  }
0x1c3: {  	[sflag:s29] =	ssyncadd.s32 $0xFFFFFC00  }
0x1c4: {  	_ =	swait.ge [sflag:s29], $0x400  }
0x1c5: {  	[sflag:s29] =	ssyncset.done $0x0  }
0x1c6: {  	[sflag:s29] =	ssyncadd.s32 $0xFFFFFC00  }
0x1c7: {  	_ =	swait.ge [sflag:s29], $0x400  }
0x1c8: {  	[sflag:s29] =	ssyncset.done $0x0  }
0x1c9: {  	[sflag:s29] =	ssyncadd.s32 $0xFFFFFC00  }
0x1ca: {  	_ =	swait.ge [sflag:s29], $0x400  }
0x1cb: {  	[sflag:s29] =	ssyncset.done $0x0  }
0x1cc: {  	[sflag:s29] =	ssyncadd.s32 $0xFFFFFC00  }
0x1cd: {  	_ =	swait.ge [sflag:s29], $0x400  }
0x1ce: {  	[sflag:s29] =	ssyncset.done $0x0  }
0x1cf: {  	[sflag:s29] =	ssyncadd.s32 $0xFFFFFC00  }
0x1d0: {  	_ =	swait.ge [sflag:s29], $0x400  }
0x1d1: {  	[sflag:s29] =	ssyncset.done $0x0  }
0x1d2: {  	[sflag:s29] =	ssyncadd.s32 $0xFFFFFC00  }
0x1d3: {  	_ =	swait.ge [sflag:s29], $0x400  }
0x1d4: {  	[sflag:s29] =	ssyncset.done $0x0  }
0x1d5: {  	[sflag:s29] =	ssyncadd.s32 $0xFFFFFC00  }
0x1d6: {  	_ =	swait.ge [sflag:s29], $0x400  }
0x1d7: {  	[sflag:s29] =	ssyncset.done $0x0  }
0x1d8: {  	[sflag:s29] =	ssyncadd.s32 $0xFFFFFC00  }
0x1d9: {  	_ =	swait.ge [sflag:s29], $0x400  }
0x1da: {  	[sflag:s29] =	ssyncset.done $0x0  }
0x1db: {  	[sflag:s29] =	ssyncadd.s32 $0xFFFFFC00  }
0x1dc: {  	_ =	swait.ge [sflag:s29], $0x400  }
0x1dd: {  	[sflag:s29] =	ssyncset.done $0x0  }
0x1de: {  	[sflag:s29] =	ssyncadd.s32 $0xFFFFFC00  }
0x1df: {  	_ =	swait.ge [sflag:s29], $0x400  }
0x1e0: {  	[sflag:s29] =	ssyncset.done $0x0  }
0x1e1: {  	[sflag:s29] =	ssyncadd.s32 $0xFFFFFC00  }
0x1e2: {  	_ =	swait.ge [sflag:s29], $0x400  }
0x1e3: {  	[sflag:s29] =	ssyncset.done $0x0  }
0x1e4: {  	[sflag:s29] =	ssyncadd.s32 $0xFFFFFC00  }
0x1e5: {  	_ =	swait.ge [sflag:s29], $0x400  }
0x1e6: {  	[sflag:s29] =	ssyncset.done $0x0  }
0x1e7: {  	[sflag:s29] =	ssyncadd.s32 $0xFFFFFC00  }
0x1e8: {  	_ =	swait.ge [sflag:s29], $0x400  }
0x1e9: {  	[sflag:s29] =	ssyncset.done $0x0  }
0x1ea: {  	[sflag:s29] =	ssyncadd.s32 $0xFFFFFC00  }
0x1eb: {  	_ =	swait.ge [sflag:s29], $0x400  }
0x1ec: {  	[sflag:s29] =	ssyncset.done $0x0  }
0x1ed: {  	[sflag:s29] =	ssyncadd.s32 $0xFFFFFC00  }
0x1ee: {  	_ =	swait.ge [sflag:s29], $0x400  }
0x1ef: {  	[sflag:s29] =	ssyncset.done $0x0  }
0x1f0: {  	[sflag:s29] =	ssyncadd.s32 $0xFFFFFC00  }
0x1f1: {  	_ =	swait.ge [sflag:s29], $0x400  }
0x1f2: {  	[sflag:s29] =	ssyncset.done $0x0  }
0x1f3: {  	[sflag:s29] =	ssyncadd.s32 $0xFFFFFC00  }
0x1f4: {  	_ =	swait.ge [sflag:s29], $0x400  }
0x1f5: {  	[sflag:s29] =	ssyncset.done $0x0  }
0x1f6: {  	[sflag:s29] =	ssyncadd.s32 $0xFFFFFC00  }
0x1f7: {  	_ =	swait.ge [sflag:s29], $0x400  }
0x1f8: {  	[sflag:s29] =	ssyncset.done $0x0  }
0x1f9: {  	[sflag:s29] =	ssyncadd.s32 $0xFFFFFC00  }
0x1fa: {  	_ =	swait.ge [sflag:s29], $0x400  }
0x1fb: {  	[sflag:s29] =	ssyncset.done $0x0  }
0x1fc: {  	[sflag:s29] =	ssyncadd.s32 $0xFFFFFC00  }
0x1fd: {  	_ =	swait.ge [sflag:s29], $0x400  }
0x1fe: {  	[sflag:s29] =	ssyncset.done $0x0  }
0x1ff: {  	[sflag:s29] =	ssyncadd.s32 $0xFFFFFC00  }
0x200: {  	_ =	swait.ge [sflag:s29], $0x400  }
0x201: {  	[sflag:s29] =	ssyncset.done $0x0  }
0x202: {  	[sflag:s29] =	ssyncadd.s32 $0xFFFFFC00  }
0x203: {  	_ =	swait.ge [sflag:s29], $0x400  }
0x204: {  	[sflag:s29] =	ssyncset.done $0x0  }
0x205: {  	[sflag:s29] =	ssyncadd.s32 $0xFFFFFC00  }
0x206: {  	_ =	swait.ge [sflag:s29], $0x400  }
0x207: {  	[sflag:s29] =	ssyncset.done $0x0  }
0x208: {  	[sflag:s29] =	ssyncadd.s32 $0xFFFFFC00  }
0x209: {  	_ =	swait.ge [sflag:s29], $0x400  }
0x20a: {  	[sflag:s29] =	ssyncset.done $0x0  }
0x20b: {  	[sflag:s29] =	ssyncadd.s32 $0xFFFFFC00  }
0x20c: {  	_ =	swait.ge [sflag:s29], $0x400  }
0x20d: {  	[sflag:s29] =	ssyncset.done $0x0  }
0x20e: {  	[sflag:s29] =	ssyncadd.s32 $0xFFFFFC00  }
0x20f: {  	_ =	swait.ge [sflag:s29], $0x400  }
0x210: {  	[sflag:s29] =	ssyncset.done $0x0  }
0x211: {  	[sflag:s29] =	ssyncadd.s32 $0xFFFFFC00  }
0x212: {  	_ =	swait.ge [sflag:s29], $0x400  }
0x213: {  	[sflag:s29] =	ssyncset.done $0x0  }
0x214: {  	[sflag:s29] =	ssyncadd.s32 $0xFFFFFC00  }
0x215: {  	_ =	swait.ge [sflag:s29], $0x400  }
0x216: {  	[sflag:s29] =	ssyncset.done $0x0  }
0x217: {  	[sflag:s29] =	ssyncadd.s32 $0xFFFFFC00  }
0x218: {  	_ =	swait.ge [sflag:s29], $0x400  }
0x219: {  	[sflag:s29] =	ssyncset.done $0x0  }
0x21a: {  	[sflag:s29] =	ssyncadd.s32 $0xFFFFFC00  }
0x21b: {  	_ =	swait.ge [sflag:s29], $0x400  }
0x21c: {  	[sflag:s29] =	ssyncset.done $0x0  }
0x21d: {  	[sflag:s29] =	ssyncadd.s32 $0xFFFFFC00  }
0x21e: {  	_ =	swait.ge [sflag:s29], $0x400  }
0x21f: {  	[sflag:s29] =	ssyncset.done $0x0  }
0x220: {  	[sflag:s29] =	ssyncadd.s32 $0xFFFFFC00  }
0x221: {  	_ =	swait.ge [sflag:s29], $0x400  }
0x222: {  	[sflag:s29] =	ssyncset.done $0x0  }
0x223: {  	[sflag:s29] =	ssyncadd.s32 $0xFFFFFC00  }
0x224: {  	_ =	swait.ge [sflag:s29], $0x400  }
0x225: {  	[sflag:s29] =	ssyncset.done $0x0  }
0x226: {  	v58 =	vimm.s32 $0x3F80;
	vm13 =	vcmask $0x300;
	[sflag:s29] =	ssyncadd.s32 $0xFFFFFC00  }
0x227: {  	vm14 =	vcmask $0x704;
	v0 =	vsel vm13, $0x0, v58;
	_ =	swait.ge [sflag:s29], $0x400  }
0x228: {  	vm8 =	vcmask $0xB08;
	v0 =	vsel vm14, $0x480, v0;
	[sflag:s29] =	ssyncset.done $0x0  }
0x229: {  	vm9 =	vcmask $0xF0C;
	v0 =	vsel vm8, $0x900, v0;
	[sflag:s29] =	ssyncadd.s32 $0xFFFFFC00  }
0x22a: {  	vm10 =	vcmask $0x1310;
	v0 =	vsel vm9, $0xD80, v0;
	_ =	swait.ge [sflag:s29], $0x400  }
0x22b: {  	vm11 =	vcmask $0x1714;
	v0 =	vsel vm10, $0x1200, v0;
	[sflag:s29] =	ssyncset.done $0x0  }
0x22c: {  	vm12 =	vcmask $0x1B18;
	v0 =	vsel vm11, $0x1680, v0;
	[sflag:s29] =	ssyncadd.s32 $0xFFFFFC00  }
0x22d: {  	vm6 =	vcmask $0x1F1C;
	v0 =	vsel vm12, $0x1B00, v0;
	_ =	swait.ge [sflag:s29], $0x400  }
0x22e: {  	vm7 =	vcmask $0x2320;
	v0 =	vsel vm6, $0x1F80, v0;
	[sflag:s29] =	ssyncset.done $0x0  }
0x22f: {  	vm4 =	vcmask $0x2724;
	v0 =	vsel vm7, $0x2000, v0;
	[sflag:s29] =	ssyncadd.s32 $0xFFFFFC00  }
0x230: {  	vm5 =	vcmask $0x2B28;
	v0 =	vsel vm4, $0x2480, v0;
	v1 =	vld [tilespmem:$0x0]  }
0x231: {  	vm3 =	vcmask $0x2F2C;
	vm1 =	vcmask $0x3330;
	v0 =	vsel vm5, $0x2900, v0  }
0x232: {  	vm2 =	vcmask $0x3734;
	vm0 =	vcmask $0x3B38;
	v0 =	vsel vm3, $0x2D80, v0  }
0x233: {  	v2 =	vimm.s32 $0x7F80;
	v60 =	vimm.s32 $0xBF80;
	v0 =	vsel vm1, $0x3200, v0  }
0x234: {  	v4 =	vimm.s32 $0xFF80;
	v2 =	vsel vm13, $0x4000, v2;
	v0 =	vsel vm2, $0x3680, v0  }
0x235: {  	v59 =	vsel vm14, $0x4480, v2;
	v0 =	vsel vm0, $0x3B00, v0;
	v1 =	vand.u32 $0x7F, v1  }
0x236: {  	v2 =	vsel vm13, $0x8000, v60;
	v0 =	vor.u32 v0, v1;
	v1 =	vsel vm8, $0x4900, v59  }
0x237: {  	v4 =	vsel vm13, $0xC000, v4;
	v2 =	vsel vm14, $0x8480, v2;
	v1 =	vsel vm9, $0x4D80, v1  }
0x238: {  	v4 =	vsel vm14, $0xC480, v4;
	v2 =	vsel vm8, $0x8900, v2;
	v1 =	vsel vm10, $0x5200, v1  }
0x239: {  	v4 =	vsel vm8, $0xC900, v4;
	v2 =	vsel vm9, $0x8D80, v2;
	v1 =	vsel vm11, $0x5680, v1  }
0x23a: {  	v4 =	vsel vm9, $0xCD80, v4;
	v2 =	vsel vm10, $0x9200, v2;
	v1 =	vsel vm12, $0x5B00, v1  }
0x23b: {  	v4 =	vsel vm10, $0xD200, v4;
	v2 =	vsel vm11, $0x9680, v2;
	v1 =	vsel vm6, $0x5F80, v1  }
0x23c: {  	v4 =	vsel vm11, $0xD680, v4;
	v2 =	vsel vm12, $0x9B00, v2;
	v1 =	vsel vm7, $0x6000, v1  }
0x23d: {  	v4 =	vsel vm12, $0xDB00, v4;
	v2 =	vsel vm6, $0x9F80, v2;
	v3 =	vld [tilespmem:$0x10];
	v1 =	vsel vm4, $0x6480, v1  }
0x23e: {  	v4 =	vsel vm6, $0xDF80, v4;
	v2 =	vsel vm7, $0xA000, v2;
	v1 =	vsel vm5, $0x6900, v1  }
0x23f: {  	v4 =	vsel vm7, $0xE000, v4;
	v2 =	vsel vm4, $0xA480, v2;
	v5 =	vld [tilespmem:$0x20];
	v1 =	vsel vm3, $0x6D80, v1  }
0x240: {  	v4 =	vsel vm4, $0xE480, v4;
	v2 =	vsel vm5, $0xA900, v2;
	v1 =	vsel vm1, $0x7200, v1  }
0x241: {  	v4 =	vsel vm5, $0xE900, v4;
	v2 =	vsel vm3, $0xAD80, v2;
	v6 =	vld [tilespmem:$0x30];
	v1 =	vsel vm2, $0x7680, v1  }
0x242: {  	v2 =	vsel vm1, $0xB200, v2;
	v3 =	vand.u32 $0x7F, v3;
	v1 =	vsel vm0, $0x7B00, v1  }
0x243: {  	v61 =	vsel vm3, $0xED80, v4;
	v2 =	vsel vm2, $0xB680, v2;
	v1 =	vor.u32 v1, v3  }
0x244: {  	v2 =	vsel vm0, $0xBB00, v2;
	v62 =	vand.u32 $0x7F, v5;
	v3 =	vsel vm1, $0xF200, v61  }
0x245: {  	v2 =	vor.u32 v2, v62;
	v3 =	vsel vm2, $0xF680, v3  }
0x246: {  	v63 =	vand.u32 $0x7F, v6;
	v0 =	vld.idx.msk [tilespmem:v0+s5+$0x0], $0xffff;
	v3 =	vsel vm0, $0xFB00, v3  }
0x247: {  	v3 =	vor.u32 v3, v63  }
0x248: {  	v1 =	vld.idx.msk [tilespmem:v1+s5+$0x0], $0xffff;
	_ =	sdelay $0x1  }
0x249: {  	v2 =	vld.idx.msk [tilespmem:v2+s5+$0x0], $0xffff  }
0x24a: {  	v0 =	vadd.f32 $0.0e+00, v0  }
0x24b: {  	v3 =	vld.idx.msk [tilespmem:v3+s5+$0x0], $0xffff  }
0x24c: {  	v0 =	vadd.f32 v1, v0;
	_ =	sdelay $0x1  }
0x24d: {  	v0 =	vadd.f32 v2, v0;
	_ =	sdelay $0x1  }
0x24e: {  	s30 =	sshll.u32 s1, $0x4;
	v0 =	vadd.f32 v3, v0  }
0x24f: {  	s3 =	sadd.s32 s30, s3  }
0x250: {  	s3 =	sadd.s32 $0xC38800, s3;
	s31 =	simm.s32 $0x10080;
	[tilespmem:$0x10080] =	vst v0  }
0x251: {  	[hbm4b:s3+s2] =	stream.linear.scatter [tilespmem:s31], [sflag:$0x2], $0x80, $0x38;
	[tilespmem:$0x10100] =	vst v63  }
0x252: {  	_ =	swait.ge [sflag:s4], $0x80  }
0x253: {  	[sflag:s4] =	ssyncset.done $0x0  }
0x254: {  	[sflag:s4] =	ssyncadd.s32 $0xFFFFFF80  }
0x255: {  	_ =	sfence.sel $0x180000  }
0x256: {  	[bflag:$0x0] =	sbarrier.arrive $0xFFFF  }
0x257: {  	p0 =	sne.s32 s1, $0x0;
	_ =	strace $0x90000047  }
0x258: {  	s0 =	sadd.s32 @!p0 $0x100000, s0;
	[bflag:$0x2] =	sbarrier.arrive $0xFFFF  }
0x259: {  	[sflag:s0] =	ssyncadd.tile.s32 @!p0 $0x1;
	_ =	shalt  }
.Lfunc_end2:
_tile_overlayer_lowered:
.L_overlay_start_2:
0x25a: {  	(tag) =	ssettag $0x2  }
0x25b: {  	s0 =	rddreg [dreg:$0x0];
	s2 =	stileid.u32  }
0x25c: {  	s1 =	rddreg [dreg:$0x1];
	p0 =	sne.s32 s2, $0x0  }
0x25d: {  	s3 =	rddreg [dreg:$0x2];
	[bflag:$0x3] =	sbarrier.arrive $0xFFFF;
	s2 =	simm.s32 @!p0 $0x1C02  }
0x25e: {  	[timem:s3], [sflag:s2] =	dma.local @!p0 [hbm:s0], s1  }
0x25f: {  	s0 =	simm.s32 @!p0 $0x2  }
0x260: {  	_ =	swait.ge @!p0 [sflag:s0], s1  }
0x261: {  	s1 =	ssub.s32 @!p0 $0x0, s1;
	[sflag:s0] =	ssyncset.done @!p0 $0x0  }
0x262: {  	[sflag:s0] =	ssyncadd.s32 @!p0 s1  }
0x263: {  	[bflag:$0x3] =	sbarrier.arrive $0xFFFF  }
0x264: {  	_ =	shalt  }

// kernel: _relevant_sum.7.cloned.1.call-start
scs
__scs_entry_jumppad:
0x0: {  	(pc) =	sbr.rel $0x88, $3  }
0x1: {  	(tag) =	ssettag $0x0;
	lr =	simm.s32 $0x1  }
0x2: {  	[smem:$0x3F9F] =	sst lr;
	_ =	strace $0xD0000000  }
0x3: {  	_ = 	snop  }
0x4: {  	_ = 	snop  }
0x5: {  	_ = 	snop  }
0x6: {  	_ = 	snop  }
0x7: {  	_ = 	snop  }
__scs_overlays_trampoline_lowered:
0x8: {  	[smem:$0x3FAE] =	sst s0  }
0x9: {  	[smem:$0x3FAF] =	sst s1  }
0xa: {  	[smem:$0x3FB0] =	sst s2  }
0xb: {  	[smem:$0x3FB1] =	sst s3  }
0xc: {  	[smem:$0x3FB2] =	sst s4  }
0xd: {  	[smem:$0x3FB3] =	sst s5  }
0xe: {  	[smem:$0x3FB4] =	sst s6  }
0xf: {  	[smem:$0x3FB5] =	sst s7  }
0x10: {  	[smem:$0x3FB6] =	sst s8  }
0x11: {  	[smem:$0x3FB7] =	sst s9;
	s0 =	simm.s32 @!p0 $0x0  }
0x12: {  	s1 =	sld [smem:$0x3F9D];
	s0 =	simm.s32 @p0 $0x1  }
0x13: {  	[smem:$0x3FB8] =	sst s0;
	s0 =	simm.s32 @!p1 $0x0  }
0x14: {  	s2 =	sld [smem:$0x3F9C];
	s0 =	simm.s32 @p1 $0x1  }
0x15: {  	[smem:$0x3FB9] =	sst s0;
	s0 =	simm.s32 @!p2 $0x0  }
0x16: {  	s3 =	sld [smem:$0x3FDB];
	s0 =	simm.s32 @p2 $0x1  }
0x17: {  	s4 =	simm.s32 $0x1BF5;
	[smem:$0x3FBB] =	sst s0  }
0x18: {  	s0 =	sld [smem:$0x3F9E];
	_ =	swait.ge [sflag:s4], $0x0  }
0x19: {  	s7 =	sld [smem:$0x3F9F]  }
0x1a: {  	s8 =	sadd.s32 $0xFFFFE003, lr  }
0x1b: {  	s9 =	sadd.s32 $0xFFFFFEF7, lr;
	s5 =	simm.s32 $0xFFFFFFFF;
	p2 =	slt.u32 s8, $0xFFFFF086  }
0x1c: {  	p1 =	slt.u32 s9, $0xF7A;
	s5 =	simm.s32 @!p2 $0x0  }
0x1d: {  	s5 =	simm.s32 @p1 $0x1;
	p0 =	seq.s32 s7, s2  }
0x1e: {  	s7 =	smul.u32 @!p0 $0xF7A, s2;
	p2 =	seq.s32 @!p0 s5, $0x0  }
0x1f: {  	s9 =	smul.u32 $0xF7A, s1;
	s8 =	simm.s32 @!p0 $0x1BF5;
	p2 =	por !p2, p0  }
0x20: {  	[sflag:s8] =	ssyncset.s32 @!p0 $0xFFFFF086;
	s6 =	sadd.s32 @!p0 s3, s7;
	s7 =	simm.s32 @!p0 $0x108  }
0x21: {  	s3 =	sadd.s32 s3, s9;
	s6 =	sadd.s32 @!p0 $0x88, s6;
	s7 =	simm.s32 @p2 $0x1082  }
0x22: {  	[simem:s7], [sflag:s8] =	dma.local @!p0 [hbm:s6], $0xF7A  }
0x23: {  	s9 =	sor.u32 $0xD0000000, s2;
	s6 =	simm.s32 $0x108;
	_ =	swait.ge @!p0 [sflag:s8], $0x0  }
0x24: {  	s3 =	sadd.s32 $0x88, s3;
	s6 =	simm.s32 @!p1 $0x1082;
	[sflag:s4] =	ssyncset.s32 $0xFFFFF086  }
0x25: {  	[simem:s6], [sflag:s4] =	dma.local [hbm:s3], $0xF7A  }
0x26: {  	[smem:$0x3F9F] =	sst s1;
	(tag) =	ssettag s2;
	_ =	strace s9  }
0x27: {  	s1 =	sld [smem:$0x3FAF]  }
0x28: {  	s2 =	sld [smem:$0x3FB0]  }
0x29: {  	s4 =	sld [smem:$0x3FB2]  }
0x2a: {  	p0 =	seq.s32 s5, $0x0;
	s5 =	sld [smem:$0x3FB3]  }
0x2b: {  	s6 =	sld [smem:$0x3FB4]  }
0x2c: {  	s7 =	sld [smem:$0x3FB5]  }
0x2d: {  	s3 =	simm.s32 $0x108;
	s8 =	sld [smem:$0x3FB6]  }
0x2e: {  	s3 =	simm.s32 @!p0 $0x1082;
	s9 =	sld [smem:$0x3FB7]  }
0x2f: {  	lr =	sadd.s32 s0, s3;
	s0 =	sld [smem:$0x3FAE]  }
0x30: {  	s3 =	sld [smem:$0x3FB1]  }
0x31: {  	[smem:$0x3FBA] =	sst s10  }
0x32: {  	s10 =	sld [smem:$0x3FB8];
	_ =	sdelay $0x3  }
0x33: {  	p0 =	seq.s32 s10, $0x1;
	s10 =	sld [smem:$0x3FBA];
	_ =	sdelay $0x3  }
0x34: {  	[smem:$0x3FBA] =	sst s10  }
0x35: {  	s10 =	sld [smem:$0x3FB9];
	_ =	sdelay $0x3  }
0x36: {  	p1 =	seq.s32 s10, $0x1;
	s10 =	sld [smem:$0x3FBA];
	_ =	sdelay $0x3  }
0x37: {  	[smem:$0x3FBA] =	sst s10  }
0x38: {  	s10 =	sld [smem:$0x3FBB]  }
0x39: {  	_ = 	snop;
	(pc) =	sbr.ind lr, $3  }
0x3a: {  	_ = 	snop  }
0x3b: {  	_ = 	snop  }
0x3c: {  	p2 =	seq.s32 s10, $0x1;
	s10 =	sld [smem:$0x3FBA]  }
0x3d: {  	_ =	shalt  }
0x3e: {  	_ =	shalt  }
0x3f: {  	_ =	shalt  }
0x40: {  	_ =	shalt  }
0x41: {  	_ =	shalt  }
0x42: {  	_ =	shalt  }
0x43: {  	_ =	shalt  }
0x44: {  	_ =	shalt  }
0x45: {  	_ =	shalt  }
0x46: {  	_ =	shalt  }
0x47: {  	_ =	shalt  }
0x48: {  	_ =	shalt  }
0x49: {  	_ =	shalt  }
0x4a: {  	_ =	shalt  }
0x4b: {  	_ =	shalt  }
0x4c: {  	_ =	shalt  }
0x4d: {  	_ =	shalt  }
0x4e: {  	_ =	shalt  }
0x4f: {  	_ =	shalt  }
0x50: {  	_ =	shalt  }
0x51: {  	_ =	shalt  }
0x52: {  	_ =	shalt  }
0x53: {  	_ =	shalt  }
0x54: {  	_ =	shalt  }
0x55: {  	_ =	shalt  }
0x56: {  	_ =	shalt  }
0x57: {  	_ =	shalt  }
0x58: {  	_ =	shalt  }
0x59: {  	_ =	shalt  }
0x5a: {  	_ =	shalt  }
0x5b: {  	_ =	shalt  }
0x5c: {  	_ =	shalt  }
0x5d: {  	_ =	shalt  }
0x5e: {  	_ =	shalt  }
0x5f: {  	_ =	shalt  }
0x60: {  	_ =	shalt  }
0x61: {  	_ =	shalt  }
0x62: {  	_ =	shalt  }
0x63: {  	_ =	shalt  }
0x64: {  	_ =	shalt  }
0x65: {  	_ =	shalt  }
0x66: {  	_ =	shalt  }
0x67: {  	_ =	shalt  }
0x68: {  	_ =	shalt  }
0x69: {  	_ =	shalt  }
0x6a: {  	_ =	shalt  }
0x6b: {  	_ =	shalt  }
0x6c: {  	_ =	shalt  }
0x6d: {  	_ =	shalt  }
0x6e: {  	_ =	shalt  }
0x6f: {  	_ =	shalt  }
0x70: {  	_ =	shalt  }
0x71: {  	_ =	shalt  }
0x72: {  	_ =	shalt  }
0x73: {  	_ =	shalt  }
0x74: {  	_ =	shalt  }
0x75: {  	_ =	shalt  }
0x76: {  	_ =	shalt  }
0x77: {  	_ =	shalt  }
0x78: {  	_ =	shalt  }
0x79: {  	_ =	shalt  }
0x7a: {  	_ =	shalt  }
0x7b: {  	_ =	shalt  }
0x7c: {  	_ =	shalt  }
0x7d: {  	_ =	shalt  }
0x7e: {  	_ =	shalt  }
0x7f: {  	_ =	shalt  }
0x80: {  	_ =	shalt  }
0x81: {  	_ =	shalt  }
0x82: {  	_ =	shalt  }
0x83: {  	_ =	shalt  }
0x84: {  	_ =	shalt  }
0x85: {  	_ =	shalt  }
0x86: {  	_ =	shalt  }
0x87: {  	_ =	shalt  }
.Lfunc_end0:
.L_simem_size_0:
called_computation.1_lowered:
.L_overlay_start_0:
0x88: {  	s0 =	sld [smem:$0x3FD9]  }
0x89: {  	s1 =	sld [smem:$0x3FFE];
	_ =	sdelay $0x3  }
0x8a: {  	s0 =	sadd.s32 s1, s0  }
0x8b: {  	[smem:$0x3FC6] =	sst s0  }
0x8c: {  	_ = 	snop  }
0x8d: {  	s0 =	sld [smem:$0x3FD0];
	(tm) =	ssettm $0x1  }
0x8e: {  	s16 =	sld [smem:$0x3FFB];
	_ =	sdelay $0x3  }
0x8f: {  	_ =	strace s16  }
0x90: {  	s1 =	sld [smem:$0x3FFC];
	_ =	sdelay $0x3  }
0x91: {  	_ =	strace s1  }
0x92: {  	s1 =	sld [smem:$0x3FFD];
	_ =	sdelay $0x3  }
0x93: {  	_ =	strace s1  }
0x94: {  	_ =	strace $0x8FFFFFFF  }
0x95: {  	s17 =	sld [smem:$0x3FDB];
	_ =	sdelay $0x1  }
0x96: {  	s2 =	simm.s32 $_scs_section_size  }
0x97: {  	s3 =	simm.s32 $_size__tile_overlayer_lowered;
	s4 =	simm.s32 $_tile_overlayer_lowered  }
0x98: {  	s20 =	simm.s32 $0x1BFF;
	s19 =	sshll.u32 s4, $0x1;
	s1 =	sadd.s32 s2, s17  }
0x99: {  	s5 =	simm.s32 $0x0;
	s18 =	sshll.u32 s3, $0x1;
	s3 =	sadd.s32 s19, s1  }
0x9a: {  	[timem:s5], [sflag:s20] =	dma.local [hbm:s3], s18  }
0x9b: {  	_ =	swait.ge [sflag:s20], s18  }
0x9c: {  	s2 =	ssub.s32 $0x0, s18;
	[sflag:s20] =	ssyncset.done $0x0  }
0x9d: {  	[sflag:s20] =	ssyncadd.s32 s2;
	_ =	sdelay $0x1  }
0x9e: {  	s21 =	simm.s32 $0x1B8B  }
0x9f: {  	_ =	swait.ge [sflag:s21], $0x1  }
0xa0: {  	[sflag:s21] =	ssyncset.done $0x0  }
0xa1: {  	s23 =	simm.s32 $0x1B8E;
	s22 =	sld [smem:$0x3FFE];
	[sflag:s21] =	ssyncadd.s32 $0xFFFFFFFF  }
0xa2: {  	s24 =	simm.s32 $execute0_lowered;
	[smem:$0x3FD2] =	sst s23  }
0xa3: {  	s3 =	sshll.u32 s24, $0x1;
	_ =	strace $0x80000049;
	[dreg:$0x1] =	wrdreg $0xFFFFFFFF  }
0xa4: {  	s25 =	simm.s32 $_size_execute0_lowered;
	s1 =	sadd.s32 s1, s3;
	[dreg:$0x0] =	wrdreg $0x0  }
0xa5: {  	s3 =	sshll.u32 s25, $0x1;
	[dreg:$0x2] =	wrdreg s1  }
0xa6: {  	[dreg:$0x3] =	wrdreg s3  }
0xa7: {  	[dreg:$0x4] =	wrdreg $0xC0  }
0xa8: {  	_ =	task [dreg:s5], $0x5FFFF  }
0xa9: {  	[dreg:$0x1] =	wrdreg $0xFFFFFFFF  }
0xaa: {  	[dreg:$0x0] =	wrdreg $0x60  }
0xab: {  	[dreg:$0x2] =	wrdreg s22  }
0xac: {  	[dreg:$0x3] =	wrdreg s0  }
0xad: {  	[dreg:$0x4] =	wrdreg $0x9  }
0xae: {  	_ =	task.clear_ibuf [dreg:s5], $0x5FFFF;
	_ =	strace $0x90000049  }
0xaf: {  	s26 =	simm.s32 $0x9;
	_ =	strace $0x8000004B  }
0xb0: {  	_ =	swait.ge [sflag:s26], $0x1  }
0xb1: {  	[sflag:s26] =	ssyncadd.s32 $0xFFFFFFFF  }
0xb2: {  	_ =	strace $0x9000004B  }
0xb3: {  	_ =	sfence  }
0xb4: {  	s28 =	sld [smem:$0x0];
	_ =	sdelay $0x1  }
0xb5: {  	s29 =	srdreg.scid  }
0xb6: {  	s30 =	sshll.u32 s29, $0xD;
	s31 =	sshrl.u32 s29, $0x2  }
0xb7: {  	s2 =	sand.u32 $0x4000, s30;
	s1 =	sand.u32 $0x1, s29;
	s0 =	sadd.s32 s31, s28  }
0xb8: {  	s1 =	sor.u32 s2, s1;
	s0 =	sshll.u32 s0, $0x11  }
0xb9: {  	s0 =	sor.u32 s0, s1  }
0xba: {  	s0 =	sadd.s32 $0x8F2B, s0  }
0xbb: {  	[sflag:s0] =	ssyncadd.remote.s32 $0x1  }
0xbc: {  	_ =	sfence.sel $0xFFFF  }
0xbd: {  	[dreg:$0x0] =	wrdreg $0xFFFFFFFF;
	(pc) =	sbr.abs _section_cstart, $3  }
0xbe: {  	[dreg:$0x1] =	wrdreg $0xFFFFFFFF  }
0xbf: {  	_ =	task.clear_ibuf [dreg:s5], $0x2FFFF;
	_ =	strace $0x9FFFFFFF  }
0xc0: {  	(tm) =	ssettm $0x7FFFFFFF  }
0xc1: {  	_ =	shalt  }
tec
execute0_lowered:
.L_overlay_start_1:
0x0: {  	(tag) =	ssettag $0x1  }
0x1: {  	s2 =	rddreg [dreg:$0x0]  }
0x2: {  	s1 =	rddreg [dreg:$0x1];
	s3 =	stileid.u32  }
0x3: {  	s0 =	rddreg [dreg:$0x2];
	_ =	strace $0x8000004A;
	p0 =	sne.s32 s3, $0x0  }
0x4: {  	_ =	sfence.sel @p0 $0x180000  }
0x5: {  	[bflag:$0x0] =	sbarrier.arrive @p0 $0xFFFF  }
0x6: {  	_ =	strace @p0 $0x9000004A  }
0x7: {  	[bflag:$0x2] =	sbarrier.arrive @p0 $0xFFFF  }
0x8: {  	_ =	shalt @p0  }
.LBB2_1:
0x9: {  	s2 =	sadd.s32 $0xC38800, s2;
	s3 =	simm.s32 $0x0;
	s31 =	simm.s32 $0x1  }
0xa: {  	[tilespmem:s3], [sflag:$0x1] =	stream.linear.gather [hbm4b:s2+s3], $0x800, $0x38;
	[tilespmem:$0x880] =	vst v63  }
0xb: {  	_ =	swait.ge [sflag:s31], $0x800  }
0xc: {  	[sflag:s31] =	ssyncset.done $0x0  }
0xd: {  	[sflag:s31] =	ssyncadd.s32 $0xFFFFF800  }
0xe: {  	v0 =	vld [tilespmem:$0x0];
	_ =	sdelay $0x1  }
0xf: {  	v1 =	vld [tilespmem:$0x80];
	_ =	sdelay $0x1  }
0x10: {  	v2 =	vld [tilespmem:$0x100]  }
0x11: {  	v0 =	vadd.f32 $0.0e+00, v0  }
0x12: {  	v3 =	vld [tilespmem:$0x180]  }
0x13: {  	v0 =	vadd.f32 v1, v0  }
0x14: {  	v39 =	vld [tilespmem:$0x200]  }
0x15: {  	v0 =	vadd.f32 v2, v0  }
0x16: {  	v40 =	vld [tilespmem:$0x280]  }
0x17: {  	v0 =	vadd.f32 v3, v0  }
0x18: {  	v41 =	vld [tilespmem:$0x300]  }
0x19: {  	v0 =	vadd.f32 v39, v0  }
0x1a: {  	v42 =	vld [tilespmem:$0x380]  }
0x1b: {  	v0 =	vadd.f32 v40, v0  }
0x1c: {  	v43 =	vld [tilespmem:$0x400]  }
0x1d: {  	v0 =	vadd.f32 v41, v0  }
0x1e: {  	v44 =	vld [tilespmem:$0x480]  }
0x1f: {  	v0 =	vadd.f32 v42, v0  }
0x20: {  	v45 =	vld [tilespmem:$0x500]  }
0x21: {  	v0 =	vadd.f32 v43, v0  }
0x22: {  	v46 =	vld [tilespmem:$0x580]  }
0x23: {  	v0 =	vadd.f32 v44, v0  }
0x24: {  	v47 =	vld [tilespmem:$0x600]  }
0x25: {  	v0 =	vadd.f32 v45, v0  }
0x26: {  	v4 =	vimm.s32 $0xFEDCBA98;
	v48 =	vld [tilespmem:$0x680]  }
0x27: {  	v49 =	vimm.s32 $0x76543210;
	v4 =	vunpack.c.l.s4.s8 v4;
	v0 =	vadd.f32 v46, v0  }
0x28: {  	v5 =	vld [tilespmem:$0x700];
	v2 =	vunpack.c.l.s4.s8 v49  }
0x29: {  	v50 =	vunpack.c.0.s8.s32 v4;
	v0 =	vadd.f32 v47, v0  }
0x2a: {  	v51 =	vld [tilespmem:$0x780];
	v2 =	vunpack.c.0.s8.s32 v2  }
0x2b: {  	v52 =	vand.u32 $0xF, v50;
	v0 =	vadd.f32 v48, v0  }
0x2c: {  	v1 =	vcombine.low v52, v2  }
0x2d: {  	v0 =	vadd.f32 v5, v0  }
0x2e: {  	v53 =	vimm.s32 $0x3210FEDC;
	v54 =	vimm.s32 $0xBA987654  }
0x2f: {  	v3 =	vunpack.c.l.s4.s8 v54;
	v2 =	vunpack.c.l.s4.s8 v53;
	v0 =	vadd.f32 v51, v0;
	_ =	sdelay $0x1  }
0x30: {  	s4 =	simm.s32 $0x800;
	v3 =	vunpack.c.0.s8.s32 v3;
	v2 =	vunpack.c.0.s8.s32 v2;
	[tilespmem:$0x800] =	vst v0  }
0x31: {  	v1 =	vld.idx.msk [tilespmem:v1+s4+$0x0], $0xffff  }
0x32: {  	v2 =	vcombine.low v3, v2;
	_ =	sdelay $0x1  }
0x33: {  	v2 =	vand.u32 $0xF, v2  }
0x34: {  	v55 =	vimm.s32 $0x10FEDCBA;
	v56 =	vimm.s32 $0x98765432  }
0x35: {  	v57 =	vunpack.c.l.s4.s8 v55;
	v58 =	vunpack.c.l.s4.s8 v56;
	v0 =	vadd.f32 v1, v0;
	_ =	sdelay $0x1  }
0x36: {  	v3 =	vunpack.c.0.s8.s32 v58;
	v1 =	vunpack.c.0.s8.s32 v57;
	[tilespmem:$0x800] =	vst v0  }
0x37: {  	v2 =	vld.idx.msk [tilespmem:v2+s4+$0x0], $0xffff  }
0x38: {  	v1 =	vcombine.low v3, v1;
	_ =	sdelay $0x1  }
0x39: {  	v1 =	vand.u32 $0xF, v1  }
0x3a: {  	v59 =	vimm.s32 $0xFEDCBA9;
	v60 =	vimm.s32 $0x87654321  }
0x3b: {  	v61 =	vunpack.c.l.s4.s8 v59;
	v62 =	vunpack.c.l.s4.s8 v60;
	v0 =	vadd.f32 v2, v0;
	_ =	sdelay $0x1  }
0x3c: {  	v3 =	vunpack.c.0.s8.s32 v62;
	v2 =	vunpack.c.0.s8.s32 v61;
	[tilespmem:$0x800] =	vst v0  }
0x3d: {  	v1 =	vld.idx.msk [tilespmem:v1+s4+$0x0], $0xffff  }
0x3e: {  	v2 =	vcombine.low v3, v2;
	_ =	sdelay $0x1  }
0x3f: {  	v2 =	vand.u32 $0xF, v2;
	_ =	sdelay $0x1  }
0x40: {  	v0 =	vadd.f32 v1, v0;
	_ =	sdelay $0x1  }
0x41: {  	[tilespmem:$0x800] =	vst v0  }
0x42: {  	v63 =	vld.idx.msk [tilespmem:v2+s4+$0x0], $0xffff;
	_ =	sdelay $0x4  }
0x43: {  	v0 =	vadd.f32 v63, v0;
	_ =	sdelay $0x1  }
0x44: {  	[tilespmem:$0x800] =	vst v0  }
0x45: {  	[hbm4b:s1+s3] =	stream.linear.scatter [tilespmem:s4], [sflag:$0x1], $0x80, $0x38;
	[tilespmem:$0x880] =	vst v63  }
0x46: {  	_ =	swait.ge [sflag:s31], $0x80  }
0x47: {  	[sflag:s31] =	ssyncset.done $0x0  }
0x48: {  	[sflag:s31] =	ssyncadd.s32 $0xFFFFFF80  }
0x49: {  	_ =	sfence.sel $0x180000  }
0x4a: {  	[bflag:$0x0] =	sbarrier.arrive $0xFFFF  }
0x4b: {  	_ =	strace $0x9000004A  }
0x4c: {  	s0 =	sadd.s32 $0x100000, s0;
	[bflag:$0x2] =	sbarrier.arrive $0xFFFF  }
0x4d: {  	[sflag:s0] =	ssyncadd.tile.s32 $0x1;
	_ =	shalt  }
.Lfunc_end2:
_tile_overlayer_lowered:
.L_overlay_start_2:
0x4e: {  	(tag) =	ssettag $0x2  }
0x4f: {  	s0 =	rddreg [dreg:$0x0];
	s2 =	stileid.u32  }
0x50: {  	s1 =	rddreg [dreg:$0x1];
	p0 =	sne.s32 s2, $0x0  }
0x51: {  	s3 =	rddreg [dreg:$0x2];
	[bflag:$0x3] =	sbarrier.arrive $0xFFFF;
	s2 =	simm.s32 @!p0 $0x1C01  }
0x52: {  	[timem:s3], [sflag:s2] =	dma.local @!p0 [hbm:s0], s1  }
0x53: {  	s0 =	simm.s32 @!p0 $0x1  }
0x54: {  	_ =	swait.ge @!p0 [sflag:s0], s1  }
0x55: {  	s1 =	ssub.s32 @!p0 $0x0, s1;
	[sflag:s0] =	ssyncset.done @!p0 $0x0  }
0x56: {  	[sflag:s0] =	ssyncadd.s32 @!p0 s1  }
0x57: {  	[bflag:$0x3] =	sbarrier.arrive $0xFFFF  }
0x58: {  	_ =	shalt  }

</sc_bundles>
